<compile_context>
chip_gen: v7x
topology: tpu7x:2x2x1
jax: 0.10.2.dev20260603
libtpu: 0.0.44.dev20260713+nightly
codegen_flags: <defaults>
</compile_context>

<pallas_src>
import functools

import jax
import jax.numpy as jnp
from jax import lax
from jax.experimental import pallas as pl
from jax.experimental.pallas import tpu as pltpu
from jax.experimental.pallas import tpu_sc as plsc

EMBED_D = 32
LANES = 16
BT_PER_SB = 4
SB_IDX = BT_PER_SB * 128
NBUF = 2
LPAD = 129
J_STRIDE = 8 * LPAD
TR_STRIDE = BT_PER_SB * J_STRIDE
TILES_W = (EMBED_D // 8) * TR_STRIDE


def _emb_body(table_hbm, idxt_hbm, out_hbm, idx_v, rows_v, tiles_v, gsem, osem):
    info = plsc.get_sparse_core_info()
    nc = info.num_cores
    nw = nc * info.num_subcores
    wid = lax.axis_index("s") * nc + lax.axis_index("c")

    n_seq = idxt_hbm.shape[0]
    n_batch = idxt_hbm.shape[1] * idxt_hbm.shape[2]
    n_sb = n_batch // SB_IDX
    total_sb = n_seq * n_sb
    per_w = total_sb // nw

    row_iota = lax.iota(jnp.int32, LANES)

    def fetch(sb, p):
        s = sb // n_sb
        m0 = (sb % n_sb) * BT_PER_SB
        pltpu.sync_copy(idxt_hbm.at[s, pl.ds(m0, BT_PER_SB)], idx_v.at[p])
        for j in range(BT_PER_SB):
            pltpu.async_copy(
                table_hbm.at[idx_v.at[p, j]],
                rows_v.at[p, pl.ds(j * 128, 128)],
                gsem.at[p],
            )

    def drain_gather(p):
        for j in range(BT_PER_SB):
            pltpu.make_async_copy(
                table_hbm.at[idx_v.at[p, j]],
                rows_v.at[p, pl.ds(j * 128, 128)],
                gsem.at[p],
            ).wait()

    def out_slices(sb, p):
        s = sb // n_sb
        bt0 = (sb % n_sb) * BT_PER_SB
        res = []
        for tr in range(EMBED_D // 8):
            for j in range(BT_PER_SB):
                src = tiles_v.at[p, pl.ds((tr * BT_PER_SB + j) * 8, 8), pl.ds(0, 128)]
                dst = out_hbm.at[(s * 4 + tr) * (n_batch // 128) + bt0 + j]
                res.append((src, dst))
        return res

    patr0 = (row_iota // 8) * (BT_PER_SB * 8) + (row_iota % 8)
    patr1 = patr0 + 2 * (BT_PER_SB * 8)

    def process(sb, p):
        @plsc.parallel_loop(0, SB_IDX, unroll=8)
        def _(t):
            rbase = jnp.broadcast_to((t // 128) * 8, (LANES,))
            cols = jnp.broadcast_to(t % 128, (LANES,))
            v0 = rows_v[p, t, pl.ds(0, LANES)]
            v1 = rows_v[p, t, pl.ds(LANES, LANES)]
            plsc.store_scatter(tiles_v.at[p], [patr0 + rbase, cols], v0)
            plsc.store_scatter(tiles_v.at[p], [patr1 + rbase, cols], v1)

        for src, dst in out_slices(sb, p):
            pltpu.async_copy(src, dst, osem.at[p])

    def drain_out(sb, p):
        for src, dst in out_slices(sb, p):
            pltpu.make_async_copy(src, dst, osem.at[p]).wait()

    first_sb = wid * per_w
    fetch(first_sb, 0)

    def body(k2, carry):
        for p in range(NBUF):
            sb = first_sb + k2 * NBUF + p
            drain_gather(p)

            @pl.when(sb + 1 < first_sb + per_w)
            def _():
                fetch(sb + 1, (p + 1) % NBUF)

            @pl.when(sb - NBUF >= first_sb)
            def _():
                drain_out(sb - NBUF, p)

            process(sb, p)
        return carry

    lax.fori_loop(0, per_w // NBUF, body, 0)
    for p in range(NBUF):
        drain_out(first_sb + per_w - NBUF + p, p)


def _idx_fmt_body(x_ref, o_ref):
    o_ref[...] = x_ref[...].reshape(o_ref.shape)


def _idx_format(idxt, b, s):
    blk = 2048
    return pl.pallas_call(
        _idx_fmt_body,
        grid=(b // blk,),
        in_specs=[pl.BlockSpec((s, blk), lambda g: (0, g))],
        out_specs=pl.BlockSpec((s, blk // 128, 128), lambda g: (0, g, 0)),
        out_shape=jax.ShapeDtypeStruct((s, b // 128, 128), jnp.int32),
    )(idxt)


def kernel(inputs, embeddings):
    b, s = inputs.shape
    idxt = jnp.transpose(inputs).astype(jnp.int32)
    idxt = _idx_format(idxt, b, s)
    emb = pl.kernel(
        _emb_body,
        mesh=plsc.VectorSubcoreMesh(core_axis_name="c", subcore_axis_name="s"),
        out_type=jax.ShapeDtypeStruct((s * (EMBED_D // 8) * (b // 128), 8, 128), jnp.float32),
        scratch_types=[
            pltpu.VMEM((NBUF, BT_PER_SB, 128), jnp.int32),
            pltpu.VMEM((NBUF, SB_IDX, EMBED_D), jnp.float32),
            pltpu.VMEM((NBUF, (EMBED_D // 8) * BT_PER_SB * 8, LPAD), jnp.float32),
            pltpu.SemaphoreType.DMA((NBUF,)),
            pltpu.SemaphoreType.DMA((NBUF,)),
        ],
        compiler_params=pltpu.CompilerParams(
            use_tc_tiling_on_sc=False, needs_layout_passes=False
        ),
    )
    out5 = emb(embeddings, idxt).reshape(s, EMBED_D // 8, b // 128, 8, 128)
    out = jnp.transpose(out5, (2, 4, 0, 1, 3)).reshape(b, s, EMBED_D)
    return out

# --- scband reference (transcript-rebuilt; emitter-appended) ---
"""Pipeline reference for scband-on-device-embedding-80281528696851 (READ-ONLY COPY).

The authoritative reference and input builder live on the scoring server;
editing this copy changes nothing except your own understanding.
"""

import jax, jax.numpy as jnp
import numpy as np

VOCAB_SIZE = 1000000
EMBED_WIDTH = 32
BATCH = 16384
SEQ = 50

def setup_inputs(seed: int = 0) -> dict:
    key = jax.random.key(seed)
    k1, k2 = jax.random.split(key)
    inputs = jax.random.randint(k1, (BATCH, SEQ), 0, VOCAB_SIZE, dtype=jnp.int64 if jax.config.jax_enable_x64 else jnp.int32)
    embeddings = jax.random.normal(k2, (VOCAB_SIZE, EMBED_WIDTH), dtype=jnp.float32) * 0.02
    return {"inputs": inputs, "embeddings": embeddings}

def reference(inputs, embeddings):
    # Faithful translation of OnDeviceEmbedding.call with use_one_hot=False
    input_shape = list(inputs.shape)  # [b, s]
    out_shape = input_shape + [EMBED_WIDTH]
    flat_inputs = jnp.reshape(inputs, [-1])
    emb = jnp.take(embeddings, flat_inputs, axis=0)
    emb = jnp.reshape(emb, out_shape)
    return emb

if __name__ == "__main__":
    import jax
    _d = setup_inputs()
    print(jax.jit(kernel)(*tuple(_d.values())))

</pallas_src>

<mosaic_0001>
#map = affine_map<(d0, d1) -> (0, 0)>
#map1 = affine_map<(d0, d1) -> (0, 0, 0)>
module attributes {stable_mosaic.version = 14 : i64} {
  func.func @_emb_body(%arg0: i32, %arg1: i32, %arg2: memref<1000000x32xf32, #tpu.memory_space<hbm>>, %arg3: memref<50x128x128xi32, #tpu.memory_space<hbm>>, %arg4: memref<25600x8x128xf32, #tpu.memory_space<hbm>>, %arg5: memref<2x4x128xi32, #tpu.memory_space<vmem>>, %arg6: memref<2x512x32xf32, #tpu.memory_space<vmem>>, %arg7: memref<2x128x129xf32, #tpu.memory_space<vmem>>, %arg8: memref<2x!tpu.dma_semaphore, #tpu.memory_space<semaphore_mem>>, %arg9: memref<2x!tpu.dma_semaphore, #tpu.memory_space<semaphore_mem>>) attributes {dimension_semantics = [#tpu.dimension_semantics<core_parallel>, #tpu.dimension_semantics<subcore_parallel>], iteration_bounds = array<i64: 2, 16>, scalar_prefetch = 0 : i64, scratch_operands = 5 : i64, tpu.core_type = #tpu.core_type<sc_vector_subcore>, window_params = [{transform_indices = #map}, {transform_indices = #map1}, {transform_indices = #map1}]} {
    %mul3A = arith.constant 2 : i32
    %mul3A_0 = arith.muli %arg1, %mul3A : i32
    %add3A = arith.addi %mul3A_0, %arg0 : i32
    %iota3A = tpu.iota {dimensions = array<i32: 0>} : vector<16xi32>
    %jit3A = arith.constant 8 : i32
    %div3A = vector.broadcast %jit3A : i32 to vector<16xi32>
    %div3A_1 = arith.divsi %iota3A, %div3A : vector<16xi32>
    %sign3A = arith.constant 0 : i32
    %sign3A_2 = vector.broadcast %sign3A : i32 to vector<16xi32>
    %sign3A_3 = arith.cmpi sgt, %iota3A, %sign3A_2 : vector<16xi32>
    %sign3A_4 = arith.extui %sign3A_3 : vector<16xi1> to vector<16xi32>
    %sign3A_5 = arith.constant 0 : i32
    %sign3A_6 = vector.broadcast %sign3A_5 : i32 to vector<16xi32>
    %sign3A_7 = arith.cmpi slt, %iota3A, %sign3A_6 : vector<16xi32>
    %sign3A_8 = arith.extui %sign3A_7 : vector<16xi1> to vector<16xi32>
    %sign3A_9 = arith.subi %sign3A_4, %sign3A_8 : vector<16xi32>
    %sign3A_10 = arith.constant 0 : i32
    %sign3A_11 = arith.cmpi sgt, %jit3A, %sign3A_10 : i32
    %sign3A_12 = arith.extui %sign3A_11 : i1 to i32
    %sign3A_13 = arith.constant 0 : i32
    %sign3A_14 = arith.cmpi slt, %jit3A, %sign3A_13 : i32
    %sign3A_15 = arith.extui %sign3A_14 : i1 to i32
    %sign3A_16 = arith.subi %sign3A_12, %sign3A_15 : i32
    %ne3A = vector.broadcast %sign3A_16 : i32 to vector<16xi32>
    %ne3A_17 = arith.cmpi ne, %sign3A_9, %ne3A : vector<16xi32>
    %rem3A = vector.broadcast %jit3A : i32 to vector<16xi32>
    %rem3A_18 = arith.remsi %iota3A, %rem3A : vector<16xi32>
    %ne3A_19 = arith.constant 0 : i32
    %ne3A_20 = vector.broadcast %ne3A_19 : i32 to vector<16xi32>
    %ne3A_21 = arith.cmpi ne, %rem3A_18, %ne3A_20 : vector<16xi32>
    %and3A = arith.andi %ne3A_17, %ne3A_21 : vector<16xi1>
    %sub3A = arith.constant 1 : i32
    %sub3A_22 = vector.broadcast %sub3A : i32 to vector<16xi32>
    %sub3A_23 = arith.subi %div3A_1, %sub3A_22 : vector<16xi32>
    %select_n3A = arith.select %and3A, %sub3A_23, %div3A_1 : vector<16xi1>, vector<16xi32>
    %mul3A_24 = arith.constant 32 : i32
    %mul3A_25 = vector.broadcast %mul3A_24 : i32 to vector<16xi32>
    %mul3A_26 = arith.muli %select_n3A, %mul3A_25 : vector<16xi32>
    %jit3A_27 = arith.constant 8 : i32
    %eq3A = arith.constant 0 : i32
    %eq3A_28 = arith.cmpi eq, %jit3A_27, %eq3A : i32
    %jit3A_29 = arith.constant 1 : i32
    %select_n3A_30 = arith.select %eq3A_28, %jit3A_29, %jit3A_27 : i32
    %rem3A_31 = vector.broadcast %select_n3A_30 : i32 to vector<16xi32>
    %rem3A_32 = arith.remsi %iota3A, %rem3A_31 : vector<16xi32>
    %ne3A_33 = arith.constant 0 : i32
    %ne3A_34 = vector.broadcast %ne3A_33 : i32 to vector<16xi32>
    %ne3A_35 = arith.cmpi ne, %rem3A_32, %ne3A_34 : vector<16xi32>
    %lt3A = arith.constant 0 : i32
    %lt3A_36 = vector.broadcast %lt3A : i32 to vector<16xi32>
    %lt3A_37 = arith.cmpi slt, %rem3A_32, %lt3A_36 : vector<16xi32>
    %lt3A_38 = arith.constant 0 : i32
    %lt3A_39 = arith.cmpi slt, %select_n3A_30, %lt3A_38 : i32
    %ne3A_40 = vector.broadcast %lt3A_39 : i1 to vector<16xi1>
    %ne3A_41 = vector.broadcast %ne3A_40 : vector<16xi1> to vector<16xi1>
    %ne3A_42 = arith.xori %lt3A_37, %ne3A_41 : vector<16xi1>
    %and3A_43 = arith.andi %ne3A_42, %ne3A_35 : vector<16xi1>
    %add3A_44 = vector.broadcast %select_n3A_30 : i32 to vector<16xi32>
    %add3A_45 = arith.addi %rem3A_32, %add3A_44 : vector<16xi32>
    %select_n3A_46 = arith.select %and3A_43, %add3A_45, %rem3A_32 : vector<16xi1>, vector<16xi32>
    %add3A_47 = arith.addi %mul3A_26, %select_n3A_46 : vector<16xi32>
    %add3A_48 = arith.constant 64 : i32
    %add3A_49 = vector.broadcast %add3A_48 : i32 to vector<16xi32>
    %add3A_50 = arith.addi %add3A_47, %add3A_49 : vector<16xi32>
    %mul3A_51 = arith.constant 50 : i32
    %mul3A_52 = arith.muli %add3A, %mul3A_51 : i32
    %jit3A_53 = arith.constant 32 : i32
    %div3A_54 = arith.divsi %mul3A_52, %jit3A_53 : i32
    %sign3A_55 = arith.constant 0 : i32
    %sign3A_56 = arith.cmpi sgt, %mul3A_52, %sign3A_55 : i32
    %sign3A_57 = arith.extui %sign3A_56 : i1 to i32
    %sign3A_58 = arith.constant 0 : i32
    %sign3A_59 = arith.cmpi slt, %mul3A_52, %sign3A_58 : i32
    %sign3A_60 = arith.extui %sign3A_59 : i1 to i32
    %sign3A_61 = arith.subi %sign3A_57, %sign3A_60 : i32
    %sign3A_62 = arith.constant 0 : i32
    %sign3A_63 = arith.cmpi sgt, %jit3A_53, %sign3A_62 : i32
    %sign3A_64 = arith.extui %sign3A_63 : i1 to i32
    %sign3A_65 = arith.constant 0 : i32
    %sign3A_66 = arith.cmpi slt, %jit3A_53, %sign3A_65 : i32
    %sign3A_67 = arith.extui %sign3A_66 : i1 to i32
    %sign3A_68 = arith.subi %sign3A_64, %sign3A_67 : i32
    %ne3A_69 = arith.cmpi ne, %sign3A_61, %sign3A_68 : i32
    %rem3A_70 = arith.remsi %mul3A_52, %jit3A_53 : i32
    %ne3A_71 = arith.constant 0 : i32
    %ne3A_72 = arith.cmpi ne, %rem3A_70, %ne3A_71 : i32
    %and3A_73 = arith.andi %ne3A_69, %ne3A_72 : i1
    %sub3A_74 = arith.constant 1 : i32
    %sub3A_75 = arith.subi %div3A_54, %sub3A_74 : i32
    %select_n3A_76 = arith.select %and3A_73, %sub3A_75, %div3A_54 : i32
    %jit3A_77 = arith.constant 32 : i32
    %eq3A_78 = arith.constant 0 : i32
    %eq3A_79 = arith.cmpi eq, %jit3A_77, %eq3A_78 : i32
    %jit3A_80 = arith.constant 1 : i32
    %select_n3A_81 = arith.select %eq3A_79, %jit3A_80, %jit3A_77 : i32
    %rem3A_82 = arith.remsi %mul3A_52, %select_n3A_81 : i32
    %ne3A_83 = arith.constant 0 : i32
    %ne3A_84 = arith.cmpi ne, %rem3A_82, %ne3A_83 : i32
    %lt3A_85 = arith.constant 0 : i32
    %lt3A_86 = arith.cmpi slt, %rem3A_82, %lt3A_85 : i32
    %lt3A_87 = arith.constant 0 : i32
    %lt3A_88 = arith.cmpi slt, %select_n3A_81, %lt3A_87 : i32
    %ne3A_89 = arith.xori %lt3A_86, %lt3A_88 : i1
    %and3A_90 = arith.andi %ne3A_89, %ne3A_84 : i1
    %add3A_91 = arith.addi %rem3A_82, %select_n3A_81 : i32
    %select_n3A_92 = arith.select %and3A_90, %add3A_91, %rem3A_82 : i32
    %mul3A_93 = arith.constant 4 : i32
    %mul3A_94 = arith.muli %select_n3A_92, %mul3A_93 : i32
    %run_scoped3A = arith.constant 0 : i32
    "tpu.region"() ({
      %run_scoped3A_1186 = tpu.sem_alloc : memref<!tpu.dma_semaphore, #tpu.memory_space<semaphore_mem>>
      %dma_start3A_1187 = arith.constant 0 : i32
      %dma_start3A_1188 = arith.constant 0 : i32
      %dma_start3A_1189 = tpu.memref_slice %arg5[%run_scoped3A, %dma_start3A_1187, %dma_start3A_1188] : memref<2x4x128xi32, #tpu.memory_space<vmem>> -> memref<1x4x128xi32, #tpu.memory_space<vmem>>
      %dma_start3A_1190 = tpu.memref_squeeze %dma_start3A_1189 : memref<1x4x128xi32, #tpu.memory_space<vmem>> -> memref<4x128xi32, #tpu.memory_space<vmem>>
      %dma_start3A_1191 = arith.constant 0 : i32
      %dma_start3A_1192 = tpu.memref_slice %arg3[%select_n3A_76, %mul3A_94, %dma_start3A_1191] : memref<50x128x128xi32, #tpu.memory_space<hbm>> -> memref<1x4x128xi32, #tpu.memory_space<hbm>>
      %dma_start3A_1193 = tpu.memref_squeeze %dma_start3A_1192 : memref<1x4x128xi32, #tpu.memory_space<hbm>> -> memref<4x128xi32, #tpu.memory_space<hbm>>
      %dma_start3A_1194 = arith.constant 0 : i32
      %dma_start3A_1195 = arith.constant 0 : i32
      %dma_start3A_1196 = tpu.memref_slice %arg5[%run_scoped3A, %dma_start3A_1194, %dma_start3A_1195] : memref<2x4x128xi32, #tpu.memory_space<vmem>> -> memref<1x4x128xi32, #tpu.memory_space<vmem>>
      %dma_start3A_1197 = tpu.memref_squeeze %dma_start3A_1196 : memref<1x4x128xi32, #tpu.memory_space<vmem>> -> memref<4x128xi32, #tpu.memory_space<vmem>>
      %dma_start3A_1198 = arith.constant 0 : i32
      %dma_start3A_1199 = tpu.memref_slice %arg3[%select_n3A_76, %mul3A_94, %dma_start3A_1198] : memref<50x128x128xi32, #tpu.memory_space<hbm>> -> memref<1x4x128xi32, #tpu.memory_space<hbm>>
      %dma_start3A_1200 = tpu.memref_squeeze %dma_start3A_1199 : memref<1x4x128xi32, #tpu.memory_space<hbm>> -> memref<4x128xi32, #tpu.memory_space<hbm>>
      tpu.enqueue_dma source(%dma_start3A_1200 : memref<4x128xi32, #tpu.memory_space<hbm>>) target(%dma_start3A_1197 : memref<4x128xi32, #tpu.memory_space<vmem>>) target_semaphore(%run_scoped3A_1186 : memref<!tpu.dma_semaphore, #tpu.memory_space<semaphore_mem>>)
      %dma_wait3A_1201 = arith.constant 0 : i32
      %dma_wait3A_1202 = arith.constant 0 : i32
      %dma_wait3A_1203 = tpu.memref_slice %arg5[%run_scoped3A, %dma_wait3A_1201, %dma_wait3A_1202] : memref<2x4x128xi32, #tpu.memory_space<vmem>> -> memref<1x4x128xi32, #tpu.memory_space<vmem>>
      %dma_wait3A_1204 = tpu.memref_squeeze %dma_wait3A_1203 : memref<1x4x128xi32, #tpu.memory_space<vmem>> -> memref<4x128xi32, #tpu.memory_space<vmem>>
      %dma_wait3A_1205 = arith.constant 0 : i32
      %dma_wait3A_1206 = tpu.memref_slice %arg3[%select_n3A_76, %mul3A_94, %dma_wait3A_1205] : memref<50x128x128xi32, #tpu.memory_space<hbm>> -> memref<1x4x128xi32, #tpu.memory_space<hbm>>
      %dma_wait3A_1207 = tpu.memref_squeeze %dma_wait3A_1206 : memref<1x4x128xi32, #tpu.memory_space<hbm>> -> memref<4x128xi32, #tpu.memory_space<hbm>>
      %dma_wait3A_1208 = arith.constant 0 : i32
      %dma_wait3A_1209 = arith.constant 0 : i32
      %dma_wait3A_1210 = tpu.memref_slice %arg5[%run_scoped3A, %dma_wait3A_1208, %dma_wait3A_1209] : memref<2x4x128xi32, #tpu.memory_space<vmem>> -> memref<1x4x128xi32, #tpu.memory_space<vmem>>
      %dma_wait3A_1211 = tpu.memref_squeeze %dma_wait3A_1210 : memref<1x4x128xi32, #tpu.memory_space<vmem>> -> memref<4x128xi32, #tpu.memory_space<vmem>>
      %dma_wait3A_1212 = arith.constant 0 : i32
      %dma_wait3A_1213 = tpu.memref_slice %arg3[%select_n3A_76, %mul3A_94, %dma_wait3A_1212] : memref<50x128x128xi32, #tpu.memory_space<hbm>> -> memref<1x4x128xi32, #tpu.memory_space<hbm>>
      %dma_wait3A_1214 = tpu.memref_squeeze %dma_wait3A_1213 : memref<1x4x128xi32, #tpu.memory_space<hbm>> -> memref<4x128xi32, #tpu.memory_space<hbm>>
      tpu.wait_dma2 semaphore(%run_scoped3A_1186 : memref<!tpu.dma_semaphore, #tpu.memory_space<semaphore_mem>>) src(%dma_wait3A_1214 : memref<4x128xi32, #tpu.memory_space<hbm>>) dst(%dma_wait3A_1211 : memref<4x128xi32, #tpu.memory_space<vmem>>)
      tpu.yield
    }) : () -> ()
    %dma_start3A = arith.constant 0 : i32
    %dma_start3A_95 = arith.constant 0 : i32
    %dma_start3A_96 = arith.constant 0 : i32
    %dma_start3A_97 = arith.constant 0 : i32
    %dma_start3A_98 = arith.constant 0 : i32
    %dma_start3A_99 = arith.constant 0 : i32
    %dma_start3A_100 = tpu.memref_slice %arg6[%dma_start3A_96, %dma_start3A_98, %dma_start3A_99] : memref<2x512x32xf32, #tpu.memory_space<vmem>> -> memref<1x128x32xf32, #tpu.memory_space<vmem>>
    %dma_start3A_101 = tpu.memref_squeeze %dma_start3A_100 : memref<1x128x32xf32, #tpu.memory_space<vmem>> -> memref<128x32xf32, #tpu.memory_space<vmem>>
    %dma_start3A_102 = arith.constant 0 : i32
    %dma_start3A_103 = tpu.memref_slice %arg5[%dma_start3A, %dma_start3A_95, %dma_start3A_102] : memref<2x4x128xi32, #tpu.memory_space<vmem>> -> memref<1x1x128xi32, #tpu.memory_space<vmem>>
    %dma_start3A_104 = tpu.memref_squeeze %dma_start3A_103 : memref<1x1x128xi32, #tpu.memory_space<vmem>> -> memref<128xi32, #tpu.memory_space<vmem>>
    %dma_start3A_105 = arith.constant 0 : i32
    %dma_start3A_106 = arith.constant 0 : i32
    %dma_start3A_107 = tpu.memref_slice %arg2[%dma_start3A_105, %dma_start3A_106] : memref<1000000x32xf32, #tpu.memory_space<hbm>> -> memref<1000000x32xf32, #tpu.memory_space<hbm>>
    %dma_start3A_108 = tpu.memref_slice %arg8[%dma_start3A_97] : memref<2x!tpu.dma_semaphore, #tpu.memory_space<semaphore_mem>> -> memref<1x!tpu.dma_semaphore, #tpu.memory_space<semaphore_mem>>
    %dma_start3A_109 = tpu.memref_squeeze %dma_start3A_108 : memref<1x!tpu.dma_semaphore, #tpu.memory_space<semaphore_mem>> -> memref<!tpu.dma_semaphore, #tpu.memory_space<semaphore_mem>>
    tpu.enqueue_indirect_dma source(%dma_start3A_107 : memref<1000000x32xf32, #tpu.memory_space<hbm>>) target(%dma_start3A_101 : memref<128x32xf32, #tpu.memory_space<vmem>>) offsets(%dma_start3A_104 : memref<128xi32, #tpu.memory_space<vmem>>) semaphore(%dma_start3A_109 : memref<!tpu.dma_semaphore, #tpu.memory_space<semaphore_mem>>)
    %dma_start3A_110 = arith.constant 0 : i32
    %dma_start3A_111 = arith.constant 1 : i32
    %dma_start3A_112 = arith.constant 0 : i32
    %dma_start3A_113 = arith.constant 0 : i32
    %dma_start3A_114 = arith.constant 128 : i32
    %dma_start3A_115 = arith.constant 0 : i32
    %dma_start3A_116 = tpu.memref_slice %arg6[%dma_start3A_112, %dma_start3A_114, %dma_start3A_115] : memref<2x512x32xf32, #tpu.memory_space<vmem>> -> memref<1x128x32xf32, #tpu.memory_space<vmem>>
    %dma_start3A_117 = tpu.memref_squeeze %dma_start3A_116 : memref<1x128x32xf32, #tpu.memory_space<vmem>> -> memref<128x32xf32, #tpu.memory_space<vmem>>
    %dma_start3A_118 = arith.constant 0 : i32
    %dma_start3A_119 = tpu.memref_slice %arg5[%dma_start3A_110, %dma_start3A_111, %dma_start3A_118] : memref<2x4x128xi32, #tpu.memory_space<vmem>> -> memref<1x1x128xi32, #tpu.memory_space<vmem>>
    %dma_start3A_120 = tpu.memref_squeeze %dma_start3A_119 : memref<1x1x128xi32, #tpu.memory_space<vmem>> -> memref<128xi32, #tpu.memory_space<vmem>>
    %dma_start3A_121 = arith.constant 0 : i32
    %dma_start3A_122 = arith.constant 0 : i32
    %dma_start3A_123 = tpu.memref_slice %arg2[%dma_start3A_121, %dma_start3A_122] : memref<1000000x32xf32, #tpu.memory_space<hbm>> -> memref<1000000x32xf32, #tpu.memory_space<hbm>>
    %dma_start3A_124 = tpu.memref_slice %arg8[%dma_start3A_113] : memref<2x!tpu.dma_semaphore, #tpu.memory_space<semaphore_mem>> -> memref<1x!tpu.dma_semaphore, #tpu.memory_space<semaphore_mem>>
    %dma_start3A_125 = tpu.memref_squeeze %dma_start3A_124 : memref<1x!tpu.dma_semaphore, #tpu.memory_space<semaphore_mem>> -> memref<!tpu.dma_semaphore, #tpu.memory_space<semaphore_mem>>
    tpu.enqueue_indirect_dma source(%dma_start3A_123 : memref<1000000x32xf32, #tpu.memory_space<hbm>>) target(%dma_start3A_117 : memref<128x32xf32, #tpu.memory_space<vmem>>) offsets(%dma_start3A_120 : memref<128xi32, #tpu.memory_space<vmem>>) semaphore(%dma_start3A_125 : memref<!tpu.dma_semaphore, #tpu.memory_space<semaphore_mem>>)
    %dma_start3A_126 = arith.constant 0 : i32
    %dma_start3A_127 = arith.constant 2 : i32
    %dma_start3A_128 = arith.constant 0 : i32
    %dma_start3A_129 = arith.constant 0 : i32
    %dma_start3A_130 = arith.constant 256 : i32
    %dma_start3A_131 = arith.constant 0 : i32
    %dma_start3A_132 = tpu.memref_slice %arg6[%dma_start3A_128, %dma_start3A_130, %dma_start3A_131] : memref<2x512x32xf32, #tpu.memory_space<vmem>> -> memref<1x128x32xf32, #tpu.memory_space<vmem>>
    %dma_start3A_133 = tpu.memref_squeeze %dma_start3A_132 : memref<1x128x32xf32, #tpu.memory_space<vmem>> -> memref<128x32xf32, #tpu.memory_space<vmem>>
    %dma_start3A_134 = arith.constant 0 : i32
    %dma_start3A_135 = tpu.memref_slice %arg5[%dma_start3A_126, %dma_start3A_127, %dma_start3A_134] : memref<2x4x128xi32, #tpu.memory_space<vmem>> -> memref<1x1x128xi32, #tpu.memory_space<vmem>>
    %dma_start3A_136 = tpu.memref_squeeze %dma_start3A_135 : memref<1x1x128xi32, #tpu.memory_space<vmem>> -> memref<128xi32, #tpu.memory_space<vmem>>
    %dma_start3A_137 = arith.constant 0 : i32
    %dma_start3A_138 = arith.constant 0 : i32
    %dma_start3A_139 = tpu.memref_slice %arg2[%dma_start3A_137, %dma_start3A_138] : memref<1000000x32xf32, #tpu.memory_space<hbm>> -> memref<1000000x32xf32, #tpu.memory_space<hbm>>
    %dma_start3A_140 = tpu.memref_slice %arg8[%dma_start3A_129] : memref<2x!tpu.dma_semaphore, #tpu.memory_space<semaphore_mem>> -> memref<1x!tpu.dma_semaphore, #tpu.memory_space<semaphore_mem>>
    %dma_start3A_141 = tpu.memref_squeeze %dma_start3A_140 : memref<1x!tpu.dma_semaphore, #tpu.memory_space<semaphore_mem>> -> memref<!tpu.dma_semaphore, #tpu.memory_space<semaphore_mem>>
    tpu.enqueue_indirect_dma source(%dma_start3A_139 : memref<1000000x32xf32, #tpu.memory_space<hbm>>) target(%dma_start3A_133 : memref<128x32xf32, #tpu.memory_space<vmem>>) offsets(%dma_start3A_136 : memref<128xi32, #tpu.memory_space<vmem>>) semaphore(%dma_start3A_141 : memref<!tpu.dma_semaphore, #tpu.memory_space<semaphore_mem>>)
    %dma_start3A_142 = arith.constant 0 : i32
    %dma_start3A_143 = arith.constant 3 : i32
    %dma_start3A_144 = arith.constant 0 : i32
    %dma_start3A_145 = arith.constant 0 : i32
    %dma_start3A_146 = arith.constant 384 : i32
    %dma_start3A_147 = arith.constant 0 : i32
    %dma_start3A_148 = tpu.memref_slice %arg6[%dma_start3A_144, %dma_start3A_146, %dma_start3A_147] : memref<2x512x32xf32, #tpu.memory_space<vmem>> -> memref<1x128x32xf32, #tpu.memory_space<vmem>>
    %dma_start3A_149 = tpu.memref_squeeze %dma_start3A_148 : memref<1x128x32xf32, #tpu.memory_space<vmem>> -> memref<128x32xf32, #tpu.memory_space<vmem>>
    %dma_start3A_150 = arith.constant 0 : i32
    %dma_start3A_151 = tpu.memref_slice %arg5[%dma_start3A_142, %dma_start3A_143, %dma_start3A_150] : memref<2x4x128xi32, #tpu.memory_space<vmem>> -> memref<1x1x128xi32, #tpu.memory_space<vmem>>
    %dma_start3A_152 = tpu.memref_squeeze %dma_start3A_151 : memref<1x1x128xi32, #tpu.memory_space<vmem>> -> memref<128xi32, #tpu.memory_space<vmem>>
    %dma_start3A_153 = arith.constant 0 : i32
    %dma_start3A_154 = arith.constant 0 : i32
    %dma_start3A_155 = tpu.memref_slice %arg2[%dma_start3A_153, %dma_start3A_154] : memref<1000000x32xf32, #tpu.memory_space<hbm>> -> memref<1000000x32xf32, #tpu.memory_space<hbm>>
    %dma_start3A_156 = tpu.memref_slice %arg8[%dma_start3A_145] : memref<2x!tpu.dma_semaphore, #tpu.memory_space<semaphore_mem>> -> memref<1x!tpu.dma_semaphore, #tpu.memory_space<semaphore_mem>>
    %dma_start3A_157 = tpu.memref_squeeze %dma_start3A_156 : memref<1x!tpu.dma_semaphore, #tpu.memory_space<semaphore_mem>> -> memref<!tpu.dma_semaphore, #tpu.memory_space<semaphore_mem>>
    tpu.enqueue_indirect_dma source(%dma_start3A_155 : memref<1000000x32xf32, #tpu.memory_space<hbm>>) target(%dma_start3A_149 : memref<128x32xf32, #tpu.memory_space<vmem>>) offsets(%dma_start3A_152 : memref<128xi32, #tpu.memory_space<vmem>>) semaphore(%dma_start3A_157 : memref<!tpu.dma_semaphore, #tpu.memory_space<semaphore_mem>>)
    %scan3A = arith.constant 0 : i32
    %scan3A_158 = arith.constant 0 : i32
    %scan3A_159 = arith.constant 25 : i32
    %scan3A_160 = arith.addi %scan3A_158, %scan3A_159 : i32
    %scan3A_161 = arith.constant 1 : i32
    scf.for %scan3A_1186 = %scan3A_158 to %scan3A_160 step %scan3A_161  : i32 {
      %mul3A_1187 = arith.constant 2 : i32
      %mul3A_1188 = arith.muli %scan3A_1186, %mul3A_1187 : i32
      %add3A_1189 = arith.addi %mul3A_52, %mul3A_1188 : i32
      %add3A_1190 = arith.constant 0 : i32
      %add3A_1191 = arith.addi %add3A_1189, %add3A_1190 : i32
      %dma_wait3A_1192 = arith.constant 0 : i32
      %dma_wait3A_1193 = arith.constant 0 : i32
      %dma_wait3A_1194 = arith.constant 0 : i32
      %dma_wait3A_1195 = arith.constant 0 : i32
      %dma_wait3A_1196 = arith.constant 0 : i32
      %dma_wait3A_1197 = arith.constant 0 : i32
      %dma_wait3A_1198 = tpu.memref_slice %arg6[%dma_wait3A_1194, %dma_wait3A_1196, %dma_wait3A_1197] : memref<2x512x32xf32, #tpu.memory_space<vmem>> -> memref<1x128x32xf32, #tpu.memory_space<vmem>>
      %dma_wait3A_1199 = tpu.memref_squeeze %dma_wait3A_1198 : memref<1x128x32xf32, #tpu.memory_space<vmem>> -> memref<128x32xf32, #tpu.memory_space<vmem>>
      %dma_wait3A_1200 = arith.constant 0 : i32
      %dma_wait3A_1201 = tpu.memref_slice %arg5[%dma_wait3A_1192, %dma_wait3A_1193, %dma_wait3A_1200] : memref<2x4x128xi32, #tpu.memory_space<vmem>> -> memref<1x1x128xi32, #tpu.memory_space<vmem>>
      %dma_wait3A_1202 = tpu.memref_squeeze %dma_wait3A_1201 : memref<1x1x128xi32, #tpu.memory_space<vmem>> -> memref<128xi32, #tpu.memory_space<vmem>>
      %dma_wait3A_1203 = arith.constant 0 : i32
      %dma_wait3A_1204 = arith.constant 0 : i32
      %dma_wait3A_1205 = tpu.memref_slice %arg2[%dma_wait3A_1203, %dma_wait3A_1204] : memref<1000000x32xf32, #tpu.memory_space<hbm>> -> memref<1000000x32xf32, #tpu.memory_space<hbm>>
      %dma_wait3A_1206 = tpu.memref_slice %arg8[%dma_wait3A_1195] : memref<2x!tpu.dma_semaphore, #tpu.memory_space<semaphore_mem>> -> memref<1x!tpu.dma_semaphore, #tpu.memory_space<semaphore_mem>>
      %dma_wait3A_1207 = tpu.memref_squeeze %dma_wait3A_1206 : memref<1x!tpu.dma_semaphore, #tpu.memory_space<semaphore_mem>> -> memref<!tpu.dma_semaphore, #tpu.memory_space<semaphore_mem>>
      tpu.wait_indirect_dma semaphore(%dma_wait3A_1207 : memref<!tpu.dma_semaphore, #tpu.memory_space<semaphore_mem>>) src(%dma_wait3A_1205 : memref<1000000x32xf32, #tpu.memory_space<hbm>>) dst(%dma_wait3A_1199 : memref<128x32xf32, #tpu.memory_space<vmem>>)
      %dma_wait3A_1208 = arith.constant 0 : i32
      %dma_wait3A_1209 = arith.constant 1 : i32
      %dma_wait3A_1210 = arith.constant 0 : i32
      %dma_wait3A_1211 = arith.constant 0 : i32
      %dma_wait3A_1212 = arith.constant 128 : i32
      %dma_wait3A_1213 = arith.constant 0 : i32
      %dma_wait3A_1214 = tpu.memref_slice %arg6[%dma_wait3A_1210, %dma_wait3A_1212, %dma_wait3A_1213] : memref<2x512x32xf32, #tpu.memory_space<vmem>> -> memref<1x128x32xf32, #tpu.memory_space<vmem>>
      %dma_wait3A_1215 = tpu.memref_squeeze %dma_wait3A_1214 : memref<1x128x32xf32, #tpu.memory_space<vmem>> -> memref<128x32xf32, #tpu.memory_space<vmem>>
      %dma_wait3A_1216 = arith.constant 0 : i32
      %dma_wait3A_1217 = tpu.memref_slice %arg5[%dma_wait3A_1208, %dma_wait3A_1209, %dma_wait3A_1216] : memref<2x4x128xi32, #tpu.memory_space<vmem>> -> memref<1x1x128xi32, #tpu.memory_space<vmem>>
      %dma_wait3A_1218 = tpu.memref_squeeze %dma_wait3A_1217 : memref<1x1x128xi32, #tpu.memory_space<vmem>> -> memref<128xi32, #tpu.memory_space<vmem>>
      %dma_wait3A_1219 = arith.constant 0 : i32
      %dma_wait3A_1220 = arith.constant 0 : i32
      %dma_wait3A_1221 = tpu.memref_slice %arg2[%dma_wait3A_1219, %dma_wait3A_1220] : memref<1000000x32xf32, #tpu.memory_space<hbm>> -> memref<1000000x32xf32, #tpu.memory_space<hbm>>
      %dma_wait3A_1222 = tpu.memref_slice %arg8[%dma_wait3A_1211] : memref<2x!tpu.dma_semaphore, #tpu.memory_space<semaphore_mem>> -> memref<1x!tpu.dma_semaphore, #tpu.memory_space<semaphore_mem>>
      %dma_wait3A_1223 = tpu.memref_squeeze %dma_wait3A_1222 : memref<1x!tpu.dma_semaphore, #tpu.memory_space<semaphore_mem>> -> memref<!tpu.dma_semaphore, #tpu.memory_space<semaphore_mem>>
      tpu.wait_indirect_dma semaphore(%dma_wait3A_1223 : memref<!tpu.dma_semaphore, #tpu.memory_space<semaphore_mem>>) src(%dma_wait3A_1221 : memref<1000000x32xf32, #tpu.memory_space<hbm>>) dst(%dma_wait3A_1215 : memref<128x32xf32, #tpu.memory_space<vmem>>)
      %dma_wait3A_1224 = arith.constant 0 : i32
      %dma_wait3A_1225 = arith.constant 2 : i32
      %dma_wait3A_1226 = arith.constant 0 : i32
      %dma_wait3A_1227 = arith.constant 0 : i32
      %dma_wait3A_1228 = arith.constant 256 : i32
      %dma_wait3A_1229 = arith.constant 0 : i32
      %dma_wait3A_1230 = tpu.memref_slice %arg6[%dma_wait3A_1226, %dma_wait3A_1228, %dma_wait3A_1229] : memref<2x512x32xf32, #tpu.memory_space<vmem>> -> memref<1x128x32xf32, #tpu.memory_space<vmem>>
      %dma_wait3A_1231 = tpu.memref_squeeze %dma_wait3A_1230 : memref<1x128x32xf32, #tpu.memory_space<vmem>> -> memref<128x32xf32, #tpu.memory_space<vmem>>
      %dma_wait3A_1232 = arith.constant 0 : i32
      %dma_wait3A_1233 = tpu.memref_slice %arg5[%dma_wait3A_1224, %dma_wait3A_1225, %dma_wait3A_1232] : memref<2x4x128xi32, #tpu.memory_space<vmem>> -> memref<1x1x128xi32, #tpu.memory_space<vmem>>
      %dma_wait3A_1234 = tpu.memref_squeeze %dma_wait3A_1233 : memref<1x1x128xi32, #tpu.memory_space<vmem>> -> memref<128xi32, #tpu.memory_space<vmem>>
      %dma_wait3A_1235 = arith.constant 0 : i32
      %dma_wait3A_1236 = arith.constant 0 : i32
      %dma_wait3A_1237 = tpu.memref_slice %arg2[%dma_wait3A_1235, %dma_wait3A_1236] : memref<1000000x32xf32, #tpu.memory_space<hbm>> -> memref<1000000x32xf32, #tpu.memory_space<hbm>>
      %dma_wait3A_1238 = tpu.memref_slice %arg8[%dma_wait3A_1227] : memref<2x!tpu.dma_semaphore, #tpu.memory_space<semaphore_mem>> -> memref<1x!tpu.dma_semaphore, #tpu.memory_space<semaphore_mem>>
      %dma_wait3A_1239 = tpu.memref_squeeze %dma_wait3A_1238 : memref<1x!tpu.dma_semaphore, #tpu.memory_space<semaphore_mem>> -> memref<!tpu.dma_semaphore, #tpu.memory_space<semaphore_mem>>
      tpu.wait_indirect_dma semaphore(%dma_wait3A_1239 : memref<!tpu.dma_semaphore, #tpu.memory_space<semaphore_mem>>) src(%dma_wait3A_1237 : memref<1000000x32xf32, #tpu.memory_space<hbm>>) dst(%dma_wait3A_1231 : memref<128x32xf32, #tpu.memory_space<vmem>>)
      %dma_wait3A_1240 = arith.constant 0 : i32
      %dma_wait3A_1241 = arith.constant 3 : i32
      %dma_wait3A_1242 = arith.constant 0 : i32
      %dma_wait3A_1243 = arith.constant 0 : i32
      %dma_wait3A_1244 = arith.constant 384 : i32
      %dma_wait3A_1245 = arith.constant 0 : i32
      %dma_wait3A_1246 = tpu.memref_slice %arg6[%dma_wait3A_1242, %dma_wait3A_1244, %dma_wait3A_1245] : memref<2x512x32xf32, #tpu.memory_space<vmem>> -> memref<1x128x32xf32, #tpu.memory_space<vmem>>
      %dma_wait3A_1247 = tpu.memref_squeeze %dma_wait3A_1246 : memref<1x128x32xf32, #tpu.memory_space<vmem>> -> memref<128x32xf32, #tpu.memory_space<vmem>>
      %dma_wait3A_1248 = arith.constant 0 : i32
      %dma_wait3A_1249 = tpu.memref_slice %arg5[%dma_wait3A_1240, %dma_wait3A_1241, %dma_wait3A_1248] : memref<2x4x128xi32, #tpu.memory_space<vmem>> -> memref<1x1x128xi32, #tpu.memory_space<vmem>>
      %dma_wait3A_1250 = tpu.memref_squeeze %dma_wait3A_1249 : memref<1x1x128xi32, #tpu.memory_space<vmem>> -> memref<128xi32, #tpu.memory_space<vmem>>
      %dma_wait3A_1251 = arith.constant 0 : i32
      %dma_wait3A_1252 = arith.constant 0 : i32
      %dma_wait3A_1253 = tpu.memref_slice %arg2[%dma_wait3A_1251, %dma_wait3A_1252] : memref<1000000x32xf32, #tpu.memory_space<hbm>> -> memref<1000000x32xf32, #tpu.memory_space<hbm>>
      %dma_wait3A_1254 = tpu.memref_slice %arg8[%dma_wait3A_1243] : memref<2x!tpu.dma_semaphore, #tpu.memory_space<semaphore_mem>> -> memref<1x!tpu.dma_semaphore, #tpu.memory_space<semaphore_mem>>
      %dma_wait3A_1255 = tpu.memref_squeeze %dma_wait3A_1254 : memref<1x!tpu.dma_semaphore, #tpu.memory_space<semaphore_mem>> -> memref<!tpu.dma_semaphore, #tpu.memory_space<semaphore_mem>>
      tpu.wait_indirect_dma semaphore(%dma_wait3A_1255 : memref<!tpu.dma_semaphore, #tpu.memory_space<semaphore_mem>>) src(%dma_wait3A_1253 : memref<1000000x32xf32, #tpu.memory_space<hbm>>) dst(%dma_wait3A_1247 : memref<128x32xf32, #tpu.memory_space<vmem>>)
      %add3A_1256 = arith.constant 1 : i32
      %add3A_1257 = arith.addi %add3A_1191, %add3A_1256 : i32
      %add3A_1258 = arith.constant 50 : i32
      %add3A_1259 = arith.addi %mul3A_52, %add3A_1258 : i32
      %lt3A_1260 = arith.cmpi slt, %add3A_1257, %add3A_1259 : i32
      %convert_element_type3A = arith.extui %lt3A_1260 : i1 to i32
      %cond3A = arith.constant 0 : i32
      %cond3A_1261 = arith.cmpi ne, %convert_element_type3A, %cond3A : i32
      scf.if %cond3A_1261 {
        %add3A_2367 = arith.constant 1 : i32
        %add3A_2368 = arith.addi %add3A_1191, %add3A_2367 : i32
        %jit3A_2369 = arith.constant 32 : i32
        %div3A_2370 = arith.divsi %add3A_2368, %jit3A_2369 : i32
        %sign3A_2371 = arith.constant 0 : i32
        %sign3A_2372 = arith.cmpi sgt, %add3A_2368, %sign3A_2371 : i32
        %sign3A_2373 = arith.extui %sign3A_2372 : i1 to i32
        %sign3A_2374 = arith.constant 0 : i32
        %sign3A_2375 = arith.cmpi slt, %add3A_2368, %sign3A_2374 : i32
        %sign3A_2376 = arith.extui %sign3A_2375 : i1 to i32
        %sign3A_2377 = arith.subi %sign3A_2373, %sign3A_2376 : i32
        %sign3A_2378 = arith.constant 0 : i32
        %sign3A_2379 = arith.cmpi sgt, %jit3A_2369, %sign3A_2378 : i32
        %sign3A_2380 = arith.extui %sign3A_2379 : i1 to i32
        %sign3A_2381 = arith.constant 0 : i32
        %sign3A_2382 = arith.cmpi slt, %jit3A_2369, %sign3A_2381 : i32
        %sign3A_2383 = arith.extui %sign3A_2382 : i1 to i32
        %sign3A_2384 = arith.subi %sign3A_2380, %sign3A_2383 : i32
        %ne3A_2385 = arith.cmpi ne, %sign3A_2377, %sign3A_2384 : i32
        %rem3A_2386 = arith.remsi %add3A_2368, %jit3A_2369 : i32
        %ne3A_2387 = arith.constant 0 : i32
        %ne3A_2388 = arith.cmpi ne, %rem3A_2386, %ne3A_2387 : i32
        %and3A_2389 = arith.andi %ne3A_2385, %ne3A_2388 : i1
        %sub3A_2390 = arith.constant 1 : i32
        %sub3A_2391 = arith.subi %div3A_2370, %sub3A_2390 : i32
        %select_n3A_2392 = arith.select %and3A_2389, %sub3A_2391, %div3A_2370 : i32
        %jit3A_2393 = arith.constant 32 : i32
        %eq3A_2394 = arith.constant 0 : i32
        %eq3A_2395 = arith.cmpi eq, %jit3A_2393, %eq3A_2394 : i32
        %jit3A_2396 = arith.constant 1 : i32
        %select_n3A_2397 = arith.select %eq3A_2395, %jit3A_2396, %jit3A_2393 : i32
        %rem3A_2398 = arith.remsi %add3A_2368, %select_n3A_2397 : i32
        %ne3A_2399 = arith.constant 0 : i32
        %ne3A_2400 = arith.cmpi ne, %rem3A_2398, %ne3A_2399 : i32
        %lt3A_2401 = arith.constant 0 : i32
        %lt3A_2402 = arith.cmpi slt, %rem3A_2398, %lt3A_2401 : i32
        %lt3A_2403 = arith.constant 0 : i32
        %lt3A_2404 = arith.cmpi slt, %select_n3A_2397, %lt3A_2403 : i32
        %ne3A_2405 = arith.xori %lt3A_2402, %lt3A_2404 : i1
        %and3A_2406 = arith.andi %ne3A_2405, %ne3A_2400 : i1
        %add3A_2407 = arith.addi %rem3A_2398, %select_n3A_2397 : i32
        %select_n3A_2408 = arith.select %and3A_2406, %add3A_2407, %rem3A_2398 : i32
        %mul3A_2409 = arith.constant 4 : i32
        %mul3A_2410 = arith.muli %select_n3A_2408, %mul3A_2409 : i32
        %run_scoped3A_2411 = arith.constant 1 : i32
        "tpu.region"() ({
          %run_scoped3A_2476 = tpu.sem_alloc : memref<!tpu.dma_semaphore, #tpu.memory_space<semaphore_mem>>
          %dma_start3A_2477 = arith.constant 0 : i32
          %dma_start3A_2478 = arith.constant 0 : i32
          %dma_start3A_2479 = tpu.memref_slice %arg5[%run_scoped3A_2411, %dma_start3A_2477, %dma_start3A_2478] : memref<2x4x128xi32, #tpu.memory_space<vmem>> -> memref<1x4x128xi32, #tpu.memory_space<vmem>>
          %dma_start3A_2480 = tpu.memref_squeeze %dma_start3A_2479 : memref<1x4x128xi32, #tpu.memory_space<vmem>> -> memref<4x128xi32, #tpu.memory_space<vmem>>
          %dma_start3A_2481 = arith.constant 0 : i32
          %dma_start3A_2482 = tpu.memref_slice %arg3[%select_n3A_2392, %mul3A_2410, %dma_start3A_2481] : memref<50x128x128xi32, #tpu.memory_space<hbm>> -> memref<1x4x128xi32, #tpu.memory_space<hbm>>
          %dma_start3A_2483 = tpu.memref_squeeze %dma_start3A_2482 : memref<1x4x128xi32, #tpu.memory_space<hbm>> -> memref<4x128xi32, #tpu.memory_space<hbm>>
          %dma_start3A_2484 = arith.constant 0 : i32
          %dma_start3A_2485 = arith.constant 0 : i32
          %dma_start3A_2486 = tpu.memref_slice %arg5[%run_scoped3A_2411, %dma_start3A_2484, %dma_start3A_2485] : memref<2x4x128xi32, #tpu.memory_space<vmem>> -> memref<1x4x128xi32, #tpu.memory_space<vmem>>
          %dma_start3A_2487 = tpu.memref_squeeze %dma_start3A_2486 : memref<1x4x128xi32, #tpu.memory_space<vmem>> -> memref<4x128xi32, #tpu.memory_space<vmem>>
          %dma_start3A_2488 = arith.constant 0 : i32
          %dma_start3A_2489 = tpu.memref_slice %arg3[%select_n3A_2392, %mul3A_2410, %dma_start3A_2488] : memref<50x128x128xi32, #tpu.memory_space<hbm>> -> memref<1x4x128xi32, #tpu.memory_space<hbm>>
          %dma_start3A_2490 = tpu.memref_squeeze %dma_start3A_2489 : memref<1x4x128xi32, #tpu.memory_space<hbm>> -> memref<4x128xi32, #tpu.memory_space<hbm>>
          tpu.enqueue_dma source(%dma_start3A_2490 : memref<4x128xi32, #tpu.memory_space<hbm>>) target(%dma_start3A_2487 : memref<4x128xi32, #tpu.memory_space<vmem>>) target_semaphore(%run_scoped3A_2476 : memref<!tpu.dma_semaphore, #tpu.memory_space<semaphore_mem>>)
          %dma_wait3A_2491 = arith.constant 0 : i32
          %dma_wait3A_2492 = arith.constant 0 : i32
          %dma_wait3A_2493 = tpu.memref_slice %arg5[%run_scoped3A_2411, %dma_wait3A_2491, %dma_wait3A_2492] : memref<2x4x128xi32, #tpu.memory_space<vmem>> -> memref<1x4x128xi32, #tpu.memory_space<vmem>>
          %dma_wait3A_2494 = tpu.memref_squeeze %dma_wait3A_2493 : memref<1x4x128xi32, #tpu.memory_space<vmem>> -> memref<4x128xi32, #tpu.memory_space<vmem>>
          %dma_wait3A_2495 = arith.constant 0 : i32
          %dma_wait3A_2496 = tpu.memref_slice %arg3[%select_n3A_2392, %mul3A_2410, %dma_wait3A_2495] : memref<50x128x128xi32, #tpu.memory_space<hbm>> -> memref<1x4x128xi32, #tpu.memory_space<hbm>>
          %dma_wait3A_2497 = tpu.memref_squeeze %dma_wait3A_2496 : memref<1x4x128xi32, #tpu.memory_space<hbm>> -> memref<4x128xi32, #tpu.memory_space<hbm>>
          %dma_wait3A_2498 = arith.constant 0 : i32
          %dma_wait3A_2499 = arith.constant 0 : i32
          %dma_wait3A_2500 = tpu.memref_slice %arg5[%run_scoped3A_2411, %dma_wait3A_2498, %dma_wait3A_2499] : memref<2x4x128xi32, #tpu.memory_space<vmem>> -> memref<1x4x128xi32, #tpu.memory_space<vmem>>
          %dma_wait3A_2501 = tpu.memref_squeeze %dma_wait3A_2500 : memref<1x4x128xi32, #tpu.memory_space<vmem>> -> memref<4x128xi32, #tpu.memory_space<vmem>>
          %dma_wait3A_2502 = arith.constant 0 : i32
          %dma_wait3A_2503 = tpu.memref_slice %arg3[%select_n3A_2392, %mul3A_2410, %dma_wait3A_2502] : memref<50x128x128xi32, #tpu.memory_space<hbm>> -> memref<1x4x128xi32, #tpu.memory_space<hbm>>
          %dma_wait3A_2504 = tpu.memref_squeeze %dma_wait3A_2503 : memref<1x4x128xi32, #tpu.memory_space<hbm>> -> memref<4x128xi32, #tpu.memory_space<hbm>>
          tpu.wait_dma2 semaphore(%run_scoped3A_2476 : memref<!tpu.dma_semaphore, #tpu.memory_space<semaphore_mem>>) src(%dma_wait3A_2504 : memref<4x128xi32, #tpu.memory_space<hbm>>) dst(%dma_wait3A_2501 : memref<4x128xi32, #tpu.memory_space<vmem>>)
          tpu.yield
        }) : () -> ()
        %dma_start3A_2412 = arith.constant 1 : i32
        %dma_start3A_2413 = arith.constant 0 : i32
        %dma_start3A_2414 = arith.constant 1 : i32
        %dma_start3A_2415 = arith.constant 1 : i32
        %dma_start3A_2416 = arith.constant 0 : i32
        %dma_start3A_2417 = arith.constant 0 : i32
        %dma_start3A_2418 = tpu.memref_slice %arg6[%dma_start3A_2414, %dma_start3A_2416, %dma_start3A_2417] : memref<2x512x32xf32, #tpu.memory_space<vmem>> -> memref<1x128x32xf32, #tpu.memory_space<vmem>>
        %dma_start3A_2419 = tpu.memref_squeeze %dma_start3A_2418 : memref<1x128x32xf32, #tpu.memory_space<vmem>> -> memref<128x32xf32, #tpu.memory_space<vmem>>
        %dma_start3A_2420 = arith.constant 0 : i32
        %dma_start3A_2421 = tpu.memref_slice %arg5[%dma_start3A_2412, %dma_start3A_2413, %dma_start3A_2420] : memref<2x4x128xi32, #tpu.memory_space<vmem>> -> memref<1x1x128xi32, #tpu.memory_space<vmem>>
        %dma_start3A_2422 = tpu.memref_squeeze %dma_start3A_2421 : memref<1x1x128xi32, #tpu.memory_space<vmem>> -> memref<128xi32, #tpu.memory_space<vmem>>
        %dma_start3A_2423 = arith.constant 0 : i32
        %dma_start3A_2424 = arith.constant 0 : i32
        %dma_start3A_2425 = tpu.memref_slice %arg2[%dma_start3A_2423, %dma_start3A_2424] : memref<1000000x32xf32, #tpu.memory_space<hbm>> -> memref<1000000x32xf32, #tpu.memory_space<hbm>>
        %dma_start3A_2426 = tpu.memref_slice %arg8[%dma_start3A_2415] : memref<2x!tpu.dma_semaphore, #tpu.memory_space<semaphore_mem>> -> memref<1x!tpu.dma_semaphore, #tpu.memory_space<semaphore_mem>>
        %dma_start3A_2427 = tpu.memref_squeeze %dma_start3A_2426 : memref<1x!tpu.dma_semaphore, #tpu.memory_space<semaphore_mem>> -> memref<!tpu.dma_semaphore, #tpu.memory_space<semaphore_mem>>
        tpu.enqueue_indirect_dma source(%dma_start3A_2425 : memref<1000000x32xf32, #tpu.memory_space<hbm>>) target(%dma_start3A_2419 : memref<128x32xf32, #tpu.memory_space<vmem>>) offsets(%dma_start3A_2422 : memref<128xi32, #tpu.memory_space<vmem>>) semaphore(%dma_start3A_2427 : memref<!tpu.dma_semaphore, #tpu.memory_space<semaphore_mem>>)
        %dma_start3A_2428 = arith.constant 1 : i32
        %dma_start3A_2429 = arith.constant 1 : i32
        %dma_start3A_2430 = arith.constant 1 : i32
        %dma_start3A_2431 = arith.constant 1 : i32
        %dma_start3A_2432 = arith.constant 128 : i32
        %dma_start3A_2433 = arith.constant 0 : i32
        %dma_start3A_2434 = tpu.memref_slice %arg6[%dma_start3A_2430, %dma_start3A_2432, %dma_start3A_2433] : memref<2x512x32xf32, #tpu.memory_space<vmem>> -> memref<1x128x32xf32, #tpu.memory_space<vmem>>
        %dma_start3A_2435 = tpu.memref_squeeze %dma_start3A_2434 : memref<1x128x32xf32, #tpu.memory_space<vmem>> -> memref<128x32xf32, #tpu.memory_space<vmem>>
        %dma_start3A_2436 = arith.constant 0 : i32
        %dma_start3A_2437 = tpu.memref_slice %arg5[%dma_start3A_2428, %dma_start3A_2429, %dma_start3A_2436] : memref<2x4x128xi32, #tpu.memory_space<vmem>> -> memref<1x1x128xi32, #tpu.memory_space<vmem>>
        %dma_start3A_2438 = tpu.memref_squeeze %dma_start3A_2437 : memref<1x1x128xi32, #tpu.memory_space<vmem>> -> memref<128xi32, #tpu.memory_space<vmem>>
        %dma_start3A_2439 = arith.constant 0 : i32
        %dma_start3A_2440 = arith.constant 0 : i32
        %dma_start3A_2441 = tpu.memref_slice %arg2[%dma_start3A_2439, %dma_start3A_2440] : memref<1000000x32xf32, #tpu.memory_space<hbm>> -> memref<1000000x32xf32, #tpu.memory_space<hbm>>
        %dma_start3A_2442 = tpu.memref_slice %arg8[%dma_start3A_2431] : memref<2x!tpu.dma_semaphore, #tpu.memory_space<semaphore_mem>> -> memref<1x!tpu.dma_semaphore, #tpu.memory_space<semaphore_mem>>
        %dma_start3A_2443 = tpu.memref_squeeze %dma_start3A_2442 : memref<1x!tpu.dma_semaphore, #tpu.memory_space<semaphore_mem>> -> memref<!tpu.dma_semaphore, #tpu.memory_space<semaphore_mem>>
        tpu.enqueue_indirect_dma source(%dma_start3A_2441 : memref<1000000x32xf32, #tpu.memory_space<hbm>>) target(%dma_start3A_2435 : memref<128x32xf32, #tpu.memory_space<vmem>>) offsets(%dma_start3A_2438 : memref<128xi32, #tpu.memory_space<vmem>>) semaphore(%dma_start3A_2443 : memref<!tpu.dma_semaphore, #tpu.memory_space<semaphore_mem>>)
        %dma_start3A_2444 = arith.constant 1 : i32
        %dma_start3A_2445 = arith.constant 2 : i32
        %dma_start3A_2446 = arith.constant 1 : i32
        %dma_start3A_2447 = arith.constant 1 : i32
        %dma_start3A_2448 = arith.constant 256 : i32
        %dma_start3A_2449 = arith.constant 0 : i32
        %dma_start3A_2450 = tpu.memref_slice %arg6[%dma_start3A_2446, %dma_start3A_2448, %dma_start3A_2449] : memref<2x512x32xf32, #tpu.memory_space<vmem>> -> memref<1x128x32xf32, #tpu.memory_space<vmem>>
        %dma_start3A_2451 = tpu.memref_squeeze %dma_start3A_2450 : memref<1x128x32xf32, #tpu.memory_space<vmem>> -> memref<128x32xf32, #tpu.memory_space<vmem>>
        %dma_start3A_2452 = arith.constant 0 : i32
        %dma_start3A_2453 = tpu.memref_slice %arg5[%dma_start3A_2444, %dma_start3A_2445, %dma_start3A_2452] : memref<2x4x128xi32, #tpu.memory_space<vmem>> -> memref<1x1x128xi32, #tpu.memory_space<vmem>>
        %dma_start3A_2454 = tpu.memref_squeeze %dma_start3A_2453 : memref<1x1x128xi32, #tpu.memory_space<vmem>> -> memref<128xi32, #tpu.memory_space<vmem>>
        %dma_start3A_2455 = arith.constant 0 : i32
        %dma_start3A_2456 = arith.constant 0 : i32
        %dma_start3A_2457 = tpu.memref_slice %arg2[%dma_start3A_2455, %dma_start3A_2456] : memref<1000000x32xf32, #tpu.memory_space<hbm>> -> memref<1000000x32xf32, #tpu.memory_space<hbm>>
        %dma_start3A_2458 = tpu.memref_slice %arg8[%dma_start3A_2447] : memref<2x!tpu.dma_semaphore, #tpu.memory_space<semaphore_mem>> -> memref<1x!tpu.dma_semaphore, #tpu.memory_space<semaphore_mem>>
        %dma_start3A_2459 = tpu.memref_squeeze %dma_start3A_2458 : memref<1x!tpu.dma_semaphore, #tpu.memory_space<semaphore_mem>> -> memref<!tpu.dma_semaphore, #tpu.memory_space<semaphore_mem>>
        tpu.enqueue_indirect_dma source(%dma_start3A_2457 : memref<1000000x32xf32, #tpu.memory_space<hbm>>) target(%dma_start3A_2451 : memref<128x32xf32, #tpu.memory_space<vmem>>) offsets(%dma_start3A_2454 : memref<128xi32, #tpu.memory_space<vmem>>) semaphore(%dma_start3A_2459 : memref<!tpu.dma_semaphore, #tpu.memory_space<semaphore_mem>>)
        %dma_start3A_2460 = arith.constant 1 : i32
        %dma_start3A_2461 = arith.constant 3 : i32
        %dma_start3A_2462 = arith.constant 1 : i32
        %dma_start3A_2463 = arith.constant 1 : i32
        %dma_start3A_2464 = arith.constant 384 : i32
        %dma_start3A_2465 = arith.constant 0 : i32
        %dma_start3A_2466 = tpu.memref_slice %arg6[%dma_start3A_2462, %dma_start3A_2464, %dma_start3A_2465] : memref<2x512x32xf32, #tpu.memory_space<vmem>> -> memref<1x128x32xf32, #tpu.memory_space<vmem>>
        %dma_start3A_2467 = tpu.memref_squeeze %dma_start3A_2466 : memref<1x128x32xf32, #tpu.memory_space<vmem>> -> memref<128x32xf32, #tpu.memory_space<vmem>>
        %dma_start3A_2468 = arith.constant 0 : i32
        %dma_start3A_2469 = tpu.memref_slice %arg5[%dma_start3A_2460, %dma_start3A_2461, %dma_start3A_2468] : memref<2x4x128xi32, #tpu.memory_space<vmem>> -> memref<1x1x128xi32, #tpu.memory_space<vmem>>
        %dma_start3A_2470 = tpu.memref_squeeze %dma_start3A_2469 : memref<1x1x128xi32, #tpu.memory_space<vmem>> -> memref<128xi32, #tpu.memory_space<vmem>>
        %dma_start3A_2471 = arith.constant 0 : i32
        %dma_start3A_2472 = arith.constant 0 : i32
        %dma_start3A_2473 = tpu.memref_slice %arg2[%dma_start3A_2471, %dma_start3A_2472] : memref<1000000x32xf32, #tpu.memory_space<hbm>> -> memref<1000000x32xf32, #tpu.memory_space<hbm>>
        %dma_start3A_2474 = tpu.memref_slice %arg8[%dma_start3A_2463] : memref<2x!tpu.dma_semaphore, #tpu.memory_space<semaphore_mem>> -> memref<1x!tpu.dma_semaphore, #tpu.memory_space<semaphore_mem>>
        %dma_start3A_2475 = tpu.memref_squeeze %dma_start3A_2474 : memref<1x!tpu.dma_semaphore, #tpu.memory_space<semaphore_mem>> -> memref<!tpu.dma_semaphore, #tpu.memory_space<semaphore_mem>>
        tpu.enqueue_indirect_dma source(%dma_start3A_2473 : memref<1000000x32xf32, #tpu.memory_space<hbm>>) target(%dma_start3A_2467 : memref<128x32xf32, #tpu.memory_space<vmem>>) offsets(%dma_start3A_2470 : memref<128xi32, #tpu.memory_space<vmem>>) semaphore(%dma_start3A_2475 : memref<!tpu.dma_semaphore, #tpu.memory_space<semaphore_mem>>)
      } else {
      }
      %sub3A_1262 = arith.constant 2 : i32
      %sub3A_1263 = arith.subi %add3A_1191, %sub3A_1262 : i32
      %ge3A = arith.cmpi sge, %sub3A_1263, %mul3A_52 : i32
      %convert_element_type3A_1264 = arith.extui %ge3A : i1 to i32
      %cond3A_1265 = arith.constant 0 : i32
      %cond3A_1266 = arith.cmpi ne, %convert_element_type3A_1264, %cond3A_1265 : i32
      scf.if %cond3A_1266 {
        %sub3A_2367 = arith.constant 2 : i32
        %sub3A_2368 = arith.subi %add3A_1191, %sub3A_2367 : i32
        %jit3A_2369 = arith.constant 32 : i32
        %div3A_2370 = arith.divsi %sub3A_2368, %jit3A_2369 : i32
        %sign3A_2371 = arith.constant 0 : i32
        %sign3A_2372 = arith.cmpi sgt, %sub3A_2368, %sign3A_2371 : i32
        %sign3A_2373 = arith.extui %sign3A_2372 : i1 to i32
        %sign3A_2374 = arith.constant 0 : i32
        %sign3A_2375 = arith.cmpi slt, %sub3A_2368, %sign3A_2374 : i32
        %sign3A_2376 = arith.extui %sign3A_2375 : i1 to i32
        %sign3A_2377 = arith.subi %sign3A_2373, %sign3A_2376 : i32
        %sign3A_2378 = arith.constant 0 : i32
        %sign3A_2379 = arith.cmpi sgt, %jit3A_2369, %sign3A_2378 : i32
        %sign3A_2380 = arith.extui %sign3A_2379 : i1 to i32
        %sign3A_2381 = arith.constant 0 : i32
        %sign3A_2382 = arith.cmpi slt, %jit3A_2369, %sign3A_2381 : i32
        %sign3A_2383 = arith.extui %sign3A_2382 : i1 to i32
        %sign3A_2384 = arith.subi %sign3A_2380, %sign3A_2383 : i32
        %ne3A_2385 = arith.cmpi ne, %sign3A_2377, %sign3A_2384 : i32
        %rem3A_2386 = arith.remsi %sub3A_2368, %jit3A_2369 : i32
        %ne3A_2387 = arith.constant 0 : i32
        %ne3A_2388 = arith.cmpi ne, %rem3A_2386, %ne3A_2387 : i32
        %and3A_2389 = arith.andi %ne3A_2385, %ne3A_2388 : i1
        %sub3A_2390 = arith.constant 1 : i32
        %sub3A_2391 = arith.subi %div3A_2370, %sub3A_2390 : i32
        %select_n3A_2392 = arith.select %and3A_2389, %sub3A_2391, %div3A_2370 : i32
        %jit3A_2393 = arith.constant 32 : i32
        %eq3A_2394 = arith.constant 0 : i32
        %eq3A_2395 = arith.cmpi eq, %jit3A_2393, %eq3A_2394 : i32
        %jit3A_2396 = arith.constant 1 : i32
        %select_n3A_2397 = arith.select %eq3A_2395, %jit3A_2396, %jit3A_2393 : i32
        %rem3A_2398 = arith.remsi %sub3A_2368, %select_n3A_2397 : i32
        %ne3A_2399 = arith.constant 0 : i32
        %ne3A_2400 = arith.cmpi ne, %rem3A_2398, %ne3A_2399 : i32
        %lt3A_2401 = arith.constant 0 : i32
        %lt3A_2402 = arith.cmpi slt, %rem3A_2398, %lt3A_2401 : i32
        %lt3A_2403 = arith.constant 0 : i32
        %lt3A_2404 = arith.cmpi slt, %select_n3A_2397, %lt3A_2403 : i32
        %ne3A_2405 = arith.xori %lt3A_2402, %lt3A_2404 : i1
        %and3A_2406 = arith.andi %ne3A_2405, %ne3A_2400 : i1
        %add3A_2407 = arith.addi %rem3A_2398, %select_n3A_2397 : i32
        %select_n3A_2408 = arith.select %and3A_2406, %add3A_2407, %rem3A_2398 : i32
        %mul3A_2409 = arith.constant 4 : i32
        %mul3A_2410 = arith.muli %select_n3A_2408, %mul3A_2409 : i32
        %mul3A_2411 = arith.constant 4 : i32
        %mul3A_2412 = arith.muli %select_n3A_2392, %mul3A_2411 : i32
        %add3A_2413 = arith.constant 0 : i32
        %add3A_2414 = arith.addi %mul3A_2412, %add3A_2413 : i32
        %mul3A_2415 = arith.constant 128 : i32
        %mul3A_2416 = arith.muli %add3A_2414, %mul3A_2415 : i32
        %add3A_2417 = arith.addi %mul3A_2416, %mul3A_2410 : i32
        %add3A_2418 = arith.constant 0 : i32
        %add3A_2419 = arith.addi %add3A_2417, %add3A_2418 : i32
        %mul3A_2420 = arith.constant 4 : i32
        %mul3A_2421 = arith.muli %select_n3A_2392, %mul3A_2420 : i32
        %add3A_2422 = arith.constant 0 : i32
        %add3A_2423 = arith.addi %mul3A_2421, %add3A_2422 : i32
        %mul3A_2424 = arith.constant 128 : i32
        %mul3A_2425 = arith.muli %add3A_2423, %mul3A_2424 : i32
        %add3A_2426 = arith.addi %mul3A_2425, %mul3A_2410 : i32
        %add3A_2427 = arith.constant 1 : i32
        %add3A_2428 = arith.addi %add3A_2426, %add3A_2427 : i32
        %mul3A_2429 = arith.constant 4 : i32
        %mul3A_2430 = arith.muli %select_n3A_2392, %mul3A_2429 : i32
        %add3A_2431 = arith.constant 0 : i32
        %add3A_2432 = arith.addi %mul3A_2430, %add3A_2431 : i32
        %mul3A_2433 = arith.constant 128 : i32
        %mul3A_2434 = arith.muli %add3A_2432, %mul3A_2433 : i32
        %add3A_2435 = arith.addi %mul3A_2434, %mul3A_2410 : i32
        %add3A_2436 = arith.constant 2 : i32
        %add3A_2437 = arith.addi %add3A_2435, %add3A_2436 : i32
        %mul3A_2438 = arith.constant 4 : i32
        %mul3A_2439 = arith.muli %select_n3A_2392, %mul3A_2438 : i32
        %add3A_2440 = arith.constant 0 : i32
        %add3A_2441 = arith.addi %mul3A_2439, %add3A_2440 : i32
        %mul3A_2442 = arith.constant 128 : i32
        %mul3A_2443 = arith.muli %add3A_2441, %mul3A_2442 : i32
        %add3A_2444 = arith.addi %mul3A_2443, %mul3A_2410 : i32
        %add3A_2445 = arith.constant 3 : i32
        %add3A_2446 = arith.addi %add3A_2444, %add3A_2445 : i32
        %mul3A_2447 = arith.constant 4 : i32
        %mul3A_2448 = arith.muli %select_n3A_2392, %mul3A_2447 : i32
        %add3A_2449 = arith.constant 1 : i32
        %add3A_2450 = arith.addi %mul3A_2448, %add3A_2449 : i32
        %mul3A_2451 = arith.constant 128 : i32
        %mul3A_2452 = arith.muli %add3A_2450, %mul3A_2451 : i32
        %add3A_2453 = arith.addi %mul3A_2452, %mul3A_2410 : i32
        %add3A_2454 = arith.constant 0 : i32
        %add3A_2455 = arith.addi %add3A_2453, %add3A_2454 : i32
        %mul3A_2456 = arith.constant 4 : i32
        %mul3A_2457 = arith.muli %select_n3A_2392, %mul3A_2456 : i32
        %add3A_2458 = arith.constant 1 : i32
        %add3A_2459 = arith.addi %mul3A_2457, %add3A_2458 : i32
        %mul3A_2460 = arith.constant 128 : i32
        %mul3A_2461 = arith.muli %add3A_2459, %mul3A_2460 : i32
        %add3A_2462 = arith.addi %mul3A_2461, %mul3A_2410 : i32
        %add3A_2463 = arith.constant 1 : i32
        %add3A_2464 = arith.addi %add3A_2462, %add3A_2463 : i32
        %mul3A_2465 = arith.constant 4 : i32
        %mul3A_2466 = arith.muli %select_n3A_2392, %mul3A_2465 : i32
        %add3A_2467 = arith.constant 1 : i32
        %add3A_2468 = arith.addi %mul3A_2466, %add3A_2467 : i32
        %mul3A_2469 = arith.constant 128 : i32
        %mul3A_2470 = arith.muli %add3A_2468, %mul3A_2469 : i32
        %add3A_2471 = arith.addi %mul3A_2470, %mul3A_2410 : i32
        %add3A_2472 = arith.constant 2 : i32
        %add3A_2473 = arith.addi %add3A_2471, %add3A_2472 : i32
        %mul3A_2474 = arith.constant 4 : i32
        %mul3A_2475 = arith.muli %select_n3A_2392, %mul3A_2474 : i32
        %add3A_2476 = arith.constant 1 : i32
        %add3A_2477 = arith.addi %mul3A_2475, %add3A_2476 : i32
        %mul3A_2478 = arith.constant 128 : i32
        %mul3A_2479 = arith.muli %add3A_2477, %mul3A_2478 : i32
        %add3A_2480 = arith.addi %mul3A_2479, %mul3A_2410 : i32
        %add3A_2481 = arith.constant 3 : i32
        %add3A_2482 = arith.addi %add3A_2480, %add3A_2481 : i32
        %mul3A_2483 = arith.constant 4 : i32
        %mul3A_2484 = arith.muli %select_n3A_2392, %mul3A_2483 : i32
        %add3A_2485 = arith.constant 2 : i32
        %add3A_2486 = arith.addi %mul3A_2484, %add3A_2485 : i32
        %mul3A_2487 = arith.constant 128 : i32
        %mul3A_2488 = arith.muli %add3A_2486, %mul3A_2487 : i32
        %add3A_2489 = arith.addi %mul3A_2488, %mul3A_2410 : i32
        %add3A_2490 = arith.constant 0 : i32
        %add3A_2491 = arith.addi %add3A_2489, %add3A_2490 : i32
        %mul3A_2492 = arith.constant 4 : i32
        %mul3A_2493 = arith.muli %select_n3A_2392, %mul3A_2492 : i32
        %add3A_2494 = arith.constant 2 : i32
        %add3A_2495 = arith.addi %mul3A_2493, %add3A_2494 : i32
        %mul3A_2496 = arith.constant 128 : i32
        %mul3A_2497 = arith.muli %add3A_2495, %mul3A_2496 : i32
        %add3A_2498 = arith.addi %mul3A_2497, %mul3A_2410 : i32
        %add3A_2499 = arith.constant 1 : i32
        %add3A_2500 = arith.addi %add3A_2498, %add3A_2499 : i32
        %mul3A_2501 = arith.constant 4 : i32
        %mul3A_2502 = arith.muli %select_n3A_2392, %mul3A_2501 : i32
        %add3A_2503 = arith.constant 2 : i32
        %add3A_2504 = arith.addi %mul3A_2502, %add3A_2503 : i32
        %mul3A_2505 = arith.constant 128 : i32
        %mul3A_2506 = arith.muli %add3A_2504, %mul3A_2505 : i32
        %add3A_2507 = arith.addi %mul3A_2506, %mul3A_2410 : i32
        %add3A_2508 = arith.constant 2 : i32
        %add3A_2509 = arith.addi %add3A_2507, %add3A_2508 : i32
        %mul3A_2510 = arith.constant 4 : i32
        %mul3A_2511 = arith.muli %select_n3A_2392, %mul3A_2510 : i32
        %add3A_2512 = arith.constant 2 : i32
        %add3A_2513 = arith.addi %mul3A_2511, %add3A_2512 : i32
        %mul3A_2514 = arith.constant 128 : i32
        %mul3A_2515 = arith.muli %add3A_2513, %mul3A_2514 : i32
        %add3A_2516 = arith.addi %mul3A_2515, %mul3A_2410 : i32
        %add3A_2517 = arith.constant 3 : i32
        %add3A_2518 = arith.addi %add3A_2516, %add3A_2517 : i32
        %mul3A_2519 = arith.constant 4 : i32
        %mul3A_2520 = arith.muli %select_n3A_2392, %mul3A_2519 : i32
        %add3A_2521 = arith.constant 3 : i32
        %add3A_2522 = arith.addi %mul3A_2520, %add3A_2521 : i32
        %mul3A_2523 = arith.constant 128 : i32
        %mul3A_2524 = arith.muli %add3A_2522, %mul3A_2523 : i32
        %add3A_2525 = arith.addi %mul3A_2524, %mul3A_2410 : i32
        %add3A_2526 = arith.constant 0 : i32
        %add3A_2527 = arith.addi %add3A_2525, %add3A_2526 : i32
        %mul3A_2528 = arith.constant 4 : i32
        %mul3A_2529 = arith.muli %select_n3A_2392, %mul3A_2528 : i32
        %add3A_2530 = arith.constant 3 : i32
        %add3A_2531 = arith.addi %mul3A_2529, %add3A_2530 : i32
        %mul3A_2532 = arith.constant 128 : i32
        %mul3A_2533 = arith.muli %add3A_2531, %mul3A_2532 : i32
        %add3A_2534 = arith.addi %mul3A_2533, %mul3A_2410 : i32
        %add3A_2535 = arith.constant 1 : i32
        %add3A_2536 = arith.addi %add3A_2534, %add3A_2535 : i32
        %mul3A_2537 = arith.constant 4 : i32
        %mul3A_2538 = arith.muli %select_n3A_2392, %mul3A_2537 : i32
        %add3A_2539 = arith.constant 3 : i32
        %add3A_2540 = arith.addi %mul3A_2538, %add3A_2539 : i32
        %mul3A_2541 = arith.constant 128 : i32
        %mul3A_2542 = arith.muli %add3A_2540, %mul3A_2541 : i32
        %add3A_2543 = arith.addi %mul3A_2542, %mul3A_2410 : i32
        %add3A_2544 = arith.constant 2 : i32
        %add3A_2545 = arith.addi %add3A_2543, %add3A_2544 : i32
        %mul3A_2546 = arith.constant 4 : i32
        %mul3A_2547 = arith.muli %select_n3A_2392, %mul3A_2546 : i32
        %add3A_2548 = arith.constant 3 : i32
        %add3A_2549 = arith.addi %mul3A_2547, %add3A_2548 : i32
        %mul3A_2550 = arith.constant 128 : i32
        %mul3A_2551 = arith.muli %add3A_2549, %mul3A_2550 : i32
        %add3A_2552 = arith.addi %mul3A_2551, %mul3A_2410 : i32
        %add3A_2553 = arith.constant 3 : i32
        %add3A_2554 = arith.addi %add3A_2552, %add3A_2553 : i32
        %dma_wait3A_2555 = arith.constant 0 : i32
        %dma_wait3A_2556 = arith.constant 0 : i32
        %dma_wait3A_2557 = arith.constant 0 : i32
        %dma_wait3A_2558 = arith.constant 0 : i32
        %dma_wait3A_2559 = tpu.memref_slice %arg7[%dma_wait3A_2555, %dma_wait3A_2557, %dma_wait3A_2558] : memref<2x128x129xf32, #tpu.memory_space<vmem>> -> memref<1x8x128xf32, #tpu.memory_space<vmem>>
        %dma_wait3A_2560 = tpu.memref_squeeze %dma_wait3A_2559 : memref<1x8x128xf32, #tpu.memory_space<vmem>> -> memref<8x128xf32, #tpu.memory_space<vmem>>
        %dma_wait3A_2561 = arith.constant 0 : i32
        %dma_wait3A_2562 = arith.constant 0 : i32
        %dma_wait3A_2563 = tpu.memref_slice %arg4[%add3A_2419, %dma_wait3A_2561, %dma_wait3A_2562] : memref<25600x8x128xf32, #tpu.memory_space<hbm>> -> memref<1x8x128xf32, #tpu.memory_space<hbm>>
        %dma_wait3A_2564 = tpu.memref_squeeze %dma_wait3A_2563 : memref<1x8x128xf32, #tpu.memory_space<hbm>> -> memref<8x128xf32, #tpu.memory_space<hbm>>
        %dma_wait3A_2565 = tpu.memref_slice %arg9[%dma_wait3A_2556] : memref<2x!tpu.dma_semaphore, #tpu.memory_space<semaphore_mem>> -> memref<1x!tpu.dma_semaphore, #tpu.memory_space<semaphore_mem>>
        %dma_wait3A_2566 = tpu.memref_squeeze %dma_wait3A_2565 : memref<1x!tpu.dma_semaphore, #tpu.memory_space<semaphore_mem>> -> memref<!tpu.dma_semaphore, #tpu.memory_space<semaphore_mem>>
        %dma_wait3A_2567 = arith.constant 0 : i32
        %dma_wait3A_2568 = arith.constant 0 : i32
        %dma_wait3A_2569 = tpu.memref_slice %arg4[%add3A_2419, %dma_wait3A_2567, %dma_wait3A_2568] : memref<25600x8x128xf32, #tpu.memory_space<hbm>> -> memref<1x8x128xf32, #tpu.memory_space<hbm>>
        %dma_wait3A_2570 = tpu.memref_squeeze %dma_wait3A_2569 : memref<1x8x128xf32, #tpu.memory_space<hbm>> -> memref<8x128xf32, #tpu.memory_space<hbm>>
        %dma_wait3A_2571 = arith.constant 0 : i32
        %dma_wait3A_2572 = arith.constant 0 : i32
        %dma_wait3A_2573 = tpu.memref_slice %arg7[%dma_wait3A_2555, %dma_wait3A_2571, %dma_wait3A_2572] : memref<2x128x129xf32, #tpu.memory_space<vmem>> -> memref<1x8x128xf32, #tpu.memory_space<vmem>>
        %dma_wait3A_2574 = tpu.memref_squeeze %dma_wait3A_2573 : memref<1x8x128xf32, #tpu.memory_space<vmem>> -> memref<8x128xf32, #tpu.memory_space<vmem>>
        tpu.wait_dma2 semaphore(%dma_wait3A_2566 : memref<!tpu.dma_semaphore, #tpu.memory_space<semaphore_mem>>) src(%dma_wait3A_2574 : memref<8x128xf32, #tpu.memory_space<vmem>>) dst(%dma_wait3A_2570 : memref<8x128xf32, #tpu.memory_space<hbm>>)
        %dma_wait3A_2575 = arith.constant 0 : i32
        %dma_wait3A_2576 = arith.constant 0 : i32
        %dma_wait3A_2577 = arith.constant 8 : i32
        %dma_wait3A_2578 = arith.constant 0 : i32
        %dma_wait3A_2579 = tpu.memref_slice %arg7[%dma_wait3A_2575, %dma_wait3A_2577, %dma_wait3A_2578] : memref<2x128x129xf32, #tpu.memory_space<vmem>> -> memref<1x8x128xf32, #tpu.memory_space<vmem>>
        %dma_wait3A_2580 = tpu.memref_squeeze %dma_wait3A_2579 : memref<1x8x128xf32, #tpu.memory_space<vmem>> -> memref<8x128xf32, #tpu.memory_space<vmem>>
        %dma_wait3A_2581 = arith.constant 0 : i32
        %dma_wait3A_2582 = arith.constant 0 : i32
        %dma_wait3A_2583 = tpu.memref_slice %arg4[%add3A_2428, %dma_wait3A_2581, %dma_wait3A_2582] : memref<25600x8x128xf32, #tpu.memory_space<hbm>> -> memref<1x8x128xf32, #tpu.memory_space<hbm>>
        %dma_wait3A_2584 = tpu.memref_squeeze %dma_wait3A_2583 : memref<1x8x128xf32, #tpu.memory_space<hbm>> -> memref<8x128xf32, #tpu.memory_space<hbm>>
        %dma_wait3A_2585 = tpu.memref_slice %arg9[%dma_wait3A_2576] : memref<2x!tpu.dma_semaphore, #tpu.memory_space<semaphore_mem>> -> memref<1x!tpu.dma_semaphore, #tpu.memory_space<semaphore_mem>>
        %dma_wait3A_2586 = tpu.memref_squeeze %dma_wait3A_2585 : memref<1x!tpu.dma_semaphore, #tpu.memory_space<semaphore_mem>> -> memref<!tpu.dma_semaphore, #tpu.memory_space<semaphore_mem>>
        %dma_wait3A_2587 = arith.constant 0 : i32
        %dma_wait3A_2588 = arith.constant 0 : i32
        %dma_wait3A_2589 = tpu.memref_slice %arg4[%add3A_2428, %dma_wait3A_2587, %dma_wait3A_2588] : memref<25600x8x128xf32, #tpu.memory_space<hbm>> -> memref<1x8x128xf32, #tpu.memory_space<hbm>>
        %dma_wait3A_2590 = tpu.memref_squeeze %dma_wait3A_2589 : memref<1x8x128xf32, #tpu.memory_space<hbm>> -> memref<8x128xf32, #tpu.memory_space<hbm>>
        %dma_wait3A_2591 = arith.constant 8 : i32
        %dma_wait3A_2592 = arith.constant 0 : i32
        %dma_wait3A_2593 = tpu.memref_slice %arg7[%dma_wait3A_2575, %dma_wait3A_2591, %dma_wait3A_2592] : memref<2x128x129xf32, #tpu.memory_space<vmem>> -> memref<1x8x128xf32, #tpu.memory_space<vmem>>
        %dma_wait3A_2594 = tpu.memref_squeeze %dma_wait3A_2593 : memref<1x8x128xf32, #tpu.memory_space<vmem>> -> memref<8x128xf32, #tpu.memory_space<vmem>>
        tpu.wait_dma2 semaphore(%dma_wait3A_2586 : memref<!tpu.dma_semaphore, #tpu.memory_space<semaphore_mem>>) src(%dma_wait3A_2594 : memref<8x128xf32, #tpu.memory_space<vmem>>) dst(%dma_wait3A_2590 : memref<8x128xf32, #tpu.memory_space<hbm>>)
        %dma_wait3A_2595 = arith.constant 0 : i32
        %dma_wait3A_2596 = arith.constant 0 : i32
        %dma_wait3A_2597 = arith.constant 16 : i32
        %dma_wait3A_2598 = arith.constant 0 : i32
        %dma_wait3A_2599 = tpu.memref_slice %arg7[%dma_wait3A_2595, %dma_wait3A_2597, %dma_wait3A_2598] : memref<2x128x129xf32, #tpu.memory_space<vmem>> -> memref<1x8x128xf32, #tpu.memory_space<vmem>>
        %dma_wait3A_2600 = tpu.memref_squeeze %dma_wait3A_2599 : memref<1x8x128xf32, #tpu.memory_space<vmem>> -> memref<8x128xf32, #tpu.memory_space<vmem>>
        %dma_wait3A_2601 = arith.constant 0 : i32
        %dma_wait3A_2602 = arith.constant 0 : i32
        %dma_wait3A_2603 = tpu.memref_slice %arg4[%add3A_2437, %dma_wait3A_2601, %dma_wait3A_2602] : memref<25600x8x128xf32, #tpu.memory_space<hbm>> -> memref<1x8x128xf32, #tpu.memory_space<hbm>>
        %dma_wait3A_2604 = tpu.memref_squeeze %dma_wait3A_2603 : memref<1x8x128xf32, #tpu.memory_space<hbm>> -> memref<8x128xf32, #tpu.memory_space<hbm>>
        %dma_wait3A_2605 = tpu.memref_slice %arg9[%dma_wait3A_2596] : memref<2x!tpu.dma_semaphore, #tpu.memory_space<semaphore_mem>> -> memref<1x!tpu.dma_semaphore, #tpu.memory_space<semaphore_mem>>
        %dma_wait3A_2606 = tpu.memref_squeeze %dma_wait3A_2605 : memref<1x!tpu.dma_semaphore, #tpu.memory_space<semaphore_mem>> -> memref<!tpu.dma_semaphore, #tpu.memory_space<semaphore_mem>>
        %dma_wait3A_2607 = arith.constant 0 : i32
        %dma_wait3A_2608 = arith.constant 0 : i32
        %dma_wait3A_2609 = tpu.memref_slice %arg4[%add3A_2437, %dma_wait3A_2607, %dma_wait3A_2608] : memref<25600x8x128xf32, #tpu.memory_space<hbm>> -> memref<1x8x128xf32, #tpu.memory_space<hbm>>
        %dma_wait3A_2610 = tpu.memref_squeeze %dma_wait3A_2609 : memref<1x8x128xf32, #tpu.memory_space<hbm>> -> memref<8x128xf32, #tpu.memory_space<hbm>>
        %dma_wait3A_2611 = arith.constant 16 : i32
        %dma_wait3A_2612 = arith.constant 0 : i32
        %dma_wait3A_2613 = tpu.memref_slice %arg7[%dma_wait3A_2595, %dma_wait3A_2611, %dma_wait3A_2612] : memref<2x128x129xf32, #tpu.memory_space<vmem>> -> memref<1x8x128xf32, #tpu.memory_space<vmem>>
        %dma_wait3A_2614 = tpu.memref_squeeze %dma_wait3A_2613 : memref<1x8x128xf32, #tpu.memory_space<vmem>> -> memref<8x128xf32, #tpu.memory_space<vmem>>
        tpu.wait_dma2 semaphore(%dma_wait3A_2606 : memref<!tpu.dma_semaphore, #tpu.memory_space<semaphore_mem>>) src(%dma_wait3A_2614 : memref<8x128xf32, #tpu.memory_space<vmem>>) dst(%dma_wait3A_2610 : memref<8x128xf32, #tpu.memory_space<hbm>>)
        %dma_wait3A_2615 = arith.constant 0 : i32
        %dma_wait3A_2616 = arith.constant 0 : i32
        %dma_wait3A_2617 = arith.constant 24 : i32
        %dma_wait3A_2618 = arith.constant 0 : i32
        %dma_wait3A_2619 = tpu.memref_slice %arg7[%dma_wait3A_2615, %dma_wait3A_2617, %dma_wait3A_2618] : memref<2x128x129xf32, #tpu.memory_space<vmem>> -> memref<1x8x128xf32, #tpu.memory_space<vmem>>
        %dma_wait3A_2620 = tpu.memref_squeeze %dma_wait3A_2619 : memref<1x8x128xf32, #tpu.memory_space<vmem>> -> memref<8x128xf32, #tpu.memory_space<vmem>>
        %dma_wait3A_2621 = arith.constant 0 : i32
        %dma_wait3A_2622 = arith.constant 0 : i32
        %dma_wait3A_2623 = tpu.memref_slice %arg4[%add3A_2446, %dma_wait3A_2621, %dma_wait3A_2622] : memref<25600x8x128xf32, #tpu.memory_space<hbm>> -> memref<1x8x128xf32, #tpu.memory_space<hbm>>
        %dma_wait3A_2624 = tpu.memref_squeeze %dma_wait3A_2623 : memref<1x8x128xf32, #tpu.memory_space<hbm>> -> memref<8x128xf32, #tpu.memory_space<hbm>>
        %dma_wait3A_2625 = tpu.memref_slice %arg9[%dma_wait3A_2616] : memref<2x!tpu.dma_semaphore, #tpu.memory_space<semaphore_mem>> -> memref<1x!tpu.dma_semaphore, #tpu.memory_space<semaphore_mem>>
        %dma_wait3A_2626 = tpu.memref_squeeze %dma_wait3A_2625 : memref<1x!tpu.dma_semaphore, #tpu.memory_space<semaphore_mem>> -> memref<!tpu.dma_semaphore, #tpu.memory_space<semaphore_mem>>
        %dma_wait3A_2627 = arith.constant 0 : i32
        %dma_wait3A_2628 = arith.constant 0 : i32
        %dma_wait3A_2629 = tpu.memref_slice %arg4[%add3A_2446, %dma_wait3A_2627, %dma_wait3A_2628] : memref<25600x8x128xf32, #tpu.memory_space<hbm>> -> memref<1x8x128xf32, #tpu.memory_space<hbm>>
        %dma_wait3A_2630 = tpu.memref_squeeze %dma_wait3A_2629 : memref<1x8x128xf32, #tpu.memory_space<hbm>> -> memref<8x128xf32, #tpu.memory_space<hbm>>
        %dma_wait3A_2631 = arith.constant 24 : i32
        %dma_wait3A_2632 = arith.constant 0 : i32
        %dma_wait3A_2633 = tpu.memref_slice %arg7[%dma_wait3A_2615, %dma_wait3A_2631, %dma_wait3A_2632] : memref<2x128x129xf32, #tpu.memory_space<vmem>> -> memref<1x8x128xf32, #tpu.memory_space<vmem>>
        %dma_wait3A_2634 = tpu.memref_squeeze %dma_wait3A_2633 : memref<1x8x128xf32, #tpu.memory_space<vmem>> -> memref<8x128xf32, #tpu.memory_space<vmem>>
        tpu.wait_dma2 semaphore(%dma_wait3A_2626 : memref<!tpu.dma_semaphore, #tpu.memory_space<semaphore_mem>>) src(%dma_wait3A_2634 : memref<8x128xf32, #tpu.memory_space<vmem>>) dst(%dma_wait3A_2630 : memref<8x128xf32, #tpu.memory_space<hbm>>)
        %dma_wait3A_2635 = arith.constant 0 : i32
        %dma_wait3A_2636 = arith.constant 0 : i32
        %dma_wait3A_2637 = arith.constant 32 : i32
        %dma_wait3A_2638 = arith.constant 0 : i32
        %dma_wait3A_2639 = tpu.memref_slice %arg7[%dma_wait3A_2635, %dma_wait3A_2637, %dma_wait3A_2638] : memref<2x128x129xf32, #tpu.memory_space<vmem>> -> memref<1x8x128xf32, #tpu.memory_space<vmem>>
        %dma_wait3A_2640 = tpu.memref_squeeze %dma_wait3A_2639 : memref<1x8x128xf32, #tpu.memory_space<vmem>> -> memref<8x128xf32, #tpu.memory_space<vmem>>
        %dma_wait3A_2641 = arith.constant 0 : i32
        %dma_wait3A_2642 = arith.constant 0 : i32
        %dma_wait3A_2643 = tpu.memref_slice %arg4[%add3A_2455, %dma_wait3A_2641, %dma_wait3A_2642] : memref<25600x8x128xf32, #tpu.memory_space<hbm>> -> memref<1x8x128xf32, #tpu.memory_space<hbm>>
        %dma_wait3A_2644 = tpu.memref_squeeze %dma_wait3A_2643 : memref<1x8x128xf32, #tpu.memory_space<hbm>> -> memref<8x128xf32, #tpu.memory_space<hbm>>
        %dma_wait3A_2645 = tpu.memref_slice %arg9[%dma_wait3A_2636] : memref<2x!tpu.dma_semaphore, #tpu.memory_space<semaphore_mem>> -> memref<1x!tpu.dma_semaphore, #tpu.memory_space<semaphore_mem>>
        %dma_wait3A_2646 = tpu.memref_squeeze %dma_wait3A_2645 : memref<1x!tpu.dma_semaphore, #tpu.memory_space<semaphore_mem>> -> memref<!tpu.dma_semaphore, #tpu.memory_space<semaphore_mem>>
        %dma_wait3A_2647 = arith.constant 0 : i32
        %dma_wait3A_2648 = arith.constant 0 : i32
        %dma_wait3A_2649 = tpu.memref_slice %arg4[%add3A_2455, %dma_wait3A_2647, %dma_wait3A_2648] : memref<25600x8x128xf32, #tpu.memory_space<hbm>> -> memref<1x8x128xf32, #tpu.memory_space<hbm>>
        %dma_wait3A_2650 = tpu.memref_squeeze %dma_wait3A_2649 : memref<1x8x128xf32, #tpu.memory_space<hbm>> -> memref<8x128xf32, #tpu.memory_space<hbm>>
        %dma_wait3A_2651 = arith.constant 32 : i32
        %dma_wait3A_2652 = arith.constant 0 : i32
        %dma_wait3A_2653 = tpu.memref_slice %arg7[%dma_wait3A_2635, %dma_wait3A_2651, %dma_wait3A_2652] : memref<2x128x129xf32, #tpu.memory_space<vmem>> -> memref<1x8x128xf32, #tpu.memory_space<vmem>>
        %dma_wait3A_2654 = tpu.memref_squeeze %dma_wait3A_2653 : memref<1x8x128xf32, #tpu.memory_space<vmem>> -> memref<8x128xf32, #tpu.memory_space<vmem>>
        tpu.wait_dma2 semaphore(%dma_wait3A_2646 : memref<!tpu.dma_semaphore, #tpu.memory_space<semaphore_mem>>) src(%dma_wait3A_2654 : memref<8x128xf32, #tpu.memory_space<vmem>>) dst(%dma_wait3A_2650 : memref<8x128xf32, #tpu.memory_space<hbm>>)
        %dma_wait3A_2655 = arith.constant 0 : i32
        %dma_wait3A_2656 = arith.constant 0 : i32
        %dma_wait3A_2657 = arith.constant 40 : i32
        %dma_wait3A_2658 = arith.constant 0 : i32
        %dma_wait3A_2659 = tpu.memref_slice %arg7[%dma_wait3A_2655, %dma_wait3A_2657, %dma_wait3A_2658] : memref<2x128x129xf32, #tpu.memory_space<vmem>> -> memref<1x8x128xf32, #tpu.memory_space<vmem>>
        %dma_wait3A_2660 = tpu.memref_squeeze %dma_wait3A_2659 : memref<1x8x128xf32, #tpu.memory_space<vmem>> -> memref<8x128xf32, #tpu.memory_space<vmem>>
        %dma_wait3A_2661 = arith.constant 0 : i32
        %dma_wait3A_2662 = arith.constant 0 : i32
        %dma_wait3A_2663 = tpu.memref_slice %arg4[%add3A_2464, %dma_wait3A_2661, %dma_wait3A_2662] : memref<25600x8x128xf32, #tpu.memory_space<hbm>> -> memref<1x8x128xf32, #tpu.memory_space<hbm>>
        %dma_wait3A_2664 = tpu.memref_squeeze %dma_wait3A_2663 : memref<1x8x128xf32, #tpu.memory_space<hbm>> -> memref<8x128xf32, #tpu.memory_space<hbm>>
        %dma_wait3A_2665 = tpu.memref_slice %arg9[%dma_wait3A_2656] : memref<2x!tpu.dma_semaphore, #tpu.memory_space<semaphore_mem>> -> memref<1x!tpu.dma_semaphore, #tpu.memory_space<semaphore_mem>>
        %dma_wait3A_2666 = tpu.memref_squeeze %dma_wait3A_2665 : memref<1x!tpu.dma_semaphore, #tpu.memory_space<semaphore_mem>> -> memref<!tpu.dma_semaphore, #tpu.memory_space<semaphore_mem>>
        %dma_wait3A_2667 = arith.constant 0 : i32
        %dma_wait3A_2668 = arith.constant 0 : i32
        %dma_wait3A_2669 = tpu.memref_slice %arg4[%add3A_2464, %dma_wait3A_2667, %dma_wait3A_2668] : memref<25600x8x128xf32, #tpu.memory_space<hbm>> -> memref<1x8x128xf32, #tpu.memory_space<hbm>>
        %dma_wait3A_2670 = tpu.memref_squeeze %dma_wait3A_2669 : memref<1x8x128xf32, #tpu.memory_space<hbm>> -> memref<8x128xf32, #tpu.memory_space<hbm>>
        %dma_wait3A_2671 = arith.constant 40 : i32
        %dma_wait3A_2672 = arith.constant 0 : i32
        %dma_wait3A_2673 = tpu.memref_slice %arg7[%dma_wait3A_2655, %dma_wait3A_2671, %dma_wait3A_2672] : memref<2x128x129xf32, #tpu.memory_space<vmem>> -> memref<1x8x128xf32, #tpu.memory_space<vmem>>
        %dma_wait3A_2674 = tpu.memref_squeeze %dma_wait3A_2673 : memref<1x8x128xf32, #tpu.memory_space<vmem>> -> memref<8x128xf32, #tpu.memory_space<vmem>>
        tpu.wait_dma2 semaphore(%dma_wait3A_2666 : memref<!tpu.dma_semaphore, #tpu.memory_space<semaphore_mem>>) src(%dma_wait3A_2674 : memref<8x128xf32, #tpu.memory_space<vmem>>) dst(%dma_wait3A_2670 : memref<8x128xf32, #tpu.memory_space<hbm>>)
        %dma_wait3A_2675 = arith.constant 0 : i32
        %dma_wait3A_2676 = arith.constant 0 : i32
        %dma_wait3A_2677 = arith.constant 48 : i32
        %dma_wait3A_2678 = arith.constant 0 : i32
        %dma_wait3A_2679 = tpu.memref_slice %arg7[%dma_wait3A_2675, %dma_wait3A_2677, %dma_wait3A_2678] : memref<2x128x129xf32, #tpu.memory_space<vmem>> -> memref<1x8x128xf32, #tpu.memory_space<vmem>>
        %dma_wait3A_2680 = tpu.memref_squeeze %dma_wait3A_2679 : memref<1x8x128xf32, #tpu.memory_space<vmem>> -> memref<8x128xf32, #tpu.memory_space<vmem>>
        %dma_wait3A_2681 = arith.constant 0 : i32
        %dma_wait3A_2682 = arith.constant 0 : i32
        %dma_wait3A_2683 = tpu.memref_slice %arg4[%add3A_2473, %dma_wait3A_2681, %dma_wait3A_2682] : memref<25600x8x128xf32, #tpu.memory_space<hbm>> -> memref<1x8x128xf32, #tpu.memory_space<hbm>>
        %dma_wait3A_2684 = tpu.memref_squeeze %dma_wait3A_2683 : memref<1x8x128xf32, #tpu.memory_space<hbm>> -> memref<8x128xf32, #tpu.memory_space<hbm>>
        %dma_wait3A_2685 = tpu.memref_slice %arg9[%dma_wait3A_2676] : memref<2x!tpu.dma_semaphore, #tpu.memory_space<semaphore_mem>> -> memref<1x!tpu.dma_semaphore, #tpu.memory_space<semaphore_mem>>
        %dma_wait3A_2686 = tpu.memref_squeeze %dma_wait3A_2685 : memref<1x!tpu.dma_semaphore, #tpu.memory_space<semaphore_mem>> -> memref<!tpu.dma_semaphore, #tpu.memory_space<semaphore_mem>>
        %dma_wait3A_2687 = arith.constant 0 : i32
        %dma_wait3A_2688 = arith.constant 0 : i32
        %dma_wait3A_2689 = tpu.memref_slice %arg4[%add3A_2473, %dma_wait3A_2687, %dma_wait3A_2688] : memref<25600x8x128xf32, #tpu.memory_space<hbm>> -> memref<1x8x128xf32, #tpu.memory_space<hbm>>
        %dma_wait3A_2690 = tpu.memref_squeeze %dma_wait3A_2689 : memref<1x8x128xf32, #tpu.memory_space<hbm>> -> memref<8x128xf32, #tpu.memory_space<hbm>>
        %dma_wait3A_2691 = arith.constant 48 : i32
        %dma_wait3A_2692 = arith.constant 0 : i32
        %dma_wait3A_2693 = tpu.memref_slice %arg7[%dma_wait3A_2675, %dma_wait3A_2691, %dma_wait3A_2692] : memref<2x128x129xf32, #tpu.memory_space<vmem>> -> memref<1x8x128xf32, #tpu.memory_space<vmem>>
        %dma_wait3A_2694 = tpu.memref_squeeze %dma_wait3A_2693 : memref<1x8x128xf32, #tpu.memory_space<vmem>> -> memref<8x128xf32, #tpu.memory_space<vmem>>
        tpu.wait_dma2 semaphore(%dma_wait3A_2686 : memref<!tpu.dma_semaphore, #tpu.memory_space<semaphore_mem>>) src(%dma_wait3A_2694 : memref<8x128xf32, #tpu.memory_space<vmem>>) dst(%dma_wait3A_2690 : memref<8x128xf32, #tpu.memory_space<hbm>>)
        %dma_wait3A_2695 = arith.constant 0 : i32
        %dma_wait3A_2696 = arith.constant 0 : i32
        %dma_wait3A_2697 = arith.constant 56 : i32
        %dma_wait3A_2698 = arith.constant 0 : i32
        %dma_wait3A_2699 = tpu.memref_slice %arg7[%dma_wait3A_2695, %dma_wait3A_2697, %dma_wait3A_2698] : memref<2x128x129xf32, #tpu.memory_space<vmem>> -> memref<1x8x128xf32, #tpu.memory_space<vmem>>
        %dma_wait3A_2700 = tpu.memref_squeeze %dma_wait3A_2699 : memref<1x8x128xf32, #tpu.memory_space<vmem>> -> memref<8x128xf32, #tpu.memory_space<vmem>>
        %dma_wait3A_2701 = arith.constant 0 : i32
        %dma_wait3A_2702 = arith.constant 0 : i32
        %dma_wait3A_2703 = tpu.memref_slice %arg4[%add3A_2482, %dma_wait3A_2701, %dma_wait3A_2702] : memref<25600x8x128xf32, #tpu.memory_space<hbm>> -> memref<1x8x128xf32, #tpu.memory_space<hbm>>
        %dma_wait3A_2704 = tpu.memref_squeeze %dma_wait3A_2703 : memref<1x8x128xf32, #tpu.memory_space<hbm>> -> memref<8x128xf32, #tpu.memory_space<hbm>>
        %dma_wait3A_2705 = tpu.memref_slice %arg9[%dma_wait3A_2696] : memref<2x!tpu.dma_semaphore, #tpu.memory_space<semaphore_mem>> -> memref<1x!tpu.dma_semaphore, #tpu.memory_space<semaphore_mem>>
        %dma_wait3A_2706 = tpu.memref_squeeze %dma_wait3A_2705 : memref<1x!tpu.dma_semaphore, #tpu.memory_space<semaphore_mem>> -> memref<!tpu.dma_semaphore, #tpu.memory_space<semaphore_mem>>
        %dma_wait3A_2707 = arith.constant 0 : i32
        %dma_wait3A_2708 = arith.constant 0 : i32
        %dma_wait3A_2709 = tpu.memref_slice %arg4[%add3A_2482, %dma_wait3A_2707, %dma_wait3A_2708] : memref<25600x8x128xf32, #tpu.memory_space<hbm>> -> memref<1x8x128xf32, #tpu.memory_space<hbm>>
        %dma_wait3A_2710 = tpu.memref_squeeze %dma_wait3A_2709 : memref<1x8x128xf32, #tpu.memory_space<hbm>> -> memref<8x128xf32, #tpu.memory_space<hbm>>
        %dma_wait3A_2711 = arith.constant 56 : i32
        %dma_wait3A_2712 = arith.constant 0 : i32
        %dma_wait3A_2713 = tpu.memref_slice %arg7[%dma_wait3A_2695, %dma_wait3A_2711, %dma_wait3A_2712] : memref<2x128x129xf32, #tpu.memory_space<vmem>> -> memref<1x8x128xf32, #tpu.memory_space<vmem>>
        %dma_wait3A_2714 = tpu.memref_squeeze %dma_wait3A_2713 : memref<1x8x128xf32, #tpu.memory_space<vmem>> -> memref<8x128xf32, #tpu.memory_space<vmem>>
        tpu.wait_dma2 semaphore(%dma_wait3A_2706 : memref<!tpu.dma_semaphore, #tpu.memory_space<semaphore_mem>>) src(%dma_wait3A_2714 : memref<8x128xf32, #tpu.memory_space<vmem>>) dst(%dma_wait3A_2710 : memref<8x128xf32, #tpu.memory_space<hbm>>)
        %dma_wait3A_2715 = arith.constant 0 : i32
        %dma_wait3A_2716 = arith.constant 0 : i32
        %dma_wait3A_2717 = arith.constant 64 : i32
        %dma_wait3A_2718 = arith.constant 0 : i32
        %dma_wait3A_2719 = tpu.memref_slice %arg7[%dma_wait3A_2715, %dma_wait3A_2717, %dma_wait3A_2718] : memref<2x128x129xf32, #tpu.memory_space<vmem>> -> memref<1x8x128xf32, #tpu.memory_space<vmem>>
        %dma_wait3A_2720 = tpu.memref_squeeze %dma_wait3A_2719 : memref<1x8x128xf32, #tpu.memory_space<vmem>> -> memref<8x128xf32, #tpu.memory_space<vmem>>
        %dma_wait3A_2721 = arith.constant 0 : i32
        %dma_wait3A_2722 = arith.constant 0 : i32
        %dma_wait3A_2723 = tpu.memref_slice %arg4[%add3A_2491, %dma_wait3A_2721, %dma_wait3A_2722] : memref<25600x8x128xf32, #tpu.memory_space<hbm>> -> memref<1x8x128xf32, #tpu.memory_space<hbm>>
        %dma_wait3A_2724 = tpu.memref_squeeze %dma_wait3A_2723 : memref<1x8x128xf32, #tpu.memory_space<hbm>> -> memref<8x128xf32, #tpu.memory_space<hbm>>
        %dma_wait3A_2725 = tpu.memref_slice %arg9[%dma_wait3A_2716] : memref<2x!tpu.dma_semaphore, #tpu.memory_space<semaphore_mem>> -> memref<1x!tpu.dma_semaphore, #tpu.memory_space<semaphore_mem>>
        %dma_wait3A_2726 = tpu.memref_squeeze %dma_wait3A_2725 : memref<1x!tpu.dma_semaphore, #tpu.memory_space<semaphore_mem>> -> memref<!tpu.dma_semaphore, #tpu.memory_space<semaphore_mem>>
        %dma_wait3A_2727 = arith.constant 0 : i32
        %dma_wait3A_2728 = arith.constant 0 : i32
        %dma_wait3A_2729 = tpu.memref_slice %arg4[%add3A_2491, %dma_wait3A_2727, %dma_wait3A_2728] : memref<25600x8x128xf32, #tpu.memory_space<hbm>> -> memref<1x8x128xf32, #tpu.memory_space<hbm>>
        %dma_wait3A_2730 = tpu.memref_squeeze %dma_wait3A_2729 : memref<1x8x128xf32, #tpu.memory_space<hbm>> -> memref<8x128xf32, #tpu.memory_space<hbm>>
        %dma_wait3A_2731 = arith.constant 64 : i32
        %dma_wait3A_2732 = arith.constant 0 : i32
        %dma_wait3A_2733 = tpu.memref_slice %arg7[%dma_wait3A_2715, %dma_wait3A_2731, %dma_wait3A_2732] : memref<2x128x129xf32, #tpu.memory_space<vmem>> -> memref<1x8x128xf32, #tpu.memory_space<vmem>>
        %dma_wait3A_2734 = tpu.memref_squeeze %dma_wait3A_2733 : memref<1x8x128xf32, #tpu.memory_space<vmem>> -> memref<8x128xf32, #tpu.memory_space<vmem>>
        tpu.wait_dma2 semaphore(%dma_wait3A_2726 : memref<!tpu.dma_semaphore, #tpu.memory_space<semaphore_mem>>) src(%dma_wait3A_2734 : memref<8x128xf32, #tpu.memory_space<vmem>>) dst(%dma_wait3A_2730 : memref<8x128xf32, #tpu.memory_space<hbm>>)
        %dma_wait3A_2735 = arith.constant 0 : i32
        %dma_wait3A_2736 = arith.constant 0 : i32
        %dma_wait3A_2737 = arith.constant 72 : i32
        %dma_wait3A_2738 = arith.constant 0 : i32
        %dma_wait3A_2739 = tpu.memref_slice %arg7[%dma_wait3A_2735, %dma_wait3A_2737, %dma_wait3A_2738] : memref<2x128x129xf32, #tpu.memory_space<vmem>> -> memref<1x8x128xf32, #tpu.memory_space<vmem>>
        %dma_wait3A_2740 = tpu.memref_squeeze %dma_wait3A_2739 : memref<1x8x128xf32, #tpu.memory_space<vmem>> -> memref<8x128xf32, #tpu.memory_space<vmem>>
        %dma_wait3A_2741 = arith.constant 0 : i32
        %dma_wait3A_2742 = arith.constant 0 : i32
        %dma_wait3A_2743 = tpu.memref_slice %arg4[%add3A_2500, %dma_wait3A_2741, %dma_wait3A_2742] : memref<25600x8x128xf32, #tpu.memory_space<hbm>> -> memref<1x8x128xf32, #tpu.memory_space<hbm>>
        %dma_wait3A_2744 = tpu.memref_squeeze %dma_wait3A_2743 : memref<1x8x128xf32, #tpu.memory_space<hbm>> -> memref<8x128xf32, #tpu.memory_space<hbm>>
        %dma_wait3A_2745 = tpu.memref_slice %arg9[%dma_wait3A_2736] : memref<2x!tpu.dma_semaphore, #tpu.memory_space<semaphore_mem>> -> memref<1x!tpu.dma_semaphore, #tpu.memory_space<semaphore_mem>>
        %dma_wait3A_2746 = tpu.memref_squeeze %dma_wait3A_2745 : memref<1x!tpu.dma_semaphore, #tpu.memory_space<semaphore_mem>> -> memref<!tpu.dma_semaphore, #tpu.memory_space<semaphore_mem>>
        %dma_wait3A_2747 = arith.constant 0 : i32
        %dma_wait3A_2748 = arith.constant 0 : i32
        %dma_wait3A_2749 = tpu.memref_slice %arg4[%add3A_2500, %dma_wait3A_2747, %dma_wait3A_2748] : memref<25600x8x128xf32, #tpu.memory_space<hbm>> -> memref<1x8x128xf32, #tpu.memory_space<hbm>>
        %dma_wait3A_2750 = tpu.memref_squeeze %dma_wait3A_2749 : memref<1x8x128xf32, #tpu.memory_space<hbm>> -> memref<8x128xf32, #tpu.memory_space<hbm>>
        %dma_wait3A_2751 = arith.constant 72 : i32
        %dma_wait3A_2752 = arith.constant 0 : i32
        %dma_wait3A_2753 = tpu.memref_slice %arg7[%dma_wait3A_2735, %dma_wait3A_2751, %dma_wait3A_2752] : memref<2x128x129xf32, #tpu.memory_space<vmem>> -> memref<1x8x128xf32, #tpu.memory_space<vmem>>
        %dma_wait3A_2754 = tpu.memref_squeeze %dma_wait3A_2753 : memref<1x8x128xf32, #tpu.memory_space<vmem>> -> memref<8x128xf32, #tpu.memory_space<vmem>>
        tpu.wait_dma2 semaphore(%dma_wait3A_2746 : memref<!tpu.dma_semaphore, #tpu.memory_space<semaphore_mem>>) src(%dma_wait3A_2754 : memref<8x128xf32, #tpu.memory_space<vmem>>) dst(%dma_wait3A_2750 : memref<8x128xf32, #tpu.memory_space<hbm>>)
        %dma_wait3A_2755 = arith.constant 0 : i32
        %dma_wait3A_2756 = arith.constant 0 : i32
        %dma_wait3A_2757 = arith.constant 80 : i32
        %dma_wait3A_2758 = arith.constant 0 : i32
        %dma_wait3A_2759 = tpu.memref_slice %arg7[%dma_wait3A_2755, %dma_wait3A_2757, %dma_wait3A_2758] : memref<2x128x129xf32, #tpu.memory_space<vmem>> -> memref<1x8x128xf32, #tpu.memory_space<vmem>>
        %dma_wait3A_2760 = tpu.memref_squeeze %dma_wait3A_2759 : memref<1x8x128xf32, #tpu.memory_space<vmem>> -> memref<8x128xf32, #tpu.memory_space<vmem>>
        %dma_wait3A_2761 = arith.constant 0 : i32
        %dma_wait3A_2762 = arith.constant 0 : i32
        %dma_wait3A_2763 = tpu.memref_slice %arg4[%add3A_2509, %dma_wait3A_2761, %dma_wait3A_2762] : memref<25600x8x128xf32, #tpu.memory_space<hbm>> -> memref<1x8x128xf32, #tpu.memory_space<hbm>>
        %dma_wait3A_2764 = tpu.memref_squeeze %dma_wait3A_2763 : memref<1x8x128xf32, #tpu.memory_space<hbm>> -> memref<8x128xf32, #tpu.memory_space<hbm>>
        %dma_wait3A_2765 = tpu.memref_slice %arg9[%dma_wait3A_2756] : memref<2x!tpu.dma_semaphore, #tpu.memory_space<semaphore_mem>> -> memref<1x!tpu.dma_semaphore, #tpu.memory_space<semaphore_mem>>
        %dma_wait3A_2766 = tpu.memref_squeeze %dma_wait3A_2765 : memref<1x!tpu.dma_semaphore, #tpu.memory_space<semaphore_mem>> -> memref<!tpu.dma_semaphore, #tpu.memory_space<semaphore_mem>>
        %dma_wait3A_2767 = arith.constant 0 : i32
        %dma_wait3A_2768 = arith.constant 0 : i32
        %dma_wait3A_2769 = tpu.memref_slice %arg4[%add3A_2509, %dma_wait3A_2767, %dma_wait3A_2768] : memref<25600x8x128xf32, #tpu.memory_space<hbm>> -> memref<1x8x128xf32, #tpu.memory_space<hbm>>
        %dma_wait3A_2770 = tpu.memref_squeeze %dma_wait3A_2769 : memref<1x8x128xf32, #tpu.memory_space<hbm>> -> memref<8x128xf32, #tpu.memory_space<hbm>>
        %dma_wait3A_2771 = arith.constant 80 : i32
        %dma_wait3A_2772 = arith.constant 0 : i32
        %dma_wait3A_2773 = tpu.memref_slice %arg7[%dma_wait3A_2755, %dma_wait3A_2771, %dma_wait3A_2772] : memref<2x128x129xf32, #tpu.memory_space<vmem>> -> memref<1x8x128xf32, #tpu.memory_space<vmem>>
        %dma_wait3A_2774 = tpu.memref_squeeze %dma_wait3A_2773 : memref<1x8x128xf32, #tpu.memory_space<vmem>> -> memref<8x128xf32, #tpu.memory_space<vmem>>
        tpu.wait_dma2 semaphore(%dma_wait3A_2766 : memref<!tpu.dma_semaphore, #tpu.memory_space<semaphore_mem>>) src(%dma_wait3A_2774 : memref<8x128xf32, #tpu.memory_space<vmem>>) dst(%dma_wait3A_2770 : memref<8x128xf32, #tpu.memory_space<hbm>>)
        %dma_wait3A_2775 = arith.constant 0 : i32
        %dma_wait3A_2776 = arith.constant 0 : i32
        %dma_wait3A_2777 = arith.constant 88 : i32
        %dma_wait3A_2778 = arith.constant 0 : i32
        %dma_wait3A_2779 = tpu.memref_slice %arg7[%dma_wait3A_2775, %dma_wait3A_2777, %dma_wait3A_2778] : memref<2x128x129xf32, #tpu.memory_space<vmem>> -> memref<1x8x128xf32, #tpu.memory_space<vmem>>
        %dma_wait3A_2780 = tpu.memref_squeeze %dma_wait3A_2779 : memref<1x8x128xf32, #tpu.memory_space<vmem>> -> memref<8x128xf32, #tpu.memory_space<vmem>>
        %dma_wait3A_2781 = arith.constant 0 : i32
        %dma_wait3A_2782 = arith.constant 0 : i32
        %dma_wait3A_2783 = tpu.memref_slice %arg4[%add3A_2518, %dma_wait3A_2781, %dma_wait3A_2782] : memref<25600x8x128xf32, #tpu.memory_space<hbm>> -> memref<1x8x128xf32, #tpu.memory_space<hbm>>
        %dma_wait3A_2784 = tpu.memref_squeeze %dma_wait3A_2783 : memref<1x8x128xf32, #tpu.memory_space<hbm>> -> memref<8x128xf32, #tpu.memory_space<hbm>>
        %dma_wait3A_2785 = tpu.memref_slice %arg9[%dma_wait3A_2776] : memref<2x!tpu.dma_semaphore, #tpu.memory_space<semaphore_mem>> -> memref<1x!tpu.dma_semaphore, #tpu.memory_space<semaphore_mem>>
        %dma_wait3A_2786 = tpu.memref_squeeze %dma_wait3A_2785 : memref<1x!tpu.dma_semaphore, #tpu.memory_space<semaphore_mem>> -> memref<!tpu.dma_semaphore, #tpu.memory_space<semaphore_mem>>
        %dma_wait3A_2787 = arith.constant 0 : i32
        %dma_wait3A_2788 = arith.constant 0 : i32
        %dma_wait3A_2789 = tpu.memref_slice %arg4[%add3A_2518, %dma_wait3A_2787, %dma_wait3A_2788] : memref<25600x8x128xf32, #tpu.memory_space<hbm>> -> memref<1x8x128xf32, #tpu.memory_space<hbm>>
        %dma_wait3A_2790 = tpu.memref_squeeze %dma_wait3A_2789 : memref<1x8x128xf32, #tpu.memory_space<hbm>> -> memref<8x128xf32, #tpu.memory_space<hbm>>
        %dma_wait3A_2791 = arith.constant 88 : i32
        %dma_wait3A_2792 = arith.constant 0 : i32
        %dma_wait3A_2793 = tpu.memref_slice %arg7[%dma_wait3A_2775, %dma_wait3A_2791, %dma_wait3A_2792] : memref<2x128x129xf32, #tpu.memory_space<vmem>> -> memref<1x8x128xf32, #tpu.memory_space<vmem>>
        %dma_wait3A_2794 = tpu.memref_squeeze %dma_wait3A_2793 : memref<1x8x128xf32, #tpu.memory_space<vmem>> -> memref<8x128xf32, #tpu.memory_space<vmem>>
        tpu.wait_dma2 semaphore(%dma_wait3A_2786 : memref<!tpu.dma_semaphore, #tpu.memory_space<semaphore_mem>>) src(%dma_wait3A_2794 : memref<8x128xf32, #tpu.memory_space<vmem>>) dst(%dma_wait3A_2790 : memref<8x128xf32, #tpu.memory_space<hbm>>)
        %dma_wait3A_2795 = arith.constant 0 : i32
        %dma_wait3A_2796 = arith.constant 0 : i32
        %dma_wait3A_2797 = arith.constant 96 : i32
        %dma_wait3A_2798 = arith.constant 0 : i32
        %dma_wait3A_2799 = tpu.memref_slice %arg7[%dma_wait3A_2795, %dma_wait3A_2797, %dma_wait3A_2798] : memref<2x128x129xf32, #tpu.memory_space<vmem>> -> memref<1x8x128xf32, #tpu.memory_space<vmem>>
        %dma_wait3A_2800 = tpu.memref_squeeze %dma_wait3A_2799 : memref<1x8x128xf32, #tpu.memory_space<vmem>> -> memref<8x128xf32, #tpu.memory_space<vmem>>
        %dma_wait3A_2801 = arith.constant 0 : i32
        %dma_wait3A_2802 = arith.constant 0 : i32
        %dma_wait3A_2803 = tpu.memref_slice %arg4[%add3A_2527, %dma_wait3A_2801, %dma_wait3A_2802] : memref<25600x8x128xf32, #tpu.memory_space<hbm>> -> memref<1x8x128xf32, #tpu.memory_space<hbm>>
        %dma_wait3A_2804 = tpu.memref_squeeze %dma_wait3A_2803 : memref<1x8x128xf32, #tpu.memory_space<hbm>> -> memref<8x128xf32, #tpu.memory_space<hbm>>
        %dma_wait3A_2805 = tpu.memref_slice %arg9[%dma_wait3A_2796] : memref<2x!tpu.dma_semaphore, #tpu.memory_space<semaphore_mem>> -> memref<1x!tpu.dma_semaphore, #tpu.memory_space<semaphore_mem>>
        %dma_wait3A_2806 = tpu.memref_squeeze %dma_wait3A_2805 : memref<1x!tpu.dma_semaphore, #tpu.memory_space<semaphore_mem>> -> memref<!tpu.dma_semaphore, #tpu.memory_space<semaphore_mem>>
        %dma_wait3A_2807 = arith.constant 0 : i32
        %dma_wait3A_2808 = arith.constant 0 : i32
        %dma_wait3A_2809 = tpu.memref_slice %arg4[%add3A_2527, %dma_wait3A_2807, %dma_wait3A_2808] : memref<25600x8x128xf32, #tpu.memory_space<hbm>> -> memref<1x8x128xf32, #tpu.memory_space<hbm>>
        %dma_wait3A_2810 = tpu.memref_squeeze %dma_wait3A_2809 : memref<1x8x128xf32, #tpu.memory_space<hbm>> -> memref<8x128xf32, #tpu.memory_space<hbm>>
        %dma_wait3A_2811 = arith.constant 96 : i32
        %dma_wait3A_2812 = arith.constant 0 : i32
        %dma_wait3A_2813 = tpu.memref_slice %arg7[%dma_wait3A_2795, %dma_wait3A_2811, %dma_wait3A_2812] : memref<2x128x129xf32, #tpu.memory_space<vmem>> -> memref<1x8x128xf32, #tpu.memory_space<vmem>>
        %dma_wait3A_2814 = tpu.memref_squeeze %dma_wait3A_2813 : memref<1x8x128xf32, #tpu.memory_space<vmem>> -> memref<8x128xf32, #tpu.memory_space<vmem>>
        tpu.wait_dma2 semaphore(%dma_wait3A_2806 : memref<!tpu.dma_semaphore, #tpu.memory_space<semaphore_mem>>) src(%dma_wait3A_2814 : memref<8x128xf32, #tpu.memory_space<vmem>>) dst(%dma_wait3A_2810 : memref<8x128xf32, #tpu.memory_space<hbm>>)
        %dma_wait3A_2815 = arith.constant 0 : i32
        %dma_wait3A_2816 = arith.constant 0 : i32
        %dma_wait3A_2817 = arith.constant 104 : i32
        %dma_wait3A_2818 = arith.constant 0 : i32
        %dma_wait3A_2819 = tpu.memref_slice %arg7[%dma_wait3A_2815, %dma_wait3A_2817, %dma_wait3A_2818] : memref<2x128x129xf32, #tpu.memory_space<vmem>> -> memref<1x8x128xf32, #tpu.memory_space<vmem>>
        %dma_wait3A_2820 = tpu.memref_squeeze %dma_wait3A_2819 : memref<1x8x128xf32, #tpu.memory_space<vmem>> -> memref<8x128xf32, #tpu.memory_space<vmem>>
        %dma_wait3A_2821 = arith.constant 0 : i32
        %dma_wait3A_2822 = arith.constant 0 : i32
        %dma_wait3A_2823 = tpu.memref_slice %arg4[%add3A_2536, %dma_wait3A_2821, %dma_wait3A_2822] : memref<25600x8x128xf32, #tpu.memory_space<hbm>> -> memref<1x8x128xf32, #tpu.memory_space<hbm>>
        %dma_wait3A_2824 = tpu.memref_squeeze %dma_wait3A_2823 : memref<1x8x128xf32, #tpu.memory_space<hbm>> -> memref<8x128xf32, #tpu.memory_space<hbm>>
        %dma_wait3A_2825 = tpu.memref_slice %arg9[%dma_wait3A_2816] : memref<2x!tpu.dma_semaphore, #tpu.memory_space<semaphore_mem>> -> memref<1x!tpu.dma_semaphore, #tpu.memory_space<semaphore_mem>>
        %dma_wait3A_2826 = tpu.memref_squeeze %dma_wait3A_2825 : memref<1x!tpu.dma_semaphore, #tpu.memory_space<semaphore_mem>> -> memref<!tpu.dma_semaphore, #tpu.memory_space<semaphore_mem>>
        %dma_wait3A_2827 = arith.constant 0 : i32
        %dma_wait3A_2828 = arith.constant 0 : i32
        %dma_wait3A_2829 = tpu.memref_slice %arg4[%add3A_2536, %dma_wait3A_2827, %dma_wait3A_2828] : memref<25600x8x128xf32, #tpu.memory_space<hbm>> -> memref<1x8x128xf32, #tpu.memory_space<hbm>>
        %dma_wait3A_2830 = tpu.memref_squeeze %dma_wait3A_2829 : memref<1x8x128xf32, #tpu.memory_space<hbm>> -> memref<8x128xf32, #tpu.memory_space<hbm>>
        %dma_wait3A_2831 = arith.constant 104 : i32
        %dma_wait3A_2832 = arith.constant 0 : i32
        %dma_wait3A_2833 = tpu.memref_slice %arg7[%dma_wait3A_2815, %dma_wait3A_2831, %dma_wait3A_2832] : memref<2x128x129xf32, #tpu.memory_space<vmem>> -> memref<1x8x128xf32, #tpu.memory_space<vmem>>
        %dma_wait3A_2834 = tpu.memref_squeeze %dma_wait3A_2833 : memref<1x8x128xf32, #tpu.memory_space<vmem>> -> memref<8x128xf32, #tpu.memory_space<vmem>>
        tpu.wait_dma2 semaphore(%dma_wait3A_2826 : memref<!tpu.dma_semaphore, #tpu.memory_space<semaphore_mem>>) src(%dma_wait3A_2834 : memref<8x128xf32, #tpu.memory_space<vmem>>) dst(%dma_wait3A_2830 : memref<8x128xf32, #tpu.memory_space<hbm>>)
        %dma_wait3A_2835 = arith.constant 0 : i32
        %dma_wait3A_2836 = arith.constant 0 : i32
        %dma_wait3A_2837 = arith.constant 112 : i32
        %dma_wait3A_2838 = arith.constant 0 : i32
        %dma_wait3A_2839 = tpu.memref_slice %arg7[%dma_wait3A_2835, %dma_wait3A_2837, %dma_wait3A_2838] : memref<2x128x129xf32, #tpu.memory_space<vmem>> -> memref<1x8x128xf32, #tpu.memory_space<vmem>>
        %dma_wait3A_2840 = tpu.memref_squeeze %dma_wait3A_2839 : memref<1x8x128xf32, #tpu.memory_space<vmem>> -> memref<8x128xf32, #tpu.memory_space<vmem>>
        %dma_wait3A_2841 = arith.constant 0 : i32
        %dma_wait3A_2842 = arith.constant 0 : i32
        %dma_wait3A_2843 = tpu.memref_slice %arg4[%add3A_2545, %dma_wait3A_2841, %dma_wait3A_2842] : memref<25600x8x128xf32, #tpu.memory_space<hbm>> -> memref<1x8x128xf32, #tpu.memory_space<hbm>>
        %dma_wait3A_2844 = tpu.memref_squeeze %dma_wait3A_2843 : memref<1x8x128xf32, #tpu.memory_space<hbm>> -> memref<8x128xf32, #tpu.memory_space<hbm>>
        %dma_wait3A_2845 = tpu.memref_slice %arg9[%dma_wait3A_2836] : memref<2x!tpu.dma_semaphore, #tpu.memory_space<semaphore_mem>> -> memref<1x!tpu.dma_semaphore, #tpu.memory_space<semaphore_mem>>
        %dma_wait3A_2846 = tpu.memref_squeeze %dma_wait3A_2845 : memref<1x!tpu.dma_semaphore, #tpu.memory_space<semaphore_mem>> -> memref<!tpu.dma_semaphore, #tpu.memory_space<semaphore_mem>>
        %dma_wait3A_2847 = arith.constant 0 : i32
        %dma_wait3A_2848 = arith.constant 0 : i32
        %dma_wait3A_2849 = tpu.memref_slice %arg4[%add3A_2545, %dma_wait3A_2847, %dma_wait3A_2848] : memref<25600x8x128xf32, #tpu.memory_space<hbm>> -> memref<1x8x128xf32, #tpu.memory_space<hbm>>
        %dma_wait3A_2850 = tpu.memref_squeeze %dma_wait3A_2849 : memref<1x8x128xf32, #tpu.memory_space<hbm>> -> memref<8x128xf32, #tpu.memory_space<hbm>>
        %dma_wait3A_2851 = arith.constant 112 : i32
        %dma_wait3A_2852 = arith.constant 0 : i32
        %dma_wait3A_2853 = tpu.memref_slice %arg7[%dma_wait3A_2835, %dma_wait3A_2851, %dma_wait3A_2852] : memref<2x128x129xf32, #tpu.memory_space<vmem>> -> memref<1x8x128xf32, #tpu.memory_space<vmem>>
        %dma_wait3A_2854 = tpu.memref_squeeze %dma_wait3A_2853 : memref<1x8x128xf32, #tpu.memory_space<vmem>> -> memref<8x128xf32, #tpu.memory_space<vmem>>
        tpu.wait_dma2 semaphore(%dma_wait3A_2846 : memref<!tpu.dma_semaphore, #tpu.memory_space<semaphore_mem>>) src(%dma_wait3A_2854 : memref<8x128xf32, #tpu.memory_space<vmem>>) dst(%dma_wait3A_2850 : memref<8x128xf32, #tpu.memory_space<hbm>>)
        %dma_wait3A_2855 = arith.constant 0 : i32
        %dma_wait3A_2856 = arith.constant 0 : i32
        %dma_wait3A_2857 = arith.constant 120 : i32
        %dma_wait3A_2858 = arith.constant 0 : i32
        %dma_wait3A_2859 = tpu.memref_slice %arg7[%dma_wait3A_2855, %dma_wait3A_2857, %dma_wait3A_2858] : memref<2x128x129xf32, #tpu.memory_space<vmem>> -> memref<1x8x128xf32, #tpu.memory_space<vmem>>
        %dma_wait3A_2860 = tpu.memref_squeeze %dma_wait3A_2859 : memref<1x8x128xf32, #tpu.memory_space<vmem>> -> memref<8x128xf32, #tpu.memory_space<vmem>>
        %dma_wait3A_2861 = arith.constant 0 : i32
        %dma_wait3A_2862 = arith.constant 0 : i32
        %dma_wait3A_2863 = tpu.memref_slice %arg4[%add3A_2554, %dma_wait3A_2861, %dma_wait3A_2862] : memref<25600x8x128xf32, #tpu.memory_space<hbm>> -> memref<1x8x128xf32, #tpu.memory_space<hbm>>
        %dma_wait3A_2864 = tpu.memref_squeeze %dma_wait3A_2863 : memref<1x8x128xf32, #tpu.memory_space<hbm>> -> memref<8x128xf32, #tpu.memory_space<hbm>>
        %dma_wait3A_2865 = tpu.memref_slice %arg9[%dma_wait3A_2856] : memref<2x!tpu.dma_semaphore, #tpu.memory_space<semaphore_mem>> -> memref<1x!tpu.dma_semaphore, #tpu.memory_space<semaphore_mem>>
        %dma_wait3A_2866 = tpu.memref_squeeze %dma_wait3A_2865 : memref<1x!tpu.dma_semaphore, #tpu.memory_space<semaphore_mem>> -> memref<!tpu.dma_semaphore, #tpu.memory_space<semaphore_mem>>
        %dma_wait3A_2867 = arith.constant 0 : i32
        %dma_wait3A_2868 = arith.constant 0 : i32
        %dma_wait3A_2869 = tpu.memref_slice %arg4[%add3A_2554, %dma_wait3A_2867, %dma_wait3A_2868] : memref<25600x8x128xf32, #tpu.memory_space<hbm>> -> memref<1x8x128xf32, #tpu.memory_space<hbm>>
        %dma_wait3A_2870 = tpu.memref_squeeze %dma_wait3A_2869 : memref<1x8x128xf32, #tpu.memory_space<hbm>> -> memref<8x128xf32, #tpu.memory_space<hbm>>
        %dma_wait3A_2871 = arith.constant 120 : i32
        %dma_wait3A_2872 = arith.constant 0 : i32
        %dma_wait3A_2873 = tpu.memref_slice %arg7[%dma_wait3A_2855, %dma_wait3A_2871, %dma_wait3A_2872] : memref<2x128x129xf32, #tpu.memory_space<vmem>> -> memref<1x8x128xf32, #tpu.memory_space<vmem>>
        %dma_wait3A_2874 = tpu.memref_squeeze %dma_wait3A_2873 : memref<1x8x128xf32, #tpu.memory_space<vmem>> -> memref<8x128xf32, #tpu.memory_space<vmem>>
        tpu.wait_dma2 semaphore(%dma_wait3A_2866 : memref<!tpu.dma_semaphore, #tpu.memory_space<semaphore_mem>>) src(%dma_wait3A_2874 : memref<8x128xf32, #tpu.memory_space<vmem>>) dst(%dma_wait3A_2870 : memref<8x128xf32, #tpu.memory_space<hbm>>)
      } else {
      }
      %parallel_loop3A = arith.constant 0 : i32
      %parallel_loop3A_1267 = arith.constant 512 : i32
      %parallel_loop3A_1268 = arith.constant 1 : i32
      scf.for %parallel_loop3A_2367 = %parallel_loop3A to %parallel_loop3A_1267 step %parallel_loop3A_1268  : i32 {
        %parallel_loop3A_2368 = arith.constant 128 : i32
        %parallel_loop3A_2369 = arith.divsi %parallel_loop3A_2367, %parallel_loop3A_2368 : i32
        %parallel_loop3A_2370 = arith.constant 0 : i32
        %parallel_loop3A_2371 = arith.cmpi sgt, %parallel_loop3A_2367, %parallel_loop3A_2370 : i32
        %parallel_loop3A_2372 = arith.extui %parallel_loop3A_2371 : i1 to i32
        %parallel_loop3A_2373 = arith.constant 0 : i32
        %parallel_loop3A_2374 = arith.cmpi slt, %parallel_loop3A_2367, %parallel_loop3A_2373 : i32
        %parallel_loop3A_2375 = arith.extui %parallel_loop3A_2374 : i1 to i32
        %parallel_loop3A_2376 = arith.subi %parallel_loop3A_2372, %parallel_loop3A_2375 : i32
        %parallel_loop3A_2377 = arith.constant 0 : i32
        %parallel_loop3A_2378 = arith.cmpi sgt, %parallel_loop3A_2368, %parallel_loop3A_2377 : i32
        %parallel_loop3A_2379 = arith.extui %parallel_loop3A_2378 : i1 to i32
        %parallel_loop3A_2380 = arith.constant 0 : i32
        %parallel_loop3A_2381 = arith.cmpi slt, %parallel_loop3A_2368, %parallel_loop3A_2380 : i32
        %parallel_loop3A_2382 = arith.extui %parallel_loop3A_2381 : i1 to i32
        %parallel_loop3A_2383 = arith.subi %parallel_loop3A_2379, %parallel_loop3A_2382 : i32
        %parallel_loop3A_2384 = arith.cmpi ne, %parallel_loop3A_2376, %parallel_loop3A_2383 : i32
        %parallel_loop3A_2385 = arith.remsi %parallel_loop3A_2367, %parallel_loop3A_2368 : i32
        %parallel_loop3A_2386 = arith.constant 0 : i32
        %parallel_loop3A_2387 = arith.cmpi ne, %parallel_loop3A_2385, %parallel_loop3A_2386 : i32
        %parallel_loop3A_2388 = arith.andi %parallel_loop3A_2384, %parallel_loop3A_2387 : i1
        %parallel_loop3A_2389 = arith.constant 1 : i32
        %parallel_loop3A_2390 = arith.subi %parallel_loop3A_2369, %parallel_loop3A_2389 : i32
        %parallel_loop3A_2391 = arith.select %parallel_loop3A_2388, %parallel_loop3A_2390, %parallel_loop3A_2369 : i32
        %parallel_loop3A_2392 = arith.constant 8 : i32
        %parallel_loop3A_2393 = arith.muli %parallel_loop3A_2391, %parallel_loop3A_2392 : i32
        %parallel_loop3A_2394 = vector.broadcast %parallel_loop3A_2393 : i32 to vector<16xi32>
        %parallel_loop3A_2395 = arith.constant 128 : i32
        %parallel_loop3A_2396 = arith.constant 0 : i32
        %parallel_loop3A_2397 = arith.cmpi eq, %parallel_loop3A_2395, %parallel_loop3A_2396 : i32
        %parallel_loop3A_2398 = arith.constant 1 : i32
        %parallel_loop3A_2399 = arith.select %parallel_loop3A_2397, %parallel_loop3A_2398, %parallel_loop3A_2395 : i32
        %parallel_loop3A_2400 = arith.remsi %parallel_loop3A_2367, %parallel_loop3A_2399 : i32
        %parallel_loop3A_2401 = arith.constant 0 : i32
        %parallel_loop3A_2402 = arith.cmpi ne, %parallel_loop3A_2400, %parallel_loop3A_2401 : i32
        %parallel_loop3A_2403 = arith.constant 0 : i32
        %parallel_loop3A_2404 = arith.cmpi slt, %parallel_loop3A_2400, %parallel_loop3A_2403 : i32
        %parallel_loop3A_2405 = arith.constant 0 : i32
        %parallel_loop3A_2406 = arith.cmpi slt, %parallel_loop3A_2399, %parallel_loop3A_2405 : i32
        %parallel_loop3A_2407 = arith.xori %parallel_loop3A_2404, %parallel_loop3A_2406 : i1
        %parallel_loop3A_2408 = arith.andi %parallel_loop3A_2407, %parallel_loop3A_2402 : i1
        %parallel_loop3A_2409 = arith.addi %parallel_loop3A_2400, %parallel_loop3A_2399 : i32
        %parallel_loop3A_2410 = arith.select %parallel_loop3A_2408, %parallel_loop3A_2409, %parallel_loop3A_2400 : i32
        %parallel_loop3A_2411 = vector.broadcast %parallel_loop3A_2410 : i32 to vector<16xi32>
        %parallel_loop3A_2412 = arith.constant 0 : i32
        %parallel_loop3A_2413 = arith.index_cast %parallel_loop3A_2412 : i32 to index
        %parallel_loop3A_2414 = arith.index_cast %parallel_loop3A_2367 : i32 to index
        %parallel_loop3A_2415 = arith.constant 0 : index
        %parallel_loop3A_2416 = tpu.vector_load %arg6[%parallel_loop3A_2413, %parallel_loop3A_2414, %parallel_loop3A_2415] {strides = array<i32>} : memref<2x512x32xf32, #tpu.memory_space<vmem>>, vector<16xf32>,
        %parallel_loop3A_2417 = arith.constant 0 : i32
        %parallel_loop3A_2418 = arith.index_cast %parallel_loop3A_2417 : i32 to index
        %parallel_loop3A_2419 = arith.index_cast %parallel_loop3A_2367 : i32 to index
        %parallel_loop3A_2420 = arith.constant 16 : index
        %parallel_loop3A_2421 = tpu.vector_load %arg6[%parallel_loop3A_2418, %parallel_loop3A_2419, %parallel_loop3A_2420] {strides = array<i32>} : memref<2x512x32xf32, #tpu.memory_space<vmem>>, vector<16xf32>,
        %parallel_loop3A_2422 = arith.addi %add3A_47, %parallel_loop3A_2394 : vector<16xi32>
        %parallel_loop3A_2423 = arith.constant 0 : i32
        %parallel_loop3A_2424 = arith.constant 0 : i32
        %parallel_loop3A_2425 = arith.constant 0 : i32
        %parallel_loop3A_2426 = tpu.memref_slice %arg7[%parallel_loop3A_2423, %parallel_loop3A_2424, %parallel_loop3A_2425] : memref<2x128x129xf32, #tpu.memory_space<vmem>> -> memref<1x128x129xf32, #tpu.memory_space<vmem>>
        %parallel_loop3A_2427 = tpu.memref_squeeze %parallel_loop3A_2426 : memref<1x128x129xf32, #tpu.memory_space<vmem>> -> memref<128x129xf32, #tpu.memory_space<vmem>>
        tpu.vector_store_idx %parallel_loop3A_2427[%parallel_loop3A_2422, %parallel_loop3A_2411], %parallel_loop3A_2416 : memref<128x129xf32, #tpu.memory_space<vmem>>[vector<16xi32>, vector<16xi32>], vector<16xf32>,
        %parallel_loop3A_2428 = arith.addi %add3A_50, %parallel_loop3A_2394 : vector<16xi32>
        %parallel_loop3A_2429 = arith.constant 0 : i32
        %parallel_loop3A_2430 = arith.constant 0 : i32
        %parallel_loop3A_2431 = arith.constant 0 : i32
        %parallel_loop3A_2432 = tpu.memref_slice %arg7[%parallel_loop3A_2429, %parallel_loop3A_2430, %parallel_loop3A_2431] : memref<2x128x129xf32, #tpu.memory_space<vmem>> -> memref<1x128x129xf32, #tpu.memory_space<vmem>>
        %parallel_loop3A_2433 = tpu.memref_squeeze %parallel_loop3A_2432 : memref<1x128x129xf32, #tpu.memory_space<vmem>> -> memref<128x129xf32, #tpu.memory_space<vmem>>
        tpu.vector_store_idx %parallel_loop3A_2433[%parallel_loop3A_2428, %parallel_loop3A_2411], %parallel_loop3A_2421 : memref<128x129xf32, #tpu.memory_space<vmem>>[vector<16xi32>, vector<16xi32>], vector<16xf32>,
      } {sc.loop_unroll_factor = 8 : i64, sc.parallel_access}
      %jit3A_1269 = arith.constant 32 : i32
      %div3A_1270 = arith.divsi %add3A_1191, %jit3A_1269 : i32
      %sign3A_1271 = arith.constant 0 : i32
      %sign3A_1272 = arith.cmpi sgt, %add3A_1191, %sign3A_1271 : i32
      %sign3A_1273 = arith.extui %sign3A_1272 : i1 to i32
      %sign3A_1274 = arith.constant 0 : i32
      %sign3A_1275 = arith.cmpi slt, %add3A_1191, %sign3A_1274 : i32
      %sign3A_1276 = arith.extui %sign3A_1275 : i1 to i32
      %sign3A_1277 = arith.subi %sign3A_1273, %sign3A_1276 : i32
      %sign3A_1278 = arith.constant 0 : i32
      %sign3A_1279 = arith.cmpi sgt, %jit3A_1269, %sign3A_1278 : i32
      %sign3A_1280 = arith.extui %sign3A_1279 : i1 to i32
      %sign3A_1281 = arith.constant 0 : i32
      %sign3A_1282 = arith.cmpi slt, %jit3A_1269, %sign3A_1281 : i32
      %sign3A_1283 = arith.extui %sign3A_1282 : i1 to i32
      %sign3A_1284 = arith.subi %sign3A_1280, %sign3A_1283 : i32
      %ne3A_1285 = arith.cmpi ne, %sign3A_1277, %sign3A_1284 : i32
      %rem3A_1286 = arith.remsi %add3A_1191, %jit3A_1269 : i32
      %ne3A_1287 = arith.constant 0 : i32
      %ne3A_1288 = arith.cmpi ne, %rem3A_1286, %ne3A_1287 : i32
      %and3A_1289 = arith.andi %ne3A_1285, %ne3A_1288 : i1
      %sub3A_1290 = arith.constant 1 : i32
      %sub3A_1291 = arith.subi %div3A_1270, %sub3A_1290 : i32
      %select_n3A_1292 = arith.select %and3A_1289, %sub3A_1291, %div3A_1270 : i32
      %jit3A_1293 = arith.constant 32 : i32
      %eq3A_1294 = arith.constant 0 : i32
      %eq3A_1295 = arith.cmpi eq, %jit3A_1293, %eq3A_1294 : i32
      %jit3A_1296 = arith.constant 1 : i32
      %select_n3A_1297 = arith.select %eq3A_1295, %jit3A_1296, %jit3A_1293 : i32
      %rem3A_1298 = arith.remsi %add3A_1191, %select_n3A_1297 : i32
      %ne3A_1299 = arith.constant 0 : i32
      %ne3A_1300 = arith.cmpi ne, %rem3A_1298, %ne3A_1299 : i32
      %lt3A_1301 = arith.constant 0 : i32
      %lt3A_1302 = arith.cmpi slt, %rem3A_1298, %lt3A_1301 : i32
      %lt3A_1303 = arith.constant 0 : i32
      %lt3A_1304 = arith.cmpi slt, %select_n3A_1297, %lt3A_1303 : i32
      %ne3A_1305 = arith.xori %lt3A_1302, %lt3A_1304 : i1
      %and3A_1306 = arith.andi %ne3A_1305, %ne3A_1300 : i1
      %add3A_1307 = arith.addi %rem3A_1298, %select_n3A_1297 : i32
      %select_n3A_1308 = arith.select %and3A_1306, %add3A_1307, %rem3A_1298 : i32
      %mul3A_1309 = arith.constant 4 : i32
      %mul3A_1310 = arith.muli %select_n3A_1308, %mul3A_1309 : i32
      %mul3A_1311 = arith.constant 4 : i32
      %mul3A_1312 = arith.muli %select_n3A_1292, %mul3A_1311 : i32
      %add3A_1313 = arith.constant 0 : i32
      %add3A_1314 = arith.addi %mul3A_1312, %add3A_1313 : i32
      %mul3A_1315 = arith.constant 128 : i32
      %mul3A_1316 = arith.muli %add3A_1314, %mul3A_1315 : i32
      %add3A_1317 = arith.addi %mul3A_1316, %mul3A_1310 : i32
      %add3A_1318 = arith.constant 0 : i32
      %add3A_1319 = arith.addi %add3A_1317, %add3A_1318 : i32
      %mul3A_1320 = arith.constant 4 : i32
      %mul3A_1321 = arith.muli %select_n3A_1292, %mul3A_1320 : i32
      %add3A_1322 = arith.constant 0 : i32
      %add3A_1323 = arith.addi %mul3A_1321, %add3A_1322 : i32
      %mul3A_1324 = arith.constant 128 : i32
      %mul3A_1325 = arith.muli %add3A_1323, %mul3A_1324 : i32
      %add3A_1326 = arith.addi %mul3A_1325, %mul3A_1310 : i32
      %add3A_1327 = arith.constant 1 : i32
      %add3A_1328 = arith.addi %add3A_1326, %add3A_1327 : i32
      %mul3A_1329 = arith.constant 4 : i32
      %mul3A_1330 = arith.muli %select_n3A_1292, %mul3A_1329 : i32
      %add3A_1331 = arith.constant 0 : i32
      %add3A_1332 = arith.addi %mul3A_1330, %add3A_1331 : i32
      %mul3A_1333 = arith.constant 128 : i32
      %mul3A_1334 = arith.muli %add3A_1332, %mul3A_1333 : i32
      %add3A_1335 = arith.addi %mul3A_1334, %mul3A_1310 : i32
      %add3A_1336 = arith.constant 2 : i32
      %add3A_1337 = arith.addi %add3A_1335, %add3A_1336 : i32
      %mul3A_1338 = arith.constant 4 : i32
      %mul3A_1339 = arith.muli %select_n3A_1292, %mul3A_1338 : i32
      %add3A_1340 = arith.constant 0 : i32
      %add3A_1341 = arith.addi %mul3A_1339, %add3A_1340 : i32
      %mul3A_1342 = arith.constant 128 : i32
      %mul3A_1343 = arith.muli %add3A_1341, %mul3A_1342 : i32
      %add3A_1344 = arith.addi %mul3A_1343, %mul3A_1310 : i32
      %add3A_1345 = arith.constant 3 : i32
      %add3A_1346 = arith.addi %add3A_1344, %add3A_1345 : i32
      %mul3A_1347 = arith.constant 4 : i32
      %mul3A_1348 = arith.muli %select_n3A_1292, %mul3A_1347 : i32
      %add3A_1349 = arith.constant 1 : i32
      %add3A_1350 = arith.addi %mul3A_1348, %add3A_1349 : i32
      %mul3A_1351 = arith.constant 128 : i32
      %mul3A_1352 = arith.muli %add3A_1350, %mul3A_1351 : i32
      %add3A_1353 = arith.addi %mul3A_1352, %mul3A_1310 : i32
      %add3A_1354 = arith.constant 0 : i32
      %add3A_1355 = arith.addi %add3A_1353, %add3A_1354 : i32
      %mul3A_1356 = arith.constant 4 : i32
      %mul3A_1357 = arith.muli %select_n3A_1292, %mul3A_1356 : i32
      %add3A_1358 = arith.constant 1 : i32
      %add3A_1359 = arith.addi %mul3A_1357, %add3A_1358 : i32
      %mul3A_1360 = arith.constant 128 : i32
      %mul3A_1361 = arith.muli %add3A_1359, %mul3A_1360 : i32
      %add3A_1362 = arith.addi %mul3A_1361, %mul3A_1310 : i32
      %add3A_1363 = arith.constant 1 : i32
      %add3A_1364 = arith.addi %add3A_1362, %add3A_1363 : i32
      %mul3A_1365 = arith.constant 4 : i32
      %mul3A_1366 = arith.muli %select_n3A_1292, %mul3A_1365 : i32
      %add3A_1367 = arith.constant 1 : i32
      %add3A_1368 = arith.addi %mul3A_1366, %add3A_1367 : i32
      %mul3A_1369 = arith.constant 128 : i32
      %mul3A_1370 = arith.muli %add3A_1368, %mul3A_1369 : i32
      %add3A_1371 = arith.addi %mul3A_1370, %mul3A_1310 : i32
      %add3A_1372 = arith.constant 2 : i32
      %add3A_1373 = arith.addi %add3A_1371, %add3A_1372 : i32
      %mul3A_1374 = arith.constant 4 : i32
      %mul3A_1375 = arith.muli %select_n3A_1292, %mul3A_1374 : i32
      %add3A_1376 = arith.constant 1 : i32
      %add3A_1377 = arith.addi %mul3A_1375, %add3A_1376 : i32
      %mul3A_1378 = arith.constant 128 : i32
      %mul3A_1379 = arith.muli %add3A_1377, %mul3A_1378 : i32
      %add3A_1380 = arith.addi %mul3A_1379, %mul3A_1310 : i32
      %add3A_1381 = arith.constant 3 : i32
      %add3A_1382 = arith.addi %add3A_1380, %add3A_1381 : i32
      %mul3A_1383 = arith.constant 4 : i32
      %mul3A_1384 = arith.muli %select_n3A_1292, %mul3A_1383 : i32
      %add3A_1385 = arith.constant 2 : i32
      %add3A_1386 = arith.addi %mul3A_1384, %add3A_1385 : i32
      %mul3A_1387 = arith.constant 128 : i32
      %mul3A_1388 = arith.muli %add3A_1386, %mul3A_1387 : i32
      %add3A_1389 = arith.addi %mul3A_1388, %mul3A_1310 : i32
      %add3A_1390 = arith.constant 0 : i32
      %add3A_1391 = arith.addi %add3A_1389, %add3A_1390 : i32
      %mul3A_1392 = arith.constant 4 : i32
      %mul3A_1393 = arith.muli %select_n3A_1292, %mul3A_1392 : i32
      %add3A_1394 = arith.constant 2 : i32
      %add3A_1395 = arith.addi %mul3A_1393, %add3A_1394 : i32
      %mul3A_1396 = arith.constant 128 : i32
      %mul3A_1397 = arith.muli %add3A_1395, %mul3A_1396 : i32
      %add3A_1398 = arith.addi %mul3A_1397, %mul3A_1310 : i32
      %add3A_1399 = arith.constant 1 : i32
      %add3A_1400 = arith.addi %add3A_1398, %add3A_1399 : i32
      %mul3A_1401 = arith.constant 4 : i32
      %mul3A_1402 = arith.muli %select_n3A_1292, %mul3A_1401 : i32
      %add3A_1403 = arith.constant 2 : i32
      %add3A_1404 = arith.addi %mul3A_1402, %add3A_1403 : i32
      %mul3A_1405 = arith.constant 128 : i32
      %mul3A_1406 = arith.muli %add3A_1404, %mul3A_1405 : i32
      %add3A_1407 = arith.addi %mul3A_1406, %mul3A_1310 : i32
      %add3A_1408 = arith.constant 2 : i32
      %add3A_1409 = arith.addi %add3A_1407, %add3A_1408 : i32
      %mul3A_1410 = arith.constant 4 : i32
      %mul3A_1411 = arith.muli %select_n3A_1292, %mul3A_1410 : i32
      %add3A_1412 = arith.constant 2 : i32
      %add3A_1413 = arith.addi %mul3A_1411, %add3A_1412 : i32
      %mul3A_1414 = arith.constant 128 : i32
      %mul3A_1415 = arith.muli %add3A_1413, %mul3A_1414 : i32
      %add3A_1416 = arith.addi %mul3A_1415, %mul3A_1310 : i32
      %add3A_1417 = arith.constant 3 : i32
      %add3A_1418 = arith.addi %add3A_1416, %add3A_1417 : i32
      %mul3A_1419 = arith.constant 4 : i32
      %mul3A_1420 = arith.muli %select_n3A_1292, %mul3A_1419 : i32
      %add3A_1421 = arith.constant 3 : i32
      %add3A_1422 = arith.addi %mul3A_1420, %add3A_1421 : i32
      %mul3A_1423 = arith.constant 128 : i32
      %mul3A_1424 = arith.muli %add3A_1422, %mul3A_1423 : i32
      %add3A_1425 = arith.addi %mul3A_1424, %mul3A_1310 : i32
      %add3A_1426 = arith.constant 0 : i32
      %add3A_1427 = arith.addi %add3A_1425, %add3A_1426 : i32
      %mul3A_1428 = arith.constant 4 : i32
      %mul3A_1429 = arith.muli %select_n3A_1292, %mul3A_1428 : i32
      %add3A_1430 = arith.constant 3 : i32
      %add3A_1431 = arith.addi %mul3A_1429, %add3A_1430 : i32
      %mul3A_1432 = arith.constant 128 : i32
      %mul3A_1433 = arith.muli %add3A_1431, %mul3A_1432 : i32
      %add3A_1434 = arith.addi %mul3A_1433, %mul3A_1310 : i32
      %add3A_1435 = arith.constant 1 : i32
      %add3A_1436 = arith.addi %add3A_1434, %add3A_1435 : i32
      %mul3A_1437 = arith.constant 4 : i32
      %mul3A_1438 = arith.muli %select_n3A_1292, %mul3A_1437 : i32
      %add3A_1439 = arith.constant 3 : i32
      %add3A_1440 = arith.addi %mul3A_1438, %add3A_1439 : i32
      %mul3A_1441 = arith.constant 128 : i32
      %mul3A_1442 = arith.muli %add3A_1440, %mul3A_1441 : i32
      %add3A_1443 = arith.addi %mul3A_1442, %mul3A_1310 : i32
      %add3A_1444 = arith.constant 2 : i32
      %add3A_1445 = arith.addi %add3A_1443, %add3A_1444 : i32
      %mul3A_1446 = arith.constant 4 : i32
      %mul3A_1447 = arith.muli %select_n3A_1292, %mul3A_1446 : i32
      %add3A_1448 = arith.constant 3 : i32
      %add3A_1449 = arith.addi %mul3A_1447, %add3A_1448 : i32
      %mul3A_1450 = arith.constant 128 : i32
      %mul3A_1451 = arith.muli %add3A_1449, %mul3A_1450 : i32
      %add3A_1452 = arith.addi %mul3A_1451, %mul3A_1310 : i32
      %add3A_1453 = arith.constant 3 : i32
      %add3A_1454 = arith.addi %add3A_1452, %add3A_1453 : i32
      %dma_start3A_1455 = arith.constant 0 : i32
      %dma_start3A_1456 = arith.constant 0 : i32
      %dma_start3A_1457 = arith.constant 0 : i32
      %dma_start3A_1458 = arith.constant 0 : i32
      %dma_start3A_1459 = tpu.memref_slice %arg7[%dma_start3A_1455, %dma_start3A_1457, %dma_start3A_1458] : memref<2x128x129xf32, #tpu.memory_space<vmem>> -> memref<1x8x128xf32, #tpu.memory_space<vmem>>
      %dma_start3A_1460 = tpu.memref_squeeze %dma_start3A_1459 : memref<1x8x128xf32, #tpu.memory_space<vmem>> -> memref<8x128xf32, #tpu.memory_space<vmem>>
      %dma_start3A_1461 = arith.constant 0 : i32
      %dma_start3A_1462 = arith.constant 0 : i32
      %dma_start3A_1463 = tpu.memref_slice %arg4[%add3A_1319, %dma_start3A_1461, %dma_start3A_1462] : memref<25600x8x128xf32, #tpu.memory_space<hbm>> -> memref<1x8x128xf32, #tpu.memory_space<hbm>>
      %dma_start3A_1464 = tpu.memref_squeeze %dma_start3A_1463 : memref<1x8x128xf32, #tpu.memory_space<hbm>> -> memref<8x128xf32, #tpu.memory_space<hbm>>
      %dma_start3A_1465 = tpu.memref_slice %arg9[%dma_start3A_1456] : memref<2x!tpu.dma_semaphore, #tpu.memory_space<semaphore_mem>> -> memref<1x!tpu.dma_semaphore, #tpu.memory_space<semaphore_mem>>
      %dma_start3A_1466 = tpu.memref_squeeze %dma_start3A_1465 : memref<1x!tpu.dma_semaphore, #tpu.memory_space<semaphore_mem>> -> memref<!tpu.dma_semaphore, #tpu.memory_space<semaphore_mem>>
      %dma_start3A_1467 = arith.constant 0 : i32
      %dma_start3A_1468 = arith.constant 0 : i32
      %dma_start3A_1469 = tpu.memref_slice %arg4[%add3A_1319, %dma_start3A_1467, %dma_start3A_1468] : memref<25600x8x128xf32, #tpu.memory_space<hbm>> -> memref<1x8x128xf32, #tpu.memory_space<hbm>>
      %dma_start3A_1470 = tpu.memref_squeeze %dma_start3A_1469 : memref<1x8x128xf32, #tpu.memory_space<hbm>> -> memref<8x128xf32, #tpu.memory_space<hbm>>
      %dma_start3A_1471 = arith.constant 0 : i32
      %dma_start3A_1472 = arith.constant 0 : i32
      %dma_start3A_1473 = tpu.memref_slice %arg7[%dma_start3A_1455, %dma_start3A_1471, %dma_start3A_1472] : memref<2x128x129xf32, #tpu.memory_space<vmem>> -> memref<1x8x128xf32, #tpu.memory_space<vmem>>
      %dma_start3A_1474 = tpu.memref_squeeze %dma_start3A_1473 : memref<1x8x128xf32, #tpu.memory_space<vmem>> -> memref<8x128xf32, #tpu.memory_space<vmem>>
      tpu.enqueue_dma source(%dma_start3A_1474 : memref<8x128xf32, #tpu.memory_space<vmem>>) target(%dma_start3A_1470 : memref<8x128xf32, #tpu.memory_space<hbm>>) target_semaphore(%dma_start3A_1466 : memref<!tpu.dma_semaphore, #tpu.memory_space<semaphore_mem>>)
      %dma_start3A_1475 = arith.constant 0 : i32
      %dma_start3A_1476 = arith.constant 0 : i32
      %dma_start3A_1477 = arith.constant 8 : i32
      %dma_start3A_1478 = arith.constant 0 : i32
      %dma_start3A_1479 = tpu.memref_slice %arg7[%dma_start3A_1475, %dma_start3A_1477, %dma_start3A_1478] : memref<2x128x129xf32, #tpu.memory_space<vmem>> -> memref<1x8x128xf32, #tpu.memory_space<vmem>>
      %dma_start3A_1480 = tpu.memref_squeeze %dma_start3A_1479 : memref<1x8x128xf32, #tpu.memory_space<vmem>> -> memref<8x128xf32, #tpu.memory_space<vmem>>
      %dma_start3A_1481 = arith.constant 0 : i32
      %dma_start3A_1482 = arith.constant 0 : i32
      %dma_start3A_1483 = tpu.memref_slice %arg4[%add3A_1328, %dma_start3A_1481, %dma_start3A_1482] : memref<25600x8x128xf32, #tpu.memory_space<hbm>> -> memref<1x8x128xf32, #tpu.memory_space<hbm>>
      %dma_start3A_1484 = tpu.memref_squeeze %dma_start3A_1483 : memref<1x8x128xf32, #tpu.memory_space<hbm>> -> memref<8x128xf32, #tpu.memory_space<hbm>>
      %dma_start3A_1485 = tpu.memref_slice %arg9[%dma_start3A_1476] : memref<2x!tpu.dma_semaphore, #tpu.memory_space<semaphore_mem>> -> memref<1x!tpu.dma_semaphore, #tpu.memory_space<semaphore_mem>>
      %dma_start3A_1486 = tpu.memref_squeeze %dma_start3A_1485 : memref<1x!tpu.dma_semaphore, #tpu.memory_space<semaphore_mem>> -> memref<!tpu.dma_semaphore, #tpu.memory_space<semaphore_mem>>
      %dma_start3A_1487 = arith.constant 0 : i32
      %dma_start3A_1488 = arith.constant 0 : i32
      %dma_start3A_1489 = tpu.memref_slice %arg4[%add3A_1328, %dma_start3A_1487, %dma_start3A_1488] : memref<25600x8x128xf32, #tpu.memory_space<hbm>> -> memref<1x8x128xf32, #tpu.memory_space<hbm>>
      %dma_start3A_1490 = tpu.memref_squeeze %dma_start3A_1489 : memref<1x8x128xf32, #tpu.memory_space<hbm>> -> memref<8x128xf32, #tpu.memory_space<hbm>>
      %dma_start3A_1491 = arith.constant 8 : i32
      %dma_start3A_1492 = arith.constant 0 : i32
      %dma_start3A_1493 = tpu.memref_slice %arg7[%dma_start3A_1475, %dma_start3A_1491, %dma_start3A_1492] : memref<2x128x129xf32, #tpu.memory_space<vmem>> -> memref<1x8x128xf32, #tpu.memory_space<vmem>>
      %dma_start3A_1494 = tpu.memref_squeeze %dma_start3A_1493 : memref<1x8x128xf32, #tpu.memory_space<vmem>> -> memref<8x128xf32, #tpu.memory_space<vmem>>
      tpu.enqueue_dma source(%dma_start3A_1494 : memref<8x128xf32, #tpu.memory_space<vmem>>) target(%dma_start3A_1490 : memref<8x128xf32, #tpu.memory_space<hbm>>) target_semaphore(%dma_start3A_1486 : memref<!tpu.dma_semaphore, #tpu.memory_space<semaphore_mem>>)
      %dma_start3A_1495 = arith.constant 0 : i32
      %dma_start3A_1496 = arith.constant 0 : i32
      %dma_start3A_1497 = arith.constant 16 : i32
      %dma_start3A_1498 = arith.constant 0 : i32
      %dma_start3A_1499 = tpu.memref_slice %arg7[%dma_start3A_1495, %dma_start3A_1497, %dma_start3A_1498] : memref<2x128x129xf32, #tpu.memory_space<vmem>> -> memref<1x8x128xf32, #tpu.memory_space<vmem>>
      %dma_start3A_1500 = tpu.memref_squeeze %dma_start3A_1499 : memref<1x8x128xf32, #tpu.memory_space<vmem>> -> memref<8x128xf32, #tpu.memory_space<vmem>>
      %dma_start3A_1501 = arith.constant 0 : i32
      %dma_start3A_1502 = arith.constant 0 : i32
      %dma_start3A_1503 = tpu.memref_slice %arg4[%add3A_1337, %dma_start3A_1501, %dma_start3A_1502] : memref<25600x8x128xf32, #tpu.memory_space<hbm>> -> memref<1x8x128xf32, #tpu.memory_space<hbm>>
      %dma_start3A_1504 = tpu.memref_squeeze %dma_start3A_1503 : memref<1x8x128xf32, #tpu.memory_space<hbm>> -> memref<8x128xf32, #tpu.memory_space<hbm>>
      %dma_start3A_1505 = tpu.memref_slice %arg9[%dma_start3A_1496] : memref<2x!tpu.dma_semaphore, #tpu.memory_space<semaphore_mem>> -> memref<1x!tpu.dma_semaphore, #tpu.memory_space<semaphore_mem>>
      %dma_start3A_1506 = tpu.memref_squeeze %dma_start3A_1505 : memref<1x!tpu.dma_semaphore, #tpu.memory_space<semaphore_mem>> -> memref<!tpu.dma_semaphore, #tpu.memory_space<semaphore_mem>>
      %dma_start3A_1507 = arith.constant 0 : i32
      %dma_start3A_1508 = arith.constant 0 : i32
      %dma_start3A_1509 = tpu.memref_slice %arg4[%add3A_1337, %dma_start3A_1507, %dma_start3A_1508] : memref<25600x8x128xf32, #tpu.memory_space<hbm>> -> memref<1x8x128xf32, #tpu.memory_space<hbm>>
      %dma_start3A_1510 = tpu.memref_squeeze %dma_start3A_1509 : memref<1x8x128xf32, #tpu.memory_space<hbm>> -> memref<8x128xf32, #tpu.memory_space<hbm>>
      %dma_start3A_1511 = arith.constant 16 : i32
      %dma_start3A_1512 = arith.constant 0 : i32
      %dma_start3A_1513 = tpu.memref_slice %arg7[%dma_start3A_1495, %dma_start3A_1511, %dma_start3A_1512] : memref<2x128x129xf32, #tpu.memory_space<vmem>> -> memref<1x8x128xf32, #tpu.memory_space<vmem>>
      %dma_start3A_1514 = tpu.memref_squeeze %dma_start3A_1513 : memref<1x8x128xf32, #tpu.memory_space<vmem>> -> memref<8x128xf32, #tpu.memory_space<vmem>>
      tpu.enqueue_dma source(%dma_start3A_1514 : memref<8x128xf32, #tpu.memory_space<vmem>>) target(%dma_start3A_1510 : memref<8x128xf32, #tpu.memory_space<hbm>>) target_semaphore(%dma_start3A_1506 : memref<!tpu.dma_semaphore, #tpu.memory_space<semaphore_mem>>)
      %dma_start3A_1515 = arith.constant 0 : i32
      %dma_start3A_1516 = arith.constant 0 : i32
      %dma_start3A_1517 = arith.constant 24 : i32
      %dma_start3A_1518 = arith.constant 0 : i32
      %dma_start3A_1519 = tpu.memref_slice %arg7[%dma_start3A_1515, %dma_start3A_1517, %dma_start3A_1518] : memref<2x128x129xf32, #tpu.memory_space<vmem>> -> memref<1x8x128xf32, #tpu.memory_space<vmem>>
      %dma_start3A_1520 = tpu.memref_squeeze %dma_start3A_1519 : memref<1x8x128xf32, #tpu.memory_space<vmem>> -> memref<8x128xf32, #tpu.memory_space<vmem>>
      %dma_start3A_1521 = arith.constant 0 : i32
      %dma_start3A_1522 = arith.constant 0 : i32
      %dma_start3A_1523 = tpu.memref_slice %arg4[%add3A_1346, %dma_start3A_1521, %dma_start3A_1522] : memref<25600x8x128xf32, #tpu.memory_space<hbm>> -> memref<1x8x128xf32, #tpu.memory_space<hbm>>
      %dma_start3A_1524 = tpu.memref_squeeze %dma_start3A_1523 : memref<1x8x128xf32, #tpu.memory_space<hbm>> -> memref<8x128xf32, #tpu.memory_space<hbm>>
      %dma_start3A_1525 = tpu.memref_slice %arg9[%dma_start3A_1516] : memref<2x!tpu.dma_semaphore, #tpu.memory_space<semaphore_mem>> -> memref<1x!tpu.dma_semaphore, #tpu.memory_space<semaphore_mem>>
      %dma_start3A_1526 = tpu.memref_squeeze %dma_start3A_1525 : memref<1x!tpu.dma_semaphore, #tpu.memory_space<semaphore_mem>> -> memref<!tpu.dma_semaphore, #tpu.memory_space<semaphore_mem>>
      %dma_start3A_1527 = arith.constant 0 : i32
      %dma_start3A_1528 = arith.constant 0 : i32
      %dma_start3A_1529 = tpu.memref_slice %arg4[%add3A_1346, %dma_start3A_1527, %dma_start3A_1528] : memref<25600x8x128xf32, #tpu.memory_space<hbm>> -> memref<1x8x128xf32, #tpu.memory_space<hbm>>
      %dma_start3A_1530 = tpu.memref_squeeze %dma_start3A_1529 : memref<1x8x128xf32, #tpu.memory_space<hbm>> -> memref<8x128xf32, #tpu.memory_space<hbm>>
      %dma_start3A_1531 = arith.constant 24 : i32
      %dma_start3A_1532 = arith.constant 0 : i32
      %dma_start3A_1533 = tpu.memref_slice %arg7[%dma_start3A_1515, %dma_start3A_1531, %dma_start3A_1532] : memref<2x128x129xf32, #tpu.memory_space<vmem>> -> memref<1x8x128xf32, #tpu.memory_space<vmem>>
      %dma_start3A_1534 = tpu.memref_squeeze %dma_start3A_1533 : memref<1x8x128xf32, #tpu.memory_space<vmem>> -> memref<8x128xf32, #tpu.memory_space<vmem>>
      tpu.enqueue_dma source(%dma_start3A_1534 : memref<8x128xf32, #tpu.memory_space<vmem>>) target(%dma_start3A_1530 : memref<8x128xf32, #tpu.memory_space<hbm>>) target_semaphore(%dma_start3A_1526 : memref<!tpu.dma_semaphore, #tpu.memory_space<semaphore_mem>>)
      %dma_start3A_1535 = arith.constant 0 : i32
      %dma_start3A_1536 = arith.constant 0 : i32
      %dma_start3A_1537 = arith.constant 32 : i32
      %dma_start3A_1538 = arith.constant 0 : i32
      %dma_start3A_1539 = tpu.memref_slice %arg7[%dma_start3A_1535, %dma_start3A_1537, %dma_start3A_1538] : memref<2x128x129xf32, #tpu.memory_space<vmem>> -> memref<1x8x128xf32, #tpu.memory_space<vmem>>
      %dma_start3A_1540 = tpu.memref_squeeze %dma_start3A_1539 : memref<1x8x128xf32, #tpu.memory_space<vmem>> -> memref<8x128xf32, #tpu.memory_space<vmem>>
      %dma_start3A_1541 = arith.constant 0 : i32
      %dma_start3A_1542 = arith.constant 0 : i32
      %dma_start3A_1543 = tpu.memref_slice %arg4[%add3A_1355, %dma_start3A_1541, %dma_start3A_1542] : memref<25600x8x128xf32, #tpu.memory_space<hbm>> -> memref<1x8x128xf32, #tpu.memory_space<hbm>>
      %dma_start3A_1544 = tpu.memref_squeeze %dma_start3A_1543 : memref<1x8x128xf32, #tpu.memory_space<hbm>> -> memref<8x128xf32, #tpu.memory_space<hbm>>
      %dma_start3A_1545 = tpu.memref_slice %arg9[%dma_start3A_1536] : memref<2x!tpu.dma_semaphore, #tpu.memory_space<semaphore_mem>> -> memref<1x!tpu.dma_semaphore, #tpu.memory_space<semaphore_mem>>
      %dma_start3A_1546 = tpu.memref_squeeze %dma_start3A_1545 : memref<1x!tpu.dma_semaphore, #tpu.memory_space<semaphore_mem>> -> memref<!tpu.dma_semaphore, #tpu.memory_space<semaphore_mem>>
      %dma_start3A_1547 = arith.constant 0 : i32
      %dma_start3A_1548 = arith.constant 0 : i32
      %dma_start3A_1549 = tpu.memref_slice %arg4[%add3A_1355, %dma_start3A_1547, %dma_start3A_1548] : memref<25600x8x128xf32, #tpu.memory_space<hbm>> -> memref<1x8x128xf32, #tpu.memory_space<hbm>>
      %dma_start3A_1550 = tpu.memref_squeeze %dma_start3A_1549 : memref<1x8x128xf32, #tpu.memory_space<hbm>> -> memref<8x128xf32, #tpu.memory_space<hbm>>
      %dma_start3A_1551 = arith.constant 32 : i32
      %dma_start3A_1552 = arith.constant 0 : i32
      %dma_start3A_1553 = tpu.memref_slice %arg7[%dma_start3A_1535, %dma_start3A_1551, %dma_start3A_1552] : memref<2x128x129xf32, #tpu.memory_space<vmem>> -> memref<1x8x128xf32, #tpu.memory_space<vmem>>
      %dma_start3A_1554 = tpu.memref_squeeze %dma_start3A_1553 : memref<1x8x128xf32, #tpu.memory_space<vmem>> -> memref<8x128xf32, #tpu.memory_space<vmem>>
      tpu.enqueue_dma source(%dma_start3A_1554 : memref<8x128xf32, #tpu.memory_space<vmem>>) target(%dma_start3A_1550 : memref<8x128xf32, #tpu.memory_space<hbm>>) target_semaphore(%dma_start3A_1546 : memref<!tpu.dma_semaphore, #tpu.memory_space<semaphore_mem>>)
      %dma_start3A_1555 = arith.constant 0 : i32
      %dma_start3A_1556 = arith.constant 0 : i32
      %dma_start3A_1557 = arith.constant 40 : i32
      %dma_start3A_1558 = arith.constant 0 : i32
      %dma_start3A_1559 = tpu.memref_slice %arg7[%dma_start3A_1555, %dma_start3A_1557, %dma_start3A_1558] : memref<2x128x129xf32, #tpu.memory_space<vmem>> -> memref<1x8x128xf32, #tpu.memory_space<vmem>>
      %dma_start3A_1560 = tpu.memref_squeeze %dma_start3A_1559 : memref<1x8x128xf32, #tpu.memory_space<vmem>> -> memref<8x128xf32, #tpu.memory_space<vmem>>
      %dma_start3A_1561 = arith.constant 0 : i32
      %dma_start3A_1562 = arith.constant 0 : i32
      %dma_start3A_1563 = tpu.memref_slice %arg4[%add3A_1364, %dma_start3A_1561, %dma_start3A_1562] : memref<25600x8x128xf32, #tpu.memory_space<hbm>> -> memref<1x8x128xf32, #tpu.memory_space<hbm>>
      %dma_start3A_1564 = tpu.memref_squeeze %dma_start3A_1563 : memref<1x8x128xf32, #tpu.memory_space<hbm>> -> memref<8x128xf32, #tpu.memory_space<hbm>>
      %dma_start3A_1565 = tpu.memref_slice %arg9[%dma_start3A_1556] : memref<2x!tpu.dma_semaphore, #tpu.memory_space<semaphore_mem>> -> memref<1x!tpu.dma_semaphore, #tpu.memory_space<semaphore_mem>>
      %dma_start3A_1566 = tpu.memref_squeeze %dma_start3A_1565 : memref<1x!tpu.dma_semaphore, #tpu.memory_space<semaphore_mem>> -> memref<!tpu.dma_semaphore, #tpu.memory_space<semaphore_mem>>
      %dma_start3A_1567 = arith.constant 0 : i32
      %dma_start3A_1568 = arith.constant 0 : i32
      %dma_start3A_1569 = tpu.memref_slice %arg4[%add3A_1364, %dma_start3A_1567, %dma_start3A_1568] : memref<25600x8x128xf32, #tpu.memory_space<hbm>> -> memref<1x8x128xf32, #tpu.memory_space<hbm>>
      %dma_start3A_1570 = tpu.memref_squeeze %dma_start3A_1569 : memref<1x8x128xf32, #tpu.memory_space<hbm>> -> memref<8x128xf32, #tpu.memory_space<hbm>>
      %dma_start3A_1571 = arith.constant 40 : i32
      %dma_start3A_1572 = arith.constant 0 : i32
      %dma_start3A_1573 = tpu.memref_slice %arg7[%dma_start3A_1555, %dma_start3A_1571, %dma_start3A_1572] : memref<2x128x129xf32, #tpu.memory_space<vmem>> -> memref<1x8x128xf32, #tpu.memory_space<vmem>>
      %dma_start3A_1574 = tpu.memref_squeeze %dma_start3A_1573 : memref<1x8x128xf32, #tpu.memory_space<vmem>> -> memref<8x128xf32, #tpu.memory_space<vmem>>
      tpu.enqueue_dma source(%dma_start3A_1574 : memref<8x128xf32, #tpu.memory_space<vmem>>) target(%dma_start3A_1570 : memref<8x128xf32, #tpu.memory_space<hbm>>) target_semaphore(%dma_start3A_1566 : memref<!tpu.dma_semaphore, #tpu.memory_space<semaphore_mem>>)
      %dma_start3A_1575 = arith.constant 0 : i32
      %dma_start3A_1576 = arith.constant 0 : i32
      %dma_start3A_1577 = arith.constant 48 : i32
      %dma_start3A_1578 = arith.constant 0 : i32
      %dma_start3A_1579 = tpu.memref_slice %arg7[%dma_start3A_1575, %dma_start3A_1577, %dma_start3A_1578] : memref<2x128x129xf32, #tpu.memory_space<vmem>> -> memref<1x8x128xf32, #tpu.memory_space<vmem>>
      %dma_start3A_1580 = tpu.memref_squeeze %dma_start3A_1579 : memref<1x8x128xf32, #tpu.memory_space<vmem>> -> memref<8x128xf32, #tpu.memory_space<vmem>>
      %dma_start3A_1581 = arith.constant 0 : i32
      %dma_start3A_1582 = arith.constant 0 : i32
      %dma_start3A_1583 = tpu.memref_slice %arg4[%add3A_1373, %dma_start3A_1581, %dma_start3A_1582] : memref<25600x8x128xf32, #tpu.memory_space<hbm>> -> memref<1x8x128xf32, #tpu.memory_space<hbm>>
      %dma_start3A_1584 = tpu.memref_squeeze %dma_start3A_1583 : memref<1x8x128xf32, #tpu.memory_space<hbm>> -> memref<8x128xf32, #tpu.memory_space<hbm>>
      %dma_start3A_1585 = tpu.memref_slice %arg9[%dma_start3A_1576] : memref<2x!tpu.dma_semaphore, #tpu.memory_space<semaphore_mem>> -> memref<1x!tpu.dma_semaphore, #tpu.memory_space<semaphore_mem>>
      %dma_start3A_1586 = tpu.memref_squeeze %dma_start3A_1585 : memref<1x!tpu.dma_semaphore, #tpu.memory_space<semaphore_mem>> -> memref<!tpu.dma_semaphore, #tpu.memory_space<semaphore_mem>>
      %dma_start3A_1587 = arith.constant 0 : i32
      %dma_start3A_1588 = arith.constant 0 : i32
      %dma_start3A_1589 = tpu.memref_slice %arg4[%add3A_1373, %dma_start3A_1587, %dma_start3A_1588] : memref<25600x8x128xf32, #tpu.memory_space<hbm>> -> memref<1x8x128xf32, #tpu.memory_space<hbm>>
      %dma_start3A_1590 = tpu.memref_squeeze %dma_start3A_1589 : memref<1x8x128xf32, #tpu.memory_space<hbm>> -> memref<8x128xf32, #tpu.memory_space<hbm>>
      %dma_start3A_1591 = arith.constant 48 : i32
      %dma_start3A_1592 = arith.constant 0 : i32
      %dma_start3A_1593 = tpu.memref_slice %arg7[%dma_start3A_1575, %dma_start3A_1591, %dma_start3A_1592] : memref<2x128x129xf32, #tpu.memory_space<vmem>> -> memref<1x8x128xf32, #tpu.memory_space<vmem>>
      %dma_start3A_1594 = tpu.memref_squeeze %dma_start3A_1593 : memref<1x8x128xf32, #tpu.memory_space<vmem>> -> memref<8x128xf32, #tpu.memory_space<vmem>>
      tpu.enqueue_dma source(%dma_start3A_1594 : memref<8x128xf32, #tpu.memory_space<vmem>>) target(%dma_start3A_1590 : memref<8x128xf32, #tpu.memory_space<hbm>>) target_semaphore(%dma_start3A_1586 : memref<!tpu.dma_semaphore, #tpu.memory_space<semaphore_mem>>)
      %dma_start3A_1595 = arith.constant 0 : i32
      %dma_start3A_1596 = arith.constant 0 : i32
      %dma_start3A_1597 = arith.constant 56 : i32
      %dma_start3A_1598 = arith.constant 0 : i32
      %dma_start3A_1599 = tpu.memref_slice %arg7[%dma_start3A_1595, %dma_start3A_1597, %dma_start3A_1598] : memref<2x128x129xf32, #tpu.memory_space<vmem>> -> memref<1x8x128xf32, #tpu.memory_space<vmem>>
      %dma_start3A_1600 = tpu.memref_squeeze %dma_start3A_1599 : memref<1x8x128xf32, #tpu.memory_space<vmem>> -> memref<8x128xf32, #tpu.memory_space<vmem>>
      %dma_start3A_1601 = arith.constant 0 : i32
      %dma_start3A_1602 = arith.constant 0 : i32
      %dma_start3A_1603 = tpu.memref_slice %arg4[%add3A_1382, %dma_start3A_1601, %dma_start3A_1602] : memref<25600x8x128xf32, #tpu.memory_space<hbm>> -> memref<1x8x128xf32, #tpu.memory_space<hbm>>
      %dma_start3A_1604 = tpu.memref_squeeze %dma_start3A_1603 : memref<1x8x128xf32, #tpu.memory_space<hbm>> -> memref<8x128xf32, #tpu.memory_space<hbm>>
      %dma_start3A_1605 = tpu.memref_slice %arg9[%dma_start3A_1596] : memref<2x!tpu.dma_semaphore, #tpu.memory_space<semaphore_mem>> -> memref<1x!tpu.dma_semaphore, #tpu.memory_space<semaphore_mem>>
      %dma_start3A_1606 = tpu.memref_squeeze %dma_start3A_1605 : memref<1x!tpu.dma_semaphore, #tpu.memory_space<semaphore_mem>> -> memref<!tpu.dma_semaphore, #tpu.memory_space<semaphore_mem>>
      %dma_start3A_1607 = arith.constant 0 : i32
      %dma_start3A_1608 = arith.constant 0 : i32
      %dma_start3A_1609 = tpu.memref_slice %arg4[%add3A_1382, %dma_start3A_1607, %dma_start3A_1608] : memref<25600x8x128xf32, #tpu.memory_space<hbm>> -> memref<1x8x128xf32, #tpu.memory_space<hbm>>
      %dma_start3A_1610 = tpu.memref_squeeze %dma_start3A_1609 : memref<1x8x128xf32, #tpu.memory_space<hbm>> -> memref<8x128xf32, #tpu.memory_space<hbm>>
      %dma_start3A_1611 = arith.constant 56 : i32
      %dma_start3A_1612 = arith.constant 0 : i32
      %dma_start3A_1613 = tpu.memref_slice %arg7[%dma_start3A_1595, %dma_start3A_1611, %dma_start3A_1612] : memref<2x128x129xf32, #tpu.memory_space<vmem>> -> memref<1x8x128xf32, #tpu.memory_space<vmem>>
      %dma_start3A_1614 = tpu.memref_squeeze %dma_start3A_1613 : memref<1x8x128xf32, #tpu.memory_space<vmem>> -> memref<8x128xf32, #tpu.memory_space<vmem>>
      tpu.enqueue_dma source(%dma_start3A_1614 : memref<8x128xf32, #tpu.memory_space<vmem>>) target(%dma_start3A_1610 : memref<8x128xf32, #tpu.memory_space<hbm>>) target_semaphore(%dma_start3A_1606 : memref<!tpu.dma_semaphore, #tpu.memory_space<semaphore_mem>>)
      %dma_start3A_1615 = arith.constant 0 : i32
      %dma_start3A_1616 = arith.constant 0 : i32
      %dma_start3A_1617 = arith.constant 64 : i32
      %dma_start3A_1618 = arith.constant 0 : i32
      %dma_start3A_1619 = tpu.memref_slice %arg7[%dma_start3A_1615, %dma_start3A_1617, %dma_start3A_1618] : memref<2x128x129xf32, #tpu.memory_space<vmem>> -> memref<1x8x128xf32, #tpu.memory_space<vmem>>
      %dma_start3A_1620 = tpu.memref_squeeze %dma_start3A_1619 : memref<1x8x128xf32, #tpu.memory_space<vmem>> -> memref<8x128xf32, #tpu.memory_space<vmem>>
      %dma_start3A_1621 = arith.constant 0 : i32
      %dma_start3A_1622 = arith.constant 0 : i32
      %dma_start3A_1623 = tpu.memref_slice %arg4[%add3A_1391, %dma_start3A_1621, %dma_start3A_1622] : memref<25600x8x128xf32, #tpu.memory_space<hbm>> -> memref<1x8x128xf32, #tpu.memory_space<hbm>>
      %dma_start3A_1624 = tpu.memref_squeeze %dma_start3A_1623 : memref<1x8x128xf32, #tpu.memory_space<hbm>> -> memref<8x128xf32, #tpu.memory_space<hbm>>
      %dma_start3A_1625 = tpu.memref_slice %arg9[%dma_start3A_1616] : memref<2x!tpu.dma_semaphore, #tpu.memory_space<semaphore_mem>> -> memref<1x!tpu.dma_semaphore, #tpu.memory_space<semaphore_mem>>
      %dma_start3A_1626 = tpu.memref_squeeze %dma_start3A_1625 : memref<1x!tpu.dma_semaphore, #tpu.memory_space<semaphore_mem>> -> memref<!tpu.dma_semaphore, #tpu.memory_space<semaphore_mem>>
      %dma_start3A_1627 = arith.constant 0 : i32
      %dma_start3A_1628 = arith.constant 0 : i32
      %dma_start3A_1629 = tpu.memref_slice %arg4[%add3A_1391, %dma_start3A_1627, %dma_start3A_1628] : memref<25600x8x128xf32, #tpu.memory_space<hbm>> -> memref<1x8x128xf32, #tpu.memory_space<hbm>>
      %dma_start3A_1630 = tpu.memref_squeeze %dma_start3A_1629 : memref<1x8x128xf32, #tpu.memory_space<hbm>> -> memref<8x128xf32, #tpu.memory_space<hbm>>
      %dma_start3A_1631 = arith.constant 64 : i32
      %dma_start3A_1632 = arith.constant 0 : i32
      %dma_start3A_1633 = tpu.memref_slice %arg7[%dma_start3A_1615, %dma_start3A_1631, %dma_start3A_1632] : memref<2x128x129xf32, #tpu.memory_space<vmem>> -> memref<1x8x128xf32, #tpu.memory_space<vmem>>
      %dma_start3A_1634 = tpu.memref_squeeze %dma_start3A_1633 : memref<1x8x128xf32, #tpu.memory_space<vmem>> -> memref<8x128xf32, #tpu.memory_space<vmem>>
      tpu.enqueue_dma source(%dma_start3A_1634 : memref<8x128xf32, #tpu.memory_space<vmem>>) target(%dma_start3A_1630 : memref<8x128xf32, #tpu.memory_space<hbm>>) target_semaphore(%dma_start3A_1626 : memref<!tpu.dma_semaphore, #tpu.memory_space<semaphore_mem>>)
      %dma_start3A_1635 = arith.constant 0 : i32
      %dma_start3A_1636 = arith.constant 0 : i32
      %dma_start3A_1637 = arith.constant 72 : i32
      %dma_start3A_1638 = arith.constant 0 : i32
      %dma_start3A_1639 = tpu.memref_slice %arg7[%dma_start3A_1635, %dma_start3A_1637, %dma_start3A_1638] : memref<2x128x129xf32, #tpu.memory_space<vmem>> -> memref<1x8x128xf32, #tpu.memory_space<vmem>>
      %dma_start3A_1640 = tpu.memref_squeeze %dma_start3A_1639 : memref<1x8x128xf32, #tpu.memory_space<vmem>> -> memref<8x128xf32, #tpu.memory_space<vmem>>
      %dma_start3A_1641 = arith.constant 0 : i32
      %dma_start3A_1642 = arith.constant 0 : i32
      %dma_start3A_1643 = tpu.memref_slice %arg4[%add3A_1400, %dma_start3A_1641, %dma_start3A_1642] : memref<25600x8x128xf32, #tpu.memory_space<hbm>> -> memref<1x8x128xf32, #tpu.memory_space<hbm>>
      %dma_start3A_1644 = tpu.memref_squeeze %dma_start3A_1643 : memref<1x8x128xf32, #tpu.memory_space<hbm>> -> memref<8x128xf32, #tpu.memory_space<hbm>>
      %dma_start3A_1645 = tpu.memref_slice %arg9[%dma_start3A_1636] : memref<2x!tpu.dma_semaphore, #tpu.memory_space<semaphore_mem>> -> memref<1x!tpu.dma_semaphore, #tpu.memory_space<semaphore_mem>>
      %dma_start3A_1646 = tpu.memref_squeeze %dma_start3A_1645 : memref<1x!tpu.dma_semaphore, #tpu.memory_space<semaphore_mem>> -> memref<!tpu.dma_semaphore, #tpu.memory_space<semaphore_mem>>
      %dma_start3A_1647 = arith.constant 0 : i32
      %dma_start3A_1648 = arith.constant 0 : i32
      %dma_start3A_1649 = tpu.memref_slice %arg4[%add3A_1400, %dma_start3A_1647, %dma_start3A_1648] : memref<25600x8x128xf32, #tpu.memory_space<hbm>> -> memref<1x8x128xf32, #tpu.memory_space<hbm>>
      %dma_start3A_1650 = tpu.memref_squeeze %dma_start3A_1649 : memref<1x8x128xf32, #tpu.memory_space<hbm>> -> memref<8x128xf32, #tpu.memory_space<hbm>>
      %dma_start3A_1651 = arith.constant 72 : i32
      %dma_start3A_1652 = arith.constant 0 : i32
      %dma_start3A_1653 = tpu.memref_slice %arg7[%dma_start3A_1635, %dma_start3A_1651, %dma_start3A_1652] : memref<2x128x129xf32, #tpu.memory_space<vmem>> -> memref<1x8x128xf32, #tpu.memory_space<vmem>>
      %dma_start3A_1654 = tpu.memref_squeeze %dma_start3A_1653 : memref<1x8x128xf32, #tpu.memory_space<vmem>> -> memref<8x128xf32, #tpu.memory_space<vmem>>
      tpu.enqueue_dma source(%dma_start3A_1654 : memref<8x128xf32, #tpu.memory_space<vmem>>) target(%dma_start3A_1650 : memref<8x128xf32, #tpu.memory_space<hbm>>) target_semaphore(%dma_start3A_1646 : memref<!tpu.dma_semaphore, #tpu.memory_space<semaphore_mem>>)
      %dma_start3A_1655 = arith.constant 0 : i32
      %dma_start3A_1656 = arith.constant 0 : i32
      %dma_start3A_1657 = arith.constant 80 : i32
      %dma_start3A_1658 = arith.constant 0 : i32
      %dma_start3A_1659 = tpu.memref_slice %arg7[%dma_start3A_1655, %dma_start3A_1657, %dma_start3A_1658] : memref<2x128x129xf32, #tpu.memory_space<vmem>> -> memref<1x8x128xf32, #tpu.memory_space<vmem>>
      %dma_start3A_1660 = tpu.memref_squeeze %dma_start3A_1659 : memref<1x8x128xf32, #tpu.memory_space<vmem>> -> memref<8x128xf32, #tpu.memory_space<vmem>>
      %dma_start3A_1661 = arith.constant 0 : i32
      %dma_start3A_1662 = arith.constant 0 : i32
      %dma_start3A_1663 = tpu.memref_slice %arg4[%add3A_1409, %dma_start3A_1661, %dma_start3A_1662] : memref<25600x8x128xf32, #tpu.memory_space<hbm>> -> memref<1x8x128xf32, #tpu.memory_space<hbm>>
      %dma_start3A_1664 = tpu.memref_squeeze %dma_start3A_1663 : memref<1x8x128xf32, #tpu.memory_space<hbm>> -> memref<8x128xf32, #tpu.memory_space<hbm>>
      %dma_start3A_1665 = tpu.memref_slice %arg9[%dma_start3A_1656] : memref<2x!tpu.dma_semaphore, #tpu.memory_space<semaphore_mem>> -> memref<1x!tpu.dma_semaphore, #tpu.memory_space<semaphore_mem>>
      %dma_start3A_1666 = tpu.memref_squeeze %dma_start3A_1665 : memref<1x!tpu.dma_semaphore, #tpu.memory_space<semaphore_mem>> -> memref<!tpu.dma_semaphore, #tpu.memory_space<semaphore_mem>>
      %dma_start3A_1667 = arith.constant 0 : i32
      %dma_start3A_1668 = arith.constant 0 : i32
      %dma_start3A_1669 = tpu.memref_slice %arg4[%add3A_1409, %dma_start3A_1667, %dma_start3A_1668] : memref<25600x8x128xf32, #tpu.memory_space<hbm>> -> memref<1x8x128xf32, #tpu.memory_space<hbm>>
      %dma_start3A_1670 = tpu.memref_squeeze %dma_start3A_1669 : memref<1x8x128xf32, #tpu.memory_space<hbm>> -> memref<8x128xf32, #tpu.memory_space<hbm>>
      %dma_start3A_1671 = arith.constant 80 : i32
      %dma_start3A_1672 = arith.constant 0 : i32
      %dma_start3A_1673 = tpu.memref_slice %arg7[%dma_start3A_1655, %dma_start3A_1671, %dma_start3A_1672] : memref<2x128x129xf32, #tpu.memory_space<vmem>> -> memref<1x8x128xf32, #tpu.memory_space<vmem>>
      %dma_start3A_1674 = tpu.memref_squeeze %dma_start3A_1673 : memref<1x8x128xf32, #tpu.memory_space<vmem>> -> memref<8x128xf32, #tpu.memory_space<vmem>>
      tpu.enqueue_dma source(%dma_start3A_1674 : memref<8x128xf32, #tpu.memory_space<vmem>>) target(%dma_start3A_1670 : memref<8x128xf32, #tpu.memory_space<hbm>>) target_semaphore(%dma_start3A_1666 : memref<!tpu.dma_semaphore, #tpu.memory_space<semaphore_mem>>)
      %dma_start3A_1675 = arith.constant 0 : i32
      %dma_start3A_1676 = arith.constant 0 : i32
      %dma_start3A_1677 = arith.constant 88 : i32
      %dma_start3A_1678 = arith.constant 0 : i32
      %dma_start3A_1679 = tpu.memref_slice %arg7[%dma_start3A_1675, %dma_start3A_1677, %dma_start3A_1678] : memref<2x128x129xf32, #tpu.memory_space<vmem>> -> memref<1x8x128xf32, #tpu.memory_space<vmem>>
      %dma_start3A_1680 = tpu.memref_squeeze %dma_start3A_1679 : memref<1x8x128xf32, #tpu.memory_space<vmem>> -> memref<8x128xf32, #tpu.memory_space<vmem>>
      %dma_start3A_1681 = arith.constant 0 : i32
      %dma_start3A_1682 = arith.constant 0 : i32
      %dma_start3A_1683 = tpu.memref_slice %arg4[%add3A_1418, %dma_start3A_1681, %dma_start3A_1682] : memref<25600x8x128xf32, #tpu.memory_space<hbm>> -> memref<1x8x128xf32, #tpu.memory_space<hbm>>
      %dma_start3A_1684 = tpu.memref_squeeze %dma_start3A_1683 : memref<1x8x128xf32, #tpu.memory_space<hbm>> -> memref<8x128xf32, #tpu.memory_space<hbm>>
      %dma_start3A_1685 = tpu.memref_slice %arg9[%dma_start3A_1676] : memref<2x!tpu.dma_semaphore, #tpu.memory_space<semaphore_mem>> -> memref<1x!tpu.dma_semaphore, #tpu.memory_space<semaphore_mem>>
      %dma_start3A_1686 = tpu.memref_squeeze %dma_start3A_1685 : memref<1x!tpu.dma_semaphore, #tpu.memory_space<semaphore_mem>> -> memref<!tpu.dma_semaphore, #tpu.memory_space<semaphore_mem>>
      %dma_start3A_1687 = arith.constant 0 : i32
      %dma_start3A_1688 = arith.constant 0 : i32
      %dma_start3A_1689 = tpu.memref_slice %arg4[%add3A_1418, %dma_start3A_1687, %dma_start3A_1688] : memref<25600x8x128xf32, #tpu.memory_space<hbm>> -> memref<1x8x128xf32, #tpu.memory_space<hbm>>
      %dma_start3A_1690 = tpu.memref_squeeze %dma_start3A_1689 : memref<1x8x128xf32, #tpu.memory_space<hbm>> -> memref<8x128xf32, #tpu.memory_space<hbm>>
      %dma_start3A_1691 = arith.constant 88 : i32
      %dma_start3A_1692 = arith.constant 0 : i32
      %dma_start3A_1693 = tpu.memref_slice %arg7[%dma_start3A_1675, %dma_start3A_1691, %dma_start3A_1692] : memref<2x128x129xf32, #tpu.memory_space<vmem>> -> memref<1x8x128xf32, #tpu.memory_space<vmem>>
      %dma_start3A_1694 = tpu.memref_squeeze %dma_start3A_1693 : memref<1x8x128xf32, #tpu.memory_space<vmem>> -> memref<8x128xf32, #tpu.memory_space<vmem>>
      tpu.enqueue_dma source(%dma_start3A_1694 : memref<8x128xf32, #tpu.memory_space<vmem>>) target(%dma_start3A_1690 : memref<8x128xf32, #tpu.memory_space<hbm>>) target_semaphore(%dma_start3A_1686 : memref<!tpu.dma_semaphore, #tpu.memory_space<semaphore_mem>>)
      %dma_start3A_1695 = arith.constant 0 : i32
      %dma_start3A_1696 = arith.constant 0 : i32
      %dma_start3A_1697 = arith.constant 96 : i32
      %dma_start3A_1698 = arith.constant 0 : i32
      %dma_start3A_1699 = tpu.memref_slice %arg7[%dma_start3A_1695, %dma_start3A_1697, %dma_start3A_1698] : memref<2x128x129xf32, #tpu.memory_space<vmem>> -> memref<1x8x128xf32, #tpu.memory_space<vmem>>
      %dma_start3A_1700 = tpu.memref_squeeze %dma_start3A_1699 : memref<1x8x128xf32, #tpu.memory_space<vmem>> -> memref<8x128xf32, #tpu.memory_space<vmem>>
      %dma_start3A_1701 = arith.constant 0 : i32
      %dma_start3A_1702 = arith.constant 0 : i32
      %dma_start3A_1703 = tpu.memref_slice %arg4[%add3A_1427, %dma_start3A_1701, %dma_start3A_1702] : memref<25600x8x128xf32, #tpu.memory_space<hbm>> -> memref<1x8x128xf32, #tpu.memory_space<hbm>>
      %dma_start3A_1704 = tpu.memref_squeeze %dma_start3A_1703 : memref<1x8x128xf32, #tpu.memory_space<hbm>> -> memref<8x128xf32, #tpu.memory_space<hbm>>
      %dma_start3A_1705 = tpu.memref_slice %arg9[%dma_start3A_1696] : memref<2x!tpu.dma_semaphore, #tpu.memory_space<semaphore_mem>> -> memref<1x!tpu.dma_semaphore, #tpu.memory_space<semaphore_mem>>
      %dma_start3A_1706 = tpu.memref_squeeze %dma_start3A_1705 : memref<1x!tpu.dma_semaphore, #tpu.memory_space<semaphore_mem>> -> memref<!tpu.dma_semaphore, #tpu.memory_space<semaphore_mem>>
      %dma_start3A_1707 = arith.constant 0 : i32
      %dma_start3A_1708 = arith.constant 0 : i32
      %dma_start3A_1709 = tpu.memref_slice %arg4[%add3A_1427, %dma_start3A_1707, %dma_start3A_1708] : memref<25600x8x128xf32, #tpu.memory_space<hbm>> -> memref<1x8x128xf32, #tpu.memory_space<hbm>>
      %dma_start3A_1710 = tpu.memref_squeeze %dma_start3A_1709 : memref<1x8x128xf32, #tpu.memory_space<hbm>> -> memref<8x128xf32, #tpu.memory_space<hbm>>
      %dma_start3A_1711 = arith.constant 96 : i32
      %dma_start3A_1712 = arith.constant 0 : i32
      %dma_start3A_1713 = tpu.memref_slice %arg7[%dma_start3A_1695, %dma_start3A_1711, %dma_start3A_1712] : memref<2x128x129xf32, #tpu.memory_space<vmem>> -> memref<1x8x128xf32, #tpu.memory_space<vmem>>
      %dma_start3A_1714 = tpu.memref_squeeze %dma_start3A_1713 : memref<1x8x128xf32, #tpu.memory_space<vmem>> -> memref<8x128xf32, #tpu.memory_space<vmem>>
      tpu.enqueue_dma source(%dma_start3A_1714 : memref<8x128xf32, #tpu.memory_space<vmem>>) target(%dma_start3A_1710 : memref<8x128xf32, #tpu.memory_space<hbm>>) target_semaphore(%dma_start3A_1706 : memref<!tpu.dma_semaphore, #tpu.memory_space<semaphore_mem>>)
      %dma_start3A_1715 = arith.constant 0 : i32
      %dma_start3A_1716 = arith.constant 0 : i32
      %dma_start3A_1717 = arith.constant 104 : i32
      %dma_start3A_1718 = arith.constant 0 : i32
      %dma_start3A_1719 = tpu.memref_slice %arg7[%dma_start3A_1715, %dma_start3A_1717, %dma_start3A_1718] : memref<2x128x129xf32, #tpu.memory_space<vmem>> -> memref<1x8x128xf32, #tpu.memory_space<vmem>>
      %dma_start3A_1720 = tpu.memref_squeeze %dma_start3A_1719 : memref<1x8x128xf32, #tpu.memory_space<vmem>> -> memref<8x128xf32, #tpu.memory_space<vmem>>
      %dma_start3A_1721 = arith.constant 0 : i32
      %dma_start3A_1722 = arith.constant 0 : i32
      %dma_start3A_1723 = tpu.memref_slice %arg4[%add3A_1436, %dma_start3A_1721, %dma_start3A_1722] : memref<25600x8x128xf32, #tpu.memory_space<hbm>> -> memref<1x8x128xf32, #tpu.memory_space<hbm>>
      %dma_start3A_1724 = tpu.memref_squeeze %dma_start3A_1723 : memref<1x8x128xf32, #tpu.memory_space<hbm>> -> memref<8x128xf32, #tpu.memory_space<hbm>>
      %dma_start3A_1725 = tpu.memref_slice %arg9[%dma_start3A_1716] : memref<2x!tpu.dma_semaphore, #tpu.memory_space<semaphore_mem>> -> memref<1x!tpu.dma_semaphore, #tpu.memory_space<semaphore_mem>>
      %dma_start3A_1726 = tpu.memref_squeeze %dma_start3A_1725 : memref<1x!tpu.dma_semaphore, #tpu.memory_space<semaphore_mem>> -> memref<!tpu.dma_semaphore, #tpu.memory_space<semaphore_mem>>
      %dma_start3A_1727 = arith.constant 0 : i32
      %dma_start3A_1728 = arith.constant 0 : i32
      %dma_start3A_1729 = tpu.memref_slice %arg4[%add3A_1436, %dma_start3A_1727, %dma_start3A_1728] : memref<25600x8x128xf32, #tpu.memory_space<hbm>> -> memref<1x8x128xf32, #tpu.memory_space<hbm>>
      %dma_start3A_1730 = tpu.memref_squeeze %dma_start3A_1729 : memref<1x8x128xf32, #tpu.memory_space<hbm>> -> memref<8x128xf32, #tpu.memory_space<hbm>>
      %dma_start3A_1731 = arith.constant 104 : i32
      %dma_start3A_1732 = arith.constant 0 : i32
      %dma_start3A_1733 = tpu.memref_slice %arg7[%dma_start3A_1715, %dma_start3A_1731, %dma_start3A_1732] : memref<2x128x129xf32, #tpu.memory_space<vmem>> -> memref<1x8x128xf32, #tpu.memory_space<vmem>>
      %dma_start3A_1734 = tpu.memref_squeeze %dma_start3A_1733 : memref<1x8x128xf32, #tpu.memory_space<vmem>> -> memref<8x128xf32, #tpu.memory_space<vmem>>
      tpu.enqueue_dma source(%dma_start3A_1734 : memref<8x128xf32, #tpu.memory_space<vmem>>) target(%dma_start3A_1730 : memref<8x128xf32, #tpu.memory_space<hbm>>) target_semaphore(%dma_start3A_1726 : memref<!tpu.dma_semaphore, #tpu.memory_space<semaphore_mem>>)
      %dma_start3A_1735 = arith.constant 0 : i32
      %dma_start3A_1736 = arith.constant 0 : i32
      %dma_start3A_1737 = arith.constant 112 : i32
      %dma_start3A_1738 = arith.constant 0 : i32
      %dma_start3A_1739 = tpu.memref_slice %arg7[%dma_start3A_1735, %dma_start3A_1737, %dma_start3A_1738] : memref<2x128x129xf32, #tpu.memory_space<vmem>> -> memref<1x8x128xf32, #tpu.memory_space<vmem>>
      %dma_start3A_1740 = tpu.memref_squeeze %dma_start3A_1739 : memref<1x8x128xf32, #tpu.memory_space<vmem>> -> memref<8x128xf32, #tpu.memory_space<vmem>>
      %dma_start3A_1741 = arith.constant 0 : i32
      %dma_start3A_1742 = arith.constant 0 : i32
      %dma_start3A_1743 = tpu.memref_slice %arg4[%add3A_1445, %dma_start3A_1741, %dma_start3A_1742] : memref<25600x8x128xf32, #tpu.memory_space<hbm>> -> memref<1x8x128xf32, #tpu.memory_space<hbm>>
      %dma_start3A_1744 = tpu.memref_squeeze %dma_start3A_1743 : memref<1x8x128xf32, #tpu.memory_space<hbm>> -> memref<8x128xf32, #tpu.memory_space<hbm>>
      %dma_start3A_1745 = tpu.memref_slice %arg9[%dma_start3A_1736] : memref<2x!tpu.dma_semaphore, #tpu.memory_space<semaphore_mem>> -> memref<1x!tpu.dma_semaphore, #tpu.memory_space<semaphore_mem>>
      %dma_start3A_1746 = tpu.memref_squeeze %dma_start3A_1745 : memref<1x!tpu.dma_semaphore, #tpu.memory_space<semaphore_mem>> -> memref<!tpu.dma_semaphore, #tpu.memory_space<semaphore_mem>>
      %dma_start3A_1747 = arith.constant 0 : i32
      %dma_start3A_1748 = arith.constant 0 : i32
      %dma_start3A_1749 = tpu.memref_slice %arg4[%add3A_1445, %dma_start3A_1747, %dma_start3A_1748] : memref<25600x8x128xf32, #tpu.memory_space<hbm>> -> memref<1x8x128xf32, #tpu.memory_space<hbm>>
      %dma_start3A_1750 = tpu.memref_squeeze %dma_start3A_1749 : memref<1x8x128xf32, #tpu.memory_space<hbm>> -> memref<8x128xf32, #tpu.memory_space<hbm>>
      %dma_start3A_1751 = arith.constant 112 : i32
      %dma_start3A_1752 = arith.constant 0 : i32
      %dma_start3A_1753 = tpu.memref_slice %arg7[%dma_start3A_1735, %dma_start3A_1751, %dma_start3A_1752] : memref<2x128x129xf32, #tpu.memory_space<vmem>> -> memref<1x8x128xf32, #tpu.memory_space<vmem>>
      %dma_start3A_1754 = tpu.memref_squeeze %dma_start3A_1753 : memref<1x8x128xf32, #tpu.memory_space<vmem>> -> memref<8x128xf32, #tpu.memory_space<vmem>>
      tpu.enqueue_dma source(%dma_start3A_1754 : memref<8x128xf32, #tpu.memory_space<vmem>>) target(%dma_start3A_1750 : memref<8x128xf32, #tpu.memory_space<hbm>>) target_semaphore(%dma_start3A_1746 : memref<!tpu.dma_semaphore, #tpu.memory_space<semaphore_mem>>)
      %dma_start3A_1755 = arith.constant 0 : i32
      %dma_start3A_1756 = arith.constant 0 : i32
      %dma_start3A_1757 = arith.constant 120 : i32
      %dma_start3A_1758 = arith.constant 0 : i32
      %dma_start3A_1759 = tpu.memref_slice %arg7[%dma_start3A_1755, %dma_start3A_1757, %dma_start3A_1758] : memref<2x128x129xf32, #tpu.memory_space<vmem>> -> memref<1x8x128xf32, #tpu.memory_space<vmem>>
      %dma_start3A_1760 = tpu.memref_squeeze %dma_start3A_1759 : memref<1x8x128xf32, #tpu.memory_space<vmem>> -> memref<8x128xf32, #tpu.memory_space<vmem>>
      %dma_start3A_1761 = arith.constant 0 : i32
      %dma_start3A_1762 = arith.constant 0 : i32
      %dma_start3A_1763 = tpu.memref_slice %arg4[%add3A_1454, %dma_start3A_1761, %dma_start3A_1762] : memref<25600x8x128xf32, #tpu.memory_space<hbm>> -> memref<1x8x128xf32, #tpu.memory_space<hbm>>
      %dma_start3A_1764 = tpu.memref_squeeze %dma_start3A_1763 : memref<1x8x128xf32, #tpu.memory_space<hbm>> -> memref<8x128xf32, #tpu.memory_space<hbm>>
      %dma_start3A_1765 = tpu.memref_slice %arg9[%dma_start3A_1756] : memref<2x!tpu.dma_semaphore, #tpu.memory_space<semaphore_mem>> -> memref<1x!tpu.dma_semaphore, #tpu.memory_space<semaphore_mem>>
      %dma_start3A_1766 = tpu.memref_squeeze %dma_start3A_1765 : memref<1x!tpu.dma_semaphore, #tpu.memory_space<semaphore_mem>> -> memref<!tpu.dma_semaphore, #tpu.memory_space<semaphore_mem>>
      %dma_start3A_1767 = arith.constant 0 : i32
      %dma_start3A_1768 = arith.constant 0 : i32
      %dma_start3A_1769 = tpu.memref_slice %arg4[%add3A_1454, %dma_start3A_1767, %dma_start3A_1768] : memref<25600x8x128xf32, #tpu.memory_space<hbm>> -> memref<1x8x128xf32, #tpu.memory_space<hbm>>
      %dma_start3A_1770 = tpu.memref_squeeze %dma_start3A_1769 : memref<1x8x128xf32, #tpu.memory_space<hbm>> -> memref<8x128xf32, #tpu.memory_space<hbm>>
      %dma_start3A_1771 = arith.constant 120 : i32
      %dma_start3A_1772 = arith.constant 0 : i32
      %dma_start3A_1773 = tpu.memref_slice %arg7[%dma_start3A_1755, %dma_start3A_1771, %dma_start3A_1772] : memref<2x128x129xf32, #tpu.memory_space<vmem>> -> memref<1x8x128xf32, #tpu.memory_space<vmem>>
      %dma_start3A_1774 = tpu.memref_squeeze %dma_start3A_1773 : memref<1x8x128xf32, #tpu.memory_space<vmem>> -> memref<8x128xf32, #tpu.memory_space<vmem>>
      tpu.enqueue_dma source(%dma_start3A_1774 : memref<8x128xf32, #tpu.memory_space<vmem>>) target(%dma_start3A_1770 : memref<8x128xf32, #tpu.memory_space<hbm>>) target_semaphore(%dma_start3A_1766 : memref<!tpu.dma_semaphore, #tpu.memory_space<semaphore_mem>>)
      %mul3A_1775 = arith.constant 2 : i32
      %mul3A_1776 = arith.muli %scan3A_1186, %mul3A_1775 : i32
      %add3A_1777 = arith.addi %mul3A_52, %mul3A_1776 : i32
      %add3A_1778 = arith.constant 1 : i32
      %add3A_1779 = arith.addi %add3A_1777, %add3A_1778 : i32
      %dma_wait3A_1780 = arith.constant 1 : i32
      %dma_wait3A_1781 = arith.constant 0 : i32
      %dma_wait3A_1782 = arith.constant 1 : i32
      %dma_wait3A_1783 = arith.constant 1 : i32
      %dma_wait3A_1784 = arith.constant 0 : i32
      %dma_wait3A_1785 = arith.constant 0 : i32
      %dma_wait3A_1786 = tpu.memref_slice %arg6[%dma_wait3A_1782, %dma_wait3A_1784, %dma_wait3A_1785] : memref<2x512x32xf32, #tpu.memory_space<vmem>> -> memref<1x128x32xf32, #tpu.memory_space<vmem>>
      %dma_wait3A_1787 = tpu.memref_squeeze %dma_wait3A_1786 : memref<1x128x32xf32, #tpu.memory_space<vmem>> -> memref<128x32xf32, #tpu.memory_space<vmem>>
      %dma_wait3A_1788 = arith.constant 0 : i32
      %dma_wait3A_1789 = tpu.memref_slice %arg5[%dma_wait3A_1780, %dma_wait3A_1781, %dma_wait3A_1788] : memref<2x4x128xi32, #tpu.memory_space<vmem>> -> memref<1x1x128xi32, #tpu.memory_space<vmem>>
      %dma_wait3A_1790 = tpu.memref_squeeze %dma_wait3A_1789 : memref<1x1x128xi32, #tpu.memory_space<vmem>> -> memref<128xi32, #tpu.memory_space<vmem>>
      %dma_wait3A_1791 = arith.constant 0 : i32
      %dma_wait3A_1792 = arith.constant 0 : i32
      %dma_wait3A_1793 = tpu.memref_slice %arg2[%dma_wait3A_1791, %dma_wait3A_1792] : memref<1000000x32xf32, #tpu.memory_space<hbm>> -> memref<1000000x32xf32, #tpu.memory_space<hbm>>
      %dma_wait3A_1794 = tpu.memref_slice %arg8[%dma_wait3A_1783] : memref<2x!tpu.dma_semaphore, #tpu.memory_space<semaphore_mem>> -> memref<1x!tpu.dma_semaphore, #tpu.memory_space<semaphore_mem>>
      %dma_wait3A_1795 = tpu.memref_squeeze %dma_wait3A_1794 : memref<1x!tpu.dma_semaphore, #tpu.memory_space<semaphore_mem>> -> memref<!tpu.dma_semaphore, #tpu.memory_space<semaphore_mem>>
      tpu.wait_indirect_dma semaphore(%dma_wait3A_1795 : memref<!tpu.dma_semaphore, #tpu.memory_space<semaphore_mem>>) src(%dma_wait3A_1793 : memref<1000000x32xf32, #tpu.memory_space<hbm>>) dst(%dma_wait3A_1787 : memref<128x32xf32, #tpu.memory_space<vmem>>)
      %dma_wait3A_1796 = arith.constant 1 : i32
      %dma_wait3A_1797 = arith.constant 1 : i32
      %dma_wait3A_1798 = arith.constant 1 : i32
      %dma_wait3A_1799 = arith.constant 1 : i32
      %dma_wait3A_1800 = arith.constant 128 : i32
      %dma_wait3A_1801 = arith.constant 0 : i32
      %dma_wait3A_1802 = tpu.memref_slice %arg6[%dma_wait3A_1798, %dma_wait3A_1800, %dma_wait3A_1801] : memref<2x512x32xf32, #tpu.memory_space<vmem>> -> memref<1x128x32xf32, #tpu.memory_space<vmem>>
      %dma_wait3A_1803 = tpu.memref_squeeze %dma_wait3A_1802 : memref<1x128x32xf32, #tpu.memory_space<vmem>> -> memref<128x32xf32, #tpu.memory_space<vmem>>
      %dma_wait3A_1804 = arith.constant 0 : i32
      %dma_wait3A_1805 = tpu.memref_slice %arg5[%dma_wait3A_1796, %dma_wait3A_1797, %dma_wait3A_1804] : memref<2x4x128xi32, #tpu.memory_space<vmem>> -> memref<1x1x128xi32, #tpu.memory_space<vmem>>
      %dma_wait3A_1806 = tpu.memref_squeeze %dma_wait3A_1805 : memref<1x1x128xi32, #tpu.memory_space<vmem>> -> memref<128xi32, #tpu.memory_space<vmem>>
      %dma_wait3A_1807 = arith.constant 0 : i32
      %dma_wait3A_1808 = arith.constant 0 : i32
      %dma_wait3A_1809 = tpu.memref_slice %arg2[%dma_wait3A_1807, %dma_wait3A_1808] : memref<1000000x32xf32, #tpu.memory_space<hbm>> -> memref<1000000x32xf32, #tpu.memory_space<hbm>>
      %dma_wait3A_1810 = tpu.memref_slice %arg8[%dma_wait3A_1799] : memref<2x!tpu.dma_semaphore, #tpu.memory_space<semaphore_mem>> -> memref<1x!tpu.dma_semaphore, #tpu.memory_space<semaphore_mem>>
      %dma_wait3A_1811 = tpu.memref_squeeze %dma_wait3A_1810 : memref<1x!tpu.dma_semaphore, #tpu.memory_space<semaphore_mem>> -> memref<!tpu.dma_semaphore, #tpu.memory_space<semaphore_mem>>
      tpu.wait_indirect_dma semaphore(%dma_wait3A_1811 : memref<!tpu.dma_semaphore, #tpu.memory_space<semaphore_mem>>) src(%dma_wait3A_1809 : memref<1000000x32xf32, #tpu.memory_space<hbm>>) dst(%dma_wait3A_1803 : memref<128x32xf32, #tpu.memory_space<vmem>>)
      %dma_wait3A_1812 = arith.constant 1 : i32
      %dma_wait3A_1813 = arith.constant 2 : i32
      %dma_wait3A_1814 = arith.constant 1 : i32
      %dma_wait3A_1815 = arith.constant 1 : i32
      %dma_wait3A_1816 = arith.constant 256 : i32
      %dma_wait3A_1817 = arith.constant 0 : i32
      %dma_wait3A_1818 = tpu.memref_slice %arg6[%dma_wait3A_1814, %dma_wait3A_1816, %dma_wait3A_1817] : memref<2x512x32xf32, #tpu.memory_space<vmem>> -> memref<1x128x32xf32, #tpu.memory_space<vmem>>
      %dma_wait3A_1819 = tpu.memref_squeeze %dma_wait3A_1818 : memref<1x128x32xf32, #tpu.memory_space<vmem>> -> memref<128x32xf32, #tpu.memory_space<vmem>>
      %dma_wait3A_1820 = arith.constant 0 : i32
      %dma_wait3A_1821 = tpu.memref_slice %arg5[%dma_wait3A_1812, %dma_wait3A_1813, %dma_wait3A_1820] : memref<2x4x128xi32, #tpu.memory_space<vmem>> -> memref<1x1x128xi32, #tpu.memory_space<vmem>>
      %dma_wait3A_1822 = tpu.memref_squeeze %dma_wait3A_1821 : memref<1x1x128xi32, #tpu.memory_space<vmem>> -> memref<128xi32, #tpu.memory_space<vmem>>
      %dma_wait3A_1823 = arith.constant 0 : i32
      %dma_wait3A_1824 = arith.constant 0 : i32
      %dma_wait3A_1825 = tpu.memref_slice %arg2[%dma_wait3A_1823, %dma_wait3A_1824] : memref<1000000x32xf32, #tpu.memory_space<hbm>> -> memref<1000000x32xf32, #tpu.memory_space<hbm>>
      %dma_wait3A_1826 = tpu.memref_slice %arg8[%dma_wait3A_1815] : memref<2x!tpu.dma_semaphore, #tpu.memory_space<semaphore_mem>> -> memref<1x!tpu.dma_semaphore, #tpu.memory_space<semaphore_mem>>
      %dma_wait3A_1827 = tpu.memref_squeeze %dma_wait3A_1826 : memref<1x!tpu.dma_semaphore, #tpu.memory_space<semaphore_mem>> -> memref<!tpu.dma_semaphore, #tpu.memory_space<semaphore_mem>>
      tpu.wait_indirect_dma semaphore(%dma_wait3A_1827 : memref<!tpu.dma_semaphore, #tpu.memory_space<semaphore_mem>>) src(%dma_wait3A_1825 : memref<1000000x32xf32, #tpu.memory_space<hbm>>) dst(%dma_wait3A_1819 : memref<128x32xf32, #tpu.memory_space<vmem>>)
      %dma_wait3A_1828 = arith.constant 1 : i32
      %dma_wait3A_1829 = arith.constant 3 : i32
      %dma_wait3A_1830 = arith.constant 1 : i32
      %dma_wait3A_1831 = arith.constant 1 : i32
      %dma_wait3A_1832 = arith.constant 384 : i32
      %dma_wait3A_1833 = arith.constant 0 : i32
      %dma_wait3A_1834 = tpu.memref_slice %arg6[%dma_wait3A_1830, %dma_wait3A_1832, %dma_wait3A_1833] : memref<2x512x32xf32, #tpu.memory_space<vmem>> -> memref<1x128x32xf32, #tpu.memory_space<vmem>>
      %dma_wait3A_1835 = tpu.memref_squeeze %dma_wait3A_1834 : memref<1x128x32xf32, #tpu.memory_space<vmem>> -> memref<128x32xf32, #tpu.memory_space<vmem>>
      %dma_wait3A_1836 = arith.constant 0 : i32
      %dma_wait3A_1837 = tpu.memref_slice %arg5[%dma_wait3A_1828, %dma_wait3A_1829, %dma_wait3A_1836] : memref<2x4x128xi32, #tpu.memory_space<vmem>> -> memref<1x1x128xi32, #tpu.memory_space<vmem>>
      %dma_wait3A_1838 = tpu.memref_squeeze %dma_wait3A_1837 : memref<1x1x128xi32, #tpu.memory_space<vmem>> -> memref<128xi32, #tpu.memory_space<vmem>>
      %dma_wait3A_1839 = arith.constant 0 : i32
      %dma_wait3A_1840 = arith.constant 0 : i32
      %dma_wait3A_1841 = tpu.memref_slice %arg2[%dma_wait3A_1839, %dma_wait3A_1840] : memref<1000000x32xf32, #tpu.memory_space<hbm>> -> memref<1000000x32xf32, #tpu.memory_space<hbm>>
      %dma_wait3A_1842 = tpu.memref_slice %arg8[%dma_wait3A_1831] : memref<2x!tpu.dma_semaphore, #tpu.memory_space<semaphore_mem>> -> memref<1x!tpu.dma_semaphore, #tpu.memory_space<semaphore_mem>>
      %dma_wait3A_1843 = tpu.memref_squeeze %dma_wait3A_1842 : memref<1x!tpu.dma_semaphore, #tpu.memory_space<semaphore_mem>> -> memref<!tpu.dma_semaphore, #tpu.memory_space<semaphore_mem>>
      tpu.wait_indirect_dma semaphore(%dma_wait3A_1843 : memref<!tpu.dma_semaphore, #tpu.memory_space<semaphore_mem>>) src(%dma_wait3A_1841 : memref<1000000x32xf32, #tpu.memory_space<hbm>>) dst(%dma_wait3A_1835 : memref<128x32xf32, #tpu.memory_space<vmem>>)
      %add3A_1844 = arith.constant 1 : i32
      %add3A_1845 = arith.addi %add3A_1779, %add3A_1844 : i32
      %add3A_1846 = arith.constant 50 : i32
      %add3A_1847 = arith.addi %mul3A_52, %add3A_1846 : i32
      %lt3A_1848 = arith.cmpi slt, %add3A_1845, %add3A_1847 : i32
      %convert_element_type3A_1849 = arith.extui %lt3A_1848 : i1 to i32
      %cond3A_1850 = arith.constant 0 : i32
      %cond3A_1851 = arith.cmpi ne, %convert_element_type3A_1849, %cond3A_1850 : i32
      scf.if %cond3A_1851 {
        %add3A_2367 = arith.constant 1 : i32
        %add3A_2368 = arith.addi %add3A_1779, %add3A_2367 : i32
        %jit3A_2369 = arith.constant 32 : i32
        %div3A_2370 = arith.divsi %add3A_2368, %jit3A_2369 : i32
        %sign3A_2371 = arith.constant 0 : i32
        %sign3A_2372 = arith.cmpi sgt, %add3A_2368, %sign3A_2371 : i32
        %sign3A_2373 = arith.extui %sign3A_2372 : i1 to i32
        %sign3A_2374 = arith.constant 0 : i32
        %sign3A_2375 = arith.cmpi slt, %add3A_2368, %sign3A_2374 : i32
        %sign3A_2376 = arith.extui %sign3A_2375 : i1 to i32
        %sign3A_2377 = arith.subi %sign3A_2373, %sign3A_2376 : i32
        %sign3A_2378 = arith.constant 0 : i32
        %sign3A_2379 = arith.cmpi sgt, %jit3A_2369, %sign3A_2378 : i32
        %sign3A_2380 = arith.extui %sign3A_2379 : i1 to i32
        %sign3A_2381 = arith.constant 0 : i32
        %sign3A_2382 = arith.cmpi slt, %jit3A_2369, %sign3A_2381 : i32
        %sign3A_2383 = arith.extui %sign3A_2382 : i1 to i32
        %sign3A_2384 = arith.subi %sign3A_2380, %sign3A_2383 : i32
        %ne3A_2385 = arith.cmpi ne, %sign3A_2377, %sign3A_2384 : i32
        %rem3A_2386 = arith.remsi %add3A_2368, %jit3A_2369 : i32
        %ne3A_2387 = arith.constant 0 : i32
        %ne3A_2388 = arith.cmpi ne, %rem3A_2386, %ne3A_2387 : i32
        %and3A_2389 = arith.andi %ne3A_2385, %ne3A_2388 : i1
        %sub3A_2390 = arith.constant 1 : i32
        %sub3A_2391 = arith.subi %div3A_2370, %sub3A_2390 : i32
        %select_n3A_2392 = arith.select %and3A_2389, %sub3A_2391, %div3A_2370 : i32
        %jit3A_2393 = arith.constant 32 : i32
        %eq3A_2394 = arith.constant 0 : i32
        %eq3A_2395 = arith.cmpi eq, %jit3A_2393, %eq3A_2394 : i32
        %jit3A_2396 = arith.constant 1 : i32
        %select_n3A_2397 = arith.select %eq3A_2395, %jit3A_2396, %jit3A_2393 : i32
        %rem3A_2398 = arith.remsi %add3A_2368, %select_n3A_2397 : i32
        %ne3A_2399 = arith.constant 0 : i32
        %ne3A_2400 = arith.cmpi ne, %rem3A_2398, %ne3A_2399 : i32
        %lt3A_2401 = arith.constant 0 : i32
        %lt3A_2402 = arith.cmpi slt, %rem3A_2398, %lt3A_2401 : i32
        %lt3A_2403 = arith.constant 0 : i32
        %lt3A_2404 = arith.cmpi slt, %select_n3A_2397, %lt3A_2403 : i32
        %ne3A_2405 = arith.xori %lt3A_2402, %lt3A_2404 : i1
        %and3A_2406 = arith.andi %ne3A_2405, %ne3A_2400 : i1
        %add3A_2407 = arith.addi %rem3A_2398, %select_n3A_2397 : i32
        %select_n3A_2408 = arith.select %and3A_2406, %add3A_2407, %rem3A_2398 : i32
        %mul3A_2409 = arith.constant 4 : i32
        %mul3A_2410 = arith.muli %select_n3A_2408, %mul3A_2409 : i32
        %run_scoped3A_2411 = arith.constant 0 : i32
        "tpu.region"() ({
          %run_scoped3A_2476 = tpu.sem_alloc : memref<!tpu.dma_semaphore, #tpu.memory_space<semaphore_mem>>
          %dma_start3A_2477 = arith.constant 0 : i32
          %dma_start3A_2478 = arith.constant 0 : i32
          %dma_start3A_2479 = tpu.memref_slice %arg5[%run_scoped3A_2411, %dma_start3A_2477, %dma_start3A_2478] : memref<2x4x128xi32, #tpu.memory_space<vmem>> -> memref<1x4x128xi32, #tpu.memory_space<vmem>>
          %dma_start3A_2480 = tpu.memref_squeeze %dma_start3A_2479 : memref<1x4x128xi32, #tpu.memory_space<vmem>> -> memref<4x128xi32, #tpu.memory_space<vmem>>
          %dma_start3A_2481 = arith.constant 0 : i32
          %dma_start3A_2482 = tpu.memref_slice %arg3[%select_n3A_2392, %mul3A_2410, %dma_start3A_2481] : memref<50x128x128xi32, #tpu.memory_space<hbm>> -> memref<1x4x128xi32, #tpu.memory_space<hbm>>
          %dma_start3A_2483 = tpu.memref_squeeze %dma_start3A_2482 : memref<1x4x128xi32, #tpu.memory_space<hbm>> -> memref<4x128xi32, #tpu.memory_space<hbm>>
          %dma_start3A_2484 = arith.constant 0 : i32
          %dma_start3A_2485 = arith.constant 0 : i32
          %dma_start3A_2486 = tpu.memref_slice %arg5[%run_scoped3A_2411, %dma_start3A_2484, %dma_start3A_2485] : memref<2x4x128xi32, #tpu.memory_space<vmem>> -> memref<1x4x128xi32, #tpu.memory_space<vmem>>
          %dma_start3A_2487 = tpu.memref_squeeze %dma_start3A_2486 : memref<1x4x128xi32, #tpu.memory_space<vmem>> -> memref<4x128xi32, #tpu.memory_space<vmem>>
          %dma_start3A_2488 = arith.constant 0 : i32
          %dma_start3A_2489 = tpu.memref_slice %arg3[%select_n3A_2392, %mul3A_2410, %dma_start3A_2488] : memref<50x128x128xi32, #tpu.memory_space<hbm>> -> memref<1x4x128xi32, #tpu.memory_space<hbm>>
          %dma_start3A_2490 = tpu.memref_squeeze %dma_start3A_2489 : memref<1x4x128xi32, #tpu.memory_space<hbm>> -> memref<4x128xi32, #tpu.memory_space<hbm>>
          tpu.enqueue_dma source(%dma_start3A_2490 : memref<4x128xi32, #tpu.memory_space<hbm>>) target(%dma_start3A_2487 : memref<4x128xi32, #tpu.memory_space<vmem>>) target_semaphore(%run_scoped3A_2476 : memref<!tpu.dma_semaphore, #tpu.memory_space<semaphore_mem>>)
          %dma_wait3A_2491 = arith.constant 0 : i32
          %dma_wait3A_2492 = arith.constant 0 : i32
          %dma_wait3A_2493 = tpu.memref_slice %arg5[%run_scoped3A_2411, %dma_wait3A_2491, %dma_wait3A_2492] : memref<2x4x128xi32, #tpu.memory_space<vmem>> -> memref<1x4x128xi32, #tpu.memory_space<vmem>>
          %dma_wait3A_2494 = tpu.memref_squeeze %dma_wait3A_2493 : memref<1x4x128xi32, #tpu.memory_space<vmem>> -> memref<4x128xi32, #tpu.memory_space<vmem>>
          %dma_wait3A_2495 = arith.constant 0 : i32
          %dma_wait3A_2496 = tpu.memref_slice %arg3[%select_n3A_2392, %mul3A_2410, %dma_wait3A_2495] : memref<50x128x128xi32, #tpu.memory_space<hbm>> -> memref<1x4x128xi32, #tpu.memory_space<hbm>>
          %dma_wait3A_2497 = tpu.memref_squeeze %dma_wait3A_2496 : memref<1x4x128xi32, #tpu.memory_space<hbm>> -> memref<4x128xi32, #tpu.memory_space<hbm>>
          %dma_wait3A_2498 = arith.constant 0 : i32
          %dma_wait3A_2499 = arith.constant 0 : i32
          %dma_wait3A_2500 = tpu.memref_slice %arg5[%run_scoped3A_2411, %dma_wait3A_2498, %dma_wait3A_2499] : memref<2x4x128xi32, #tpu.memory_space<vmem>> -> memref<1x4x128xi32, #tpu.memory_space<vmem>>
          %dma_wait3A_2501 = tpu.memref_squeeze %dma_wait3A_2500 : memref<1x4x128xi32, #tpu.memory_space<vmem>> -> memref<4x128xi32, #tpu.memory_space<vmem>>
          %dma_wait3A_2502 = arith.constant 0 : i32
          %dma_wait3A_2503 = tpu.memref_slice %arg3[%select_n3A_2392, %mul3A_2410, %dma_wait3A_2502] : memref<50x128x128xi32, #tpu.memory_space<hbm>> -> memref<1x4x128xi32, #tpu.memory_space<hbm>>
          %dma_wait3A_2504 = tpu.memref_squeeze %dma_wait3A_2503 : memref<1x4x128xi32, #tpu.memory_space<hbm>> -> memref<4x128xi32, #tpu.memory_space<hbm>>
          tpu.wait_dma2 semaphore(%run_scoped3A_2476 : memref<!tpu.dma_semaphore, #tpu.memory_space<semaphore_mem>>) src(%dma_wait3A_2504 : memref<4x128xi32, #tpu.memory_space<hbm>>) dst(%dma_wait3A_2501 : memref<4x128xi32, #tpu.memory_space<vmem>>)
          tpu.yield
        }) : () -> ()
        %dma_start3A_2412 = arith.constant 0 : i32
        %dma_start3A_2413 = arith.constant 0 : i32
        %dma_start3A_2414 = arith.constant 0 : i32
        %dma_start3A_2415 = arith.constant 0 : i32
        %dma_start3A_2416 = arith.constant 0 : i32
        %dma_start3A_2417 = arith.constant 0 : i32
        %dma_start3A_2418 = tpu.memref_slice %arg6[%dma_start3A_2414, %dma_start3A_2416, %dma_start3A_2417] : memref<2x512x32xf32, #tpu.memory_space<vmem>> -> memref<1x128x32xf32, #tpu.memory_space<vmem>>
        %dma_start3A_2419 = tpu.memref_squeeze %dma_start3A_2418 : memref<1x128x32xf32, #tpu.memory_space<vmem>> -> memref<128x32xf32, #tpu.memory_space<vmem>>
        %dma_start3A_2420 = arith.constant 0 : i32
        %dma_start3A_2421 = tpu.memref_slice %arg5[%dma_start3A_2412, %dma_start3A_2413, %dma_start3A_2420] : memref<2x4x128xi32, #tpu.memory_space<vmem>> -> memref<1x1x128xi32, #tpu.memory_space<vmem>>
        %dma_start3A_2422 = tpu.memref_squeeze %dma_start3A_2421 : memref<1x1x128xi32, #tpu.memory_space<vmem>> -> memref<128xi32, #tpu.memory_space<vmem>>
        %dma_start3A_2423 = arith.constant 0 : i32
        %dma_start3A_2424 = arith.constant 0 : i32
        %dma_start3A_2425 = tpu.memref_slice %arg2[%dma_start3A_2423, %dma_start3A_2424] : memref<1000000x32xf32, #tpu.memory_space<hbm>> -> memref<1000000x32xf32, #tpu.memory_space<hbm>>
        %dma_start3A_2426 = tpu.memref_slice %arg8[%dma_start3A_2415] : memref<2x!tpu.dma_semaphore, #tpu.memory_space<semaphore_mem>> -> memref<1x!tpu.dma_semaphore, #tpu.memory_space<semaphore_mem>>
        %dma_start3A_2427 = tpu.memref_squeeze %dma_start3A_2426 : memref<1x!tpu.dma_semaphore, #tpu.memory_space<semaphore_mem>> -> memref<!tpu.dma_semaphore, #tpu.memory_space<semaphore_mem>>
        tpu.enqueue_indirect_dma source(%dma_start3A_2425 : memref<1000000x32xf32, #tpu.memory_space<hbm>>) target(%dma_start3A_2419 : memref<128x32xf32, #tpu.memory_space<vmem>>) offsets(%dma_start3A_2422 : memref<128xi32, #tpu.memory_space<vmem>>) semaphore(%dma_start3A_2427 : memref<!tpu.dma_semaphore, #tpu.memory_space<semaphore_mem>>)
        %dma_start3A_2428 = arith.constant 0 : i32
        %dma_start3A_2429 = arith.constant 1 : i32
        %dma_start3A_2430 = arith.constant 0 : i32
        %dma_start3A_2431 = arith.constant 0 : i32
        %dma_start3A_2432 = arith.constant 128 : i32
        %dma_start3A_2433 = arith.constant 0 : i32
        %dma_start3A_2434 = tpu.memref_slice %arg6[%dma_start3A_2430, %dma_start3A_2432, %dma_start3A_2433] : memref<2x512x32xf32, #tpu.memory_space<vmem>> -> memref<1x128x32xf32, #tpu.memory_space<vmem>>
        %dma_start3A_2435 = tpu.memref_squeeze %dma_start3A_2434 : memref<1x128x32xf32, #tpu.memory_space<vmem>> -> memref<128x32xf32, #tpu.memory_space<vmem>>
        %dma_start3A_2436 = arith.constant 0 : i32
        %dma_start3A_2437 = tpu.memref_slice %arg5[%dma_start3A_2428, %dma_start3A_2429, %dma_start3A_2436] : memref<2x4x128xi32, #tpu.memory_space<vmem>> -> memref<1x1x128xi32, #tpu.memory_space<vmem>>
        %dma_start3A_2438 = tpu.memref_squeeze %dma_start3A_2437 : memref<1x1x128xi32, #tpu.memory_space<vmem>> -> memref<128xi32, #tpu.memory_space<vmem>>
        %dma_start3A_2439 = arith.constant 0 : i32
        %dma_start3A_2440 = arith.constant 0 : i32
        %dma_start3A_2441 = tpu.memref_slice %arg2[%dma_start3A_2439, %dma_start3A_2440] : memref<1000000x32xf32, #tpu.memory_space<hbm>> -> memref<1000000x32xf32, #tpu.memory_space<hbm>>
        %dma_start3A_2442 = tpu.memref_slice %arg8[%dma_start3A_2431] : memref<2x!tpu.dma_semaphore, #tpu.memory_space<semaphore_mem>> -> memref<1x!tpu.dma_semaphore, #tpu.memory_space<semaphore_mem>>
        %dma_start3A_2443 = tpu.memref_squeeze %dma_start3A_2442 : memref<1x!tpu.dma_semaphore, #tpu.memory_space<semaphore_mem>> -> memref<!tpu.dma_semaphore, #tpu.memory_space<semaphore_mem>>
        tpu.enqueue_indirect_dma source(%dma_start3A_2441 : memref<1000000x32xf32, #tpu.memory_space<hbm>>) target(%dma_start3A_2435 : memref<128x32xf32, #tpu.memory_space<vmem>>) offsets(%dma_start3A_2438 : memref<128xi32, #tpu.memory_space<vmem>>) semaphore(%dma_start3A_2443 : memref<!tpu.dma_semaphore, #tpu.memory_space<semaphore_mem>>)
        %dma_start3A_2444 = arith.constant 0 : i32
        %dma_start3A_2445 = arith.constant 2 : i32
        %dma_start3A_2446 = arith.constant 0 : i32
        %dma_start3A_2447 = arith.constant 0 : i32
        %dma_start3A_2448 = arith.constant 256 : i32
        %dma_start3A_2449 = arith.constant 0 : i32
        %dma_start3A_2450 = tpu.memref_slice %arg6[%dma_start3A_2446, %dma_start3A_2448, %dma_start3A_2449] : memref<2x512x32xf32, #tpu.memory_space<vmem>> -> memref<1x128x32xf32, #tpu.memory_space<vmem>>
        %dma_start3A_2451 = tpu.memref_squeeze %dma_start3A_2450 : memref<1x128x32xf32, #tpu.memory_space<vmem>> -> memref<128x32xf32, #tpu.memory_space<vmem>>
        %dma_start3A_2452 = arith.constant 0 : i32
        %dma_start3A_2453 = tpu.memref_slice %arg5[%dma_start3A_2444, %dma_start3A_2445, %dma_start3A_2452] : memref<2x4x128xi32, #tpu.memory_space<vmem>> -> memref<1x1x128xi32, #tpu.memory_space<vmem>>
        %dma_start3A_2454 = tpu.memref_squeeze %dma_start3A_2453 : memref<1x1x128xi32, #tpu.memory_space<vmem>> -> memref<128xi32, #tpu.memory_space<vmem>>
        %dma_start3A_2455 = arith.constant 0 : i32
        %dma_start3A_2456 = arith.constant 0 : i32
        %dma_start3A_2457 = tpu.memref_slice %arg2[%dma_start3A_2455, %dma_start3A_2456] : memref<1000000x32xf32, #tpu.memory_space<hbm>> -> memref<1000000x32xf32, #tpu.memory_space<hbm>>
        %dma_start3A_2458 = tpu.memref_slice %arg8[%dma_start3A_2447] : memref<2x!tpu.dma_semaphore, #tpu.memory_space<semaphore_mem>> -> memref<1x!tpu.dma_semaphore, #tpu.memory_space<semaphore_mem>>
        %dma_start3A_2459 = tpu.memref_squeeze %dma_start3A_2458 : memref<1x!tpu.dma_semaphore, #tpu.memory_space<semaphore_mem>> -> memref<!tpu.dma_semaphore, #tpu.memory_space<semaphore_mem>>
        tpu.enqueue_indirect_dma source(%dma_start3A_2457 : memref<1000000x32xf32, #tpu.memory_space<hbm>>) target(%dma_start3A_2451 : memref<128x32xf32, #tpu.memory_space<vmem>>) offsets(%dma_start3A_2454 : memref<128xi32, #tpu.memory_space<vmem>>) semaphore(%dma_start3A_2459 : memref<!tpu.dma_semaphore, #tpu.memory_space<semaphore_mem>>)
        %dma_start3A_2460 = arith.constant 0 : i32
        %dma_start3A_2461 = arith.constant 3 : i32
        %dma_start3A_2462 = arith.constant 0 : i32
        %dma_start3A_2463 = arith.constant 0 : i32
        %dma_start3A_2464 = arith.constant 384 : i32
        %dma_start3A_2465 = arith.constant 0 : i32
        %dma_start3A_2466 = tpu.memref_slice %arg6[%dma_start3A_2462, %dma_start3A_2464, %dma_start3A_2465] : memref<2x512x32xf32, #tpu.memory_space<vmem>> -> memref<1x128x32xf32, #tpu.memory_space<vmem>>
        %dma_start3A_2467 = tpu.memref_squeeze %dma_start3A_2466 : memref<1x128x32xf32, #tpu.memory_space<vmem>> -> memref<128x32xf32, #tpu.memory_space<vmem>>
        %dma_start3A_2468 = arith.constant 0 : i32
        %dma_start3A_2469 = tpu.memref_slice %arg5[%dma_start3A_2460, %dma_start3A_2461, %dma_start3A_2468] : memref<2x4x128xi32, #tpu.memory_space<vmem>> -> memref<1x1x128xi32, #tpu.memory_space<vmem>>
        %dma_start3A_2470 = tpu.memref_squeeze %dma_start3A_2469 : memref<1x1x128xi32, #tpu.memory_space<vmem>> -> memref<128xi32, #tpu.memory_space<vmem>>
        %dma_start3A_2471 = arith.constant 0 : i32
        %dma_start3A_2472 = arith.constant 0 : i32
        %dma_start3A_2473 = tpu.memref_slice %arg2[%dma_start3A_2471, %dma_start3A_2472] : memref<1000000x32xf32, #tpu.memory_space<hbm>> -> memref<1000000x32xf32, #tpu.memory_space<hbm>>
        %dma_start3A_2474 = tpu.memref_slice %arg8[%dma_start3A_2463] : memref<2x!tpu.dma_semaphore, #tpu.memory_space<semaphore_mem>> -> memref<1x!tpu.dma_semaphore, #tpu.memory_space<semaphore_mem>>
        %dma_start3A_2475 = tpu.memref_squeeze %dma_start3A_2474 : memref<1x!tpu.dma_semaphore, #tpu.memory_space<semaphore_mem>> -> memref<!tpu.dma_semaphore, #tpu.memory_space<semaphore_mem>>
        tpu.enqueue_indirect_dma source(%dma_start3A_2473 : memref<1000000x32xf32, #tpu.memory_space<hbm>>) target(%dma_start3A_2467 : memref<128x32xf32, #tpu.memory_space<vmem>>) offsets(%dma_start3A_2470 : memref<128xi32, #tpu.memory_space<vmem>>) semaphore(%dma_start3A_2475 : memref<!tpu.dma_semaphore, #tpu.memory_space<semaphore_mem>>)
      } else {
      }
      %sub3A_1852 = arith.constant 2 : i32
      %sub3A_1853 = arith.subi %add3A_1779, %sub3A_1852 : i32
      %ge3A_1854 = arith.cmpi sge, %sub3A_1853, %mul3A_52 : i32
      %convert_element_type3A_1855 = arith.extui %ge3A_1854 : i1 to i32
      %cond3A_1856 = arith.constant 0 : i32
      %cond3A_1857 = arith.cmpi ne, %convert_element_type3A_1855, %cond3A_1856 : i32
      scf.if %cond3A_1857 {
        %sub3A_2367 = arith.constant 2 : i32
        %sub3A_2368 = arith.subi %add3A_1779, %sub3A_2367 : i32
        %jit3A_2369 = arith.constant 32 : i32
        %div3A_2370 = arith.divsi %sub3A_2368, %jit3A_2369 : i32
        %sign3A_2371 = arith.constant 0 : i32
        %sign3A_2372 = arith.cmpi sgt, %sub3A_2368, %sign3A_2371 : i32
        %sign3A_2373 = arith.extui %sign3A_2372 : i1 to i32
        %sign3A_2374 = arith.constant 0 : i32
        %sign3A_2375 = arith.cmpi slt, %sub3A_2368, %sign3A_2374 : i32
        %sign3A_2376 = arith.extui %sign3A_2375 : i1 to i32
        %sign3A_2377 = arith.subi %sign3A_2373, %sign3A_2376 : i32
        %sign3A_2378 = arith.constant 0 : i32
        %sign3A_2379 = arith.cmpi sgt, %jit3A_2369, %sign3A_2378 : i32
        %sign3A_2380 = arith.extui %sign3A_2379 : i1 to i32
        %sign3A_2381 = arith.constant 0 : i32
        %sign3A_2382 = arith.cmpi slt, %jit3A_2369, %sign3A_2381 : i32
        %sign3A_2383 = arith.extui %sign3A_2382 : i1 to i32
        %sign3A_2384 = arith.subi %sign3A_2380, %sign3A_2383 : i32
        %ne3A_2385 = arith.cmpi ne, %sign3A_2377, %sign3A_2384 : i32
        %rem3A_2386 = arith.remsi %sub3A_2368, %jit3A_2369 : i32
        %ne3A_2387 = arith.constant 0 : i32
        %ne3A_2388 = arith.cmpi ne, %rem3A_2386, %ne3A_2387 : i32
        %and3A_2389 = arith.andi %ne3A_2385, %ne3A_2388 : i1
        %sub3A_2390 = arith.constant 1 : i32
        %sub3A_2391 = arith.subi %div3A_2370, %sub3A_2390 : i32
        %select_n3A_2392 = arith.select %and3A_2389, %sub3A_2391, %div3A_2370 : i32
        %jit3A_2393 = arith.constant 32 : i32
        %eq3A_2394 = arith.constant 0 : i32
        %eq3A_2395 = arith.cmpi eq, %jit3A_2393, %eq3A_2394 : i32
        %jit3A_2396 = arith.constant 1 : i32
        %select_n3A_2397 = arith.select %eq3A_2395, %jit3A_2396, %jit3A_2393 : i32
        %rem3A_2398 = arith.remsi %sub3A_2368, %select_n3A_2397 : i32
        %ne3A_2399 = arith.constant 0 : i32
        %ne3A_2400 = arith.cmpi ne, %rem3A_2398, %ne3A_2399 : i32
        %lt3A_2401 = arith.constant 0 : i32
        %lt3A_2402 = arith.cmpi slt, %rem3A_2398, %lt3A_2401 : i32
        %lt3A_2403 = arith.constant 0 : i32
        %lt3A_2404 = arith.cmpi slt, %select_n3A_2397, %lt3A_2403 : i32
        %ne3A_2405 = arith.xori %lt3A_2402, %lt3A_2404 : i1
        %and3A_2406 = arith.andi %ne3A_2405, %ne3A_2400 : i1
        %add3A_2407 = arith.addi %rem3A_2398, %select_n3A_2397 : i32
        %select_n3A_2408 = arith.select %and3A_2406, %add3A_2407, %rem3A_2398 : i32
        %mul3A_2409 = arith.constant 4 : i32
        %mul3A_2410 = arith.muli %select_n3A_2408, %mul3A_2409 : i32
        %mul3A_2411 = arith.constant 4 : i32
        %mul3A_2412 = arith.muli %select_n3A_2392, %mul3A_2411 : i32
        %add3A_2413 = arith.constant 0 : i32
        %add3A_2414 = arith.addi %mul3A_2412, %add3A_2413 : i32
        %mul3A_2415 = arith.constant 128 : i32
        %mul3A_2416 = arith.muli %add3A_2414, %mul3A_2415 : i32
        %add3A_2417 = arith.addi %mul3A_2416, %mul3A_2410 : i32
        %add3A_2418 = arith.constant 0 : i32
        %add3A_2419 = arith.addi %add3A_2417, %add3A_2418 : i32
        %mul3A_2420 = arith.constant 4 : i32
        %mul3A_2421 = arith.muli %select_n3A_2392, %mul3A_2420 : i32
        %add3A_2422 = arith.constant 0 : i32
        %add3A_2423 = arith.addi %mul3A_2421, %add3A_2422 : i32
        %mul3A_2424 = arith.constant 128 : i32
        %mul3A_2425 = arith.muli %add3A_2423, %mul3A_2424 : i32
        %add3A_2426 = arith.addi %mul3A_2425, %mul3A_2410 : i32
        %add3A_2427 = arith.constant 1 : i32
        %add3A_2428 = arith.addi %add3A_2426, %add3A_2427 : i32
        %mul3A_2429 = arith.constant 4 : i32
        %mul3A_2430 = arith.muli %select_n3A_2392, %mul3A_2429 : i32
        %add3A_2431 = arith.constant 0 : i32
        %add3A_2432 = arith.addi %mul3A_2430, %add3A_2431 : i32
        %mul3A_2433 = arith.constant 128 : i32
        %mul3A_2434 = arith.muli %add3A_2432, %mul3A_2433 : i32
        %add3A_2435 = arith.addi %mul3A_2434, %mul3A_2410 : i32
        %add3A_2436 = arith.constant 2 : i32
        %add3A_2437 = arith.addi %add3A_2435, %add3A_2436 : i32
        %mul3A_2438 = arith.constant 4 : i32
        %mul3A_2439 = arith.muli %select_n3A_2392, %mul3A_2438 : i32
        %add3A_2440 = arith.constant 0 : i32
        %add3A_2441 = arith.addi %mul3A_2439, %add3A_2440 : i32
        %mul3A_2442 = arith.constant 128 : i32
        %mul3A_2443 = arith.muli %add3A_2441, %mul3A_2442 : i32
        %add3A_2444 = arith.addi %mul3A_2443, %mul3A_2410 : i32
        %add3A_2445 = arith.constant 3 : i32
        %add3A_2446 = arith.addi %add3A_2444, %add3A_2445 : i32
        %mul3A_2447 = arith.constant 4 : i32
        %mul3A_2448 = arith.muli %select_n3A_2392, %mul3A_2447 : i32
        %add3A_2449 = arith.constant 1 : i32
        %add3A_2450 = arith.addi %mul3A_2448, %add3A_2449 : i32
        %mul3A_2451 = arith.constant 128 : i32
        %mul3A_2452 = arith.muli %add3A_2450, %mul3A_2451 : i32
        %add3A_2453 = arith.addi %mul3A_2452, %mul3A_2410 : i32
        %add3A_2454 = arith.constant 0 : i32
        %add3A_2455 = arith.addi %add3A_2453, %add3A_2454 : i32
        %mul3A_2456 = arith.constant 4 : i32
        %mul3A_2457 = arith.muli %select_n3A_2392, %mul3A_2456 : i32
        %add3A_2458 = arith.constant 1 : i32
        %add3A_2459 = arith.addi %mul3A_2457, %add3A_2458 : i32
        %mul3A_2460 = arith.constant 128 : i32
        %mul3A_2461 = arith.muli %add3A_2459, %mul3A_2460 : i32
        %add3A_2462 = arith.addi %mul3A_2461, %mul3A_2410 : i32
        %add3A_2463 = arith.constant 1 : i32
        %add3A_2464 = arith.addi %add3A_2462, %add3A_2463 : i32
        %mul3A_2465 = arith.constant 4 : i32
        %mul3A_2466 = arith.muli %select_n3A_2392, %mul3A_2465 : i32
        %add3A_2467 = arith.constant 1 : i32
        %add3A_2468 = arith.addi %mul3A_2466, %add3A_2467 : i32
        %mul3A_2469 = arith.constant 128 : i32
        %mul3A_2470 = arith.muli %add3A_2468, %mul3A_2469 : i32
        %add3A_2471 = arith.addi %mul3A_2470, %mul3A_2410 : i32
        %add3A_2472 = arith.constant 2 : i32
        %add3A_2473 = arith.addi %add3A_2471, %add3A_2472 : i32
        %mul3A_2474 = arith.constant 4 : i32
        %mul3A_2475 = arith.muli %select_n3A_2392, %mul3A_2474 : i32
        %add3A_2476 = arith.constant 1 : i32
        %add3A_2477 = arith.addi %mul3A_2475, %add3A_2476 : i32
        %mul3A_2478 = arith.constant 128 : i32
        %mul3A_2479 = arith.muli %add3A_2477, %mul3A_2478 : i32
        %add3A_2480 = arith.addi %mul3A_2479, %mul3A_2410 : i32
        %add3A_2481 = arith.constant 3 : i32
        %add3A_2482 = arith.addi %add3A_2480, %add3A_2481 : i32
        %mul3A_2483 = arith.constant 4 : i32
        %mul3A_2484 = arith.muli %select_n3A_2392, %mul3A_2483 : i32
        %add3A_2485 = arith.constant 2 : i32
        %add3A_2486 = arith.addi %mul3A_2484, %add3A_2485 : i32
        %mul3A_2487 = arith.constant 128 : i32
        %mul3A_2488 = arith.muli %add3A_2486, %mul3A_2487 : i32
        %add3A_2489 = arith.addi %mul3A_2488, %mul3A_2410 : i32
        %add3A_2490 = arith.constant 0 : i32
        %add3A_2491 = arith.addi %add3A_2489, %add3A_2490 : i32
        %mul3A_2492 = arith.constant 4 : i32
        %mul3A_2493 = arith.muli %select_n3A_2392, %mul3A_2492 : i32
        %add3A_2494 = arith.constant 2 : i32
        %add3A_2495 = arith.addi %mul3A_2493, %add3A_2494 : i32
        %mul3A_2496 = arith.constant 128 : i32
        %mul3A_2497 = arith.muli %add3A_2495, %mul3A_2496 : i32
        %add3A_2498 = arith.addi %mul3A_2497, %mul3A_2410 : i32
        %add3A_2499 = arith.constant 1 : i32
        %add3A_2500 = arith.addi %add3A_2498, %add3A_2499 : i32
        %mul3A_2501 = arith.constant 4 : i32
        %mul3A_2502 = arith.muli %select_n3A_2392, %mul3A_2501 : i32
        %add3A_2503 = arith.constant 2 : i32
        %add3A_2504 = arith.addi %mul3A_2502, %add3A_2503 : i32
        %mul3A_2505 = arith.constant 128 : i32
        %mul3A_2506 = arith.muli %add3A_2504, %mul3A_2505 : i32
        %add3A_2507 = arith.addi %mul3A_2506, %mul3A_2410 : i32
        %add3A_2508 = arith.constant 2 : i32
        %add3A_2509 = arith.addi %add3A_2507, %add3A_2508 : i32
        %mul3A_2510 = arith.constant 4 : i32
        %mul3A_2511 = arith.muli %select_n3A_2392, %mul3A_2510 : i32
        %add3A_2512 = arith.constant 2 : i32
        %add3A_2513 = arith.addi %mul3A_2511, %add3A_2512 : i32
        %mul3A_2514 = arith.constant 128 : i32
        %mul3A_2515 = arith.muli %add3A_2513, %mul3A_2514 : i32
        %add3A_2516 = arith.addi %mul3A_2515, %mul3A_2410 : i32
        %add3A_2517 = arith.constant 3 : i32
        %add3A_2518 = arith.addi %add3A_2516, %add3A_2517 : i32
        %mul3A_2519 = arith.constant 4 : i32
        %mul3A_2520 = arith.muli %select_n3A_2392, %mul3A_2519 : i32
        %add3A_2521 = arith.constant 3 : i32
        %add3A_2522 = arith.addi %mul3A_2520, %add3A_2521 : i32
        %mul3A_2523 = arith.constant 128 : i32
        %mul3A_2524 = arith.muli %add3A_2522, %mul3A_2523 : i32
        %add3A_2525 = arith.addi %mul3A_2524, %mul3A_2410 : i32
        %add3A_2526 = arith.constant 0 : i32
        %add3A_2527 = arith.addi %add3A_2525, %add3A_2526 : i32
        %mul3A_2528 = arith.constant 4 : i32
        %mul3A_2529 = arith.muli %select_n3A_2392, %mul3A_2528 : i32
        %add3A_2530 = arith.constant 3 : i32
        %add3A_2531 = arith.addi %mul3A_2529, %add3A_2530 : i32
        %mul3A_2532 = arith.constant 128 : i32
        %mul3A_2533 = arith.muli %add3A_2531, %mul3A_2532 : i32
        %add3A_2534 = arith.addi %mul3A_2533, %mul3A_2410 : i32
        %add3A_2535 = arith.constant 1 : i32
        %add3A_2536 = arith.addi %add3A_2534, %add3A_2535 : i32
        %mul3A_2537 = arith.constant 4 : i32
        %mul3A_2538 = arith.muli %select_n3A_2392, %mul3A_2537 : i32
        %add3A_2539 = arith.constant 3 : i32
        %add3A_2540 = arith.addi %mul3A_2538, %add3A_2539 : i32
        %mul3A_2541 = arith.constant 128 : i32
        %mul3A_2542 = arith.muli %add3A_2540, %mul3A_2541 : i32
        %add3A_2543 = arith.addi %mul3A_2542, %mul3A_2410 : i32
        %add3A_2544 = arith.constant 2 : i32
        %add3A_2545 = arith.addi %add3A_2543, %add3A_2544 : i32
        %mul3A_2546 = arith.constant 4 : i32
        %mul3A_2547 = arith.muli %select_n3A_2392, %mul3A_2546 : i32
        %add3A_2548 = arith.constant 3 : i32
        %add3A_2549 = arith.addi %mul3A_2547, %add3A_2548 : i32
        %mul3A_2550 = arith.constant 128 : i32
        %mul3A_2551 = arith.muli %add3A_2549, %mul3A_2550 : i32
        %add3A_2552 = arith.addi %mul3A_2551, %mul3A_2410 : i32
        %add3A_2553 = arith.constant 3 : i32
        %add3A_2554 = arith.addi %add3A_2552, %add3A_2553 : i32
        %dma_wait3A_2555 = arith.constant 1 : i32
        %dma_wait3A_2556 = arith.constant 1 : i32
        %dma_wait3A_2557 = arith.constant 0 : i32
        %dma_wait3A_2558 = arith.constant 0 : i32
        %dma_wait3A_2559 = tpu.memref_slice %arg7[%dma_wait3A_2555, %dma_wait3A_2557, %dma_wait3A_2558] : memref<2x128x129xf32, #tpu.memory_space<vmem>> -> memref<1x8x128xf32, #tpu.memory_space<vmem>>
        %dma_wait3A_2560 = tpu.memref_squeeze %dma_wait3A_2559 : memref<1x8x128xf32, #tpu.memory_space<vmem>> -> memref<8x128xf32, #tpu.memory_space<vmem>>
        %dma_wait3A_2561 = arith.constant 0 : i32
        %dma_wait3A_2562 = arith.constant 0 : i32
        %dma_wait3A_2563 = tpu.memref_slice %arg4[%add3A_2419, %dma_wait3A_2561, %dma_wait3A_2562] : memref<25600x8x128xf32, #tpu.memory_space<hbm>> -> memref<1x8x128xf32, #tpu.memory_space<hbm>>
        %dma_wait3A_2564 = tpu.memref_squeeze %dma_wait3A_2563 : memref<1x8x128xf32, #tpu.memory_space<hbm>> -> memref<8x128xf32, #tpu.memory_space<hbm>>
        %dma_wait3A_2565 = tpu.memref_slice %arg9[%dma_wait3A_2556] : memref<2x!tpu.dma_semaphore, #tpu.memory_space<semaphore_mem>> -> memref<1x!tpu.dma_semaphore, #tpu.memory_space<semaphore_mem>>
        %dma_wait3A_2566 = tpu.memref_squeeze %dma_wait3A_2565 : memref<1x!tpu.dma_semaphore, #tpu.memory_space<semaphore_mem>> -> memref<!tpu.dma_semaphore, #tpu.memory_space<semaphore_mem>>
        %dma_wait3A_2567 = arith.constant 0 : i32
        %dma_wait3A_2568 = arith.constant 0 : i32
        %dma_wait3A_2569 = tpu.memref_slice %arg4[%add3A_2419, %dma_wait3A_2567, %dma_wait3A_2568] : memref<25600x8x128xf32, #tpu.memory_space<hbm>> -> memref<1x8x128xf32, #tpu.memory_space<hbm>>
        %dma_wait3A_2570 = tpu.memref_squeeze %dma_wait3A_2569 : memref<1x8x128xf32, #tpu.memory_space<hbm>> -> memref<8x128xf32, #tpu.memory_space<hbm>>
        %dma_wait3A_2571 = arith.constant 0 : i32
        %dma_wait3A_2572 = arith.constant 0 : i32
        %dma_wait3A_2573 = tpu.memref_slice %arg7[%dma_wait3A_2555, %dma_wait3A_2571, %dma_wait3A_2572] : memref<2x128x129xf32, #tpu.memory_space<vmem>> -> memref<1x8x128xf32, #tpu.memory_space<vmem>>
        %dma_wait3A_2574 = tpu.memref_squeeze %dma_wait3A_2573 : memref<1x8x128xf32, #tpu.memory_space<vmem>> -> memref<8x128xf32, #tpu.memory_space<vmem>>
        tpu.wait_dma2 semaphore(%dma_wait3A_2566 : memref<!tpu.dma_semaphore, #tpu.memory_space<semaphore_mem>>) src(%dma_wait3A_2574 : memref<8x128xf32, #tpu.memory_space<vmem>>) dst(%dma_wait3A_2570 : memref<8x128xf32, #tpu.memory_space<hbm>>)
        %dma_wait3A_2575 = arith.constant 1 : i32
        %dma_wait3A_2576 = arith.constant 1 : i32
        %dma_wait3A_2577 = arith.constant 8 : i32
        %dma_wait3A_2578 = arith.constant 0 : i32
        %dma_wait3A_2579 = tpu.memref_slice %arg7[%dma_wait3A_2575, %dma_wait3A_2577, %dma_wait3A_2578] : memref<2x128x129xf32, #tpu.memory_space<vmem>> -> memref<1x8x128xf32, #tpu.memory_space<vmem>>
        %dma_wait3A_2580 = tpu.memref_squeeze %dma_wait3A_2579 : memref<1x8x128xf32, #tpu.memory_space<vmem>> -> memref<8x128xf32, #tpu.memory_space<vmem>>
        %dma_wait3A_2581 = arith.constant 0 : i32
        %dma_wait3A_2582 = arith.constant 0 : i32
        %dma_wait3A_2583 = tpu.memref_slice %arg4[%add3A_2428, %dma_wait3A_2581, %dma_wait3A_2582] : memref<25600x8x128xf32, #tpu.memory_space<hbm>> -> memref<1x8x128xf32, #tpu.memory_space<hbm>>
        %dma_wait3A_2584 = tpu.memref_squeeze %dma_wait3A_2583 : memref<1x8x128xf32, #tpu.memory_space<hbm>> -> memref<8x128xf32, #tpu.memory_space<hbm>>
        %dma_wait3A_2585 = tpu.memref_slice %arg9[%dma_wait3A_2576] : memref<2x!tpu.dma_semaphore, #tpu.memory_space<semaphore_mem>> -> memref<1x!tpu.dma_semaphore, #tpu.memory_space<semaphore_mem>>
        %dma_wait3A_2586 = tpu.memref_squeeze %dma_wait3A_2585 : memref<1x!tpu.dma_semaphore, #tpu.memory_space<semaphore_mem>> -> memref<!tpu.dma_semaphore, #tpu.memory_space<semaphore_mem>>
        %dma_wait3A_2587 = arith.constant 0 : i32
        %dma_wait3A_2588 = arith.constant 0 : i32
        %dma_wait3A_2589 = tpu.memref_slice %arg4[%add3A_2428, %dma_wait3A_2587, %dma_wait3A_2588] : memref<25600x8x128xf32, #tpu.memory_space<hbm>> -> memref<1x8x128xf32, #tpu.memory_space<hbm>>
        %dma_wait3A_2590 = tpu.memref_squeeze %dma_wait3A_2589 : memref<1x8x128xf32, #tpu.memory_space<hbm>> -> memref<8x128xf32, #tpu.memory_space<hbm>>
        %dma_wait3A_2591 = arith.constant 8 : i32
        %dma_wait3A_2592 = arith.constant 0 : i32
        %dma_wait3A_2593 = tpu.memref_slice %arg7[%dma_wait3A_2575, %dma_wait3A_2591, %dma_wait3A_2592] : memref<2x128x129xf32, #tpu.memory_space<vmem>> -> memref<1x8x128xf32, #tpu.memory_space<vmem>>
        %dma_wait3A_2594 = tpu.memref_squeeze %dma_wait3A_2593 : memref<1x8x128xf32, #tpu.memory_space<vmem>> -> memref<8x128xf32, #tpu.memory_space<vmem>>
        tpu.wait_dma2 semaphore(%dma_wait3A_2586 : memref<!tpu.dma_semaphore, #tpu.memory_space<semaphore_mem>>) src(%dma_wait3A_2594 : memref<8x128xf32, #tpu.memory_space<vmem>>) dst(%dma_wait3A_2590 : memref<8x128xf32, #tpu.memory_space<hbm>>)
        %dma_wait3A_2595 = arith.constant 1 : i32
        %dma_wait3A_2596 = arith.constant 1 : i32
        %dma_wait3A_2597 = arith.constant 16 : i32
        %dma_wait3A_2598 = arith.constant 0 : i32
        %dma_wait3A_2599 = tpu.memref_slice %arg7[%dma_wait3A_2595, %dma_wait3A_2597, %dma_wait3A_2598] : memref<2x128x129xf32, #tpu.memory_space<vmem>> -> memref<1x8x128xf32, #tpu.memory_space<vmem>>
        %dma_wait3A_2600 = tpu.memref_squeeze %dma_wait3A_2599 : memref<1x8x128xf32, #tpu.memory_space<vmem>> -> memref<8x128xf32, #tpu.memory_space<vmem>>
        %dma_wait3A_2601 = arith.constant 0 : i32
        %dma_wait3A_2602 = arith.constant 0 : i32
        %dma_wait3A_2603 = tpu.memref_slice %arg4[%add3A_2437, %dma_wait3A_2601, %dma_wait3A_2602] : memref<25600x8x128xf32, #tpu.memory_space<hbm>> -> memref<1x8x128xf32, #tpu.memory_space<hbm>>
        %dma_wait3A_2604 = tpu.memref_squeeze %dma_wait3A_2603 : memref<1x8x128xf32, #tpu.memory_space<hbm>> -> memref<8x128xf32, #tpu.memory_space<hbm>>
        %dma_wait3A_2605 = tpu.memref_slice %arg9[%dma_wait3A_2596] : memref<2x!tpu.dma_semaphore, #tpu.memory_space<semaphore_mem>> -> memref<1x!tpu.dma_semaphore, #tpu.memory_space<semaphore_mem>>
        %dma_wait3A_2606 = tpu.memref_squeeze %dma_wait3A_2605 : memref<1x!tpu.dma_semaphore, #tpu.memory_space<semaphore_mem>> -> memref<!tpu.dma_semaphore, #tpu.memory_space<semaphore_mem>>
        %dma_wait3A_2607 = arith.constant 0 : i32
        %dma_wait3A_2608 = arith.constant 0 : i32
        %dma_wait3A_2609 = tpu.memref_slice %arg4[%add3A_2437, %dma_wait3A_2607, %dma_wait3A_2608] : memref<25600x8x128xf32, #tpu.memory_space<hbm>> -> memref<1x8x128xf32, #tpu.memory_space<hbm>>
        %dma_wait3A_2610 = tpu.memref_squeeze %dma_wait3A_2609 : memref<1x8x128xf32, #tpu.memory_space<hbm>> -> memref<8x128xf32, #tpu.memory_space<hbm>>
        %dma_wait3A_2611 = arith.constant 16 : i32
        %dma_wait3A_2612 = arith.constant 0 : i32
        %dma_wait3A_2613 = tpu.memref_slice %arg7[%dma_wait3A_2595, %dma_wait3A_2611, %dma_wait3A_2612] : memref<2x128x129xf32, #tpu.memory_space<vmem>> -> memref<1x8x128xf32, #tpu.memory_space<vmem>>
        %dma_wait3A_2614 = tpu.memref_squeeze %dma_wait3A_2613 : memref<1x8x128xf32, #tpu.memory_space<vmem>> -> memref<8x128xf32, #tpu.memory_space<vmem>>
        tpu.wait_dma2 semaphore(%dma_wait3A_2606 : memref<!tpu.dma_semaphore, #tpu.memory_space<semaphore_mem>>) src(%dma_wait3A_2614 : memref<8x128xf32, #tpu.memory_space<vmem>>) dst(%dma_wait3A_2610 : memref<8x128xf32, #tpu.memory_space<hbm>>)
        %dma_wait3A_2615 = arith.constant 1 : i32
        %dma_wait3A_2616 = arith.constant 1 : i32
        %dma_wait3A_2617 = arith.constant 24 : i32
        %dma_wait3A_2618 = arith.constant 0 : i32
        %dma_wait3A_2619 = tpu.memref_slice %arg7[%dma_wait3A_2615, %dma_wait3A_2617, %dma_wait3A_2618] : memref<2x128x129xf32, #tpu.memory_space<vmem>> -> memref<1x8x128xf32, #tpu.memory_space<vmem>>
        %dma_wait3A_2620 = tpu.memref_squeeze %dma_wait3A_2619 : memref<1x8x128xf32, #tpu.memory_space<vmem>> -> memref<8x128xf32, #tpu.memory_space<vmem>>
        %dma_wait3A_2621 = arith.constant 0 : i32
        %dma_wait3A_2622 = arith.constant 0 : i32
        %dma_wait3A_2623 = tpu.memref_slice %arg4[%add3A_2446, %dma_wait3A_2621, %dma_wait3A_2622] : memref<25600x8x128xf32, #tpu.memory_space<hbm>> -> memref<1x8x128xf32, #tpu.memory_space<hbm>>
        %dma_wait3A_2624 = tpu.memref_squeeze %dma_wait3A_2623 : memref<1x8x128xf32, #tpu.memory_space<hbm>> -> memref<8x128xf32, #tpu.memory_space<hbm>>
        %dma_wait3A_2625 = tpu.memref_slice %arg9[%dma_wait3A_2616] : memref<2x!tpu.dma_semaphore, #tpu.memory_space<semaphore_mem>> -> memref<1x!tpu.dma_semaphore, #tpu.memory_space<semaphore_mem>>
        %dma_wait3A_2626 = tpu.memref_squeeze %dma_wait3A_2625 : memref<1x!tpu.dma_semaphore, #tpu.memory_space<semaphore_mem>> -> memref<!tpu.dma_semaphore, #tpu.memory_space<semaphore_mem>>
        %dma_wait3A_2627 = arith.constant 0 : i32
        %dma_wait3A_2628 = arith.constant 0 : i32
        %dma_wait3A_2629 = tpu.memref_slice %arg4[%add3A_2446, %dma_wait3A_2627, %dma_wait3A_2628] : memref<25600x8x128xf32, #tpu.memory_space<hbm>> -> memref<1x8x128xf32, #tpu.memory_space<hbm>>
        %dma_wait3A_2630 = tpu.memref_squeeze %dma_wait3A_2629 : memref<1x8x128xf32, #tpu.memory_space<hbm>> -> memref<8x128xf32, #tpu.memory_space<hbm>>
        %dma_wait3A_2631 = arith.constant 24 : i32
        %dma_wait3A_2632 = arith.constant 0 : i32
        %dma_wait3A_2633 = tpu.memref_slice %arg7[%dma_wait3A_2615, %dma_wait3A_2631, %dma_wait3A_2632] : memref<2x128x129xf32, #tpu.memory_space<vmem>> -> memref<1x8x128xf32, #tpu.memory_space<vmem>>
        %dma_wait3A_2634 = tpu.memref_squeeze %dma_wait3A_2633 : memref<1x8x128xf32, #tpu.memory_space<vmem>> -> memref<8x128xf32, #tpu.memory_space<vmem>>
        tpu.wait_dma2 semaphore(%dma_wait3A_2626 : memref<!tpu.dma_semaphore, #tpu.memory_space<semaphore_mem>>) src(%dma_wait3A_2634 : memref<8x128xf32, #tpu.memory_space<vmem>>) dst(%dma_wait3A_2630 : memref<8x128xf32, #tpu.memory_space<hbm>>)
        %dma_wait3A_2635 = arith.constant 1 : i32
        %dma_wait3A_2636 = arith.constant 1 : i32
        %dma_wait3A_2637 = arith.constant 32 : i32
        %dma_wait3A_2638 = arith.constant 0 : i32
        %dma_wait3A_2639 = tpu.memref_slice %arg7[%dma_wait3A_2635, %dma_wait3A_2637, %dma_wait3A_2638] : memref<2x128x129xf32, #tpu.memory_space<vmem>> -> memref<1x8x128xf32, #tpu.memory_space<vmem>>
        %dma_wait3A_2640 = tpu.memref_squeeze %dma_wait3A_2639 : memref<1x8x128xf32, #tpu.memory_space<vmem>> -> memref<8x128xf32, #tpu.memory_space<vmem>>
        %dma_wait3A_2641 = arith.constant 0 : i32
        %dma_wait3A_2642 = arith.constant 0 : i32
        %dma_wait3A_2643 = tpu.memref_slice %arg4[%add3A_2455, %dma_wait3A_2641, %dma_wait3A_2642] : memref<25600x8x128xf32, #tpu.memory_space<hbm>> -> memref<1x8x128xf32, #tpu.memory_space<hbm>>
        %dma_wait3A_2644 = tpu.memref_squeeze %dma_wait3A_2643 : memref<1x8x128xf32, #tpu.memory_space<hbm>> -> memref<8x128xf32, #tpu.memory_space<hbm>>
        %dma_wait3A_2645 = tpu.memref_slice %arg9[%dma_wait3A_2636] : memref<2x!tpu.dma_semaphore, #tpu.memory_space<semaphore_mem>> -> memref<1x!tpu.dma_semaphore, #tpu.memory_space<semaphore_mem>>
        %dma_wait3A_2646 = tpu.memref_squeeze %dma_wait3A_2645 : memref<1x!tpu.dma_semaphore, #tpu.memory_space<semaphore_mem>> -> memref<!tpu.dma_semaphore, #tpu.memory_space<semaphore_mem>>
        %dma_wait3A_2647 = arith.constant 0 : i32
        %dma_wait3A_2648 = arith.constant 0 : i32
        %dma_wait3A_2649 = tpu.memref_slice %arg4[%add3A_2455, %dma_wait3A_2647, %dma_wait3A_2648] : memref<25600x8x128xf32, #tpu.memory_space<hbm>> -> memref<1x8x128xf32, #tpu.memory_space<hbm>>
        %dma_wait3A_2650 = tpu.memref_squeeze %dma_wait3A_2649 : memref<1x8x128xf32, #tpu.memory_space<hbm>> -> memref<8x128xf32, #tpu.memory_space<hbm>>
        %dma_wait3A_2651 = arith.constant 32 : i32
        %dma_wait3A_2652 = arith.constant 0 : i32
        %dma_wait3A_2653 = tpu.memref_slice %arg7[%dma_wait3A_2635, %dma_wait3A_2651, %dma_wait3A_2652] : memref<2x128x129xf32, #tpu.memory_space<vmem>> -> memref<1x8x128xf32, #tpu.memory_space<vmem>>
        %dma_wait3A_2654 = tpu.memref_squeeze %dma_wait3A_2653 : memref<1x8x128xf32, #tpu.memory_space<vmem>> -> memref<8x128xf32, #tpu.memory_space<vmem>>
        tpu.wait_dma2 semaphore(%dma_wait3A_2646 : memref<!tpu.dma_semaphore, #tpu.memory_space<semaphore_mem>>) src(%dma_wait3A_2654 : memref<8x128xf32, #tpu.memory_space<vmem>>) dst(%dma_wait3A_2650 : memref<8x128xf32, #tpu.memory_space<hbm>>)
        %dma_wait3A_2655 = arith.constant 1 : i32
        %dma_wait3A_2656 = arith.constant 1 : i32
        %dma_wait3A_2657 = arith.constant 40 : i32
        %dma_wait3A_2658 = arith.constant 0 : i32
        %dma_wait3A_2659 = tpu.memref_slice %arg7[%dma_wait3A_2655, %dma_wait3A_2657, %dma_wait3A_2658] : memref<2x128x129xf32, #tpu.memory_space<vmem>> -> memref<1x8x128xf32, #tpu.memory_space<vmem>>
        %dma_wait3A_2660 = tpu.memref_squeeze %dma_wait3A_2659 : memref<1x8x128xf32, #tpu.memory_space<vmem>> -> memref<8x128xf32, #tpu.memory_space<vmem>>
        %dma_wait3A_2661 = arith.constant 0 : i32
        %dma_wait3A_2662 = arith.constant 0 : i32
        %dma_wait3A_2663 = tpu.memref_slice %arg4[%add3A_2464, %dma_wait3A_2661, %dma_wait3A_2662] : memref<25600x8x128xf32, #tpu.memory_space<hbm>> -> memref<1x8x128xf32, #tpu.memory_space<hbm>>
        %dma_wait3A_2664 = tpu.memref_squeeze %dma_wait3A_2663 : memref<1x8x128xf32, #tpu.memory_space<hbm>> -> memref<8x128xf32, #tpu.memory_space<hbm>>
        %dma_wait3A_2665 = tpu.memref_slice %arg9[%dma_wait3A_2656] : memref<2x!tpu.dma_semaphore, #tpu.memory_space<semaphore_mem>> -> memref<1x!tpu.dma_semaphore, #tpu.memory_space<semaphore_mem>>
        %dma_wait3A_2666 = tpu.memref_squeeze %dma_wait3A_2665 : memref<1x!tpu.dma_semaphore, #tpu.memory_space<semaphore_mem>> -> memref<!tpu.dma_semaphore, #tpu.memory_space<semaphore_mem>>
        %dma_wait3A_2667 = arith.constant 0 : i32
        %dma_wait3A_2668 = arith.constant 0 : i32
        %dma_wait3A_2669 = tpu.memref_slice %arg4[%add3A_2464, %dma_wait3A_2667, %dma_wait3A_2668] : memref<25600x8x128xf32, #tpu.memory_space<hbm>> -> memref<1x8x128xf32, #tpu.memory_space<hbm>>
        %dma_wait3A_2670 = tpu.memref_squeeze %dma_wait3A_2669 : memref<1x8x128xf32, #tpu.memory_space<hbm>> -> memref<8x128xf32, #tpu.memory_space<hbm>>
        %dma_wait3A_2671 = arith.constant 40 : i32
        %dma_wait3A_2672 = arith.constant 0 : i32
        %dma_wait3A_2673 = tpu.memref_slice %arg7[%dma_wait3A_2655, %dma_wait3A_2671, %dma_wait3A_2672] : memref<2x128x129xf32, #tpu.memory_space<vmem>> -> memref<1x8x128xf32, #tpu.memory_space<vmem>>
        %dma_wait3A_2674 = tpu.memref_squeeze %dma_wait3A_2673 : memref<1x8x128xf32, #tpu.memory_space<vmem>> -> memref<8x128xf32, #tpu.memory_space<vmem>>
        tpu.wait_dma2 semaphore(%dma_wait3A_2666 : memref<!tpu.dma_semaphore, #tpu.memory_space<semaphore_mem>>) src(%dma_wait3A_2674 : memref<8x128xf32, #tpu.memory_space<vmem>>) dst(%dma_wait3A_2670 : memref<8x128xf32, #tpu.memory_space<hbm>>)
        %dma_wait3A_2675 = arith.constant 1 : i32
        %dma_wait3A_2676 = arith.constant 1 : i32
        %dma_wait3A_2677 = arith.constant 48 : i32
        %dma_wait3A_2678 = arith.constant 0 : i32
        %dma_wait3A_2679 = tpu.memref_slice %arg7[%dma_wait3A_2675, %dma_wait3A_2677, %dma_wait3A_2678] : memref<2x128x129xf32, #tpu.memory_space<vmem>> -> memref<1x8x128xf32, #tpu.memory_space<vmem>>
        %dma_wait3A_2680 = tpu.memref_squeeze %dma_wait3A_2679 : memref<1x8x128xf32, #tpu.memory_space<vmem>> -> memref<8x128xf32, #tpu.memory_space<vmem>>
        %dma_wait3A_2681 = arith.constant 0 : i32
        %dma_wait3A_2682 = arith.constant 0 : i32
        %dma_wait3A_2683 = tpu.memref_slice %arg4[%add3A_2473, %dma_wait3A_2681, %dma_wait3A_2682] : memref<25600x8x128xf32, #tpu.memory_space<hbm>> -> memref<1x8x128xf32, #tpu.memory_space<hbm>>
        %dma_wait3A_2684 = tpu.memref_squeeze %dma_wait3A_2683 : memref<1x8x128xf32, #tpu.memory_space<hbm>> -> memref<8x128xf32, #tpu.memory_space<hbm>>
        %dma_wait3A_2685 = tpu.memref_slice %arg9[%dma_wait3A_2676] : memref<2x!tpu.dma_semaphore, #tpu.memory_space<semaphore_mem>> -> memref<1x!tpu.dma_semaphore, #tpu.memory_space<semaphore_mem>>
        %dma_wait3A_2686 = tpu.memref_squeeze %dma_wait3A_2685 : memref<1x!tpu.dma_semaphore, #tpu.memory_space<semaphore_mem>> -> memref<!tpu.dma_semaphore, #tpu.memory_space<semaphore_mem>>
        %dma_wait3A_2687 = arith.constant 0 : i32
        %dma_wait3A_2688 = arith.constant 0 : i32
        %dma_wait3A_2689 = tpu.memref_slice %arg4[%add3A_2473, %dma_wait3A_2687, %dma_wait3A_2688] : memref<25600x8x128xf32, #tpu.memory_space<hbm>> -> memref<1x8x128xf32, #tpu.memory_space<hbm>>
        %dma_wait3A_2690 = tpu.memref_squeeze %dma_wait3A_2689 : memref<1x8x128xf32, #tpu.memory_space<hbm>> -> memref<8x128xf32, #tpu.memory_space<hbm>>
        %dma_wait3A_2691 = arith.constant 48 : i32
        %dma_wait3A_2692 = arith.constant 0 : i32
        %dma_wait3A_2693 = tpu.memref_slice %arg7[%dma_wait3A_2675, %dma_wait3A_2691, %dma_wait3A_2692] : memref<2x128x129xf32, #tpu.memory_space<vmem>> -> memref<1x8x128xf32, #tpu.memory_space<vmem>>
        %dma_wait3A_2694 = tpu.memref_squeeze %dma_wait3A_2693 : memref<1x8x128xf32, #tpu.memory_space<vmem>> -> memref<8x128xf32, #tpu.memory_space<vmem>>
        tpu.wait_dma2 semaphore(%dma_wait3A_2686 : memref<!tpu.dma_semaphore, #tpu.memory_space<semaphore_mem>>) src(%dma_wait3A_2694 : memref<8x128xf32, #tpu.memory_space<vmem>>) dst(%dma_wait3A_2690 : memref<8x128xf32, #tpu.memory_space<hbm>>)
        %dma_wait3A_2695 = arith.constant 1 : i32
        %dma_wait3A_2696 = arith.constant 1 : i32
        %dma_wait3A_2697 = arith.constant 56 : i32
        %dma_wait3A_2698 = arith.constant 0 : i32
        %dma_wait3A_2699 = tpu.memref_slice %arg7[%dma_wait3A_2695, %dma_wait3A_2697, %dma_wait3A_2698] : memref<2x128x129xf32, #tpu.memory_space<vmem>> -> memref<1x8x128xf32, #tpu.memory_space<vmem>>
        %dma_wait3A_2700 = tpu.memref_squeeze %dma_wait3A_2699 : memref<1x8x128xf32, #tpu.memory_space<vmem>> -> memref<8x128xf32, #tpu.memory_space<vmem>>
        %dma_wait3A_2701 = arith.constant 0 : i32
        %dma_wait3A_2702 = arith.constant 0 : i32
        %dma_wait3A_2703 = tpu.memref_slice %arg4[%add3A_2482, %dma_wait3A_2701, %dma_wait3A_2702] : memref<25600x8x128xf32, #tpu.memory_space<hbm>> -> memref<1x8x128xf32, #tpu.memory_space<hbm>>
        %dma_wait3A_2704 = tpu.memref_squeeze %dma_wait3A_2703 : memref<1x8x128xf32, #tpu.memory_space<hbm>> -> memref<8x128xf32, #tpu.memory_space<hbm>>
        %dma_wait3A_2705 = tpu.memref_slice %arg9[%dma_wait3A_2696] : memref<2x!tpu.dma_semaphore, #tpu.memory_space<semaphore_mem>> -> memref<1x!tpu.dma_semaphore, #tpu.memory_space<semaphore_mem>>
        %dma_wait3A_2706 = tpu.memref_squeeze %dma_wait3A_2705 : memref<1x!tpu.dma_semaphore, #tpu.memory_space<semaphore_mem>> -> memref<!tpu.dma_semaphore, #tpu.memory_space<semaphore_mem>>
        %dma_wait3A_2707 = arith.constant 0 : i32
        %dma_wait3A_2708 = arith.constant 0 : i32
        %dma_wait3A_2709 = tpu.memref_slice %arg4[%add3A_2482, %dma_wait3A_2707, %dma_wait3A_2708] : memref<25600x8x128xf32, #tpu.memory_space<hbm>> -> memref<1x8x128xf32, #tpu.memory_space<hbm>>
        %dma_wait3A_2710 = tpu.memref_squeeze %dma_wait3A_2709 : memref<1x8x128xf32, #tpu.memory_space<hbm>> -> memref<8x128xf32, #tpu.memory_space<hbm>>
        %dma_wait3A_2711 = arith.constant 56 : i32
        %dma_wait3A_2712 = arith.constant 0 : i32
        %dma_wait3A_2713 = tpu.memref_slice %arg7[%dma_wait3A_2695, %dma_wait3A_2711, %dma_wait3A_2712] : memref<2x128x129xf32, #tpu.memory_space<vmem>> -> memref<1x8x128xf32, #tpu.memory_space<vmem>>
        %dma_wait3A_2714 = tpu.memref_squeeze %dma_wait3A_2713 : memref<1x8x128xf32, #tpu.memory_space<vmem>> -> memref<8x128xf32, #tpu.memory_space<vmem>>
        tpu.wait_dma2 semaphore(%dma_wait3A_2706 : memref<!tpu.dma_semaphore, #tpu.memory_space<semaphore_mem>>) src(%dma_wait3A_2714 : memref<8x128xf32, #tpu.memory_space<vmem>>) dst(%dma_wait3A_2710 : memref<8x128xf32, #tpu.memory_space<hbm>>)
        %dma_wait3A_2715 = arith.constant 1 : i32
        %dma_wait3A_2716 = arith.constant 1 : i32
        %dma_wait3A_2717 = arith.constant 64 : i32
        %dma_wait3A_2718 = arith.constant 0 : i32
        %dma_wait3A_2719 = tpu.memref_slice %arg7[%dma_wait3A_2715, %dma_wait3A_2717, %dma_wait3A_2718] : memref<2x128x129xf32, #tpu.memory_space<vmem>> -> memref<1x8x128xf32, #tpu.memory_space<vmem>>
        %dma_wait3A_2720 = tpu.memref_squeeze %dma_wait3A_2719 : memref<1x8x128xf32, #tpu.memory_space<vmem>> -> memref<8x128xf32, #tpu.memory_space<vmem>>
        %dma_wait3A_2721 = arith.constant 0 : i32
        %dma_wait3A_2722 = arith.constant 0 : i32
        %dma_wait3A_2723 = tpu.memref_slice %arg4[%add3A_2491, %dma_wait3A_2721, %dma_wait3A_2722] : memref<25600x8x128xf32, #tpu.memory_space<hbm>> -> memref<1x8x128xf32, #tpu.memory_space<hbm>>
        %dma_wait3A_2724 = tpu.memref_squeeze %dma_wait3A_2723 : memref<1x8x128xf32, #tpu.memory_space<hbm>> -> memref<8x128xf32, #tpu.memory_space<hbm>>
        %dma_wait3A_2725 = tpu.memref_slice %arg9[%dma_wait3A_2716] : memref<2x!tpu.dma_semaphore, #tpu.memory_space<semaphore_mem>> -> memref<1x!tpu.dma_semaphore, #tpu.memory_space<semaphore_mem>>
        %dma_wait3A_2726 = tpu.memref_squeeze %dma_wait3A_2725 : memref<1x!tpu.dma_semaphore, #tpu.memory_space<semaphore_mem>> -> memref<!tpu.dma_semaphore, #tpu.memory_space<semaphore_mem>>
        %dma_wait3A_2727 = arith.constant 0 : i32
        %dma_wait3A_2728 = arith.constant 0 : i32
        %dma_wait3A_2729 = tpu.memref_slice %arg4[%add3A_2491, %dma_wait3A_2727, %dma_wait3A_2728] : memref<25600x8x128xf32, #tpu.memory_space<hbm>> -> memref<1x8x128xf32, #tpu.memory_space<hbm>>
        %dma_wait3A_2730 = tpu.memref_squeeze %dma_wait3A_2729 : memref<1x8x128xf32, #tpu.memory_space<hbm>> -> memref<8x128xf32, #tpu.memory_space<hbm>>
        %dma_wait3A_2731 = arith.constant 64 : i32
        %dma_wait3A_2732 = arith.constant 0 : i32
        %dma_wait3A_2733 = tpu.memref_slice %arg7[%dma_wait3A_2715, %dma_wait3A_2731, %dma_wait3A_2732] : memref<2x128x129xf32, #tpu.memory_space<vmem>> -> memref<1x8x128xf32, #tpu.memory_space<vmem>>
        %dma_wait3A_2734 = tpu.memref_squeeze %dma_wait3A_2733 : memref<1x8x128xf32, #tpu.memory_space<vmem>> -> memref<8x128xf32, #tpu.memory_space<vmem>>
        tpu.wait_dma2 semaphore(%dma_wait3A_2726 : memref<!tpu.dma_semaphore, #tpu.memory_space<semaphore_mem>>) src(%dma_wait3A_2734 : memref<8x128xf32, #tpu.memory_space<vmem>>) dst(%dma_wait3A_2730 : memref<8x128xf32, #tpu.memory_space<hbm>>)
        %dma_wait3A_2735 = arith.constant 1 : i32
        %dma_wait3A_2736 = arith.constant 1 : i32
        %dma_wait3A_2737 = arith.constant 72 : i32
        %dma_wait3A_2738 = arith.constant 0 : i32
        %dma_wait3A_2739 = tpu.memref_slice %arg7[%dma_wait3A_2735, %dma_wait3A_2737, %dma_wait3A_2738] : memref<2x128x129xf32, #tpu.memory_space<vmem>> -> memref<1x8x128xf32, #tpu.memory_space<vmem>>
        %dma_wait3A_2740 = tpu.memref_squeeze %dma_wait3A_2739 : memref<1x8x128xf32, #tpu.memory_space<vmem>> -> memref<8x128xf32, #tpu.memory_space<vmem>>
        %dma_wait3A_2741 = arith.constant 0 : i32
        %dma_wait3A_2742 = arith.constant 0 : i32
        %dma_wait3A_2743 = tpu.memref_slice %arg4[%add3A_2500, %dma_wait3A_2741, %dma_wait3A_2742] : memref<25600x8x128xf32, #tpu.memory_space<hbm>> -> memref<1x8x128xf32, #tpu.memory_space<hbm>>
        %dma_wait3A_2744 = tpu.memref_squeeze %dma_wait3A_2743 : memref<1x8x128xf32, #tpu.memory_space<hbm>> -> memref<8x128xf32, #tpu.memory_space<hbm>>
        %dma_wait3A_2745 = tpu.memref_slice %arg9[%dma_wait3A_2736] : memref<2x!tpu.dma_semaphore, #tpu.memory_space<semaphore_mem>> -> memref<1x!tpu.dma_semaphore, #tpu.memory_space<semaphore_mem>>
        %dma_wait3A_2746 = tpu.memref_squeeze %dma_wait3A_2745 : memref<1x!tpu.dma_semaphore, #tpu.memory_space<semaphore_mem>> -> memref<!tpu.dma_semaphore, #tpu.memory_space<semaphore_mem>>
        %dma_wait3A_2747 = arith.constant 0 : i32
        %dma_wait3A_2748 = arith.constant 0 : i32
        %dma_wait3A_2749 = tpu.memref_slice %arg4[%add3A_2500, %dma_wait3A_2747, %dma_wait3A_2748] : memref<25600x8x128xf32, #tpu.memory_space<hbm>> -> memref<1x8x128xf32, #tpu.memory_space<hbm>>
        %dma_wait3A_2750 = tpu.memref_squeeze %dma_wait3A_2749 : memref<1x8x128xf32, #tpu.memory_space<hbm>> -> memref<8x128xf32, #tpu.memory_space<hbm>>
        %dma_wait3A_2751 = arith.constant 72 : i32
        %dma_wait3A_2752 = arith.constant 0 : i32
        %dma_wait3A_2753 = tpu.memref_slice %arg7[%dma_wait3A_2735, %dma_wait3A_2751, %dma_wait3A_2752] : memref<2x128x129xf32, #tpu.memory_space<vmem>> -> memref<1x8x128xf32, #tpu.memory_space<vmem>>
        %dma_wait3A_2754 = tpu.memref_squeeze %dma_wait3A_2753 : memref<1x8x128xf32, #tpu.memory_space<vmem>> -> memref<8x128xf32, #tpu.memory_space<vmem>>
        tpu.wait_dma2 semaphore(%dma_wait3A_2746 : memref<!tpu.dma_semaphore, #tpu.memory_space<semaphore_mem>>) src(%dma_wait3A_2754 : memref<8x128xf32, #tpu.memory_space<vmem>>) dst(%dma_wait3A_2750 : memref<8x128xf32, #tpu.memory_space<hbm>>)
        %dma_wait3A_2755 = arith.constant 1 : i32
        %dma_wait3A_2756 = arith.constant 1 : i32
        %dma_wait3A_2757 = arith.constant 80 : i32
        %dma_wait3A_2758 = arith.constant 0 : i32
        %dma_wait3A_2759 = tpu.memref_slice %arg7[%dma_wait3A_2755, %dma_wait3A_2757, %dma_wait3A_2758] : memref<2x128x129xf32, #tpu.memory_space<vmem>> -> memref<1x8x128xf32, #tpu.memory_space<vmem>>
        %dma_wait3A_2760 = tpu.memref_squeeze %dma_wait3A_2759 : memref<1x8x128xf32, #tpu.memory_space<vmem>> -> memref<8x128xf32, #tpu.memory_space<vmem>>
        %dma_wait3A_2761 = arith.constant 0 : i32
        %dma_wait3A_2762 = arith.constant 0 : i32
        %dma_wait3A_2763 = tpu.memref_slice %arg4[%add3A_2509, %dma_wait3A_2761, %dma_wait3A_2762] : memref<25600x8x128xf32, #tpu.memory_space<hbm>> -> memref<1x8x128xf32, #tpu.memory_space<hbm>>
        %dma_wait3A_2764 = tpu.memref_squeeze %dma_wait3A_2763 : memref<1x8x128xf32, #tpu.memory_space<hbm>> -> memref<8x128xf32, #tpu.memory_space<hbm>>
        %dma_wait3A_2765 = tpu.memref_slice %arg9[%dma_wait3A_2756] : memref<2x!tpu.dma_semaphore, #tpu.memory_space<semaphore_mem>> -> memref<1x!tpu.dma_semaphore, #tpu.memory_space<semaphore_mem>>
        %dma_wait3A_2766 = tpu.memref_squeeze %dma_wait3A_2765 : memref<1x!tpu.dma_semaphore, #tpu.memory_space<semaphore_mem>> -> memref<!tpu.dma_semaphore, #tpu.memory_space<semaphore_mem>>
        %dma_wait3A_2767 = arith.constant 0 : i32
        %dma_wait3A_2768 = arith.constant 0 : i32
        %dma_wait3A_2769 = tpu.memref_slice %arg4[%add3A_2509, %dma_wait3A_2767, %dma_wait3A_2768] : memref<25600x8x128xf32, #tpu.memory_space<hbm>> -> memref<1x8x128xf32, #tpu.memory_space<hbm>>
        %dma_wait3A_2770 = tpu.memref_squeeze %dma_wait3A_2769 : memref<1x8x128xf32, #tpu.memory_space<hbm>> -> memref<8x128xf32, #tpu.memory_space<hbm>>
        %dma_wait3A_2771 = arith.constant 80 : i32
        %dma_wait3A_2772 = arith.constant 0 : i32
        %dma_wait3A_2773 = tpu.memref_slice %arg7[%dma_wait3A_2755, %dma_wait3A_2771, %dma_wait3A_2772] : memref<2x128x129xf32, #tpu.memory_space<vmem>> -> memref<1x8x128xf32, #tpu.memory_space<vmem>>
        %dma_wait3A_2774 = tpu.memref_squeeze %dma_wait3A_2773 : memref<1x8x128xf32, #tpu.memory_space<vmem>> -> memref<8x128xf32, #tpu.memory_space<vmem>>
        tpu.wait_dma2 semaphore(%dma_wait3A_2766 : memref<!tpu.dma_semaphore, #tpu.memory_space<semaphore_mem>>) src(%dma_wait3A_2774 : memref<8x128xf32, #tpu.memory_space<vmem>>) dst(%dma_wait3A_2770 : memref<8x128xf32, #tpu.memory_space<hbm>>)
        %dma_wait3A_2775 = arith.constant 1 : i32
        %dma_wait3A_2776 = arith.constant 1 : i32
        %dma_wait3A_2777 = arith.constant 88 : i32
        %dma_wait3A_2778 = arith.constant 0 : i32
        %dma_wait3A_2779 = tpu.memref_slice %arg7[%dma_wait3A_2775, %dma_wait3A_2777, %dma_wait3A_2778] : memref<2x128x129xf32, #tpu.memory_space<vmem>> -> memref<1x8x128xf32, #tpu.memory_space<vmem>>
        %dma_wait3A_2780 = tpu.memref_squeeze %dma_wait3A_2779 : memref<1x8x128xf32, #tpu.memory_space<vmem>> -> memref<8x128xf32, #tpu.memory_space<vmem>>
        %dma_wait3A_2781 = arith.constant 0 : i32
        %dma_wait3A_2782 = arith.constant 0 : i32
        %dma_wait3A_2783 = tpu.memref_slice %arg4[%add3A_2518, %dma_wait3A_2781, %dma_wait3A_2782] : memref<25600x8x128xf32, #tpu.memory_space<hbm>> -> memref<1x8x128xf32, #tpu.memory_space<hbm>>
        %dma_wait3A_2784 = tpu.memref_squeeze %dma_wait3A_2783 : memref<1x8x128xf32, #tpu.memory_space<hbm>> -> memref<8x128xf32, #tpu.memory_space<hbm>>
        %dma_wait3A_2785 = tpu.memref_slice %arg9[%dma_wait3A_2776] : memref<2x!tpu.dma_semaphore, #tpu.memory_space<semaphore_mem>> -> memref<1x!tpu.dma_semaphore, #tpu.memory_space<semaphore_mem>>
        %dma_wait3A_2786 = tpu.memref_squeeze %dma_wait3A_2785 : memref<1x!tpu.dma_semaphore, #tpu.memory_space<semaphore_mem>> -> memref<!tpu.dma_semaphore, #tpu.memory_space<semaphore_mem>>
        %dma_wait3A_2787 = arith.constant 0 : i32
        %dma_wait3A_2788 = arith.constant 0 : i32
        %dma_wait3A_2789 = tpu.memref_slice %arg4[%add3A_2518, %dma_wait3A_2787, %dma_wait3A_2788] : memref<25600x8x128xf32, #tpu.memory_space<hbm>> -> memref<1x8x128xf32, #tpu.memory_space<hbm>>
        %dma_wait3A_2790 = tpu.memref_squeeze %dma_wait3A_2789 : memref<1x8x128xf32, #tpu.memory_space<hbm>> -> memref<8x128xf32, #tpu.memory_space<hbm>>
        %dma_wait3A_2791 = arith.constant 88 : i32
        %dma_wait3A_2792 = arith.constant 0 : i32
        %dma_wait3A_2793 = tpu.memref_slice %arg7[%dma_wait3A_2775, %dma_wait3A_2791, %dma_wait3A_2792] : memref<2x128x129xf32, #tpu.memory_space<vmem>> -> memref<1x8x128xf32, #tpu.memory_space<vmem>>
        %dma_wait3A_2794 = tpu.memref_squeeze %dma_wait3A_2793 : memref<1x8x128xf32, #tpu.memory_space<vmem>> -> memref<8x128xf32, #tpu.memory_space<vmem>>
        tpu.wait_dma2 semaphore(%dma_wait3A_2786 : memref<!tpu.dma_semaphore, #tpu.memory_space<semaphore_mem>>) src(%dma_wait3A_2794 : memref<8x128xf32, #tpu.memory_space<vmem>>) dst(%dma_wait3A_2790 : memref<8x128xf32, #tpu.memory_space<hbm>>)
        %dma_wait3A_2795 = arith.constant 1 : i32
        %dma_wait3A_2796 = arith.constant 1 : i32
        %dma_wait3A_2797 = arith.constant 96 : i32
        %dma_wait3A_2798 = arith.constant 0 : i32
        %dma_wait3A_2799 = tpu.memref_slice %arg7[%dma_wait3A_2795, %dma_wait3A_2797, %dma_wait3A_2798] : memref<2x128x129xf32, #tpu.memory_space<vmem>> -> memref<1x8x128xf32, #tpu.memory_space<vmem>>
        %dma_wait3A_2800 = tpu.memref_squeeze %dma_wait3A_2799 : memref<1x8x128xf32, #tpu.memory_space<vmem>> -> memref<8x128xf32, #tpu.memory_space<vmem>>
        %dma_wait3A_2801 = arith.constant 0 : i32
        %dma_wait3A_2802 = arith.constant 0 : i32
        %dma_wait3A_2803 = tpu.memref_slice %arg4[%add3A_2527, %dma_wait3A_2801, %dma_wait3A_2802] : memref<25600x8x128xf32, #tpu.memory_space<hbm>> -> memref<1x8x128xf32, #tpu.memory_space<hbm>>
        %dma_wait3A_2804 = tpu.memref_squeeze %dma_wait3A_2803 : memref<1x8x128xf32, #tpu.memory_space<hbm>> -> memref<8x128xf32, #tpu.memory_space<hbm>>
        %dma_wait3A_2805 = tpu.memref_slice %arg9[%dma_wait3A_2796] : memref<2x!tpu.dma_semaphore, #tpu.memory_space<semaphore_mem>> -> memref<1x!tpu.dma_semaphore, #tpu.memory_space<semaphore_mem>>
        %dma_wait3A_2806 = tpu.memref_squeeze %dma_wait3A_2805 : memref<1x!tpu.dma_semaphore, #tpu.memory_space<semaphore_mem>> -> memref<!tpu.dma_semaphore, #tpu.memory_space<semaphore_mem>>
        %dma_wait3A_2807 = arith.constant 0 : i32
        %dma_wait3A_2808 = arith.constant 0 : i32
        %dma_wait3A_2809 = tpu.memref_slice %arg4[%add3A_2527, %dma_wait3A_2807, %dma_wait3A_2808] : memref<25600x8x128xf32, #tpu.memory_space<hbm>> -> memref<1x8x128xf32, #tpu.memory_space<hbm>>
        %dma_wait3A_2810 = tpu.memref_squeeze %dma_wait3A_2809 : memref<1x8x128xf32, #tpu.memory_space<hbm>> -> memref<8x128xf32, #tpu.memory_space<hbm>>
        %dma_wait3A_2811 = arith.constant 96 : i32
        %dma_wait3A_2812 = arith.constant 0 : i32
        %dma_wait3A_2813 = tpu.memref_slice %arg7[%dma_wait3A_2795, %dma_wait3A_2811, %dma_wait3A_2812] : memref<2x128x129xf32, #tpu.memory_space<vmem>> -> memref<1x8x128xf32, #tpu.memory_space<vmem>>
        %dma_wait3A_2814 = tpu.memref_squeeze %dma_wait3A_2813 : memref<1x8x128xf32, #tpu.memory_space<vmem>> -> memref<8x128xf32, #tpu.memory_space<vmem>>
        tpu.wait_dma2 semaphore(%dma_wait3A_2806 : memref<!tpu.dma_semaphore, #tpu.memory_space<semaphore_mem>>) src(%dma_wait3A_2814 : memref<8x128xf32, #tpu.memory_space<vmem>>) dst(%dma_wait3A_2810 : memref<8x128xf32, #tpu.memory_space<hbm>>)
        %dma_wait3A_2815 = arith.constant 1 : i32
        %dma_wait3A_2816 = arith.constant 1 : i32
        %dma_wait3A_2817 = arith.constant 104 : i32
        %dma_wait3A_2818 = arith.constant 0 : i32
        %dma_wait3A_2819 = tpu.memref_slice %arg7[%dma_wait3A_2815, %dma_wait3A_2817, %dma_wait3A_2818] : memref<2x128x129xf32, #tpu.memory_space<vmem>> -> memref<1x8x128xf32, #tpu.memory_space<vmem>>
        %dma_wait3A_2820 = tpu.memref_squeeze %dma_wait3A_2819 : memref<1x8x128xf32, #tpu.memory_space<vmem>> -> memref<8x128xf32, #tpu.memory_space<vmem>>
        %dma_wait3A_2821 = arith.constant 0 : i32
        %dma_wait3A_2822 = arith.constant 0 : i32
        %dma_wait3A_2823 = tpu.memref_slice %arg4[%add3A_2536, %dma_wait3A_2821, %dma_wait3A_2822] : memref<25600x8x128xf32, #tpu.memory_space<hbm>> -> memref<1x8x128xf32, #tpu.memory_space<hbm>>
        %dma_wait3A_2824 = tpu.memref_squeeze %dma_wait3A_2823 : memref<1x8x128xf32, #tpu.memory_space<hbm>> -> memref<8x128xf32, #tpu.memory_space<hbm>>
        %dma_wait3A_2825 = tpu.memref_slice %arg9[%dma_wait3A_2816] : memref<2x!tpu.dma_semaphore, #tpu.memory_space<semaphore_mem>> -> memref<1x!tpu.dma_semaphore, #tpu.memory_space<semaphore_mem>>
        %dma_wait3A_2826 = tpu.memref_squeeze %dma_wait3A_2825 : memref<1x!tpu.dma_semaphore, #tpu.memory_space<semaphore_mem>> -> memref<!tpu.dma_semaphore, #tpu.memory_space<semaphore_mem>>
        %dma_wait3A_2827 = arith.constant 0 : i32
        %dma_wait3A_2828 = arith.constant 0 : i32
        %dma_wait3A_2829 = tpu.memref_slice %arg4[%add3A_2536, %dma_wait3A_2827, %dma_wait3A_2828] : memref<25600x8x128xf32, #tpu.memory_space<hbm>> -> memref<1x8x128xf32, #tpu.memory_space<hbm>>
        %dma_wait3A_2830 = tpu.memref_squeeze %dma_wait3A_2829 : memref<1x8x128xf32, #tpu.memory_space<hbm>> -> memref<8x128xf32, #tpu.memory_space<hbm>>
        %dma_wait3A_2831 = arith.constant 104 : i32
        %dma_wait3A_2832 = arith.constant 0 : i32
        %dma_wait3A_2833 = tpu.memref_slice %arg7[%dma_wait3A_2815, %dma_wait3A_2831, %dma_wait3A_2832] : memref<2x128x129xf32, #tpu.memory_space<vmem>> -> memref<1x8x128xf32, #tpu.memory_space<vmem>>
        %dma_wait3A_2834 = tpu.memref_squeeze %dma_wait3A_2833 : memref<1x8x128xf32, #tpu.memory_space<vmem>> -> memref<8x128xf32, #tpu.memory_space<vmem>>
        tpu.wait_dma2 semaphore(%dma_wait3A_2826 : memref<!tpu.dma_semaphore, #tpu.memory_space<semaphore_mem>>) src(%dma_wait3A_2834 : memref<8x128xf32, #tpu.memory_space<vmem>>) dst(%dma_wait3A_2830 : memref<8x128xf32, #tpu.memory_space<hbm>>)
        %dma_wait3A_2835 = arith.constant 1 : i32
        %dma_wait3A_2836 = arith.constant 1 : i32
        %dma_wait3A_2837 = arith.constant 112 : i32
        %dma_wait3A_2838 = arith.constant 0 : i32
        %dma_wait3A_2839 = tpu.memref_slice %arg7[%dma_wait3A_2835, %dma_wait3A_2837, %dma_wait3A_2838] : memref<2x128x129xf32, #tpu.memory_space<vmem>> -> memref<1x8x128xf32, #tpu.memory_space<vmem>>
        %dma_wait3A_2840 = tpu.memref_squeeze %dma_wait3A_2839 : memref<1x8x128xf32, #tpu.memory_space<vmem>> -> memref<8x128xf32, #tpu.memory_space<vmem>>
        %dma_wait3A_2841 = arith.constant 0 : i32
        %dma_wait3A_2842 = arith.constant 0 : i32
        %dma_wait3A_2843 = tpu.memref_slice %arg4[%add3A_2545, %dma_wait3A_2841, %dma_wait3A_2842] : memref<25600x8x128xf32, #tpu.memory_space<hbm>> -> memref<1x8x128xf32, #tpu.memory_space<hbm>>
        %dma_wait3A_2844 = tpu.memref_squeeze %dma_wait3A_2843 : memref<1x8x128xf32, #tpu.memory_space<hbm>> -> memref<8x128xf32, #tpu.memory_space<hbm>>
        %dma_wait3A_2845 = tpu.memref_slice %arg9[%dma_wait3A_2836] : memref<2x!tpu.dma_semaphore, #tpu.memory_space<semaphore_mem>> -> memref<1x!tpu.dma_semaphore, #tpu.memory_space<semaphore_mem>>
        %dma_wait3A_2846 = tpu.memref_squeeze %dma_wait3A_2845 : memref<1x!tpu.dma_semaphore, #tpu.memory_space<semaphore_mem>> -> memref<!tpu.dma_semaphore, #tpu.memory_space<semaphore_mem>>
        %dma_wait3A_2847 = arith.constant 0 : i32
        %dma_wait3A_2848 = arith.constant 0 : i32
        %dma_wait3A_2849 = tpu.memref_slice %arg4[%add3A_2545, %dma_wait3A_2847, %dma_wait3A_2848] : memref<25600x8x128xf32, #tpu.memory_space<hbm>> -> memref<1x8x128xf32, #tpu.memory_space<hbm>>
        %dma_wait3A_2850 = tpu.memref_squeeze %dma_wait3A_2849 : memref<1x8x128xf32, #tpu.memory_space<hbm>> -> memref<8x128xf32, #tpu.memory_space<hbm>>
        %dma_wait3A_2851 = arith.constant 112 : i32
        %dma_wait3A_2852 = arith.constant 0 : i32
        %dma_wait3A_2853 = tpu.memref_slice %arg7[%dma_wait3A_2835, %dma_wait3A_2851, %dma_wait3A_2852] : memref<2x128x129xf32, #tpu.memory_space<vmem>> -> memref<1x8x128xf32, #tpu.memory_space<vmem>>
        %dma_wait3A_2854 = tpu.memref_squeeze %dma_wait3A_2853 : memref<1x8x128xf32, #tpu.memory_space<vmem>> -> memref<8x128xf32, #tpu.memory_space<vmem>>
        tpu.wait_dma2 semaphore(%dma_wait3A_2846 : memref<!tpu.dma_semaphore, #tpu.memory_space<semaphore_mem>>) src(%dma_wait3A_2854 : memref<8x128xf32, #tpu.memory_space<vmem>>) dst(%dma_wait3A_2850 : memref<8x128xf32, #tpu.memory_space<hbm>>)
        %dma_wait3A_2855 = arith.constant 1 : i32
        %dma_wait3A_2856 = arith.constant 1 : i32
        %dma_wait3A_2857 = arith.constant 120 : i32
        %dma_wait3A_2858 = arith.constant 0 : i32
        %dma_wait3A_2859 = tpu.memref_slice %arg7[%dma_wait3A_2855, %dma_wait3A_2857, %dma_wait3A_2858] : memref<2x128x129xf32, #tpu.memory_space<vmem>> -> memref<1x8x128xf32, #tpu.memory_space<vmem>>
        %dma_wait3A_2860 = tpu.memref_squeeze %dma_wait3A_2859 : memref<1x8x128xf32, #tpu.memory_space<vmem>> -> memref<8x128xf32, #tpu.memory_space<vmem>>
        %dma_wait3A_2861 = arith.constant 0 : i32
        %dma_wait3A_2862 = arith.constant 0 : i32
        %dma_wait3A_2863 = tpu.memref_slice %arg4[%add3A_2554, %dma_wait3A_2861, %dma_wait3A_2862] : memref<25600x8x128xf32, #tpu.memory_space<hbm>> -> memref<1x8x128xf32, #tpu.memory_space<hbm>>
        %dma_wait3A_2864 = tpu.memref_squeeze %dma_wait3A_2863 : memref<1x8x128xf32, #tpu.memory_space<hbm>> -> memref<8x128xf32, #tpu.memory_space<hbm>>
        %dma_wait3A_2865 = tpu.memref_slice %arg9[%dma_wait3A_2856] : memref<2x!tpu.dma_semaphore, #tpu.memory_space<semaphore_mem>> -> memref<1x!tpu.dma_semaphore, #tpu.memory_space<semaphore_mem>>
        %dma_wait3A_2866 = tpu.memref_squeeze %dma_wait3A_2865 : memref<1x!tpu.dma_semaphore, #tpu.memory_space<semaphore_mem>> -> memref<!tpu.dma_semaphore, #tpu.memory_space<semaphore_mem>>
        %dma_wait3A_2867 = arith.constant 0 : i32
        %dma_wait3A_2868 = arith.constant 0 : i32
        %dma_wait3A_2869 = tpu.memref_slice %arg4[%add3A_2554, %dma_wait3A_2867, %dma_wait3A_2868] : memref<25600x8x128xf32, #tpu.memory_space<hbm>> -> memref<1x8x128xf32, #tpu.memory_space<hbm>>
        %dma_wait3A_2870 = tpu.memref_squeeze %dma_wait3A_2869 : memref<1x8x128xf32, #tpu.memory_space<hbm>> -> memref<8x128xf32, #tpu.memory_space<hbm>>
        %dma_wait3A_2871 = arith.constant 120 : i32
        %dma_wait3A_2872 = arith.constant 0 : i32
        %dma_wait3A_2873 = tpu.memref_slice %arg7[%dma_wait3A_2855, %dma_wait3A_2871, %dma_wait3A_2872] : memref<2x128x129xf32, #tpu.memory_space<vmem>> -> memref<1x8x128xf32, #tpu.memory_space<vmem>>
        %dma_wait3A_2874 = tpu.memref_squeeze %dma_wait3A_2873 : memref<1x8x128xf32, #tpu.memory_space<vmem>> -> memref<8x128xf32, #tpu.memory_space<vmem>>
        tpu.wait_dma2 semaphore(%dma_wait3A_2866 : memref<!tpu.dma_semaphore, #tpu.memory_space<semaphore_mem>>) src(%dma_wait3A_2874 : memref<8x128xf32, #tpu.memory_space<vmem>>) dst(%dma_wait3A_2870 : memref<8x128xf32, #tpu.memory_space<hbm>>)
      } else {
      }
      %parallel_loop3A_1858 = arith.constant 0 : i32
      %parallel_loop3A_1859 = arith.constant 512 : i32
      %parallel_loop3A_1860 = arith.constant 1 : i32
      scf.for %parallel_loop3A_2367 = %parallel_loop3A_1858 to %parallel_loop3A_1859 step %parallel_loop3A_1860  : i32 {
        %parallel_loop3A_2368 = arith.constant 128 : i32
        %parallel_loop3A_2369 = arith.divsi %parallel_loop3A_2367, %parallel_loop3A_2368 : i32
        %parallel_loop3A_2370 = arith.constant 0 : i32
        %parallel_loop3A_2371 = arith.cmpi sgt, %parallel_loop3A_2367, %parallel_loop3A_2370 : i32
        %parallel_loop3A_2372 = arith.extui %parallel_loop3A_2371 : i1 to i32
        %parallel_loop3A_2373 = arith.constant 0 : i32
        %parallel_loop3A_2374 = arith.cmpi slt, %parallel_loop3A_2367, %parallel_loop3A_2373 : i32
        %parallel_loop3A_2375 = arith.extui %parallel_loop3A_2374 : i1 to i32
        %parallel_loop3A_2376 = arith.subi %parallel_loop3A_2372, %parallel_loop3A_2375 : i32
        %parallel_loop3A_2377 = arith.constant 0 : i32
        %parallel_loop3A_2378 = arith.cmpi sgt, %parallel_loop3A_2368, %parallel_loop3A_2377 : i32
        %parallel_loop3A_2379 = arith.extui %parallel_loop3A_2378 : i1 to i32
        %parallel_loop3A_2380 = arith.constant 0 : i32
        %parallel_loop3A_2381 = arith.cmpi slt, %parallel_loop3A_2368, %parallel_loop3A_2380 : i32
        %parallel_loop3A_2382 = arith.extui %parallel_loop3A_2381 : i1 to i32
        %parallel_loop3A_2383 = arith.subi %parallel_loop3A_2379, %parallel_loop3A_2382 : i32
        %parallel_loop3A_2384 = arith.cmpi ne, %parallel_loop3A_2376, %parallel_loop3A_2383 : i32
        %parallel_loop3A_2385 = arith.remsi %parallel_loop3A_2367, %parallel_loop3A_2368 : i32
        %parallel_loop3A_2386 = arith.constant 0 : i32
        %parallel_loop3A_2387 = arith.cmpi ne, %parallel_loop3A_2385, %parallel_loop3A_2386 : i32
        %parallel_loop3A_2388 = arith.andi %parallel_loop3A_2384, %parallel_loop3A_2387 : i1
        %parallel_loop3A_2389 = arith.constant 1 : i32
        %parallel_loop3A_2390 = arith.subi %parallel_loop3A_2369, %parallel_loop3A_2389 : i32
        %parallel_loop3A_2391 = arith.select %parallel_loop3A_2388, %parallel_loop3A_2390, %parallel_loop3A_2369 : i32
        %parallel_loop3A_2392 = arith.constant 8 : i32
        %parallel_loop3A_2393 = arith.muli %parallel_loop3A_2391, %parallel_loop3A_2392 : i32
        %parallel_loop3A_2394 = vector.broadcast %parallel_loop3A_2393 : i32 to vector<16xi32>
        %parallel_loop3A_2395 = arith.constant 128 : i32
        %parallel_loop3A_2396 = arith.constant 0 : i32
        %parallel_loop3A_2397 = arith.cmpi eq, %parallel_loop3A_2395, %parallel_loop3A_2396 : i32
        %parallel_loop3A_2398 = arith.constant 1 : i32
        %parallel_loop3A_2399 = arith.select %parallel_loop3A_2397, %parallel_loop3A_2398, %parallel_loop3A_2395 : i32
        %parallel_loop3A_2400 = arith.remsi %parallel_loop3A_2367, %parallel_loop3A_2399 : i32
        %parallel_loop3A_2401 = arith.constant 0 : i32
        %parallel_loop3A_2402 = arith.cmpi ne, %parallel_loop3A_2400, %parallel_loop3A_2401 : i32
        %parallel_loop3A_2403 = arith.constant 0 : i32
        %parallel_loop3A_2404 = arith.cmpi slt, %parallel_loop3A_2400, %parallel_loop3A_2403 : i32
        %parallel_loop3A_2405 = arith.constant 0 : i32
        %parallel_loop3A_2406 = arith.cmpi slt, %parallel_loop3A_2399, %parallel_loop3A_2405 : i32
        %parallel_loop3A_2407 = arith.xori %parallel_loop3A_2404, %parallel_loop3A_2406 : i1
        %parallel_loop3A_2408 = arith.andi %parallel_loop3A_2407, %parallel_loop3A_2402 : i1
        %parallel_loop3A_2409 = arith.addi %parallel_loop3A_2400, %parallel_loop3A_2399 : i32
        %parallel_loop3A_2410 = arith.select %parallel_loop3A_2408, %parallel_loop3A_2409, %parallel_loop3A_2400 : i32
        %parallel_loop3A_2411 = vector.broadcast %parallel_loop3A_2410 : i32 to vector<16xi32>
        %parallel_loop3A_2412 = arith.constant 1 : i32
        %parallel_loop3A_2413 = arith.index_cast %parallel_loop3A_2412 : i32 to index
        %parallel_loop3A_2414 = arith.index_cast %parallel_loop3A_2367 : i32 to index
        %parallel_loop3A_2415 = arith.constant 0 : index
        %parallel_loop3A_2416 = tpu.vector_load %arg6[%parallel_loop3A_2413, %parallel_loop3A_2414, %parallel_loop3A_2415] {strides = array<i32>} : memref<2x512x32xf32, #tpu.memory_space<vmem>>, vector<16xf32>,
        %parallel_loop3A_2417 = arith.constant 1 : i32
        %parallel_loop3A_2418 = arith.index_cast %parallel_loop3A_2417 : i32 to index
        %parallel_loop3A_2419 = arith.index_cast %parallel_loop3A_2367 : i32 to index
        %parallel_loop3A_2420 = arith.constant 16 : index
        %parallel_loop3A_2421 = tpu.vector_load %arg6[%parallel_loop3A_2418, %parallel_loop3A_2419, %parallel_loop3A_2420] {strides = array<i32>} : memref<2x512x32xf32, #tpu.memory_space<vmem>>, vector<16xf32>,
        %parallel_loop3A_2422 = arith.addi %add3A_47, %parallel_loop3A_2394 : vector<16xi32>
        %parallel_loop3A_2423 = arith.constant 1 : i32
        %parallel_loop3A_2424 = arith.constant 0 : i32
        %parallel_loop3A_2425 = arith.constant 0 : i32
        %parallel_loop3A_2426 = tpu.memref_slice %arg7[%parallel_loop3A_2423, %parallel_loop3A_2424, %parallel_loop3A_2425] : memref<2x128x129xf32, #tpu.memory_space<vmem>> -> memref<1x128x129xf32, #tpu.memory_space<vmem>>
        %parallel_loop3A_2427 = tpu.memref_squeeze %parallel_loop3A_2426 : memref<1x128x129xf32, #tpu.memory_space<vmem>> -> memref<128x129xf32, #tpu.memory_space<vmem>>
        tpu.vector_store_idx %parallel_loop3A_2427[%parallel_loop3A_2422, %parallel_loop3A_2411], %parallel_loop3A_2416 : memref<128x129xf32, #tpu.memory_space<vmem>>[vector<16xi32>, vector<16xi32>], vector<16xf32>,
        %parallel_loop3A_2428 = arith.addi %add3A_50, %parallel_loop3A_2394 : vector<16xi32>
        %parallel_loop3A_2429 = arith.constant 1 : i32
        %parallel_loop3A_2430 = arith.constant 0 : i32
        %parallel_loop3A_2431 = arith.constant 0 : i32
        %parallel_loop3A_2432 = tpu.memref_slice %arg7[%parallel_loop3A_2429, %parallel_loop3A_2430, %parallel_loop3A_2431] : memref<2x128x129xf32, #tpu.memory_space<vmem>> -> memref<1x128x129xf32, #tpu.memory_space<vmem>>
        %parallel_loop3A_2433 = tpu.memref_squeeze %parallel_loop3A_2432 : memref<1x128x129xf32, #tpu.memory_space<vmem>> -> memref<128x129xf32, #tpu.memory_space<vmem>>
        tpu.vector_store_idx %parallel_loop3A_2433[%parallel_loop3A_2428, %parallel_loop3A_2411], %parallel_loop3A_2421 : memref<128x129xf32, #tpu.memory_space<vmem>>[vector<16xi32>, vector<16xi32>], vector<16xf32>,
      } {sc.loop_unroll_factor = 8 : i64, sc.parallel_access}
      %jit3A_1861 = arith.constant 32 : i32
      %div3A_1862 = arith.divsi %add3A_1779, %jit3A_1861 : i32
      %sign3A_1863 = arith.constant 0 : i32
      %sign3A_1864 = arith.cmpi sgt, %add3A_1779, %sign3A_1863 : i32
      %sign3A_1865 = arith.extui %sign3A_1864 : i1 to i32
      %sign3A_1866 = arith.constant 0 : i32
      %sign3A_1867 = arith.cmpi slt, %add3A_1779, %sign3A_1866 : i32
      %sign3A_1868 = arith.extui %sign3A_1867 : i1 to i32
      %sign3A_1869 = arith.subi %sign3A_1865, %sign3A_1868 : i32
      %sign3A_1870 = arith.constant 0 : i32
      %sign3A_1871 = arith.cmpi sgt, %jit3A_1861, %sign3A_1870 : i32
      %sign3A_1872 = arith.extui %sign3A_1871 : i1 to i32
      %sign3A_1873 = arith.constant 0 : i32
      %sign3A_1874 = arith.cmpi slt, %jit3A_1861, %sign3A_1873 : i32
      %sign3A_1875 = arith.extui %sign3A_1874 : i1 to i32
      %sign3A_1876 = arith.subi %sign3A_1872, %sign3A_1875 : i32
      %ne3A_1877 = arith.cmpi ne, %sign3A_1869, %sign3A_1876 : i32
      %rem3A_1878 = arith.remsi %add3A_1779, %jit3A_1861 : i32
      %ne3A_1879 = arith.constant 0 : i32
      %ne3A_1880 = arith.cmpi ne, %rem3A_1878, %ne3A_1879 : i32
      %and3A_1881 = arith.andi %ne3A_1877, %ne3A_1880 : i1
      %sub3A_1882 = arith.constant 1 : i32
      %sub3A_1883 = arith.subi %div3A_1862, %sub3A_1882 : i32
      %select_n3A_1884 = arith.select %and3A_1881, %sub3A_1883, %div3A_1862 : i32
      %jit3A_1885 = arith.constant 32 : i32
      %eq3A_1886 = arith.constant 0 : i32
      %eq3A_1887 = arith.cmpi eq, %jit3A_1885, %eq3A_1886 : i32
      %jit3A_1888 = arith.constant 1 : i32
      %select_n3A_1889 = arith.select %eq3A_1887, %jit3A_1888, %jit3A_1885 : i32
      %rem3A_1890 = arith.remsi %add3A_1779, %select_n3A_1889 : i32
      %ne3A_1891 = arith.constant 0 : i32
      %ne3A_1892 = arith.cmpi ne, %rem3A_1890, %ne3A_1891 : i32
      %lt3A_1893 = arith.constant 0 : i32
      %lt3A_1894 = arith.cmpi slt, %rem3A_1890, %lt3A_1893 : i32
      %lt3A_1895 = arith.constant 0 : i32
      %lt3A_1896 = arith.cmpi slt, %select_n3A_1889, %lt3A_1895 : i32
      %ne3A_1897 = arith.xori %lt3A_1894, %lt3A_1896 : i1
      %and3A_1898 = arith.andi %ne3A_1897, %ne3A_1892 : i1
      %add3A_1899 = arith.addi %rem3A_1890, %select_n3A_1889 : i32
      %select_n3A_1900 = arith.select %and3A_1898, %add3A_1899, %rem3A_1890 : i32
      %mul3A_1901 = arith.constant 4 : i32
      %mul3A_1902 = arith.muli %select_n3A_1900, %mul3A_1901 : i32
      %mul3A_1903 = arith.constant 4 : i32
      %mul3A_1904 = arith.muli %select_n3A_1884, %mul3A_1903 : i32
      %add3A_1905 = arith.constant 0 : i32
      %add3A_1906 = arith.addi %mul3A_1904, %add3A_1905 : i32
      %mul3A_1907 = arith.constant 128 : i32
      %mul3A_1908 = arith.muli %add3A_1906, %mul3A_1907 : i32
      %add3A_1909 = arith.addi %mul3A_1908, %mul3A_1902 : i32
      %add3A_1910 = arith.constant 0 : i32
      %add3A_1911 = arith.addi %add3A_1909, %add3A_1910 : i32
      %mul3A_1912 = arith.constant 4 : i32
      %mul3A_1913 = arith.muli %select_n3A_1884, %mul3A_1912 : i32
      %add3A_1914 = arith.constant 0 : i32
      %add3A_1915 = arith.addi %mul3A_1913, %add3A_1914 : i32
      %mul3A_1916 = arith.constant 128 : i32
      %mul3A_1917 = arith.muli %add3A_1915, %mul3A_1916 : i32
      %add3A_1918 = arith.addi %mul3A_1917, %mul3A_1902 : i32
      %add3A_1919 = arith.constant 1 : i32
      %add3A_1920 = arith.addi %add3A_1918, %add3A_1919 : i32
      %mul3A_1921 = arith.constant 4 : i32
      %mul3A_1922 = arith.muli %select_n3A_1884, %mul3A_1921 : i32
      %add3A_1923 = arith.constant 0 : i32
      %add3A_1924 = arith.addi %mul3A_1922, %add3A_1923 : i32
      %mul3A_1925 = arith.constant 128 : i32
      %mul3A_1926 = arith.muli %add3A_1924, %mul3A_1925 : i32
      %add3A_1927 = arith.addi %mul3A_1926, %mul3A_1902 : i32
      %add3A_1928 = arith.constant 2 : i32
      %add3A_1929 = arith.addi %add3A_1927, %add3A_1928 : i32
      %mul3A_1930 = arith.constant 4 : i32
      %mul3A_1931 = arith.muli %select_n3A_1884, %mul3A_1930 : i32
      %add3A_1932 = arith.constant 0 : i32
      %add3A_1933 = arith.addi %mul3A_1931, %add3A_1932 : i32
      %mul3A_1934 = arith.constant 128 : i32
      %mul3A_1935 = arith.muli %add3A_1933, %mul3A_1934 : i32
      %add3A_1936 = arith.addi %mul3A_1935, %mul3A_1902 : i32
      %add3A_1937 = arith.constant 3 : i32
      %add3A_1938 = arith.addi %add3A_1936, %add3A_1937 : i32
      %mul3A_1939 = arith.constant 4 : i32
      %mul3A_1940 = arith.muli %select_n3A_1884, %mul3A_1939 : i32
      %add3A_1941 = arith.constant 1 : i32
      %add3A_1942 = arith.addi %mul3A_1940, %add3A_1941 : i32
      %mul3A_1943 = arith.constant 128 : i32
      %mul3A_1944 = arith.muli %add3A_1942, %mul3A_1943 : i32
      %add3A_1945 = arith.addi %mul3A_1944, %mul3A_1902 : i32
      %add3A_1946 = arith.constant 0 : i32
      %add3A_1947 = arith.addi %add3A_1945, %add3A_1946 : i32
      %mul3A_1948 = arith.constant 4 : i32
      %mul3A_1949 = arith.muli %select_n3A_1884, %mul3A_1948 : i32
      %add3A_1950 = arith.constant 1 : i32
      %add3A_1951 = arith.addi %mul3A_1949, %add3A_1950 : i32
      %mul3A_1952 = arith.constant 128 : i32
      %mul3A_1953 = arith.muli %add3A_1951, %mul3A_1952 : i32
      %add3A_1954 = arith.addi %mul3A_1953, %mul3A_1902 : i32
      %add3A_1955 = arith.constant 1 : i32
      %add3A_1956 = arith.addi %add3A_1954, %add3A_1955 : i32
      %mul3A_1957 = arith.constant 4 : i32
      %mul3A_1958 = arith.muli %select_n3A_1884, %mul3A_1957 : i32
      %add3A_1959 = arith.constant 1 : i32
      %add3A_1960 = arith.addi %mul3A_1958, %add3A_1959 : i32
      %mul3A_1961 = arith.constant 128 : i32
      %mul3A_1962 = arith.muli %add3A_1960, %mul3A_1961 : i32
      %add3A_1963 = arith.addi %mul3A_1962, %mul3A_1902 : i32
      %add3A_1964 = arith.constant 2 : i32
      %add3A_1965 = arith.addi %add3A_1963, %add3A_1964 : i32
      %mul3A_1966 = arith.constant 4 : i32
      %mul3A_1967 = arith.muli %select_n3A_1884, %mul3A_1966 : i32
      %add3A_1968 = arith.constant 1 : i32
      %add3A_1969 = arith.addi %mul3A_1967, %add3A_1968 : i32
      %mul3A_1970 = arith.constant 128 : i32
      %mul3A_1971 = arith.muli %add3A_1969, %mul3A_1970 : i32
      %add3A_1972 = arith.addi %mul3A_1971, %mul3A_1902 : i32
      %add3A_1973 = arith.constant 3 : i32
      %add3A_1974 = arith.addi %add3A_1972, %add3A_1973 : i32
      %mul3A_1975 = arith.constant 4 : i32
      %mul3A_1976 = arith.muli %select_n3A_1884, %mul3A_1975 : i32
      %add3A_1977 = arith.constant 2 : i32
      %add3A_1978 = arith.addi %mul3A_1976, %add3A_1977 : i32
      %mul3A_1979 = arith.constant 128 : i32
      %mul3A_1980 = arith.muli %add3A_1978, %mul3A_1979 : i32
      %add3A_1981 = arith.addi %mul3A_1980, %mul3A_1902 : i32
      %add3A_1982 = arith.constant 0 : i32
      %add3A_1983 = arith.addi %add3A_1981, %add3A_1982 : i32
      %mul3A_1984 = arith.constant 4 : i32
      %mul3A_1985 = arith.muli %select_n3A_1884, %mul3A_1984 : i32
      %add3A_1986 = arith.constant 2 : i32
      %add3A_1987 = arith.addi %mul3A_1985, %add3A_1986 : i32
      %mul3A_1988 = arith.constant 128 : i32
      %mul3A_1989 = arith.muli %add3A_1987, %mul3A_1988 : i32
      %add3A_1990 = arith.addi %mul3A_1989, %mul3A_1902 : i32
      %add3A_1991 = arith.constant 1 : i32
      %add3A_1992 = arith.addi %add3A_1990, %add3A_1991 : i32
      %mul3A_1993 = arith.constant 4 : i32
      %mul3A_1994 = arith.muli %select_n3A_1884, %mul3A_1993 : i32
      %add3A_1995 = arith.constant 2 : i32
      %add3A_1996 = arith.addi %mul3A_1994, %add3A_1995 : i32
      %mul3A_1997 = arith.constant 128 : i32
      %mul3A_1998 = arith.muli %add3A_1996, %mul3A_1997 : i32
      %add3A_1999 = arith.addi %mul3A_1998, %mul3A_1902 : i32
      %add3A_2000 = arith.constant 2 : i32
      %add3A_2001 = arith.addi %add3A_1999, %add3A_2000 : i32
      %mul3A_2002 = arith.constant 4 : i32
      %mul3A_2003 = arith.muli %select_n3A_1884, %mul3A_2002 : i32
      %add3A_2004 = arith.constant 2 : i32
      %add3A_2005 = arith.addi %mul3A_2003, %add3A_2004 : i32
      %mul3A_2006 = arith.constant 128 : i32
      %mul3A_2007 = arith.muli %add3A_2005, %mul3A_2006 : i32
      %add3A_2008 = arith.addi %mul3A_2007, %mul3A_1902 : i32
      %add3A_2009 = arith.constant 3 : i32
      %add3A_2010 = arith.addi %add3A_2008, %add3A_2009 : i32
      %mul3A_2011 = arith.constant 4 : i32
      %mul3A_2012 = arith.muli %select_n3A_1884, %mul3A_2011 : i32
      %add3A_2013 = arith.constant 3 : i32
      %add3A_2014 = arith.addi %mul3A_2012, %add3A_2013 : i32
      %mul3A_2015 = arith.constant 128 : i32
      %mul3A_2016 = arith.muli %add3A_2014, %mul3A_2015 : i32
      %add3A_2017 = arith.addi %mul3A_2016, %mul3A_1902 : i32
      %add3A_2018 = arith.constant 0 : i32
      %add3A_2019 = arith.addi %add3A_2017, %add3A_2018 : i32
      %mul3A_2020 = arith.constant 4 : i32
      %mul3A_2021 = arith.muli %select_n3A_1884, %mul3A_2020 : i32
      %add3A_2022 = arith.constant 3 : i32
      %add3A_2023 = arith.addi %mul3A_2021, %add3A_2022 : i32
      %mul3A_2024 = arith.constant 128 : i32
      %mul3A_2025 = arith.muli %add3A_2023, %mul3A_2024 : i32
      %add3A_2026 = arith.addi %mul3A_2025, %mul3A_1902 : i32
      %add3A_2027 = arith.constant 1 : i32
      %add3A_2028 = arith.addi %add3A_2026, %add3A_2027 : i32
      %mul3A_2029 = arith.constant 4 : i32
      %mul3A_2030 = arith.muli %select_n3A_1884, %mul3A_2029 : i32
      %add3A_2031 = arith.constant 3 : i32
      %add3A_2032 = arith.addi %mul3A_2030, %add3A_2031 : i32
      %mul3A_2033 = arith.constant 128 : i32
      %mul3A_2034 = arith.muli %add3A_2032, %mul3A_2033 : i32
      %add3A_2035 = arith.addi %mul3A_2034, %mul3A_1902 : i32
      %add3A_2036 = arith.constant 2 : i32
      %add3A_2037 = arith.addi %add3A_2035, %add3A_2036 : i32
      %mul3A_2038 = arith.constant 4 : i32
      %mul3A_2039 = arith.muli %select_n3A_1884, %mul3A_2038 : i32
      %add3A_2040 = arith.constant 3 : i32
      %add3A_2041 = arith.addi %mul3A_2039, %add3A_2040 : i32
      %mul3A_2042 = arith.constant 128 : i32
      %mul3A_2043 = arith.muli %add3A_2041, %mul3A_2042 : i32
      %add3A_2044 = arith.addi %mul3A_2043, %mul3A_1902 : i32
      %add3A_2045 = arith.constant 3 : i32
      %add3A_2046 = arith.addi %add3A_2044, %add3A_2045 : i32
      %dma_start3A_2047 = arith.constant 1 : i32
      %dma_start3A_2048 = arith.constant 1 : i32
      %dma_start3A_2049 = arith.constant 0 : i32
      %dma_start3A_2050 = arith.constant 0 : i32
      %dma_start3A_2051 = tpu.memref_slice %arg7[%dma_start3A_2047, %dma_start3A_2049, %dma_start3A_2050] : memref<2x128x129xf32, #tpu.memory_space<vmem>> -> memref<1x8x128xf32, #tpu.memory_space<vmem>>
      %dma_start3A_2052 = tpu.memref_squeeze %dma_start3A_2051 : memref<1x8x128xf32, #tpu.memory_space<vmem>> -> memref<8x128xf32, #tpu.memory_space<vmem>>
      %dma_start3A_2053 = arith.constant 0 : i32
      %dma_start3A_2054 = arith.constant 0 : i32
      %dma_start3A_2055 = tpu.memref_slice %arg4[%add3A_1911, %dma_start3A_2053, %dma_start3A_2054] : memref<25600x8x128xf32, #tpu.memory_space<hbm>> -> memref<1x8x128xf32, #tpu.memory_space<hbm>>
      %dma_start3A_2056 = tpu.memref_squeeze %dma_start3A_2055 : memref<1x8x128xf32, #tpu.memory_space<hbm>> -> memref<8x128xf32, #tpu.memory_space<hbm>>
      %dma_start3A_2057 = tpu.memref_slice %arg9[%dma_start3A_2048] : memref<2x!tpu.dma_semaphore, #tpu.memory_space<semaphore_mem>> -> memref<1x!tpu.dma_semaphore, #tpu.memory_space<semaphore_mem>>
      %dma_start3A_2058 = tpu.memref_squeeze %dma_start3A_2057 : memref<1x!tpu.dma_semaphore, #tpu.memory_space<semaphore_mem>> -> memref<!tpu.dma_semaphore, #tpu.memory_space<semaphore_mem>>
      %dma_start3A_2059 = arith.constant 0 : i32
      %dma_start3A_2060 = arith.constant 0 : i32
      %dma_start3A_2061 = tpu.memref_slice %arg4[%add3A_1911, %dma_start3A_2059, %dma_start3A_2060] : memref<25600x8x128xf32, #tpu.memory_space<hbm>> -> memref<1x8x128xf32, #tpu.memory_space<hbm>>
      %dma_start3A_2062 = tpu.memref_squeeze %dma_start3A_2061 : memref<1x8x128xf32, #tpu.memory_space<hbm>> -> memref<8x128xf32, #tpu.memory_space<hbm>>
      %dma_start3A_2063 = arith.constant 0 : i32
      %dma_start3A_2064 = arith.constant 0 : i32
      %dma_start3A_2065 = tpu.memref_slice %arg7[%dma_start3A_2047, %dma_start3A_2063, %dma_start3A_2064] : memref<2x128x129xf32, #tpu.memory_space<vmem>> -> memref<1x8x128xf32, #tpu.memory_space<vmem>>
      %dma_start3A_2066 = tpu.memref_squeeze %dma_start3A_2065 : memref<1x8x128xf32, #tpu.memory_space<vmem>> -> memref<8x128xf32, #tpu.memory_space<vmem>>
      tpu.enqueue_dma source(%dma_start3A_2066 : memref<8x128xf32, #tpu.memory_space<vmem>>) target(%dma_start3A_2062 : memref<8x128xf32, #tpu.memory_space<hbm>>) target_semaphore(%dma_start3A_2058 : memref<!tpu.dma_semaphore, #tpu.memory_space<semaphore_mem>>)
      %dma_start3A_2067 = arith.constant 1 : i32
      %dma_start3A_2068 = arith.constant 1 : i32
      %dma_start3A_2069 = arith.constant 8 : i32
      %dma_start3A_2070 = arith.constant 0 : i32
      %dma_start3A_2071 = tpu.memref_slice %arg7[%dma_start3A_2067, %dma_start3A_2069, %dma_start3A_2070] : memref<2x128x129xf32, #tpu.memory_space<vmem>> -> memref<1x8x128xf32, #tpu.memory_space<vmem>>
      %dma_start3A_2072 = tpu.memref_squeeze %dma_start3A_2071 : memref<1x8x128xf32, #tpu.memory_space<vmem>> -> memref<8x128xf32, #tpu.memory_space<vmem>>
      %dma_start3A_2073 = arith.constant 0 : i32
      %dma_start3A_2074 = arith.constant 0 : i32
      %dma_start3A_2075 = tpu.memref_slice %arg4[%add3A_1920, %dma_start3A_2073, %dma_start3A_2074] : memref<25600x8x128xf32, #tpu.memory_space<hbm>> -> memref<1x8x128xf32, #tpu.memory_space<hbm>>
      %dma_start3A_2076 = tpu.memref_squeeze %dma_start3A_2075 : memref<1x8x128xf32, #tpu.memory_space<hbm>> -> memref<8x128xf32, #tpu.memory_space<hbm>>
      %dma_start3A_2077 = tpu.memref_slice %arg9[%dma_start3A_2068] : memref<2x!tpu.dma_semaphore, #tpu.memory_space<semaphore_mem>> -> memref<1x!tpu.dma_semaphore, #tpu.memory_space<semaphore_mem>>
      %dma_start3A_2078 = tpu.memref_squeeze %dma_start3A_2077 : memref<1x!tpu.dma_semaphore, #tpu.memory_space<semaphore_mem>> -> memref<!tpu.dma_semaphore, #tpu.memory_space<semaphore_mem>>
      %dma_start3A_2079 = arith.constant 0 : i32
      %dma_start3A_2080 = arith.constant 0 : i32
      %dma_start3A_2081 = tpu.memref_slice %arg4[%add3A_1920, %dma_start3A_2079, %dma_start3A_2080] : memref<25600x8x128xf32, #tpu.memory_space<hbm>> -> memref<1x8x128xf32, #tpu.memory_space<hbm>>
      %dma_start3A_2082 = tpu.memref_squeeze %dma_start3A_2081 : memref<1x8x128xf32, #tpu.memory_space<hbm>> -> memref<8x128xf32, #tpu.memory_space<hbm>>
      %dma_start3A_2083 = arith.constant 8 : i32
      %dma_start3A_2084 = arith.constant 0 : i32
      %dma_start3A_2085 = tpu.memref_slice %arg7[%dma_start3A_2067, %dma_start3A_2083, %dma_start3A_2084] : memref<2x128x129xf32, #tpu.memory_space<vmem>> -> memref<1x8x128xf32, #tpu.memory_space<vmem>>
      %dma_start3A_2086 = tpu.memref_squeeze %dma_start3A_2085 : memref<1x8x128xf32, #tpu.memory_space<vmem>> -> memref<8x128xf32, #tpu.memory_space<vmem>>
      tpu.enqueue_dma source(%dma_start3A_2086 : memref<8x128xf32, #tpu.memory_space<vmem>>) target(%dma_start3A_2082 : memref<8x128xf32, #tpu.memory_space<hbm>>) target_semaphore(%dma_start3A_2078 : memref<!tpu.dma_semaphore, #tpu.memory_space<semaphore_mem>>)
      %dma_start3A_2087 = arith.constant 1 : i32
      %dma_start3A_2088 = arith.constant 1 : i32
      %dma_start3A_2089 = arith.constant 16 : i32
      %dma_start3A_2090 = arith.constant 0 : i32
      %dma_start3A_2091 = tpu.memref_slice %arg7[%dma_start3A_2087, %dma_start3A_2089, %dma_start3A_2090] : memref<2x128x129xf32, #tpu.memory_space<vmem>> -> memref<1x8x128xf32, #tpu.memory_space<vmem>>
      %dma_start3A_2092 = tpu.memref_squeeze %dma_start3A_2091 : memref<1x8x128xf32, #tpu.memory_space<vmem>> -> memref<8x128xf32, #tpu.memory_space<vmem>>
      %dma_start3A_2093 = arith.constant 0 : i32
      %dma_start3A_2094 = arith.constant 0 : i32
      %dma_start3A_2095 = tpu.memref_slice %arg4[%add3A_1929, %dma_start3A_2093, %dma_start3A_2094] : memref<25600x8x128xf32, #tpu.memory_space<hbm>> -> memref<1x8x128xf32, #tpu.memory_space<hbm>>
      %dma_start3A_2096 = tpu.memref_squeeze %dma_start3A_2095 : memref<1x8x128xf32, #tpu.memory_space<hbm>> -> memref<8x128xf32, #tpu.memory_space<hbm>>
      %dma_start3A_2097 = tpu.memref_slice %arg9[%dma_start3A_2088] : memref<2x!tpu.dma_semaphore, #tpu.memory_space<semaphore_mem>> -> memref<1x!tpu.dma_semaphore, #tpu.memory_space<semaphore_mem>>
      %dma_start3A_2098 = tpu.memref_squeeze %dma_start3A_2097 : memref<1x!tpu.dma_semaphore, #tpu.memory_space<semaphore_mem>> -> memref<!tpu.dma_semaphore, #tpu.memory_space<semaphore_mem>>
      %dma_start3A_2099 = arith.constant 0 : i32
      %dma_start3A_2100 = arith.constant 0 : i32
      %dma_start3A_2101 = tpu.memref_slice %arg4[%add3A_1929, %dma_start3A_2099, %dma_start3A_2100] : memref<25600x8x128xf32, #tpu.memory_space<hbm>> -> memref<1x8x128xf32, #tpu.memory_space<hbm>>
      %dma_start3A_2102 = tpu.memref_squeeze %dma_start3A_2101 : memref<1x8x128xf32, #tpu.memory_space<hbm>> -> memref<8x128xf32, #tpu.memory_space<hbm>>
      %dma_start3A_2103 = arith.constant 16 : i32
      %dma_start3A_2104 = arith.constant 0 : i32
      %dma_start3A_2105 = tpu.memref_slice %arg7[%dma_start3A_2087, %dma_start3A_2103, %dma_start3A_2104] : memref<2x128x129xf32, #tpu.memory_space<vmem>> -> memref<1x8x128xf32, #tpu.memory_space<vmem>>
      %dma_start3A_2106 = tpu.memref_squeeze %dma_start3A_2105 : memref<1x8x128xf32, #tpu.memory_space<vmem>> -> memref<8x128xf32, #tpu.memory_space<vmem>>
      tpu.enqueue_dma source(%dma_start3A_2106 : memref<8x128xf32, #tpu.memory_space<vmem>>) target(%dma_start3A_2102 : memref<8x128xf32, #tpu.memory_space<hbm>>) target_semaphore(%dma_start3A_2098 : memref<!tpu.dma_semaphore, #tpu.memory_space<semaphore_mem>>)
      %dma_start3A_2107 = arith.constant 1 : i32
      %dma_start3A_2108 = arith.constant 1 : i32
      %dma_start3A_2109 = arith.constant 24 : i32
      %dma_start3A_2110 = arith.constant 0 : i32
      %dma_start3A_2111 = tpu.memref_slice %arg7[%dma_start3A_2107, %dma_start3A_2109, %dma_start3A_2110] : memref<2x128x129xf32, #tpu.memory_space<vmem>> -> memref<1x8x128xf32, #tpu.memory_space<vmem>>
      %dma_start3A_2112 = tpu.memref_squeeze %dma_start3A_2111 : memref<1x8x128xf32, #tpu.memory_space<vmem>> -> memref<8x128xf32, #tpu.memory_space<vmem>>
      %dma_start3A_2113 = arith.constant 0 : i32
      %dma_start3A_2114 = arith.constant 0 : i32
      %dma_start3A_2115 = tpu.memref_slice %arg4[%add3A_1938, %dma_start3A_2113, %dma_start3A_2114] : memref<25600x8x128xf32, #tpu.memory_space<hbm>> -> memref<1x8x128xf32, #tpu.memory_space<hbm>>
      %dma_start3A_2116 = tpu.memref_squeeze %dma_start3A_2115 : memref<1x8x128xf32, #tpu.memory_space<hbm>> -> memref<8x128xf32, #tpu.memory_space<hbm>>
      %dma_start3A_2117 = tpu.memref_slice %arg9[%dma_start3A_2108] : memref<2x!tpu.dma_semaphore, #tpu.memory_space<semaphore_mem>> -> memref<1x!tpu.dma_semaphore, #tpu.memory_space<semaphore_mem>>
      %dma_start3A_2118 = tpu.memref_squeeze %dma_start3A_2117 : memref<1x!tpu.dma_semaphore, #tpu.memory_space<semaphore_mem>> -> memref<!tpu.dma_semaphore, #tpu.memory_space<semaphore_mem>>
      %dma_start3A_2119 = arith.constant 0 : i32
      %dma_start3A_2120 = arith.constant 0 : i32
      %dma_start3A_2121 = tpu.memref_slice %arg4[%add3A_1938, %dma_start3A_2119, %dma_start3A_2120] : memref<25600x8x128xf32, #tpu.memory_space<hbm>> -> memref<1x8x128xf32, #tpu.memory_space<hbm>>
      %dma_start3A_2122 = tpu.memref_squeeze %dma_start3A_2121 : memref<1x8x128xf32, #tpu.memory_space<hbm>> -> memref<8x128xf32, #tpu.memory_space<hbm>>
      %dma_start3A_2123 = arith.constant 24 : i32
      %dma_start3A_2124 = arith.constant 0 : i32
      %dma_start3A_2125 = tpu.memref_slice %arg7[%dma_start3A_2107, %dma_start3A_2123, %dma_start3A_2124] : memref<2x128x129xf32, #tpu.memory_space<vmem>> -> memref<1x8x128xf32, #tpu.memory_space<vmem>>
      %dma_start3A_2126 = tpu.memref_squeeze %dma_start3A_2125 : memref<1x8x128xf32, #tpu.memory_space<vmem>> -> memref<8x128xf32, #tpu.memory_space<vmem>>
      tpu.enqueue_dma source(%dma_start3A_2126 : memref<8x128xf32, #tpu.memory_space<vmem>>) target(%dma_start3A_2122 : memref<8x128xf32, #tpu.memory_space<hbm>>) target_semaphore(%dma_start3A_2118 : memref<!tpu.dma_semaphore, #tpu.memory_space<semaphore_mem>>)
      %dma_start3A_2127 = arith.constant 1 : i32
      %dma_start3A_2128 = arith.constant 1 : i32
      %dma_start3A_2129 = arith.constant 32 : i32
      %dma_start3A_2130 = arith.constant 0 : i32
      %dma_start3A_2131 = tpu.memref_slice %arg7[%dma_start3A_2127, %dma_start3A_2129, %dma_start3A_2130] : memref<2x128x129xf32, #tpu.memory_space<vmem>> -> memref<1x8x128xf32, #tpu.memory_space<vmem>>
      %dma_start3A_2132 = tpu.memref_squeeze %dma_start3A_2131 : memref<1x8x128xf32, #tpu.memory_space<vmem>> -> memref<8x128xf32, #tpu.memory_space<vmem>>
      %dma_start3A_2133 = arith.constant 0 : i32
      %dma_start3A_2134 = arith.constant 0 : i32
      %dma_start3A_2135 = tpu.memref_slice %arg4[%add3A_1947, %dma_start3A_2133, %dma_start3A_2134] : memref<25600x8x128xf32, #tpu.memory_space<hbm>> -> memref<1x8x128xf32, #tpu.memory_space<hbm>>
      %dma_start3A_2136 = tpu.memref_squeeze %dma_start3A_2135 : memref<1x8x128xf32, #tpu.memory_space<hbm>> -> memref<8x128xf32, #tpu.memory_space<hbm>>
      %dma_start3A_2137 = tpu.memref_slice %arg9[%dma_start3A_2128] : memref<2x!tpu.dma_semaphore, #tpu.memory_space<semaphore_mem>> -> memref<1x!tpu.dma_semaphore, #tpu.memory_space<semaphore_mem>>
      %dma_start3A_2138 = tpu.memref_squeeze %dma_start3A_2137 : memref<1x!tpu.dma_semaphore, #tpu.memory_space<semaphore_mem>> -> memref<!tpu.dma_semaphore, #tpu.memory_space<semaphore_mem>>
      %dma_start3A_2139 = arith.constant 0 : i32
      %dma_start3A_2140 = arith.constant 0 : i32
      %dma_start3A_2141 = tpu.memref_slice %arg4[%add3A_1947, %dma_start3A_2139, %dma_start3A_2140] : memref<25600x8x128xf32, #tpu.memory_space<hbm>> -> memref<1x8x128xf32, #tpu.memory_space<hbm>>
      %dma_start3A_2142 = tpu.memref_squeeze %dma_start3A_2141 : memref<1x8x128xf32, #tpu.memory_space<hbm>> -> memref<8x128xf32, #tpu.memory_space<hbm>>
      %dma_start3A_2143 = arith.constant 32 : i32
      %dma_start3A_2144 = arith.constant 0 : i32
      %dma_start3A_2145 = tpu.memref_slice %arg7[%dma_start3A_2127, %dma_start3A_2143, %dma_start3A_2144] : memref<2x128x129xf32, #tpu.memory_space<vmem>> -> memref<1x8x128xf32, #tpu.memory_space<vmem>>
      %dma_start3A_2146 = tpu.memref_squeeze %dma_start3A_2145 : memref<1x8x128xf32, #tpu.memory_space<vmem>> -> memref<8x128xf32, #tpu.memory_space<vmem>>
      tpu.enqueue_dma source(%dma_start3A_2146 : memref<8x128xf32, #tpu.memory_space<vmem>>) target(%dma_start3A_2142 : memref<8x128xf32, #tpu.memory_space<hbm>>) target_semaphore(%dma_start3A_2138 : memref<!tpu.dma_semaphore, #tpu.memory_space<semaphore_mem>>)
      %dma_start3A_2147 = arith.constant 1 : i32
      %dma_start3A_2148 = arith.constant 1 : i32
      %dma_start3A_2149 = arith.constant 40 : i32
      %dma_start3A_2150 = arith.constant 0 : i32
      %dma_start3A_2151 = tpu.memref_slice %arg7[%dma_start3A_2147, %dma_start3A_2149, %dma_start3A_2150] : memref<2x128x129xf32, #tpu.memory_space<vmem>> -> memref<1x8x128xf32, #tpu.memory_space<vmem>>
      %dma_start3A_2152 = tpu.memref_squeeze %dma_start3A_2151 : memref<1x8x128xf32, #tpu.memory_space<vmem>> -> memref<8x128xf32, #tpu.memory_space<vmem>>
      %dma_start3A_2153 = arith.constant 0 : i32
      %dma_start3A_2154 = arith.constant 0 : i32
      %dma_start3A_2155 = tpu.memref_slice %arg4[%add3A_1956, %dma_start3A_2153, %dma_start3A_2154] : memref<25600x8x128xf32, #tpu.memory_space<hbm>> -> memref<1x8x128xf32, #tpu.memory_space<hbm>>
      %dma_start3A_2156 = tpu.memref_squeeze %dma_start3A_2155 : memref<1x8x128xf32, #tpu.memory_space<hbm>> -> memref<8x128xf32, #tpu.memory_space<hbm>>
      %dma_start3A_2157 = tpu.memref_slice %arg9[%dma_start3A_2148] : memref<2x!tpu.dma_semaphore, #tpu.memory_space<semaphore_mem>> -> memref<1x!tpu.dma_semaphore, #tpu.memory_space<semaphore_mem>>
      %dma_start3A_2158 = tpu.memref_squeeze %dma_start3A_2157 : memref<1x!tpu.dma_semaphore, #tpu.memory_space<semaphore_mem>> -> memref<!tpu.dma_semaphore, #tpu.memory_space<semaphore_mem>>
      %dma_start3A_2159 = arith.constant 0 : i32
      %dma_start3A_2160 = arith.constant 0 : i32
      %dma_start3A_2161 = tpu.memref_slice %arg4[%add3A_1956, %dma_start3A_2159, %dma_start3A_2160] : memref<25600x8x128xf32, #tpu.memory_space<hbm>> -> memref<1x8x128xf32, #tpu.memory_space<hbm>>
      %dma_start3A_2162 = tpu.memref_squeeze %dma_start3A_2161 : memref<1x8x128xf32, #tpu.memory_space<hbm>> -> memref<8x128xf32, #tpu.memory_space<hbm>>
      %dma_start3A_2163 = arith.constant 40 : i32
      %dma_start3A_2164 = arith.constant 0 : i32
      %dma_start3A_2165 = tpu.memref_slice %arg7[%dma_start3A_2147, %dma_start3A_2163, %dma_start3A_2164] : memref<2x128x129xf32, #tpu.memory_space<vmem>> -> memref<1x8x128xf32, #tpu.memory_space<vmem>>
      %dma_start3A_2166 = tpu.memref_squeeze %dma_start3A_2165 : memref<1x8x128xf32, #tpu.memory_space<vmem>> -> memref<8x128xf32, #tpu.memory_space<vmem>>
      tpu.enqueue_dma source(%dma_start3A_2166 : memref<8x128xf32, #tpu.memory_space<vmem>>) target(%dma_start3A_2162 : memref<8x128xf32, #tpu.memory_space<hbm>>) target_semaphore(%dma_start3A_2158 : memref<!tpu.dma_semaphore, #tpu.memory_space<semaphore_mem>>)
      %dma_start3A_2167 = arith.constant 1 : i32
      %dma_start3A_2168 = arith.constant 1 : i32
      %dma_start3A_2169 = arith.constant 48 : i32
      %dma_start3A_2170 = arith.constant 0 : i32
      %dma_start3A_2171 = tpu.memref_slice %arg7[%dma_start3A_2167, %dma_start3A_2169, %dma_start3A_2170] : memref<2x128x129xf32, #tpu.memory_space<vmem>> -> memref<1x8x128xf32, #tpu.memory_space<vmem>>
      %dma_start3A_2172 = tpu.memref_squeeze %dma_start3A_2171 : memref<1x8x128xf32, #tpu.memory_space<vmem>> -> memref<8x128xf32, #tpu.memory_space<vmem>>
      %dma_start3A_2173 = arith.constant 0 : i32
      %dma_start3A_2174 = arith.constant 0 : i32
      %dma_start3A_2175 = tpu.memref_slice %arg4[%add3A_1965, %dma_start3A_2173, %dma_start3A_2174] : memref<25600x8x128xf32, #tpu.memory_space<hbm>> -> memref<1x8x128xf32, #tpu.memory_space<hbm>>
      %dma_start3A_2176 = tpu.memref_squeeze %dma_start3A_2175 : memref<1x8x128xf32, #tpu.memory_space<hbm>> -> memref<8x128xf32, #tpu.memory_space<hbm>>
      %dma_start3A_2177 = tpu.memref_slice %arg9[%dma_start3A_2168] : memref<2x!tpu.dma_semaphore, #tpu.memory_space<semaphore_mem>> -> memref<1x!tpu.dma_semaphore, #tpu.memory_space<semaphore_mem>>
      %dma_start3A_2178 = tpu.memref_squeeze %dma_start3A_2177 : memref<1x!tpu.dma_semaphore, #tpu.memory_space<semaphore_mem>> -> memref<!tpu.dma_semaphore, #tpu.memory_space<semaphore_mem>>
      %dma_start3A_2179 = arith.constant 0 : i32
      %dma_start3A_2180 = arith.constant 0 : i32
      %dma_start3A_2181 = tpu.memref_slice %arg4[%add3A_1965, %dma_start3A_2179, %dma_start3A_2180] : memref<25600x8x128xf32, #tpu.memory_space<hbm>> -> memref<1x8x128xf32, #tpu.memory_space<hbm>>
      %dma_start3A_2182 = tpu.memref_squeeze %dma_start3A_2181 : memref<1x8x128xf32, #tpu.memory_space<hbm>> -> memref<8x128xf32, #tpu.memory_space<hbm>>
      %dma_start3A_2183 = arith.constant 48 : i32
      %dma_start3A_2184 = arith.constant 0 : i32
      %dma_start3A_2185 = tpu.memref_slice %arg7[%dma_start3A_2167, %dma_start3A_2183, %dma_start3A_2184] : memref<2x128x129xf32, #tpu.memory_space<vmem>> -> memref<1x8x128xf32, #tpu.memory_space<vmem>>
      %dma_start3A_2186 = tpu.memref_squeeze %dma_start3A_2185 : memref<1x8x128xf32, #tpu.memory_space<vmem>> -> memref<8x128xf32, #tpu.memory_space<vmem>>
      tpu.enqueue_dma source(%dma_start3A_2186 : memref<8x128xf32, #tpu.memory_space<vmem>>) target(%dma_start3A_2182 : memref<8x128xf32, #tpu.memory_space<hbm>>) target_semaphore(%dma_start3A_2178 : memref<!tpu.dma_semaphore, #tpu.memory_space<semaphore_mem>>)
      %dma_start3A_2187 = arith.constant 1 : i32
      %dma_start3A_2188 = arith.constant 1 : i32
      %dma_start3A_2189 = arith.constant 56 : i32
      %dma_start3A_2190 = arith.constant 0 : i32
      %dma_start3A_2191 = tpu.memref_slice %arg7[%dma_start3A_2187, %dma_start3A_2189, %dma_start3A_2190] : memref<2x128x129xf32, #tpu.memory_space<vmem>> -> memref<1x8x128xf32, #tpu.memory_space<vmem>>
      %dma_start3A_2192 = tpu.memref_squeeze %dma_start3A_2191 : memref<1x8x128xf32, #tpu.memory_space<vmem>> -> memref<8x128xf32, #tpu.memory_space<vmem>>
      %dma_start3A_2193 = arith.constant 0 : i32
      %dma_start3A_2194 = arith.constant 0 : i32
      %dma_start3A_2195 = tpu.memref_slice %arg4[%add3A_1974, %dma_start3A_2193, %dma_start3A_2194] : memref<25600x8x128xf32, #tpu.memory_space<hbm>> -> memref<1x8x128xf32, #tpu.memory_space<hbm>>
      %dma_start3A_2196 = tpu.memref_squeeze %dma_start3A_2195 : memref<1x8x128xf32, #tpu.memory_space<hbm>> -> memref<8x128xf32, #tpu.memory_space<hbm>>
      %dma_start3A_2197 = tpu.memref_slice %arg9[%dma_start3A_2188] : memref<2x!tpu.dma_semaphore, #tpu.memory_space<semaphore_mem>> -> memref<1x!tpu.dma_semaphore, #tpu.memory_space<semaphore_mem>>
      %dma_start3A_2198 = tpu.memref_squeeze %dma_start3A_2197 : memref<1x!tpu.dma_semaphore, #tpu.memory_space<semaphore_mem>> -> memref<!tpu.dma_semaphore, #tpu.memory_space<semaphore_mem>>
      %dma_start3A_2199 = arith.constant 0 : i32
      %dma_start3A_2200 = arith.constant 0 : i32
      %dma_start3A_2201 = tpu.memref_slice %arg4[%add3A_1974, %dma_start3A_2199, %dma_start3A_2200] : memref<25600x8x128xf32, #tpu.memory_space<hbm>> -> memref<1x8x128xf32, #tpu.memory_space<hbm>>
      %dma_start3A_2202 = tpu.memref_squeeze %dma_start3A_2201 : memref<1x8x128xf32, #tpu.memory_space<hbm>> -> memref<8x128xf32, #tpu.memory_space<hbm>>
      %dma_start3A_2203 = arith.constant 56 : i32
      %dma_start3A_2204 = arith.constant 0 : i32
      %dma_start3A_2205 = tpu.memref_slice %arg7[%dma_start3A_2187, %dma_start3A_2203, %dma_start3A_2204] : memref<2x128x129xf32, #tpu.memory_space<vmem>> -> memref<1x8x128xf32, #tpu.memory_space<vmem>>
      %dma_start3A_2206 = tpu.memref_squeeze %dma_start3A_2205 : memref<1x8x128xf32, #tpu.memory_space<vmem>> -> memref<8x128xf32, #tpu.memory_space<vmem>>
      tpu.enqueue_dma source(%dma_start3A_2206 : memref<8x128xf32, #tpu.memory_space<vmem>>) target(%dma_start3A_2202 : memref<8x128xf32, #tpu.memory_space<hbm>>) target_semaphore(%dma_start3A_2198 : memref<!tpu.dma_semaphore, #tpu.memory_space<semaphore_mem>>)
      %dma_start3A_2207 = arith.constant 1 : i32
      %dma_start3A_2208 = arith.constant 1 : i32
      %dma_start3A_2209 = arith.constant 64 : i32
      %dma_start3A_2210 = arith.constant 0 : i32
      %dma_start3A_2211 = tpu.memref_slice %arg7[%dma_start3A_2207, %dma_start3A_2209, %dma_start3A_2210] : memref<2x128x129xf32, #tpu.memory_space<vmem>> -> memref<1x8x128xf32, #tpu.memory_space<vmem>>
      %dma_start3A_2212 = tpu.memref_squeeze %dma_start3A_2211 : memref<1x8x128xf32, #tpu.memory_space<vmem>> -> memref<8x128xf32, #tpu.memory_space<vmem>>
      %dma_start3A_2213 = arith.constant 0 : i32
      %dma_start3A_2214 = arith.constant 0 : i32
      %dma_start3A_2215 = tpu.memref_slice %arg4[%add3A_1983, %dma_start3A_2213, %dma_start3A_2214] : memref<25600x8x128xf32, #tpu.memory_space<hbm>> -> memref<1x8x128xf32, #tpu.memory_space<hbm>>
      %dma_start3A_2216 = tpu.memref_squeeze %dma_start3A_2215 : memref<1x8x128xf32, #tpu.memory_space<hbm>> -> memref<8x128xf32, #tpu.memory_space<hbm>>
      %dma_start3A_2217 = tpu.memref_slice %arg9[%dma_start3A_2208] : memref<2x!tpu.dma_semaphore, #tpu.memory_space<semaphore_mem>> -> memref<1x!tpu.dma_semaphore, #tpu.memory_space<semaphore_mem>>
      %dma_start3A_2218 = tpu.memref_squeeze %dma_start3A_2217 : memref<1x!tpu.dma_semaphore, #tpu.memory_space<semaphore_mem>> -> memref<!tpu.dma_semaphore, #tpu.memory_space<semaphore_mem>>
      %dma_start3A_2219 = arith.constant 0 : i32
      %dma_start3A_2220 = arith.constant 0 : i32
      %dma_start3A_2221 = tpu.memref_slice %arg4[%add3A_1983, %dma_start3A_2219, %dma_start3A_2220] : memref<25600x8x128xf32, #tpu.memory_space<hbm>> -> memref<1x8x128xf32, #tpu.memory_space<hbm>>
      %dma_start3A_2222 = tpu.memref_squeeze %dma_start3A_2221 : memref<1x8x128xf32, #tpu.memory_space<hbm>> -> memref<8x128xf32, #tpu.memory_space<hbm>>
      %dma_start3A_2223 = arith.constant 64 : i32
      %dma_start3A_2224 = arith.constant 0 : i32
      %dma_start3A_2225 = tpu.memref_slice %arg7[%dma_start3A_2207, %dma_start3A_2223, %dma_start3A_2224] : memref<2x128x129xf32, #tpu.memory_space<vmem>> -> memref<1x8x128xf32, #tpu.memory_space<vmem>>
      %dma_start3A_2226 = tpu.memref_squeeze %dma_start3A_2225 : memref<1x8x128xf32, #tpu.memory_space<vmem>> -> memref<8x128xf32, #tpu.memory_space<vmem>>
      tpu.enqueue_dma source(%dma_start3A_2226 : memref<8x128xf32, #tpu.memory_space<vmem>>) target(%dma_start3A_2222 : memref<8x128xf32, #tpu.memory_space<hbm>>) target_semaphore(%dma_start3A_2218 : memref<!tpu.dma_semaphore, #tpu.memory_space<semaphore_mem>>)
      %dma_start3A_2227 = arith.constant 1 : i32
      %dma_start3A_2228 = arith.constant 1 : i32
      %dma_start3A_2229 = arith.constant 72 : i32
      %dma_start3A_2230 = arith.constant 0 : i32
      %dma_start3A_2231 = tpu.memref_slice %arg7[%dma_start3A_2227, %dma_start3A_2229, %dma_start3A_2230] : memref<2x128x129xf32, #tpu.memory_space<vmem>> -> memref<1x8x128xf32, #tpu.memory_space<vmem>>
      %dma_start3A_2232 = tpu.memref_squeeze %dma_start3A_2231 : memref<1x8x128xf32, #tpu.memory_space<vmem>> -> memref<8x128xf32, #tpu.memory_space<vmem>>
      %dma_start3A_2233 = arith.constant 0 : i32
      %dma_start3A_2234 = arith.constant 0 : i32
      %dma_start3A_2235 = tpu.memref_slice %arg4[%add3A_1992, %dma_start3A_2233, %dma_start3A_2234] : memref<25600x8x128xf32, #tpu.memory_space<hbm>> -> memref<1x8x128xf32, #tpu.memory_space<hbm>>
      %dma_start3A_2236 = tpu.memref_squeeze %dma_start3A_2235 : memref<1x8x128xf32, #tpu.memory_space<hbm>> -> memref<8x128xf32, #tpu.memory_space<hbm>>
      %dma_start3A_2237 = tpu.memref_slice %arg9[%dma_start3A_2228] : memref<2x!tpu.dma_semaphore, #tpu.memory_space<semaphore_mem>> -> memref<1x!tpu.dma_semaphore, #tpu.memory_space<semaphore_mem>>
      %dma_start3A_2238 = tpu.memref_squeeze %dma_start3A_2237 : memref<1x!tpu.dma_semaphore, #tpu.memory_space<semaphore_mem>> -> memref<!tpu.dma_semaphore, #tpu.memory_space<semaphore_mem>>
      %dma_start3A_2239 = arith.constant 0 : i32
      %dma_start3A_2240 = arith.constant 0 : i32
      %dma_start3A_2241 = tpu.memref_slice %arg4[%add3A_1992, %dma_start3A_2239, %dma_start3A_2240] : memref<25600x8x128xf32, #tpu.memory_space<hbm>> -> memref<1x8x128xf32, #tpu.memory_space<hbm>>
      %dma_start3A_2242 = tpu.memref_squeeze %dma_start3A_2241 : memref<1x8x128xf32, #tpu.memory_space<hbm>> -> memref<8x128xf32, #tpu.memory_space<hbm>>
      %dma_start3A_2243 = arith.constant 72 : i32
      %dma_start3A_2244 = arith.constant 0 : i32
      %dma_start3A_2245 = tpu.memref_slice %arg7[%dma_start3A_2227, %dma_start3A_2243, %dma_start3A_2244] : memref<2x128x129xf32, #tpu.memory_space<vmem>> -> memref<1x8x128xf32, #tpu.memory_space<vmem>>
      %dma_start3A_2246 = tpu.memref_squeeze %dma_start3A_2245 : memref<1x8x128xf32, #tpu.memory_space<vmem>> -> memref<8x128xf32, #tpu.memory_space<vmem>>
      tpu.enqueue_dma source(%dma_start3A_2246 : memref<8x128xf32, #tpu.memory_space<vmem>>) target(%dma_start3A_2242 : memref<8x128xf32, #tpu.memory_space<hbm>>) target_semaphore(%dma_start3A_2238 : memref<!tpu.dma_semaphore, #tpu.memory_space<semaphore_mem>>)
      %dma_start3A_2247 = arith.constant 1 : i32
      %dma_start3A_2248 = arith.constant 1 : i32
      %dma_start3A_2249 = arith.constant 80 : i32
      %dma_start3A_2250 = arith.constant 0 : i32
      %dma_start3A_2251 = tpu.memref_slice %arg7[%dma_start3A_2247, %dma_start3A_2249, %dma_start3A_2250] : memref<2x128x129xf32, #tpu.memory_space<vmem>> -> memref<1x8x128xf32, #tpu.memory_space<vmem>>
      %dma_start3A_2252 = tpu.memref_squeeze %dma_start3A_2251 : memref<1x8x128xf32, #tpu.memory_space<vmem>> -> memref<8x128xf32, #tpu.memory_space<vmem>>
      %dma_start3A_2253 = arith.constant 0 : i32
      %dma_start3A_2254 = arith.constant 0 : i32
      %dma_start3A_2255 = tpu.memref_slice %arg4[%add3A_2001, %dma_start3A_2253, %dma_start3A_2254] : memref<25600x8x128xf32, #tpu.memory_space<hbm>> -> memref<1x8x128xf32, #tpu.memory_space<hbm>>
      %dma_start3A_2256 = tpu.memref_squeeze %dma_start3A_2255 : memref<1x8x128xf32, #tpu.memory_space<hbm>> -> memref<8x128xf32, #tpu.memory_space<hbm>>
      %dma_start3A_2257 = tpu.memref_slice %arg9[%dma_start3A_2248] : memref<2x!tpu.dma_semaphore, #tpu.memory_space<semaphore_mem>> -> memref<1x!tpu.dma_semaphore, #tpu.memory_space<semaphore_mem>>
      %dma_start3A_2258 = tpu.memref_squeeze %dma_start3A_2257 : memref<1x!tpu.dma_semaphore, #tpu.memory_space<semaphore_mem>> -> memref<!tpu.dma_semaphore, #tpu.memory_space<semaphore_mem>>
      %dma_start3A_2259 = arith.constant 0 : i32
      %dma_start3A_2260 = arith.constant 0 : i32
      %dma_start3A_2261 = tpu.memref_slice %arg4[%add3A_2001, %dma_start3A_2259, %dma_start3A_2260] : memref<25600x8x128xf32, #tpu.memory_space<hbm>> -> memref<1x8x128xf32, #tpu.memory_space<hbm>>
      %dma_start3A_2262 = tpu.memref_squeeze %dma_start3A_2261 : memref<1x8x128xf32, #tpu.memory_space<hbm>> -> memref<8x128xf32, #tpu.memory_space<hbm>>
      %dma_start3A_2263 = arith.constant 80 : i32
      %dma_start3A_2264 = arith.constant 0 : i32
      %dma_start3A_2265 = tpu.memref_slice %arg7[%dma_start3A_2247, %dma_start3A_2263, %dma_start3A_2264] : memref<2x128x129xf32, #tpu.memory_space<vmem>> -> memref<1x8x128xf32, #tpu.memory_space<vmem>>
      %dma_start3A_2266 = tpu.memref_squeeze %dma_start3A_2265 : memref<1x8x128xf32, #tpu.memory_space<vmem>> -> memref<8x128xf32, #tpu.memory_space<vmem>>
      tpu.enqueue_dma source(%dma_start3A_2266 : memref<8x128xf32, #tpu.memory_space<vmem>>) target(%dma_start3A_2262 : memref<8x128xf32, #tpu.memory_space<hbm>>) target_semaphore(%dma_start3A_2258 : memref<!tpu.dma_semaphore, #tpu.memory_space<semaphore_mem>>)
      %dma_start3A_2267 = arith.constant 1 : i32
      %dma_start3A_2268 = arith.constant 1 : i32
      %dma_start3A_2269 = arith.constant 88 : i32
      %dma_start3A_2270 = arith.constant 0 : i32
      %dma_start3A_2271 = tpu.memref_slice %arg7[%dma_start3A_2267, %dma_start3A_2269, %dma_start3A_2270] : memref<2x128x129xf32, #tpu.memory_space<vmem>> -> memref<1x8x128xf32, #tpu.memory_space<vmem>>
      %dma_start3A_2272 = tpu.memref_squeeze %dma_start3A_2271 : memref<1x8x128xf32, #tpu.memory_space<vmem>> -> memref<8x128xf32, #tpu.memory_space<vmem>>
      %dma_start3A_2273 = arith.constant 0 : i32
      %dma_start3A_2274 = arith.constant 0 : i32
      %dma_start3A_2275 = tpu.memref_slice %arg4[%add3A_2010, %dma_start3A_2273, %dma_start3A_2274] : memref<25600x8x128xf32, #tpu.memory_space<hbm>> -> memref<1x8x128xf32, #tpu.memory_space<hbm>>
      %dma_start3A_2276 = tpu.memref_squeeze %dma_start3A_2275 : memref<1x8x128xf32, #tpu.memory_space<hbm>> -> memref<8x128xf32, #tpu.memory_space<hbm>>
      %dma_start3A_2277 = tpu.memref_slice %arg9[%dma_start3A_2268] : memref<2x!tpu.dma_semaphore, #tpu.memory_space<semaphore_mem>> -> memref<1x!tpu.dma_semaphore, #tpu.memory_space<semaphore_mem>>
      %dma_start3A_2278 = tpu.memref_squeeze %dma_start3A_2277 : memref<1x!tpu.dma_semaphore, #tpu.memory_space<semaphore_mem>> -> memref<!tpu.dma_semaphore, #tpu.memory_space<semaphore_mem>>
      %dma_start3A_2279 = arith.constant 0 : i32
      %dma_start3A_2280 = arith.constant 0 : i32
      %dma_start3A_2281 = tpu.memref_slice %arg4[%add3A_2010, %dma_start3A_2279, %dma_start3A_2280] : memref<25600x8x128xf32, #tpu.memory_space<hbm>> -> memref<1x8x128xf32, #tpu.memory_space<hbm>>
      %dma_start3A_2282 = tpu.memref_squeeze %dma_start3A_2281 : memref<1x8x128xf32, #tpu.memory_space<hbm>> -> memref<8x128xf32, #tpu.memory_space<hbm>>
      %dma_start3A_2283 = arith.constant 88 : i32
      %dma_start3A_2284 = arith.constant 0 : i32
      %dma_start3A_2285 = tpu.memref_slice %arg7[%dma_start3A_2267, %dma_start3A_2283, %dma_start3A_2284] : memref<2x128x129xf32, #tpu.memory_space<vmem>> -> memref<1x8x128xf32, #tpu.memory_space<vmem>>
      %dma_start3A_2286 = tpu.memref_squeeze %dma_start3A_2285 : memref<1x8x128xf32, #tpu.memory_space<vmem>> -> memref<8x128xf32, #tpu.memory_space<vmem>>
      tpu.enqueue_dma source(%dma_start3A_2286 : memref<8x128xf32, #tpu.memory_space<vmem>>) target(%dma_start3A_2282 : memref<8x128xf32, #tpu.memory_space<hbm>>) target_semaphore(%dma_start3A_2278 : memref<!tpu.dma_semaphore, #tpu.memory_space<semaphore_mem>>)
      %dma_start3A_2287 = arith.constant 1 : i32
      %dma_start3A_2288 = arith.constant 1 : i32
      %dma_start3A_2289 = arith.constant 96 : i32
      %dma_start3A_2290 = arith.constant 0 : i32
      %dma_start3A_2291 = tpu.memref_slice %arg7[%dma_start3A_2287, %dma_start3A_2289, %dma_start3A_2290] : memref<2x128x129xf32, #tpu.memory_space<vmem>> -> memref<1x8x128xf32, #tpu.memory_space<vmem>>
      %dma_start3A_2292 = tpu.memref_squeeze %dma_start3A_2291 : memref<1x8x128xf32, #tpu.memory_space<vmem>> -> memref<8x128xf32, #tpu.memory_space<vmem>>
      %dma_start3A_2293 = arith.constant 0 : i32
      %dma_start3A_2294 = arith.constant 0 : i32
      %dma_start3A_2295 = tpu.memref_slice %arg4[%add3A_2019, %dma_start3A_2293, %dma_start3A_2294] : memref<25600x8x128xf32, #tpu.memory_space<hbm>> -> memref<1x8x128xf32, #tpu.memory_space<hbm>>
      %dma_start3A_2296 = tpu.memref_squeeze %dma_start3A_2295 : memref<1x8x128xf32, #tpu.memory_space<hbm>> -> memref<8x128xf32, #tpu.memory_space<hbm>>
      %dma_start3A_2297 = tpu.memref_slice %arg9[%dma_start3A_2288] : memref<2x!tpu.dma_semaphore, #tpu.memory_space<semaphore_mem>> -> memref<1x!tpu.dma_semaphore, #tpu.memory_space<semaphore_mem>>
      %dma_start3A_2298 = tpu.memref_squeeze %dma_start3A_2297 : memref<1x!tpu.dma_semaphore, #tpu.memory_space<semaphore_mem>> -> memref<!tpu.dma_semaphore, #tpu.memory_space<semaphore_mem>>
      %dma_start3A_2299 = arith.constant 0 : i32
      %dma_start3A_2300 = arith.constant 0 : i32
      %dma_start3A_2301 = tpu.memref_slice %arg4[%add3A_2019, %dma_start3A_2299, %dma_start3A_2300] : memref<25600x8x128xf32, #tpu.memory_space<hbm>> -> memref<1x8x128xf32, #tpu.memory_space<hbm>>
      %dma_start3A_2302 = tpu.memref_squeeze %dma_start3A_2301 : memref<1x8x128xf32, #tpu.memory_space<hbm>> -> memref<8x128xf32, #tpu.memory_space<hbm>>
      %dma_start3A_2303 = arith.constant 96 : i32
      %dma_start3A_2304 = arith.constant 0 : i32
      %dma_start3A_2305 = tpu.memref_slice %arg7[%dma_start3A_2287, %dma_start3A_2303, %dma_start3A_2304] : memref<2x128x129xf32, #tpu.memory_space<vmem>> -> memref<1x8x128xf32, #tpu.memory_space<vmem>>
      %dma_start3A_2306 = tpu.memref_squeeze %dma_start3A_2305 : memref<1x8x128xf32, #tpu.memory_space<vmem>> -> memref<8x128xf32, #tpu.memory_space<vmem>>
      tpu.enqueue_dma source(%dma_start3A_2306 : memref<8x128xf32, #tpu.memory_space<vmem>>) target(%dma_start3A_2302 : memref<8x128xf32, #tpu.memory_space<hbm>>) target_semaphore(%dma_start3A_2298 : memref<!tpu.dma_semaphore, #tpu.memory_space<semaphore_mem>>)
      %dma_start3A_2307 = arith.constant 1 : i32
      %dma_start3A_2308 = arith.constant 1 : i32
      %dma_start3A_2309 = arith.constant 104 : i32
      %dma_start3A_2310 = arith.constant 0 : i32
      %dma_start3A_2311 = tpu.memref_slice %arg7[%dma_start3A_2307, %dma_start3A_2309, %dma_start3A_2310] : memref<2x128x129xf32, #tpu.memory_space<vmem>> -> memref<1x8x128xf32, #tpu.memory_space<vmem>>
      %dma_start3A_2312 = tpu.memref_squeeze %dma_start3A_2311 : memref<1x8x128xf32, #tpu.memory_space<vmem>> -> memref<8x128xf32, #tpu.memory_space<vmem>>
      %dma_start3A_2313 = arith.constant 0 : i32
      %dma_start3A_2314 = arith.constant 0 : i32
      %dma_start3A_2315 = tpu.memref_slice %arg4[%add3A_2028, %dma_start3A_2313, %dma_start3A_2314] : memref<25600x8x128xf32, #tpu.memory_space<hbm>> -> memref<1x8x128xf32, #tpu.memory_space<hbm>>
      %dma_start3A_2316 = tpu.memref_squeeze %dma_start3A_2315 : memref<1x8x128xf32, #tpu.memory_space<hbm>> -> memref<8x128xf32, #tpu.memory_space<hbm>>
      %dma_start3A_2317 = tpu.memref_slice %arg9[%dma_start3A_2308] : memref<2x!tpu.dma_semaphore, #tpu.memory_space<semaphore_mem>> -> memref<1x!tpu.dma_semaphore, #tpu.memory_space<semaphore_mem>>
      %dma_start3A_2318 = tpu.memref_squeeze %dma_start3A_2317 : memref<1x!tpu.dma_semaphore, #tpu.memory_space<semaphore_mem>> -> memref<!tpu.dma_semaphore, #tpu.memory_space<semaphore_mem>>
      %dma_start3A_2319 = arith.constant 0 : i32
      %dma_start3A_2320 = arith.constant 0 : i32
      %dma_start3A_2321 = tpu.memref_slice %arg4[%add3A_2028, %dma_start3A_2319, %dma_start3A_2320] : memref<25600x8x128xf32, #tpu.memory_space<hbm>> -> memref<1x8x128xf32, #tpu.memory_space<hbm>>
      %dma_start3A_2322 = tpu.memref_squeeze %dma_start3A_2321 : memref<1x8x128xf32, #tpu.memory_space<hbm>> -> memref<8x128xf32, #tpu.memory_space<hbm>>
      %dma_start3A_2323 = arith.constant 104 : i32
      %dma_start3A_2324 = arith.constant 0 : i32
      %dma_start3A_2325 = tpu.memref_slice %arg7[%dma_start3A_2307, %dma_start3A_2323, %dma_start3A_2324] : memref<2x128x129xf32, #tpu.memory_space<vmem>> -> memref<1x8x128xf32, #tpu.memory_space<vmem>>
      %dma_start3A_2326 = tpu.memref_squeeze %dma_start3A_2325 : memref<1x8x128xf32, #tpu.memory_space<vmem>> -> memref<8x128xf32, #tpu.memory_space<vmem>>
      tpu.enqueue_dma source(%dma_start3A_2326 : memref<8x128xf32, #tpu.memory_space<vmem>>) target(%dma_start3A_2322 : memref<8x128xf32, #tpu.memory_space<hbm>>) target_semaphore(%dma_start3A_2318 : memref<!tpu.dma_semaphore, #tpu.memory_space<semaphore_mem>>)
      %dma_start3A_2327 = arith.constant 1 : i32
      %dma_start3A_2328 = arith.constant 1 : i32
      %dma_start3A_2329 = arith.constant 112 : i32
      %dma_start3A_2330 = arith.constant 0 : i32
      %dma_start3A_2331 = tpu.memref_slice %arg7[%dma_start3A_2327, %dma_start3A_2329, %dma_start3A_2330] : memref<2x128x129xf32, #tpu.memory_space<vmem>> -> memref<1x8x128xf32, #tpu.memory_space<vmem>>
      %dma_start3A_2332 = tpu.memref_squeeze %dma_start3A_2331 : memref<1x8x128xf32, #tpu.memory_space<vmem>> -> memref<8x128xf32, #tpu.memory_space<vmem>>
      %dma_start3A_2333 = arith.constant 0 : i32
      %dma_start3A_2334 = arith.constant 0 : i32
      %dma_start3A_2335 = tpu.memref_slice %arg4[%add3A_2037, %dma_start3A_2333, %dma_start3A_2334] : memref<25600x8x128xf32, #tpu.memory_space<hbm>> -> memref<1x8x128xf32, #tpu.memory_space<hbm>>
      %dma_start3A_2336 = tpu.memref_squeeze %dma_start3A_2335 : memref<1x8x128xf32, #tpu.memory_space<hbm>> -> memref<8x128xf32, #tpu.memory_space<hbm>>
      %dma_start3A_2337 = tpu.memref_slice %arg9[%dma_start3A_2328] : memref<2x!tpu.dma_semaphore, #tpu.memory_space<semaphore_mem>> -> memref<1x!tpu.dma_semaphore, #tpu.memory_space<semaphore_mem>>
      %dma_start3A_2338 = tpu.memref_squeeze %dma_start3A_2337 : memref<1x!tpu.dma_semaphore, #tpu.memory_space<semaphore_mem>> -> memref<!tpu.dma_semaphore, #tpu.memory_space<semaphore_mem>>
      %dma_start3A_2339 = arith.constant 0 : i32
      %dma_start3A_2340 = arith.constant 0 : i32
      %dma_start3A_2341 = tpu.memref_slice %arg4[%add3A_2037, %dma_start3A_2339, %dma_start3A_2340] : memref<25600x8x128xf32, #tpu.memory_space<hbm>> -> memref<1x8x128xf32, #tpu.memory_space<hbm>>
      %dma_start3A_2342 = tpu.memref_squeeze %dma_start3A_2341 : memref<1x8x128xf32, #tpu.memory_space<hbm>> -> memref<8x128xf32, #tpu.memory_space<hbm>>
      %dma_start3A_2343 = arith.constant 112 : i32
      %dma_start3A_2344 = arith.constant 0 : i32
      %dma_start3A_2345 = tpu.memref_slice %arg7[%dma_start3A_2327, %dma_start3A_2343, %dma_start3A_2344] : memref<2x128x129xf32, #tpu.memory_space<vmem>> -> memref<1x8x128xf32, #tpu.memory_space<vmem>>
      %dma_start3A_2346 = tpu.memref_squeeze %dma_start3A_2345 : memref<1x8x128xf32, #tpu.memory_space<vmem>> -> memref<8x128xf32, #tpu.memory_space<vmem>>
      tpu.enqueue_dma source(%dma_start3A_2346 : memref<8x128xf32, #tpu.memory_space<vmem>>) target(%dma_start3A_2342 : memref<8x128xf32, #tpu.memory_space<hbm>>) target_semaphore(%dma_start3A_2338 : memref<!tpu.dma_semaphore, #tpu.memory_space<semaphore_mem>>)
      %dma_start3A_2347 = arith.constant 1 : i32
      %dma_start3A_2348 = arith.constant 1 : i32
      %dma_start3A_2349 = arith.constant 120 : i32
      %dma_start3A_2350 = arith.constant 0 : i32
      %dma_start3A_2351 = tpu.memref_slice %arg7[%dma_start3A_2347, %dma_start3A_2349, %dma_start3A_2350] : memref<2x128x129xf32, #tpu.memory_space<vmem>> -> memref<1x8x128xf32, #tpu.memory_space<vmem>>
      %dma_start3A_2352 = tpu.memref_squeeze %dma_start3A_2351 : memref<1x8x128xf32, #tpu.memory_space<vmem>> -> memref<8x128xf32, #tpu.memory_space<vmem>>
      %dma_start3A_2353 = arith.constant 0 : i32
      %dma_start3A_2354 = arith.constant 0 : i32
      %dma_start3A_2355 = tpu.memref_slice %arg4[%add3A_2046, %dma_start3A_2353, %dma_start3A_2354] : memref<25600x8x128xf32, #tpu.memory_space<hbm>> -> memref<1x8x128xf32, #tpu.memory_space<hbm>>
      %dma_start3A_2356 = tpu.memref_squeeze %dma_start3A_2355 : memref<1x8x128xf32, #tpu.memory_space<hbm>> -> memref<8x128xf32, #tpu.memory_space<hbm>>
      %dma_start3A_2357 = tpu.memref_slice %arg9[%dma_start3A_2348] : memref<2x!tpu.dma_semaphore, #tpu.memory_space<semaphore_mem>> -> memref<1x!tpu.dma_semaphore, #tpu.memory_space<semaphore_mem>>
      %dma_start3A_2358 = tpu.memref_squeeze %dma_start3A_2357 : memref<1x!tpu.dma_semaphore, #tpu.memory_space<semaphore_mem>> -> memref<!tpu.dma_semaphore, #tpu.memory_space<semaphore_mem>>
      %dma_start3A_2359 = arith.constant 0 : i32
      %dma_start3A_2360 = arith.constant 0 : i32
      %dma_start3A_2361 = tpu.memref_slice %arg4[%add3A_2046, %dma_start3A_2359, %dma_start3A_2360] : memref<25600x8x128xf32, #tpu.memory_space<hbm>> -> memref<1x8x128xf32, #tpu.memory_space<hbm>>
      %dma_start3A_2362 = tpu.memref_squeeze %dma_start3A_2361 : memref<1x8x128xf32, #tpu.memory_space<hbm>> -> memref<8x128xf32, #tpu.memory_space<hbm>>
      %dma_start3A_2363 = arith.constant 120 : i32
      %dma_start3A_2364 = arith.constant 0 : i32
      %dma_start3A_2365 = tpu.memref_slice %arg7[%dma_start3A_2347, %dma_start3A_2363, %dma_start3A_2364] : memref<2x128x129xf32, #tpu.memory_space<vmem>> -> memref<1x8x128xf32, #tpu.memory_space<vmem>>
      %dma_start3A_2366 = tpu.memref_squeeze %dma_start3A_2365 : memref<1x8x128xf32, #tpu.memory_space<vmem>> -> memref<8x128xf32, #tpu.memory_space<vmem>>
      tpu.enqueue_dma source(%dma_start3A_2366 : memref<8x128xf32, #tpu.memory_space<vmem>>) target(%dma_start3A_2362 : memref<8x128xf32, #tpu.memory_space<hbm>>) target_semaphore(%dma_start3A_2358 : memref<!tpu.dma_semaphore, #tpu.memory_space<semaphore_mem>>)
    }
    %scan3A_162 = arith.constant 25 : i32
    %add3A_163 = arith.constant 50 : i32
    %add3A_164 = arith.addi %mul3A_52, %add3A_163 : i32
    %sub3A_165 = arith.constant 2 : i32
    %sub3A_166 = arith.subi %add3A_164, %sub3A_165 : i32
    %add3A_167 = arith.constant 0 : i32
    %add3A_168 = arith.addi %sub3A_166, %add3A_167 : i32
    %jit3A_169 = arith.constant 32 : i32
    %div3A_170 = arith.divsi %add3A_168, %jit3A_169 : i32
    %sign3A_171 = arith.constant 0 : i32
    %sign3A_172 = arith.cmpi sgt, %add3A_168, %sign3A_171 : i32
    %sign3A_173 = arith.extui %sign3A_172 : i1 to i32
    %sign3A_174 = arith.constant 0 : i32
    %sign3A_175 = arith.cmpi slt, %add3A_168, %sign3A_174 : i32
    %sign3A_176 = arith.extui %sign3A_175 : i1 to i32
    %sign3A_177 = arith.subi %sign3A_173, %sign3A_176 : i32
    %sign3A_178 = arith.constant 0 : i32
    %sign3A_179 = arith.cmpi sgt, %jit3A_169, %sign3A_178 : i32
    %sign3A_180 = arith.extui %sign3A_179 : i1 to i32
    %sign3A_181 = arith.constant 0 : i32
    %sign3A_182 = arith.cmpi slt, %jit3A_169, %sign3A_181 : i32
    %sign3A_183 = arith.extui %sign3A_182 : i1 to i32
    %sign3A_184 = arith.subi %sign3A_180, %sign3A_183 : i32
    %ne3A_185 = arith.cmpi ne, %sign3A_177, %sign3A_184 : i32
    %rem3A_186 = arith.remsi %add3A_168, %jit3A_169 : i32
    %ne3A_187 = arith.constant 0 : i32
    %ne3A_188 = arith.cmpi ne, %rem3A_186, %ne3A_187 : i32
    %and3A_189 = arith.andi %ne3A_185, %ne3A_188 : i1
    %sub3A_190 = arith.constant 1 : i32
    %sub3A_191 = arith.subi %div3A_170, %sub3A_190 : i32
    %select_n3A_192 = arith.select %and3A_189, %sub3A_191, %div3A_170 : i32
    %jit3A_193 = arith.constant 32 : i32
    %eq3A_194 = arith.constant 0 : i32
    %eq3A_195 = arith.cmpi eq, %jit3A_193, %eq3A_194 : i32
    %jit3A_196 = arith.constant 1 : i32
    %select_n3A_197 = arith.select %eq3A_195, %jit3A_196, %jit3A_193 : i32
    %rem3A_198 = arith.remsi %add3A_168, %select_n3A_197 : i32
    %ne3A_199 = arith.constant 0 : i32
    %ne3A_200 = arith.cmpi ne, %rem3A_198, %ne3A_199 : i32
    %lt3A_201 = arith.constant 0 : i32
    %lt3A_202 = arith.cmpi slt, %rem3A_198, %lt3A_201 : i32
    %lt3A_203 = arith.constant 0 : i32
    %lt3A_204 = arith.cmpi slt, %select_n3A_197, %lt3A_203 : i32
    %ne3A_205 = arith.xori %lt3A_202, %lt3A_204 : i1
    %and3A_206 = arith.andi %ne3A_205, %ne3A_200 : i1
    %add3A_207 = arith.addi %rem3A_198, %select_n3A_197 : i32
    %select_n3A_208 = arith.select %and3A_206, %add3A_207, %rem3A_198 : i32
    %mul3A_209 = arith.constant 4 : i32
    %mul3A_210 = arith.muli %select_n3A_208, %mul3A_209 : i32
    %mul3A_211 = arith.constant 4 : i32
    %mul3A_212 = arith.muli %select_n3A_192, %mul3A_211 : i32
    %add3A_213 = arith.constant 0 : i32
    %add3A_214 = arith.addi %mul3A_212, %add3A_213 : i32
    %mul3A_215 = arith.constant 128 : i32
    %mul3A_216 = arith.muli %add3A_214, %mul3A_215 : i32
    %add3A_217 = arith.addi %mul3A_216, %mul3A_210 : i32
    %add3A_218 = arith.constant 0 : i32
    %add3A_219 = arith.addi %add3A_217, %add3A_218 : i32
    %mul3A_220 = arith.constant 4 : i32
    %mul3A_221 = arith.muli %select_n3A_192, %mul3A_220 : i32
    %add3A_222 = arith.constant 0 : i32
    %add3A_223 = arith.addi %mul3A_221, %add3A_222 : i32
    %mul3A_224 = arith.constant 128 : i32
    %mul3A_225 = arith.muli %add3A_223, %mul3A_224 : i32
    %add3A_226 = arith.addi %mul3A_225, %mul3A_210 : i32
    %add3A_227 = arith.constant 1 : i32
    %add3A_228 = arith.addi %add3A_226, %add3A_227 : i32
    %mul3A_229 = arith.constant 4 : i32
    %mul3A_230 = arith.muli %select_n3A_192, %mul3A_229 : i32
    %add3A_231 = arith.constant 0 : i32
    %add3A_232 = arith.addi %mul3A_230, %add3A_231 : i32
    %mul3A_233 = arith.constant 128 : i32
    %mul3A_234 = arith.muli %add3A_232, %mul3A_233 : i32
    %add3A_235 = arith.addi %mul3A_234, %mul3A_210 : i32
    %add3A_236 = arith.constant 2 : i32
    %add3A_237 = arith.addi %add3A_235, %add3A_236 : i32
    %mul3A_238 = arith.constant 4 : i32
    %mul3A_239 = arith.muli %select_n3A_192, %mul3A_238 : i32
    %add3A_240 = arith.constant 0 : i32
    %add3A_241 = arith.addi %mul3A_239, %add3A_240 : i32
    %mul3A_242 = arith.constant 128 : i32
    %mul3A_243 = arith.muli %add3A_241, %mul3A_242 : i32
    %add3A_244 = arith.addi %mul3A_243, %mul3A_210 : i32
    %add3A_245 = arith.constant 3 : i32
    %add3A_246 = arith.addi %add3A_244, %add3A_245 : i32
    %mul3A_247 = arith.constant 4 : i32
    %mul3A_248 = arith.muli %select_n3A_192, %mul3A_247 : i32
    %add3A_249 = arith.constant 1 : i32
    %add3A_250 = arith.addi %mul3A_248, %add3A_249 : i32
    %mul3A_251 = arith.constant 128 : i32
    %mul3A_252 = arith.muli %add3A_250, %mul3A_251 : i32
    %add3A_253 = arith.addi %mul3A_252, %mul3A_210 : i32
    %add3A_254 = arith.constant 0 : i32
    %add3A_255 = arith.addi %add3A_253, %add3A_254 : i32
    %mul3A_256 = arith.constant 4 : i32
    %mul3A_257 = arith.muli %select_n3A_192, %mul3A_256 : i32
    %add3A_258 = arith.constant 1 : i32
    %add3A_259 = arith.addi %mul3A_257, %add3A_258 : i32
    %mul3A_260 = arith.constant 128 : i32
    %mul3A_261 = arith.muli %add3A_259, %mul3A_260 : i32
    %add3A_262 = arith.addi %mul3A_261, %mul3A_210 : i32
    %add3A_263 = arith.constant 1 : i32
    %add3A_264 = arith.addi %add3A_262, %add3A_263 : i32
    %mul3A_265 = arith.constant 4 : i32
    %mul3A_266 = arith.muli %select_n3A_192, %mul3A_265 : i32
    %add3A_267 = arith.constant 1 : i32
    %add3A_268 = arith.addi %mul3A_266, %add3A_267 : i32
    %mul3A_269 = arith.constant 128 : i32
    %mul3A_270 = arith.muli %add3A_268, %mul3A_269 : i32
    %add3A_271 = arith.addi %mul3A_270, %mul3A_210 : i32
    %add3A_272 = arith.constant 2 : i32
    %add3A_273 = arith.addi %add3A_271, %add3A_272 : i32
    %mul3A_274 = arith.constant 4 : i32
    %mul3A_275 = arith.muli %select_n3A_192, %mul3A_274 : i32
    %add3A_276 = arith.constant 1 : i32
    %add3A_277 = arith.addi %mul3A_275, %add3A_276 : i32
    %mul3A_278 = arith.constant 128 : i32
    %mul3A_279 = arith.muli %add3A_277, %mul3A_278 : i32
    %add3A_280 = arith.addi %mul3A_279, %mul3A_210 : i32
    %add3A_281 = arith.constant 3 : i32
    %add3A_282 = arith.addi %add3A_280, %add3A_281 : i32
    %mul3A_283 = arith.constant 4 : i32
    %mul3A_284 = arith.muli %select_n3A_192, %mul3A_283 : i32
    %add3A_285 = arith.constant 2 : i32
    %add3A_286 = arith.addi %mul3A_284, %add3A_285 : i32
    %mul3A_287 = arith.constant 128 : i32
    %mul3A_288 = arith.muli %add3A_286, %mul3A_287 : i32
    %add3A_289 = arith.addi %mul3A_288, %mul3A_210 : i32
    %add3A_290 = arith.constant 0 : i32
    %add3A_291 = arith.addi %add3A_289, %add3A_290 : i32
    %mul3A_292 = arith.constant 4 : i32
    %mul3A_293 = arith.muli %select_n3A_192, %mul3A_292 : i32
    %add3A_294 = arith.constant 2 : i32
    %add3A_295 = arith.addi %mul3A_293, %add3A_294 : i32
    %mul3A_296 = arith.constant 128 : i32
    %mul3A_297 = arith.muli %add3A_295, %mul3A_296 : i32
    %add3A_298 = arith.addi %mul3A_297, %mul3A_210 : i32
    %add3A_299 = arith.constant 1 : i32
    %add3A_300 = arith.addi %add3A_298, %add3A_299 : i32
    %mul3A_301 = arith.constant 4 : i32
    %mul3A_302 = arith.muli %select_n3A_192, %mul3A_301 : i32
    %add3A_303 = arith.constant 2 : i32
    %add3A_304 = arith.addi %mul3A_302, %add3A_303 : i32
    %mul3A_305 = arith.constant 128 : i32
    %mul3A_306 = arith.muli %add3A_304, %mul3A_305 : i32
    %add3A_307 = arith.addi %mul3A_306, %mul3A_210 : i32
    %add3A_308 = arith.constant 2 : i32
    %add3A_309 = arith.addi %add3A_307, %add3A_308 : i32
    %mul3A_310 = arith.constant 4 : i32
    %mul3A_311 = arith.muli %select_n3A_192, %mul3A_310 : i32
    %add3A_312 = arith.constant 2 : i32
    %add3A_313 = arith.addi %mul3A_311, %add3A_312 : i32
    %mul3A_314 = arith.constant 128 : i32
    %mul3A_315 = arith.muli %add3A_313, %mul3A_314 : i32
    %add3A_316 = arith.addi %mul3A_315, %mul3A_210 : i32
    %add3A_317 = arith.constant 3 : i32
    %add3A_318 = arith.addi %add3A_316, %add3A_317 : i32
    %mul3A_319 = arith.constant 4 : i32
    %mul3A_320 = arith.muli %select_n3A_192, %mul3A_319 : i32
    %add3A_321 = arith.constant 3 : i32
    %add3A_322 = arith.addi %mul3A_320, %add3A_321 : i32
    %mul3A_323 = arith.constant 128 : i32
    %mul3A_324 = arith.muli %add3A_322, %mul3A_323 : i32
    %add3A_325 = arith.addi %mul3A_324, %mul3A_210 : i32
    %add3A_326 = arith.constant 0 : i32
    %add3A_327 = arith.addi %add3A_325, %add3A_326 : i32
    %mul3A_328 = arith.constant 4 : i32
    %mul3A_329 = arith.muli %select_n3A_192, %mul3A_328 : i32
    %add3A_330 = arith.constant 3 : i32
    %add3A_331 = arith.addi %mul3A_329, %add3A_330 : i32
    %mul3A_332 = arith.constant 128 : i32
    %mul3A_333 = arith.muli %add3A_331, %mul3A_332 : i32
    %add3A_334 = arith.addi %mul3A_333, %mul3A_210 : i32
    %add3A_335 = arith.constant 1 : i32
    %add3A_336 = arith.addi %add3A_334, %add3A_335 : i32
    %mul3A_337 = arith.constant 4 : i32
    %mul3A_338 = arith.muli %select_n3A_192, %mul3A_337 : i32
    %add3A_339 = arith.constant 3 : i32
    %add3A_340 = arith.addi %mul3A_338, %add3A_339 : i32
    %mul3A_341 = arith.constant 128 : i32
    %mul3A_342 = arith.muli %add3A_340, %mul3A_341 : i32
    %add3A_343 = arith.addi %mul3A_342, %mul3A_210 : i32
    %add3A_344 = arith.constant 2 : i32
    %add3A_345 = arith.addi %add3A_343, %add3A_344 : i32
    %mul3A_346 = arith.constant 4 : i32
    %mul3A_347 = arith.muli %select_n3A_192, %mul3A_346 : i32
    %add3A_348 = arith.constant 3 : i32
    %add3A_349 = arith.addi %mul3A_347, %add3A_348 : i32
    %mul3A_350 = arith.constant 128 : i32
    %mul3A_351 = arith.muli %add3A_349, %mul3A_350 : i32
    %add3A_352 = arith.addi %mul3A_351, %mul3A_210 : i32
    %add3A_353 = arith.constant 3 : i32
    %add3A_354 = arith.addi %add3A_352, %add3A_353 : i32
    %dma_wait3A = arith.constant 0 : i32
    %dma_wait3A_355 = arith.constant 0 : i32
    %dma_wait3A_356 = arith.constant 0 : i32
    %dma_wait3A_357 = arith.constant 0 : i32
    %dma_wait3A_358 = tpu.memref_slice %arg7[%dma_wait3A, %dma_wait3A_356, %dma_wait3A_357] : memref<2x128x129xf32, #tpu.memory_space<vmem>> -> memref<1x8x128xf32, #tpu.memory_space<vmem>>
    %dma_wait3A_359 = tpu.memref_squeeze %dma_wait3A_358 : memref<1x8x128xf32, #tpu.memory_space<vmem>> -> memref<8x128xf32, #tpu.memory_space<vmem>>
    %dma_wait3A_360 = arith.constant 0 : i32
    %dma_wait3A_361 = arith.constant 0 : i32
    %dma_wait3A_362 = tpu.memref_slice %arg4[%add3A_219, %dma_wait3A_360, %dma_wait3A_361] : memref<25600x8x128xf32, #tpu.memory_space<hbm>> -> memref<1x8x128xf32, #tpu.memory_space<hbm>>
    %dma_wait3A_363 = tpu.memref_squeeze %dma_wait3A_362 : memref<1x8x128xf32, #tpu.memory_space<hbm>> -> memref<8x128xf32, #tpu.memory_space<hbm>>
    %dma_wait3A_364 = tpu.memref_slice %arg9[%dma_wait3A_355] : memref<2x!tpu.dma_semaphore, #tpu.memory_space<semaphore_mem>> -> memref<1x!tpu.dma_semaphore, #tpu.memory_space<semaphore_mem>>
    %dma_wait3A_365 = tpu.memref_squeeze %dma_wait3A_364 : memref<1x!tpu.dma_semaphore, #tpu.memory_space<semaphore_mem>> -> memref<!tpu.dma_semaphore, #tpu.memory_space<semaphore_mem>>
    %dma_wait3A_366 = arith.constant 0 : i32
    %dma_wait3A_367 = arith.constant 0 : i32
    %dma_wait3A_368 = tpu.memref_slice %arg4[%add3A_219, %dma_wait3A_366, %dma_wait3A_367] : memref<25600x8x128xf32, #tpu.memory_space<hbm>> -> memref<1x8x128xf32, #tpu.memory_space<hbm>>
    %dma_wait3A_369 = tpu.memref_squeeze %dma_wait3A_368 : memref<1x8x128xf32, #tpu.memory_space<hbm>> -> memref<8x128xf32, #tpu.memory_space<hbm>>
    %dma_wait3A_370 = arith.constant 0 : i32
    %dma_wait3A_371 = arith.constant 0 : i32
    %dma_wait3A_372 = tpu.memref_slice %arg7[%dma_wait3A, %dma_wait3A_370, %dma_wait3A_371] : memref<2x128x129xf32, #tpu.memory_space<vmem>> -> memref<1x8x128xf32, #tpu.memory_space<vmem>>
    %dma_wait3A_373 = tpu.memref_squeeze %dma_wait3A_372 : memref<1x8x128xf32, #tpu.memory_space<vmem>> -> memref<8x128xf32, #tpu.memory_space<vmem>>
    tpu.wait_dma2 semaphore(%dma_wait3A_365 : memref<!tpu.dma_semaphore, #tpu.memory_space<semaphore_mem>>) src(%dma_wait3A_373 : memref<8x128xf32, #tpu.memory_space<vmem>>) dst(%dma_wait3A_369 : memref<8x128xf32, #tpu.memory_space<hbm>>)
    %dma_wait3A_374 = arith.constant 0 : i32
    %dma_wait3A_375 = arith.constant 0 : i32
    %dma_wait3A_376 = arith.constant 8 : i32
    %dma_wait3A_377 = arith.constant 0 : i32
    %dma_wait3A_378 = tpu.memref_slice %arg7[%dma_wait3A_374, %dma_wait3A_376, %dma_wait3A_377] : memref<2x128x129xf32, #tpu.memory_space<vmem>> -> memref<1x8x128xf32, #tpu.memory_space<vmem>>
    %dma_wait3A_379 = tpu.memref_squeeze %dma_wait3A_378 : memref<1x8x128xf32, #tpu.memory_space<vmem>> -> memref<8x128xf32, #tpu.memory_space<vmem>>
    %dma_wait3A_380 = arith.constant 0 : i32
    %dma_wait3A_381 = arith.constant 0 : i32
    %dma_wait3A_382 = tpu.memref_slice %arg4[%add3A_228, %dma_wait3A_380, %dma_wait3A_381] : memref<25600x8x128xf32, #tpu.memory_space<hbm>> -> memref<1x8x128xf32, #tpu.memory_space<hbm>>
    %dma_wait3A_383 = tpu.memref_squeeze %dma_wait3A_382 : memref<1x8x128xf32, #tpu.memory_space<hbm>> -> memref<8x128xf32, #tpu.memory_space<hbm>>
    %dma_wait3A_384 = tpu.memref_slice %arg9[%dma_wait3A_375] : memref<2x!tpu.dma_semaphore, #tpu.memory_space<semaphore_mem>> -> memref<1x!tpu.dma_semaphore, #tpu.memory_space<semaphore_mem>>
    %dma_wait3A_385 = tpu.memref_squeeze %dma_wait3A_384 : memref<1x!tpu.dma_semaphore, #tpu.memory_space<semaphore_mem>> -> memref<!tpu.dma_semaphore, #tpu.memory_space<semaphore_mem>>
    %dma_wait3A_386 = arith.constant 0 : i32
    %dma_wait3A_387 = arith.constant 0 : i32
    %dma_wait3A_388 = tpu.memref_slice %arg4[%add3A_228, %dma_wait3A_386, %dma_wait3A_387] : memref<25600x8x128xf32, #tpu.memory_space<hbm>> -> memref<1x8x128xf32, #tpu.memory_space<hbm>>
    %dma_wait3A_389 = tpu.memref_squeeze %dma_wait3A_388 : memref<1x8x128xf32, #tpu.memory_space<hbm>> -> memref<8x128xf32, #tpu.memory_space<hbm>>
    %dma_wait3A_390 = arith.constant 8 : i32
    %dma_wait3A_391 = arith.constant 0 : i32
    %dma_wait3A_392 = tpu.memref_slice %arg7[%dma_wait3A_374, %dma_wait3A_390, %dma_wait3A_391] : memref<2x128x129xf32, #tpu.memory_space<vmem>> -> memref<1x8x128xf32, #tpu.memory_space<vmem>>
    %dma_wait3A_393 = tpu.memref_squeeze %dma_wait3A_392 : memref<1x8x128xf32, #tpu.memory_space<vmem>> -> memref<8x128xf32, #tpu.memory_space<vmem>>
    tpu.wait_dma2 semaphore(%dma_wait3A_385 : memref<!tpu.dma_semaphore, #tpu.memory_space<semaphore_mem>>) src(%dma_wait3A_393 : memref<8x128xf32, #tpu.memory_space<vmem>>) dst(%dma_wait3A_389 : memref<8x128xf32, #tpu.memory_space<hbm>>)
    %dma_wait3A_394 = arith.constant 0 : i32
    %dma_wait3A_395 = arith.constant 0 : i32
    %dma_wait3A_396 = arith.constant 16 : i32
    %dma_wait3A_397 = arith.constant 0 : i32
    %dma_wait3A_398 = tpu.memref_slice %arg7[%dma_wait3A_394, %dma_wait3A_396, %dma_wait3A_397] : memref<2x128x129xf32, #tpu.memory_space<vmem>> -> memref<1x8x128xf32, #tpu.memory_space<vmem>>
    %dma_wait3A_399 = tpu.memref_squeeze %dma_wait3A_398 : memref<1x8x128xf32, #tpu.memory_space<vmem>> -> memref<8x128xf32, #tpu.memory_space<vmem>>
    %dma_wait3A_400 = arith.constant 0 : i32
    %dma_wait3A_401 = arith.constant 0 : i32
    %dma_wait3A_402 = tpu.memref_slice %arg4[%add3A_237, %dma_wait3A_400, %dma_wait3A_401] : memref<25600x8x128xf32, #tpu.memory_space<hbm>> -> memref<1x8x128xf32, #tpu.memory_space<hbm>>
    %dma_wait3A_403 = tpu.memref_squeeze %dma_wait3A_402 : memref<1x8x128xf32, #tpu.memory_space<hbm>> -> memref<8x128xf32, #tpu.memory_space<hbm>>
    %dma_wait3A_404 = tpu.memref_slice %arg9[%dma_wait3A_395] : memref<2x!tpu.dma_semaphore, #tpu.memory_space<semaphore_mem>> -> memref<1x!tpu.dma_semaphore, #tpu.memory_space<semaphore_mem>>
    %dma_wait3A_405 = tpu.memref_squeeze %dma_wait3A_404 : memref<1x!tpu.dma_semaphore, #tpu.memory_space<semaphore_mem>> -> memref<!tpu.dma_semaphore, #tpu.memory_space<semaphore_mem>>
    %dma_wait3A_406 = arith.constant 0 : i32
    %dma_wait3A_407 = arith.constant 0 : i32
    %dma_wait3A_408 = tpu.memref_slice %arg4[%add3A_237, %dma_wait3A_406, %dma_wait3A_407] : memref<25600x8x128xf32, #tpu.memory_space<hbm>> -> memref<1x8x128xf32, #tpu.memory_space<hbm>>
    %dma_wait3A_409 = tpu.memref_squeeze %dma_wait3A_408 : memref<1x8x128xf32, #tpu.memory_space<hbm>> -> memref<8x128xf32, #tpu.memory_space<hbm>>
    %dma_wait3A_410 = arith.constant 16 : i32
    %dma_wait3A_411 = arith.constant 0 : i32
    %dma_wait3A_412 = tpu.memref_slice %arg7[%dma_wait3A_394, %dma_wait3A_410, %dma_wait3A_411] : memref<2x128x129xf32, #tpu.memory_space<vmem>> -> memref<1x8x128xf32, #tpu.memory_space<vmem>>
    %dma_wait3A_413 = tpu.memref_squeeze %dma_wait3A_412 : memref<1x8x128xf32, #tpu.memory_space<vmem>> -> memref<8x128xf32, #tpu.memory_space<vmem>>
    tpu.wait_dma2 semaphore(%dma_wait3A_405 : memref<!tpu.dma_semaphore, #tpu.memory_space<semaphore_mem>>) src(%dma_wait3A_413 : memref<8x128xf32, #tpu.memory_space<vmem>>) dst(%dma_wait3A_409 : memref<8x128xf32, #tpu.memory_space<hbm>>)
    %dma_wait3A_414 = arith.constant 0 : i32
    %dma_wait3A_415 = arith.constant 0 : i32
    %dma_wait3A_416 = arith.constant 24 : i32
    %dma_wait3A_417 = arith.constant 0 : i32
    %dma_wait3A_418 = tpu.memref_slice %arg7[%dma_wait3A_414, %dma_wait3A_416, %dma_wait3A_417] : memref<2x128x129xf32, #tpu.memory_space<vmem>> -> memref<1x8x128xf32, #tpu.memory_space<vmem>>
    %dma_wait3A_419 = tpu.memref_squeeze %dma_wait3A_418 : memref<1x8x128xf32, #tpu.memory_space<vmem>> -> memref<8x128xf32, #tpu.memory_space<vmem>>
    %dma_wait3A_420 = arith.constant 0 : i32
    %dma_wait3A_421 = arith.constant 0 : i32
    %dma_wait3A_422 = tpu.memref_slice %arg4[%add3A_246, %dma_wait3A_420, %dma_wait3A_421] : memref<25600x8x128xf32, #tpu.memory_space<hbm>> -> memref<1x8x128xf32, #tpu.memory_space<hbm>>
    %dma_wait3A_423 = tpu.memref_squeeze %dma_wait3A_422 : memref<1x8x128xf32, #tpu.memory_space<hbm>> -> memref<8x128xf32, #tpu.memory_space<hbm>>
    %dma_wait3A_424 = tpu.memref_slice %arg9[%dma_wait3A_415] : memref<2x!tpu.dma_semaphore, #tpu.memory_space<semaphore_mem>> -> memref<1x!tpu.dma_semaphore, #tpu.memory_space<semaphore_mem>>
    %dma_wait3A_425 = tpu.memref_squeeze %dma_wait3A_424 : memref<1x!tpu.dma_semaphore, #tpu.memory_space<semaphore_mem>> -> memref<!tpu.dma_semaphore, #tpu.memory_space<semaphore_mem>>
    %dma_wait3A_426 = arith.constant 0 : i32
    %dma_wait3A_427 = arith.constant 0 : i32
    %dma_wait3A_428 = tpu.memref_slice %arg4[%add3A_246, %dma_wait3A_426, %dma_wait3A_427] : memref<25600x8x128xf32, #tpu.memory_space<hbm>> -> memref<1x8x128xf32, #tpu.memory_space<hbm>>
    %dma_wait3A_429 = tpu.memref_squeeze %dma_wait3A_428 : memref<1x8x128xf32, #tpu.memory_space<hbm>> -> memref<8x128xf32, #tpu.memory_space<hbm>>
    %dma_wait3A_430 = arith.constant 24 : i32
    %dma_wait3A_431 = arith.constant 0 : i32
    %dma_wait3A_432 = tpu.memref_slice %arg7[%dma_wait3A_414, %dma_wait3A_430, %dma_wait3A_431] : memref<2x128x129xf32, #tpu.memory_space<vmem>> -> memref<1x8x128xf32, #tpu.memory_space<vmem>>
    %dma_wait3A_433 = tpu.memref_squeeze %dma_wait3A_432 : memref<1x8x128xf32, #tpu.memory_space<vmem>> -> memref<8x128xf32, #tpu.memory_space<vmem>>
    tpu.wait_dma2 semaphore(%dma_wait3A_425 : memref<!tpu.dma_semaphore, #tpu.memory_space<semaphore_mem>>) src(%dma_wait3A_433 : memref<8x128xf32, #tpu.memory_space<vmem>>) dst(%dma_wait3A_429 : memref<8x128xf32, #tpu.memory_space<hbm>>)
    %dma_wait3A_434 = arith.constant 0 : i32
    %dma_wait3A_435 = arith.constant 0 : i32
    %dma_wait3A_436 = arith.constant 32 : i32
    %dma_wait3A_437 = arith.constant 0 : i32
    %dma_wait3A_438 = tpu.memref_slice %arg7[%dma_wait3A_434, %dma_wait3A_436, %dma_wait3A_437] : memref<2x128x129xf32, #tpu.memory_space<vmem>> -> memref<1x8x128xf32, #tpu.memory_space<vmem>>
    %dma_wait3A_439 = tpu.memref_squeeze %dma_wait3A_438 : memref<1x8x128xf32, #tpu.memory_space<vmem>> -> memref<8x128xf32, #tpu.memory_space<vmem>>
    %dma_wait3A_440 = arith.constant 0 : i32
    %dma_wait3A_441 = arith.constant 0 : i32
    %dma_wait3A_442 = tpu.memref_slice %arg4[%add3A_255, %dma_wait3A_440, %dma_wait3A_441] : memref<25600x8x128xf32, #tpu.memory_space<hbm>> -> memref<1x8x128xf32, #tpu.memory_space<hbm>>
    %dma_wait3A_443 = tpu.memref_squeeze %dma_wait3A_442 : memref<1x8x128xf32, #tpu.memory_space<hbm>> -> memref<8x128xf32, #tpu.memory_space<hbm>>
    %dma_wait3A_444 = tpu.memref_slice %arg9[%dma_wait3A_435] : memref<2x!tpu.dma_semaphore, #tpu.memory_space<semaphore_mem>> -> memref<1x!tpu.dma_semaphore, #tpu.memory_space<semaphore_mem>>
    %dma_wait3A_445 = tpu.memref_squeeze %dma_wait3A_444 : memref<1x!tpu.dma_semaphore, #tpu.memory_space<semaphore_mem>> -> memref<!tpu.dma_semaphore, #tpu.memory_space<semaphore_mem>>
    %dma_wait3A_446 = arith.constant 0 : i32
    %dma_wait3A_447 = arith.constant 0 : i32
    %dma_wait3A_448 = tpu.memref_slice %arg4[%add3A_255, %dma_wait3A_446, %dma_wait3A_447] : memref<25600x8x128xf32, #tpu.memory_space<hbm>> -> memref<1x8x128xf32, #tpu.memory_space<hbm>>
    %dma_wait3A_449 = tpu.memref_squeeze %dma_wait3A_448 : memref<1x8x128xf32, #tpu.memory_space<hbm>> -> memref<8x128xf32, #tpu.memory_space<hbm>>
    %dma_wait3A_450 = arith.constant 32 : i32
    %dma_wait3A_451 = arith.constant 0 : i32
    %dma_wait3A_452 = tpu.memref_slice %arg7[%dma_wait3A_434, %dma_wait3A_450, %dma_wait3A_451] : memref<2x128x129xf32, #tpu.memory_space<vmem>> -> memref<1x8x128xf32, #tpu.memory_space<vmem>>
    %dma_wait3A_453 = tpu.memref_squeeze %dma_wait3A_452 : memref<1x8x128xf32, #tpu.memory_space<vmem>> -> memref<8x128xf32, #tpu.memory_space<vmem>>
    tpu.wait_dma2 semaphore(%dma_wait3A_445 : memref<!tpu.dma_semaphore, #tpu.memory_space<semaphore_mem>>) src(%dma_wait3A_453 : memref<8x128xf32, #tpu.memory_space<vmem>>) dst(%dma_wait3A_449 : memref<8x128xf32, #tpu.memory_space<hbm>>)
    %dma_wait3A_454 = arith.constant 0 : i32
    %dma_wait3A_455 = arith.constant 0 : i32
    %dma_wait3A_456 = arith.constant 40 : i32
    %dma_wait3A_457 = arith.constant 0 : i32
    %dma_wait3A_458 = tpu.memref_slice %arg7[%dma_wait3A_454, %dma_wait3A_456, %dma_wait3A_457] : memref<2x128x129xf32, #tpu.memory_space<vmem>> -> memref<1x8x128xf32, #tpu.memory_space<vmem>>
    %dma_wait3A_459 = tpu.memref_squeeze %dma_wait3A_458 : memref<1x8x128xf32, #tpu.memory_space<vmem>> -> memref<8x128xf32, #tpu.memory_space<vmem>>
    %dma_wait3A_460 = arith.constant 0 : i32
    %dma_wait3A_461 = arith.constant 0 : i32
    %dma_wait3A_462 = tpu.memref_slice %arg4[%add3A_264, %dma_wait3A_460, %dma_wait3A_461] : memref<25600x8x128xf32, #tpu.memory_space<hbm>> -> memref<1x8x128xf32, #tpu.memory_space<hbm>>
    %dma_wait3A_463 = tpu.memref_squeeze %dma_wait3A_462 : memref<1x8x128xf32, #tpu.memory_space<hbm>> -> memref<8x128xf32, #tpu.memory_space<hbm>>
    %dma_wait3A_464 = tpu.memref_slice %arg9[%dma_wait3A_455] : memref<2x!tpu.dma_semaphore, #tpu.memory_space<semaphore_mem>> -> memref<1x!tpu.dma_semaphore, #tpu.memory_space<semaphore_mem>>
    %dma_wait3A_465 = tpu.memref_squeeze %dma_wait3A_464 : memref<1x!tpu.dma_semaphore, #tpu.memory_space<semaphore_mem>> -> memref<!tpu.dma_semaphore, #tpu.memory_space<semaphore_mem>>
    %dma_wait3A_466 = arith.constant 0 : i32
    %dma_wait3A_467 = arith.constant 0 : i32
    %dma_wait3A_468 = tpu.memref_slice %arg4[%add3A_264, %dma_wait3A_466, %dma_wait3A_467] : memref<25600x8x128xf32, #tpu.memory_space<hbm>> -> memref<1x8x128xf32, #tpu.memory_space<hbm>>
    %dma_wait3A_469 = tpu.memref_squeeze %dma_wait3A_468 : memref<1x8x128xf32, #tpu.memory_space<hbm>> -> memref<8x128xf32, #tpu.memory_space<hbm>>
    %dma_wait3A_470 = arith.constant 40 : i32
    %dma_wait3A_471 = arith.constant 0 : i32
    %dma_wait3A_472 = tpu.memref_slice %arg7[%dma_wait3A_454, %dma_wait3A_470, %dma_wait3A_471] : memref<2x128x129xf32, #tpu.memory_space<vmem>> -> memref<1x8x128xf32, #tpu.memory_space<vmem>>
    %dma_wait3A_473 = tpu.memref_squeeze %dma_wait3A_472 : memref<1x8x128xf32, #tpu.memory_space<vmem>> -> memref<8x128xf32, #tpu.memory_space<vmem>>
    tpu.wait_dma2 semaphore(%dma_wait3A_465 : memref<!tpu.dma_semaphore, #tpu.memory_space<semaphore_mem>>) src(%dma_wait3A_473 : memref<8x128xf32, #tpu.memory_space<vmem>>) dst(%dma_wait3A_469 : memref<8x128xf32, #tpu.memory_space<hbm>>)
    %dma_wait3A_474 = arith.constant 0 : i32
    %dma_wait3A_475 = arith.constant 0 : i32
    %dma_wait3A_476 = arith.constant 48 : i32
    %dma_wait3A_477 = arith.constant 0 : i32
    %dma_wait3A_478 = tpu.memref_slice %arg7[%dma_wait3A_474, %dma_wait3A_476, %dma_wait3A_477] : memref<2x128x129xf32, #tpu.memory_space<vmem>> -> memref<1x8x128xf32, #tpu.memory_space<vmem>>
    %dma_wait3A_479 = tpu.memref_squeeze %dma_wait3A_478 : memref<1x8x128xf32, #tpu.memory_space<vmem>> -> memref<8x128xf32, #tpu.memory_space<vmem>>
    %dma_wait3A_480 = arith.constant 0 : i32
    %dma_wait3A_481 = arith.constant 0 : i32
    %dma_wait3A_482 = tpu.memref_slice %arg4[%add3A_273, %dma_wait3A_480, %dma_wait3A_481] : memref<25600x8x128xf32, #tpu.memory_space<hbm>> -> memref<1x8x128xf32, #tpu.memory_space<hbm>>
    %dma_wait3A_483 = tpu.memref_squeeze %dma_wait3A_482 : memref<1x8x128xf32, #tpu.memory_space<hbm>> -> memref<8x128xf32, #tpu.memory_space<hbm>>
    %dma_wait3A_484 = tpu.memref_slice %arg9[%dma_wait3A_475] : memref<2x!tpu.dma_semaphore, #tpu.memory_space<semaphore_mem>> -> memref<1x!tpu.dma_semaphore, #tpu.memory_space<semaphore_mem>>
    %dma_wait3A_485 = tpu.memref_squeeze %dma_wait3A_484 : memref<1x!tpu.dma_semaphore, #tpu.memory_space<semaphore_mem>> -> memref<!tpu.dma_semaphore, #tpu.memory_space<semaphore_mem>>
    %dma_wait3A_486 = arith.constant 0 : i32
    %dma_wait3A_487 = arith.constant 0 : i32
    %dma_wait3A_488 = tpu.memref_slice %arg4[%add3A_273, %dma_wait3A_486, %dma_wait3A_487] : memref<25600x8x128xf32, #tpu.memory_space<hbm>> -> memref<1x8x128xf32, #tpu.memory_space<hbm>>
    %dma_wait3A_489 = tpu.memref_squeeze %dma_wait3A_488 : memref<1x8x128xf32, #tpu.memory_space<hbm>> -> memref<8x128xf32, #tpu.memory_space<hbm>>
    %dma_wait3A_490 = arith.constant 48 : i32
    %dma_wait3A_491 = arith.constant 0 : i32
    %dma_wait3A_492 = tpu.memref_slice %arg7[%dma_wait3A_474, %dma_wait3A_490, %dma_wait3A_491] : memref<2x128x129xf32, #tpu.memory_space<vmem>> -> memref<1x8x128xf32, #tpu.memory_space<vmem>>
    %dma_wait3A_493 = tpu.memref_squeeze %dma_wait3A_492 : memref<1x8x128xf32, #tpu.memory_space<vmem>> -> memref<8x128xf32, #tpu.memory_space<vmem>>
    tpu.wait_dma2 semaphore(%dma_wait3A_485 : memref<!tpu.dma_semaphore, #tpu.memory_space<semaphore_mem>>) src(%dma_wait3A_493 : memref<8x128xf32, #tpu.memory_space<vmem>>) dst(%dma_wait3A_489 : memref<8x128xf32, #tpu.memory_space<hbm>>)
    %dma_wait3A_494 = arith.constant 0 : i32
    %dma_wait3A_495 = arith.constant 0 : i32
    %dma_wait3A_496 = arith.constant 56 : i32
    %dma_wait3A_497 = arith.constant 0 : i32
    %dma_wait3A_498 = tpu.memref_slice %arg7[%dma_wait3A_494, %dma_wait3A_496, %dma_wait3A_497] : memref<2x128x129xf32, #tpu.memory_space<vmem>> -> memref<1x8x128xf32, #tpu.memory_space<vmem>>
    %dma_wait3A_499 = tpu.memref_squeeze %dma_wait3A_498 : memref<1x8x128xf32, #tpu.memory_space<vmem>> -> memref<8x128xf32, #tpu.memory_space<vmem>>
    %dma_wait3A_500 = arith.constant 0 : i32
    %dma_wait3A_501 = arith.constant 0 : i32
    %dma_wait3A_502 = tpu.memref_slice %arg4[%add3A_282, %dma_wait3A_500, %dma_wait3A_501] : memref<25600x8x128xf32, #tpu.memory_space<hbm>> -> memref<1x8x128xf32, #tpu.memory_space<hbm>>
    %dma_wait3A_503 = tpu.memref_squeeze %dma_wait3A_502 : memref<1x8x128xf32, #tpu.memory_space<hbm>> -> memref<8x128xf32, #tpu.memory_space<hbm>>
    %dma_wait3A_504 = tpu.memref_slice %arg9[%dma_wait3A_495] : memref<2x!tpu.dma_semaphore, #tpu.memory_space<semaphore_mem>> -> memref<1x!tpu.dma_semaphore, #tpu.memory_space<semaphore_mem>>
    %dma_wait3A_505 = tpu.memref_squeeze %dma_wait3A_504 : memref<1x!tpu.dma_semaphore, #tpu.memory_space<semaphore_mem>> -> memref<!tpu.dma_semaphore, #tpu.memory_space<semaphore_mem>>
    %dma_wait3A_506 = arith.constant 0 : i32
    %dma_wait3A_507 = arith.constant 0 : i32
    %dma_wait3A_508 = tpu.memref_slice %arg4[%add3A_282, %dma_wait3A_506, %dma_wait3A_507] : memref<25600x8x128xf32, #tpu.memory_space<hbm>> -> memref<1x8x128xf32, #tpu.memory_space<hbm>>
    %dma_wait3A_509 = tpu.memref_squeeze %dma_wait3A_508 : memref<1x8x128xf32, #tpu.memory_space<hbm>> -> memref<8x128xf32, #tpu.memory_space<hbm>>
    %dma_wait3A_510 = arith.constant 56 : i32
    %dma_wait3A_511 = arith.constant 0 : i32
    %dma_wait3A_512 = tpu.memref_slice %arg7[%dma_wait3A_494, %dma_wait3A_510, %dma_wait3A_511] : memref<2x128x129xf32, #tpu.memory_space<vmem>> -> memref<1x8x128xf32, #tpu.memory_space<vmem>>
    %dma_wait3A_513 = tpu.memref_squeeze %dma_wait3A_512 : memref<1x8x128xf32, #tpu.memory_space<vmem>> -> memref<8x128xf32, #tpu.memory_space<vmem>>
    tpu.wait_dma2 semaphore(%dma_wait3A_505 : memref<!tpu.dma_semaphore, #tpu.memory_space<semaphore_mem>>) src(%dma_wait3A_513 : memref<8x128xf32, #tpu.memory_space<vmem>>) dst(%dma_wait3A_509 : memref<8x128xf32, #tpu.memory_space<hbm>>)
    %dma_wait3A_514 = arith.constant 0 : i32
    %dma_wait3A_515 = arith.constant 0 : i32
    %dma_wait3A_516 = arith.constant 64 : i32
    %dma_wait3A_517 = arith.constant 0 : i32
    %dma_wait3A_518 = tpu.memref_slice %arg7[%dma_wait3A_514, %dma_wait3A_516, %dma_wait3A_517] : memref<2x128x129xf32, #tpu.memory_space<vmem>> -> memref<1x8x128xf32, #tpu.memory_space<vmem>>
    %dma_wait3A_519 = tpu.memref_squeeze %dma_wait3A_518 : memref<1x8x128xf32, #tpu.memory_space<vmem>> -> memref<8x128xf32, #tpu.memory_space<vmem>>
    %dma_wait3A_520 = arith.constant 0 : i32
    %dma_wait3A_521 = arith.constant 0 : i32
    %dma_wait3A_522 = tpu.memref_slice %arg4[%add3A_291, %dma_wait3A_520, %dma_wait3A_521] : memref<25600x8x128xf32, #tpu.memory_space<hbm>> -> memref<1x8x128xf32, #tpu.memory_space<hbm>>
    %dma_wait3A_523 = tpu.memref_squeeze %dma_wait3A_522 : memref<1x8x128xf32, #tpu.memory_space<hbm>> -> memref<8x128xf32, #tpu.memory_space<hbm>>
    %dma_wait3A_524 = tpu.memref_slice %arg9[%dma_wait3A_515] : memref<2x!tpu.dma_semaphore, #tpu.memory_space<semaphore_mem>> -> memref<1x!tpu.dma_semaphore, #tpu.memory_space<semaphore_mem>>
    %dma_wait3A_525 = tpu.memref_squeeze %dma_wait3A_524 : memref<1x!tpu.dma_semaphore, #tpu.memory_space<semaphore_mem>> -> memref<!tpu.dma_semaphore, #tpu.memory_space<semaphore_mem>>
    %dma_wait3A_526 = arith.constant 0 : i32
    %dma_wait3A_527 = arith.constant 0 : i32
    %dma_wait3A_528 = tpu.memref_slice %arg4[%add3A_291, %dma_wait3A_526, %dma_wait3A_527] : memref<25600x8x128xf32, #tpu.memory_space<hbm>> -> memref<1x8x128xf32, #tpu.memory_space<hbm>>
    %dma_wait3A_529 = tpu.memref_squeeze %dma_wait3A_528 : memref<1x8x128xf32, #tpu.memory_space<hbm>> -> memref<8x128xf32, #tpu.memory_space<hbm>>
    %dma_wait3A_530 = arith.constant 64 : i32
    %dma_wait3A_531 = arith.constant 0 : i32
    %dma_wait3A_532 = tpu.memref_slice %arg7[%dma_wait3A_514, %dma_wait3A_530, %dma_wait3A_531] : memref<2x128x129xf32, #tpu.memory_space<vmem>> -> memref<1x8x128xf32, #tpu.memory_space<vmem>>
    %dma_wait3A_533 = tpu.memref_squeeze %dma_wait3A_532 : memref<1x8x128xf32, #tpu.memory_space<vmem>> -> memref<8x128xf32, #tpu.memory_space<vmem>>
    tpu.wait_dma2 semaphore(%dma_wait3A_525 : memref<!tpu.dma_semaphore, #tpu.memory_space<semaphore_mem>>) src(%dma_wait3A_533 : memref<8x128xf32, #tpu.memory_space<vmem>>) dst(%dma_wait3A_529 : memref<8x128xf32, #tpu.memory_space<hbm>>)
    %dma_wait3A_534 = arith.constant 0 : i32
    %dma_wait3A_535 = arith.constant 0 : i32
    %dma_wait3A_536 = arith.constant 72 : i32
    %dma_wait3A_537 = arith.constant 0 : i32
    %dma_wait3A_538 = tpu.memref_slice %arg7[%dma_wait3A_534, %dma_wait3A_536, %dma_wait3A_537] : memref<2x128x129xf32, #tpu.memory_space<vmem>> -> memref<1x8x128xf32, #tpu.memory_space<vmem>>
    %dma_wait3A_539 = tpu.memref_squeeze %dma_wait3A_538 : memref<1x8x128xf32, #tpu.memory_space<vmem>> -> memref<8x128xf32, #tpu.memory_space<vmem>>
    %dma_wait3A_540 = arith.constant 0 : i32
    %dma_wait3A_541 = arith.constant 0 : i32
    %dma_wait3A_542 = tpu.memref_slice %arg4[%add3A_300, %dma_wait3A_540, %dma_wait3A_541] : memref<25600x8x128xf32, #tpu.memory_space<hbm>> -> memref<1x8x128xf32, #tpu.memory_space<hbm>>
    %dma_wait3A_543 = tpu.memref_squeeze %dma_wait3A_542 : memref<1x8x128xf32, #tpu.memory_space<hbm>> -> memref<8x128xf32, #tpu.memory_space<hbm>>
    %dma_wait3A_544 = tpu.memref_slice %arg9[%dma_wait3A_535] : memref<2x!tpu.dma_semaphore, #tpu.memory_space<semaphore_mem>> -> memref<1x!tpu.dma_semaphore, #tpu.memory_space<semaphore_mem>>
    %dma_wait3A_545 = tpu.memref_squeeze %dma_wait3A_544 : memref<1x!tpu.dma_semaphore, #tpu.memory_space<semaphore_mem>> -> memref<!tpu.dma_semaphore, #tpu.memory_space<semaphore_mem>>
    %dma_wait3A_546 = arith.constant 0 : i32
    %dma_wait3A_547 = arith.constant 0 : i32
    %dma_wait3A_548 = tpu.memref_slice %arg4[%add3A_300, %dma_wait3A_546, %dma_wait3A_547] : memref<25600x8x128xf32, #tpu.memory_space<hbm>> -> memref<1x8x128xf32, #tpu.memory_space<hbm>>
    %dma_wait3A_549 = tpu.memref_squeeze %dma_wait3A_548 : memref<1x8x128xf32, #tpu.memory_space<hbm>> -> memref<8x128xf32, #tpu.memory_space<hbm>>
    %dma_wait3A_550 = arith.constant 72 : i32
    %dma_wait3A_551 = arith.constant 0 : i32
    %dma_wait3A_552 = tpu.memref_slice %arg7[%dma_wait3A_534, %dma_wait3A_550, %dma_wait3A_551] : memref<2x128x129xf32, #tpu.memory_space<vmem>> -> memref<1x8x128xf32, #tpu.memory_space<vmem>>
    %dma_wait3A_553 = tpu.memref_squeeze %dma_wait3A_552 : memref<1x8x128xf32, #tpu.memory_space<vmem>> -> memref<8x128xf32, #tpu.memory_space<vmem>>
    tpu.wait_dma2 semaphore(%dma_wait3A_545 : memref<!tpu.dma_semaphore, #tpu.memory_space<semaphore_mem>>) src(%dma_wait3A_553 : memref<8x128xf32, #tpu.memory_space<vmem>>) dst(%dma_wait3A_549 : memref<8x128xf32, #tpu.memory_space<hbm>>)
    %dma_wait3A_554 = arith.constant 0 : i32
    %dma_wait3A_555 = arith.constant 0 : i32
    %dma_wait3A_556 = arith.constant 80 : i32
    %dma_wait3A_557 = arith.constant 0 : i32
    %dma_wait3A_558 = tpu.memref_slice %arg7[%dma_wait3A_554, %dma_wait3A_556, %dma_wait3A_557] : memref<2x128x129xf32, #tpu.memory_space<vmem>> -> memref<1x8x128xf32, #tpu.memory_space<vmem>>
    %dma_wait3A_559 = tpu.memref_squeeze %dma_wait3A_558 : memref<1x8x128xf32, #tpu.memory_space<vmem>> -> memref<8x128xf32, #tpu.memory_space<vmem>>
    %dma_wait3A_560 = arith.constant 0 : i32
    %dma_wait3A_561 = arith.constant 0 : i32
    %dma_wait3A_562 = tpu.memref_slice %arg4[%add3A_309, %dma_wait3A_560, %dma_wait3A_561] : memref<25600x8x128xf32, #tpu.memory_space<hbm>> -> memref<1x8x128xf32, #tpu.memory_space<hbm>>
    %dma_wait3A_563 = tpu.memref_squeeze %dma_wait3A_562 : memref<1x8x128xf32, #tpu.memory_space<hbm>> -> memref<8x128xf32, #tpu.memory_space<hbm>>
    %dma_wait3A_564 = tpu.memref_slice %arg9[%dma_wait3A_555] : memref<2x!tpu.dma_semaphore, #tpu.memory_space<semaphore_mem>> -> memref<1x!tpu.dma_semaphore, #tpu.memory_space<semaphore_mem>>
    %dma_wait3A_565 = tpu.memref_squeeze %dma_wait3A_564 : memref<1x!tpu.dma_semaphore, #tpu.memory_space<semaphore_mem>> -> memref<!tpu.dma_semaphore, #tpu.memory_space<semaphore_mem>>
    %dma_wait3A_566 = arith.constant 0 : i32
    %dma_wait3A_567 = arith.constant 0 : i32
    %dma_wait3A_568 = tpu.memref_slice %arg4[%add3A_309, %dma_wait3A_566, %dma_wait3A_567] : memref<25600x8x128xf32, #tpu.memory_space<hbm>> -> memref<1x8x128xf32, #tpu.memory_space<hbm>>
    %dma_wait3A_569 = tpu.memref_squeeze %dma_wait3A_568 : memref<1x8x128xf32, #tpu.memory_space<hbm>> -> memref<8x128xf32, #tpu.memory_space<hbm>>
    %dma_wait3A_570 = arith.constant 80 : i32
    %dma_wait3A_571 = arith.constant 0 : i32
    %dma_wait3A_572 = tpu.memref_slice %arg7[%dma_wait3A_554, %dma_wait3A_570, %dma_wait3A_571] : memref<2x128x129xf32, #tpu.memory_space<vmem>> -> memref<1x8x128xf32, #tpu.memory_space<vmem>>
    %dma_wait3A_573 = tpu.memref_squeeze %dma_wait3A_572 : memref<1x8x128xf32, #tpu.memory_space<vmem>> -> memref<8x128xf32, #tpu.memory_space<vmem>>
    tpu.wait_dma2 semaphore(%dma_wait3A_565 : memref<!tpu.dma_semaphore, #tpu.memory_space<semaphore_mem>>) src(%dma_wait3A_573 : memref<8x128xf32, #tpu.memory_space<vmem>>) dst(%dma_wait3A_569 : memref<8x128xf32, #tpu.memory_space<hbm>>)
    %dma_wait3A_574 = arith.constant 0 : i32
    %dma_wait3A_575 = arith.constant 0 : i32
    %dma_wait3A_576 = arith.constant 88 : i32
    %dma_wait3A_577 = arith.constant 0 : i32
    %dma_wait3A_578 = tpu.memref_slice %arg7[%dma_wait3A_574, %dma_wait3A_576, %dma_wait3A_577] : memref<2x128x129xf32, #tpu.memory_space<vmem>> -> memref<1x8x128xf32, #tpu.memory_space<vmem>>
    %dma_wait3A_579 = tpu.memref_squeeze %dma_wait3A_578 : memref<1x8x128xf32, #tpu.memory_space<vmem>> -> memref<8x128xf32, #tpu.memory_space<vmem>>
    %dma_wait3A_580 = arith.constant 0 : i32
    %dma_wait3A_581 = arith.constant 0 : i32
    %dma_wait3A_582 = tpu.memref_slice %arg4[%add3A_318, %dma_wait3A_580, %dma_wait3A_581] : memref<25600x8x128xf32, #tpu.memory_space<hbm>> -> memref<1x8x128xf32, #tpu.memory_space<hbm>>
    %dma_wait3A_583 = tpu.memref_squeeze %dma_wait3A_582 : memref<1x8x128xf32, #tpu.memory_space<hbm>> -> memref<8x128xf32, #tpu.memory_space<hbm>>
    %dma_wait3A_584 = tpu.memref_slice %arg9[%dma_wait3A_575] : memref<2x!tpu.dma_semaphore, #tpu.memory_space<semaphore_mem>> -> memref<1x!tpu.dma_semaphore, #tpu.memory_space<semaphore_mem>>
    %dma_wait3A_585 = tpu.memref_squeeze %dma_wait3A_584 : memref<1x!tpu.dma_semaphore, #tpu.memory_space<semaphore_mem>> -> memref<!tpu.dma_semaphore, #tpu.memory_space<semaphore_mem>>
    %dma_wait3A_586 = arith.constant 0 : i32
    %dma_wait3A_587 = arith.constant 0 : i32
    %dma_wait3A_588 = tpu.memref_slice %arg4[%add3A_318, %dma_wait3A_586, %dma_wait3A_587] : memref<25600x8x128xf32, #tpu.memory_space<hbm>> -> memref<1x8x128xf32, #tpu.memory_space<hbm>>
    %dma_wait3A_589 = tpu.memref_squeeze %dma_wait3A_588 : memref<1x8x128xf32, #tpu.memory_space<hbm>> -> memref<8x128xf32, #tpu.memory_space<hbm>>
    %dma_wait3A_590 = arith.constant 88 : i32
    %dma_wait3A_591 = arith.constant 0 : i32
    %dma_wait3A_592 = tpu.memref_slice %arg7[%dma_wait3A_574, %dma_wait3A_590, %dma_wait3A_591] : memref<2x128x129xf32, #tpu.memory_space<vmem>> -> memref<1x8x128xf32, #tpu.memory_space<vmem>>
    %dma_wait3A_593 = tpu.memref_squeeze %dma_wait3A_592 : memref<1x8x128xf32, #tpu.memory_space<vmem>> -> memref<8x128xf32, #tpu.memory_space<vmem>>
    tpu.wait_dma2 semaphore(%dma_wait3A_585 : memref<!tpu.dma_semaphore, #tpu.memory_space<semaphore_mem>>) src(%dma_wait3A_593 : memref<8x128xf32, #tpu.memory_space<vmem>>) dst(%dma_wait3A_589 : memref<8x128xf32, #tpu.memory_space<hbm>>)
    %dma_wait3A_594 = arith.constant 0 : i32
    %dma_wait3A_595 = arith.constant 0 : i32
    %dma_wait3A_596 = arith.constant 96 : i32
    %dma_wait3A_597 = arith.constant 0 : i32
    %dma_wait3A_598 = tpu.memref_slice %arg7[%dma_wait3A_594, %dma_wait3A_596, %dma_wait3A_597] : memref<2x128x129xf32, #tpu.memory_space<vmem>> -> memref<1x8x128xf32, #tpu.memory_space<vmem>>
    %dma_wait3A_599 = tpu.memref_squeeze %dma_wait3A_598 : memref<1x8x128xf32, #tpu.memory_space<vmem>> -> memref<8x128xf32, #tpu.memory_space<vmem>>
    %dma_wait3A_600 = arith.constant 0 : i32
    %dma_wait3A_601 = arith.constant 0 : i32
    %dma_wait3A_602 = tpu.memref_slice %arg4[%add3A_327, %dma_wait3A_600, %dma_wait3A_601] : memref<25600x8x128xf32, #tpu.memory_space<hbm>> -> memref<1x8x128xf32, #tpu.memory_space<hbm>>
    %dma_wait3A_603 = tpu.memref_squeeze %dma_wait3A_602 : memref<1x8x128xf32, #tpu.memory_space<hbm>> -> memref<8x128xf32, #tpu.memory_space<hbm>>
    %dma_wait3A_604 = tpu.memref_slice %arg9[%dma_wait3A_595] : memref<2x!tpu.dma_semaphore, #tpu.memory_space<semaphore_mem>> -> memref<1x!tpu.dma_semaphore, #tpu.memory_space<semaphore_mem>>
    %dma_wait3A_605 = tpu.memref_squeeze %dma_wait3A_604 : memref<1x!tpu.dma_semaphore, #tpu.memory_space<semaphore_mem>> -> memref<!tpu.dma_semaphore, #tpu.memory_space<semaphore_mem>>
    %dma_wait3A_606 = arith.constant 0 : i32
    %dma_wait3A_607 = arith.constant 0 : i32
    %dma_wait3A_608 = tpu.memref_slice %arg4[%add3A_327, %dma_wait3A_606, %dma_wait3A_607] : memref<25600x8x128xf32, #tpu.memory_space<hbm>> -> memref<1x8x128xf32, #tpu.memory_space<hbm>>
    %dma_wait3A_609 = tpu.memref_squeeze %dma_wait3A_608 : memref<1x8x128xf32, #tpu.memory_space<hbm>> -> memref<8x128xf32, #tpu.memory_space<hbm>>
    %dma_wait3A_610 = arith.constant 96 : i32
    %dma_wait3A_611 = arith.constant 0 : i32
    %dma_wait3A_612 = tpu.memref_slice %arg7[%dma_wait3A_594, %dma_wait3A_610, %dma_wait3A_611] : memref<2x128x129xf32, #tpu.memory_space<vmem>> -> memref<1x8x128xf32, #tpu.memory_space<vmem>>
    %dma_wait3A_613 = tpu.memref_squeeze %dma_wait3A_612 : memref<1x8x128xf32, #tpu.memory_space<vmem>> -> memref<8x128xf32, #tpu.memory_space<vmem>>
    tpu.wait_dma2 semaphore(%dma_wait3A_605 : memref<!tpu.dma_semaphore, #tpu.memory_space<semaphore_mem>>) src(%dma_wait3A_613 : memref<8x128xf32, #tpu.memory_space<vmem>>) dst(%dma_wait3A_609 : memref<8x128xf32, #tpu.memory_space<hbm>>)
    %dma_wait3A_614 = arith.constant 0 : i32
    %dma_wait3A_615 = arith.constant 0 : i32
    %dma_wait3A_616 = arith.constant 104 : i32
    %dma_wait3A_617 = arith.constant 0 : i32
    %dma_wait3A_618 = tpu.memref_slice %arg7[%dma_wait3A_614, %dma_wait3A_616, %dma_wait3A_617] : memref<2x128x129xf32, #tpu.memory_space<vmem>> -> memref<1x8x128xf32, #tpu.memory_space<vmem>>
    %dma_wait3A_619 = tpu.memref_squeeze %dma_wait3A_618 : memref<1x8x128xf32, #tpu.memory_space<vmem>> -> memref<8x128xf32, #tpu.memory_space<vmem>>
    %dma_wait3A_620 = arith.constant 0 : i32
    %dma_wait3A_621 = arith.constant 0 : i32
    %dma_wait3A_622 = tpu.memref_slice %arg4[%add3A_336, %dma_wait3A_620, %dma_wait3A_621] : memref<25600x8x128xf32, #tpu.memory_space<hbm>> -> memref<1x8x128xf32, #tpu.memory_space<hbm>>
    %dma_wait3A_623 = tpu.memref_squeeze %dma_wait3A_622 : memref<1x8x128xf32, #tpu.memory_space<hbm>> -> memref<8x128xf32, #tpu.memory_space<hbm>>
    %dma_wait3A_624 = tpu.memref_slice %arg9[%dma_wait3A_615] : memref<2x!tpu.dma_semaphore, #tpu.memory_space<semaphore_mem>> -> memref<1x!tpu.dma_semaphore, #tpu.memory_space<semaphore_mem>>
    %dma_wait3A_625 = tpu.memref_squeeze %dma_wait3A_624 : memref<1x!tpu.dma_semaphore, #tpu.memory_space<semaphore_mem>> -> memref<!tpu.dma_semaphore, #tpu.memory_space<semaphore_mem>>
    %dma_wait3A_626 = arith.constant 0 : i32
    %dma_wait3A_627 = arith.constant 0 : i32
    %dma_wait3A_628 = tpu.memref_slice %arg4[%add3A_336, %dma_wait3A_626, %dma_wait3A_627] : memref<25600x8x128xf32, #tpu.memory_space<hbm>> -> memref<1x8x128xf32, #tpu.memory_space<hbm>>
    %dma_wait3A_629 = tpu.memref_squeeze %dma_wait3A_628 : memref<1x8x128xf32, #tpu.memory_space<hbm>> -> memref<8x128xf32, #tpu.memory_space<hbm>>
    %dma_wait3A_630 = arith.constant 104 : i32
    %dma_wait3A_631 = arith.constant 0 : i32
    %dma_wait3A_632 = tpu.memref_slice %arg7[%dma_wait3A_614, %dma_wait3A_630, %dma_wait3A_631] : memref<2x128x129xf32, #tpu.memory_space<vmem>> -> memref<1x8x128xf32, #tpu.memory_space<vmem>>
    %dma_wait3A_633 = tpu.memref_squeeze %dma_wait3A_632 : memref<1x8x128xf32, #tpu.memory_space<vmem>> -> memref<8x128xf32, #tpu.memory_space<vmem>>
    tpu.wait_dma2 semaphore(%dma_wait3A_625 : memref<!tpu.dma_semaphore, #tpu.memory_space<semaphore_mem>>) src(%dma_wait3A_633 : memref<8x128xf32, #tpu.memory_space<vmem>>) dst(%dma_wait3A_629 : memref<8x128xf32, #tpu.memory_space<hbm>>)
    %dma_wait3A_634 = arith.constant 0 : i32
    %dma_wait3A_635 = arith.constant 0 : i32
    %dma_wait3A_636 = arith.constant 112 : i32
    %dma_wait3A_637 = arith.constant 0 : i32
    %dma_wait3A_638 = tpu.memref_slice %arg7[%dma_wait3A_634, %dma_wait3A_636, %dma_wait3A_637] : memref<2x128x129xf32, #tpu.memory_space<vmem>> -> memref<1x8x128xf32, #tpu.memory_space<vmem>>
    %dma_wait3A_639 = tpu.memref_squeeze %dma_wait3A_638 : memref<1x8x128xf32, #tpu.memory_space<vmem>> -> memref<8x128xf32, #tpu.memory_space<vmem>>
    %dma_wait3A_640 = arith.constant 0 : i32
    %dma_wait3A_641 = arith.constant 0 : i32
    %dma_wait3A_642 = tpu.memref_slice %arg4[%add3A_345, %dma_wait3A_640, %dma_wait3A_641] : memref<25600x8x128xf32, #tpu.memory_space<hbm>> -> memref<1x8x128xf32, #tpu.memory_space<hbm>>
    %dma_wait3A_643 = tpu.memref_squeeze %dma_wait3A_642 : memref<1x8x128xf32, #tpu.memory_space<hbm>> -> memref<8x128xf32, #tpu.memory_space<hbm>>
    %dma_wait3A_644 = tpu.memref_slice %arg9[%dma_wait3A_635] : memref<2x!tpu.dma_semaphore, #tpu.memory_space<semaphore_mem>> -> memref<1x!tpu.dma_semaphore, #tpu.memory_space<semaphore_mem>>
    %dma_wait3A_645 = tpu.memref_squeeze %dma_wait3A_644 : memref<1x!tpu.dma_semaphore, #tpu.memory_space<semaphore_mem>> -> memref<!tpu.dma_semaphore, #tpu.memory_space<semaphore_mem>>
    %dma_wait3A_646 = arith.constant 0 : i32
    %dma_wait3A_647 = arith.constant 0 : i32
    %dma_wait3A_648 = tpu.memref_slice %arg4[%add3A_345, %dma_wait3A_646, %dma_wait3A_647] : memref<25600x8x128xf32, #tpu.memory_space<hbm>> -> memref<1x8x128xf32, #tpu.memory_space<hbm>>
    %dma_wait3A_649 = tpu.memref_squeeze %dma_wait3A_648 : memref<1x8x128xf32, #tpu.memory_space<hbm>> -> memref<8x128xf32, #tpu.memory_space<hbm>>
    %dma_wait3A_650 = arith.constant 112 : i32
    %dma_wait3A_651 = arith.constant 0 : i32
    %dma_wait3A_652 = tpu.memref_slice %arg7[%dma_wait3A_634, %dma_wait3A_650, %dma_wait3A_651] : memref<2x128x129xf32, #tpu.memory_space<vmem>> -> memref<1x8x128xf32, #tpu.memory_space<vmem>>
    %dma_wait3A_653 = tpu.memref_squeeze %dma_wait3A_652 : memref<1x8x128xf32, #tpu.memory_space<vmem>> -> memref<8x128xf32, #tpu.memory_space<vmem>>
    tpu.wait_dma2 semaphore(%dma_wait3A_645 : memref<!tpu.dma_semaphore, #tpu.memory_space<semaphore_mem>>) src(%dma_wait3A_653 : memref<8x128xf32, #tpu.memory_space<vmem>>) dst(%dma_wait3A_649 : memref<8x128xf32, #tpu.memory_space<hbm>>)
    %dma_wait3A_654 = arith.constant 0 : i32
    %dma_wait3A_655 = arith.constant 0 : i32
    %dma_wait3A_656 = arith.constant 120 : i32
    %dma_wait3A_657 = arith.constant 0 : i32
    %dma_wait3A_658 = tpu.memref_slice %arg7[%dma_wait3A_654, %dma_wait3A_656, %dma_wait3A_657] : memref<2x128x129xf32, #tpu.memory_space<vmem>> -> memref<1x8x128xf32, #tpu.memory_space<vmem>>
    %dma_wait3A_659 = tpu.memref_squeeze %dma_wait3A_658 : memref<1x8x128xf32, #tpu.memory_space<vmem>> -> memref<8x128xf32, #tpu.memory_space<vmem>>
    %dma_wait3A_660 = arith.constant 0 : i32
    %dma_wait3A_661 = arith.constant 0 : i32
    %dma_wait3A_662 = tpu.memref_slice %arg4[%add3A_354, %dma_wait3A_660, %dma_wait3A_661] : memref<25600x8x128xf32, #tpu.memory_space<hbm>> -> memref<1x8x128xf32, #tpu.memory_space<hbm>>
    %dma_wait3A_663 = tpu.memref_squeeze %dma_wait3A_662 : memref<1x8x128xf32, #tpu.memory_space<hbm>> -> memref<8x128xf32, #tpu.memory_space<hbm>>
    %dma_wait3A_664 = tpu.memref_slice %arg9[%dma_wait3A_655] : memref<2x!tpu.dma_semaphore, #tpu.memory_space<semaphore_mem>> -> memref<1x!tpu.dma_semaphore, #tpu.memory_space<semaphore_mem>>
    %dma_wait3A_665 = tpu.memref_squeeze %dma_wait3A_664 : memref<1x!tpu.dma_semaphore, #tpu.memory_space<semaphore_mem>> -> memref<!tpu.dma_semaphore, #tpu.memory_space<semaphore_mem>>
    %dma_wait3A_666 = arith.constant 0 : i32
    %dma_wait3A_667 = arith.constant 0 : i32
    %dma_wait3A_668 = tpu.memref_slice %arg4[%add3A_354, %dma_wait3A_666, %dma_wait3A_667] : memref<25600x8x128xf32, #tpu.memory_space<hbm>> -> memref<1x8x128xf32, #tpu.memory_space<hbm>>
    %dma_wait3A_669 = tpu.memref_squeeze %dma_wait3A_668 : memref<1x8x128xf32, #tpu.memory_space<hbm>> -> memref<8x128xf32, #tpu.memory_space<hbm>>
    %dma_wait3A_670 = arith.constant 120 : i32
    %dma_wait3A_671 = arith.constant 0 : i32
    %dma_wait3A_672 = tpu.memref_slice %arg7[%dma_wait3A_654, %dma_wait3A_670, %dma_wait3A_671] : memref<2x128x129xf32, #tpu.memory_space<vmem>> -> memref<1x8x128xf32, #tpu.memory_space<vmem>>
    %dma_wait3A_673 = tpu.memref_squeeze %dma_wait3A_672 : memref<1x8x128xf32, #tpu.memory_space<vmem>> -> memref<8x128xf32, #tpu.memory_space<vmem>>
    tpu.wait_dma2 semaphore(%dma_wait3A_665 : memref<!tpu.dma_semaphore, #tpu.memory_space<semaphore_mem>>) src(%dma_wait3A_673 : memref<8x128xf32, #tpu.memory_space<vmem>>) dst(%dma_wait3A_669 : memref<8x128xf32, #tpu.memory_space<hbm>>)
    %add3A_674 = arith.constant 50 : i32
    %add3A_675 = arith.addi %mul3A_52, %add3A_674 : i32
    %sub3A_676 = arith.constant 2 : i32
    %sub3A_677 = arith.subi %add3A_675, %sub3A_676 : i32
    %add3A_678 = arith.constant 1 : i32
    %add3A_679 = arith.addi %sub3A_677, %add3A_678 : i32
    %jit3A_680 = arith.constant 32 : i32
    %div3A_681 = arith.divsi %add3A_679, %jit3A_680 : i32
    %sign3A_682 = arith.constant 0 : i32
    %sign3A_683 = arith.cmpi sgt, %add3A_679, %sign3A_682 : i32
    %sign3A_684 = arith.extui %sign3A_683 : i1 to i32
    %sign3A_685 = arith.constant 0 : i32
    %sign3A_686 = arith.cmpi slt, %add3A_679, %sign3A_685 : i32
    %sign3A_687 = arith.extui %sign3A_686 : i1 to i32
    %sign3A_688 = arith.subi %sign3A_684, %sign3A_687 : i32
    %sign3A_689 = arith.constant 0 : i32
    %sign3A_690 = arith.cmpi sgt, %jit3A_680, %sign3A_689 : i32
    %sign3A_691 = arith.extui %sign3A_690 : i1 to i32
    %sign3A_692 = arith.constant 0 : i32
    %sign3A_693 = arith.cmpi slt, %jit3A_680, %sign3A_692 : i32
    %sign3A_694 = arith.extui %sign3A_693 : i1 to i32
    %sign3A_695 = arith.subi %sign3A_691, %sign3A_694 : i32
    %ne3A_696 = arith.cmpi ne, %sign3A_688, %sign3A_695 : i32
    %rem3A_697 = arith.remsi %add3A_679, %jit3A_680 : i32
    %ne3A_698 = arith.constant 0 : i32
    %ne3A_699 = arith.cmpi ne, %rem3A_697, %ne3A_698 : i32
    %and3A_700 = arith.andi %ne3A_696, %ne3A_699 : i1
    %sub3A_701 = arith.constant 1 : i32
    %sub3A_702 = arith.subi %div3A_681, %sub3A_701 : i32
    %select_n3A_703 = arith.select %and3A_700, %sub3A_702, %div3A_681 : i32
    %jit3A_704 = arith.constant 32 : i32
    %eq3A_705 = arith.constant 0 : i32
    %eq3A_706 = arith.cmpi eq, %jit3A_704, %eq3A_705 : i32
    %jit3A_707 = arith.constant 1 : i32
    %select_n3A_708 = arith.select %eq3A_706, %jit3A_707, %jit3A_704 : i32
    %rem3A_709 = arith.remsi %add3A_679, %select_n3A_708 : i32
    %ne3A_710 = arith.constant 0 : i32
    %ne3A_711 = arith.cmpi ne, %rem3A_709, %ne3A_710 : i32
    %lt3A_712 = arith.constant 0 : i32
    %lt3A_713 = arith.cmpi slt, %rem3A_709, %lt3A_712 : i32
    %lt3A_714 = arith.constant 0 : i32
    %lt3A_715 = arith.cmpi slt, %select_n3A_708, %lt3A_714 : i32
    %ne3A_716 = arith.xori %lt3A_713, %lt3A_715 : i1
    %and3A_717 = arith.andi %ne3A_716, %ne3A_711 : i1
    %add3A_718 = arith.addi %rem3A_709, %select_n3A_708 : i32
    %select_n3A_719 = arith.select %and3A_717, %add3A_718, %rem3A_709 : i32
    %mul3A_720 = arith.constant 4 : i32
    %mul3A_721 = arith.muli %select_n3A_719, %mul3A_720 : i32
    %mul3A_722 = arith.constant 4 : i32
    %mul3A_723 = arith.muli %select_n3A_703, %mul3A_722 : i32
    %add3A_724 = arith.constant 0 : i32
    %add3A_725 = arith.addi %mul3A_723, %add3A_724 : i32
    %mul3A_726 = arith.constant 128 : i32
    %mul3A_727 = arith.muli %add3A_725, %mul3A_726 : i32
    %add3A_728 = arith.addi %mul3A_727, %mul3A_721 : i32
    %add3A_729 = arith.constant 0 : i32
    %add3A_730 = arith.addi %add3A_728, %add3A_729 : i32
    %mul3A_731 = arith.constant 4 : i32
    %mul3A_732 = arith.muli %select_n3A_703, %mul3A_731 : i32
    %add3A_733 = arith.constant 0 : i32
    %add3A_734 = arith.addi %mul3A_732, %add3A_733 : i32
    %mul3A_735 = arith.constant 128 : i32
    %mul3A_736 = arith.muli %add3A_734, %mul3A_735 : i32
    %add3A_737 = arith.addi %mul3A_736, %mul3A_721 : i32
    %add3A_738 = arith.constant 1 : i32
    %add3A_739 = arith.addi %add3A_737, %add3A_738 : i32
    %mul3A_740 = arith.constant 4 : i32
    %mul3A_741 = arith.muli %select_n3A_703, %mul3A_740 : i32
    %add3A_742 = arith.constant 0 : i32
    %add3A_743 = arith.addi %mul3A_741, %add3A_742 : i32
    %mul3A_744 = arith.constant 128 : i32
    %mul3A_745 = arith.muli %add3A_743, %mul3A_744 : i32
    %add3A_746 = arith.addi %mul3A_745, %mul3A_721 : i32
    %add3A_747 = arith.constant 2 : i32
    %add3A_748 = arith.addi %add3A_746, %add3A_747 : i32
    %mul3A_749 = arith.constant 4 : i32
    %mul3A_750 = arith.muli %select_n3A_703, %mul3A_749 : i32
    %add3A_751 = arith.constant 0 : i32
    %add3A_752 = arith.addi %mul3A_750, %add3A_751 : i32
    %mul3A_753 = arith.constant 128 : i32
    %mul3A_754 = arith.muli %add3A_752, %mul3A_753 : i32
    %add3A_755 = arith.addi %mul3A_754, %mul3A_721 : i32
    %add3A_756 = arith.constant 3 : i32
    %add3A_757 = arith.addi %add3A_755, %add3A_756 : i32
    %mul3A_758 = arith.constant 4 : i32
    %mul3A_759 = arith.muli %select_n3A_703, %mul3A_758 : i32
    %add3A_760 = arith.constant 1 : i32
    %add3A_761 = arith.addi %mul3A_759, %add3A_760 : i32
    %mul3A_762 = arith.constant 128 : i32
    %mul3A_763 = arith.muli %add3A_761, %mul3A_762 : i32
    %add3A_764 = arith.addi %mul3A_763, %mul3A_721 : i32
    %add3A_765 = arith.constant 0 : i32
    %add3A_766 = arith.addi %add3A_764, %add3A_765 : i32
    %mul3A_767 = arith.constant 4 : i32
    %mul3A_768 = arith.muli %select_n3A_703, %mul3A_767 : i32
    %add3A_769 = arith.constant 1 : i32
    %add3A_770 = arith.addi %mul3A_768, %add3A_769 : i32
    %mul3A_771 = arith.constant 128 : i32
    %mul3A_772 = arith.muli %add3A_770, %mul3A_771 : i32
    %add3A_773 = arith.addi %mul3A_772, %mul3A_721 : i32
    %add3A_774 = arith.constant 1 : i32
    %add3A_775 = arith.addi %add3A_773, %add3A_774 : i32
    %mul3A_776 = arith.constant 4 : i32
    %mul3A_777 = arith.muli %select_n3A_703, %mul3A_776 : i32
    %add3A_778 = arith.constant 1 : i32
    %add3A_779 = arith.addi %mul3A_777, %add3A_778 : i32
    %mul3A_780 = arith.constant 128 : i32
    %mul3A_781 = arith.muli %add3A_779, %mul3A_780 : i32
    %add3A_782 = arith.addi %mul3A_781, %mul3A_721 : i32
    %add3A_783 = arith.constant 2 : i32
    %add3A_784 = arith.addi %add3A_782, %add3A_783 : i32
    %mul3A_785 = arith.constant 4 : i32
    %mul3A_786 = arith.muli %select_n3A_703, %mul3A_785 : i32
    %add3A_787 = arith.constant 1 : i32
    %add3A_788 = arith.addi %mul3A_786, %add3A_787 : i32
    %mul3A_789 = arith.constant 128 : i32
    %mul3A_790 = arith.muli %add3A_788, %mul3A_789 : i32
    %add3A_791 = arith.addi %mul3A_790, %mul3A_721 : i32
    %add3A_792 = arith.constant 3 : i32
    %add3A_793 = arith.addi %add3A_791, %add3A_792 : i32
    %mul3A_794 = arith.constant 4 : i32
    %mul3A_795 = arith.muli %select_n3A_703, %mul3A_794 : i32
    %add3A_796 = arith.constant 2 : i32
    %add3A_797 = arith.addi %mul3A_795, %add3A_796 : i32
    %mul3A_798 = arith.constant 128 : i32
    %mul3A_799 = arith.muli %add3A_797, %mul3A_798 : i32
    %add3A_800 = arith.addi %mul3A_799, %mul3A_721 : i32
    %add3A_801 = arith.constant 0 : i32
    %add3A_802 = arith.addi %add3A_800, %add3A_801 : i32
    %mul3A_803 = arith.constant 4 : i32
    %mul3A_804 = arith.muli %select_n3A_703, %mul3A_803 : i32
    %add3A_805 = arith.constant 2 : i32
    %add3A_806 = arith.addi %mul3A_804, %add3A_805 : i32
    %mul3A_807 = arith.constant 128 : i32
    %mul3A_808 = arith.muli %add3A_806, %mul3A_807 : i32
    %add3A_809 = arith.addi %mul3A_808, %mul3A_721 : i32
    %add3A_810 = arith.constant 1 : i32
    %add3A_811 = arith.addi %add3A_809, %add3A_810 : i32
    %mul3A_812 = arith.constant 4 : i32
    %mul3A_813 = arith.muli %select_n3A_703, %mul3A_812 : i32
    %add3A_814 = arith.constant 2 : i32
    %add3A_815 = arith.addi %mul3A_813, %add3A_814 : i32
    %mul3A_816 = arith.constant 128 : i32
    %mul3A_817 = arith.muli %add3A_815, %mul3A_816 : i32
    %add3A_818 = arith.addi %mul3A_817, %mul3A_721 : i32
    %add3A_819 = arith.constant 2 : i32
    %add3A_820 = arith.addi %add3A_818, %add3A_819 : i32
    %mul3A_821 = arith.constant 4 : i32
    %mul3A_822 = arith.muli %select_n3A_703, %mul3A_821 : i32
    %add3A_823 = arith.constant 2 : i32
    %add3A_824 = arith.addi %mul3A_822, %add3A_823 : i32
    %mul3A_825 = arith.constant 128 : i32
    %mul3A_826 = arith.muli %add3A_824, %mul3A_825 : i32
    %add3A_827 = arith.addi %mul3A_826, %mul3A_721 : i32
    %add3A_828 = arith.constant 3 : i32
    %add3A_829 = arith.addi %add3A_827, %add3A_828 : i32
    %mul3A_830 = arith.constant 4 : i32
    %mul3A_831 = arith.muli %select_n3A_703, %mul3A_830 : i32
    %add3A_832 = arith.constant 3 : i32
    %add3A_833 = arith.addi %mul3A_831, %add3A_832 : i32
    %mul3A_834 = arith.constant 128 : i32
    %mul3A_835 = arith.muli %add3A_833, %mul3A_834 : i32
    %add3A_836 = arith.addi %mul3A_835, %mul3A_721 : i32
    %add3A_837 = arith.constant 0 : i32
    %add3A_838 = arith.addi %add3A_836, %add3A_837 : i32
    %mul3A_839 = arith.constant 4 : i32
    %mul3A_840 = arith.muli %select_n3A_703, %mul3A_839 : i32
    %add3A_841 = arith.constant 3 : i32
    %add3A_842 = arith.addi %mul3A_840, %add3A_841 : i32
    %mul3A_843 = arith.constant 128 : i32
    %mul3A_844 = arith.muli %add3A_842, %mul3A_843 : i32
    %add3A_845 = arith.addi %mul3A_844, %mul3A_721 : i32
    %add3A_846 = arith.constant 1 : i32
    %add3A_847 = arith.addi %add3A_845, %add3A_846 : i32
    %mul3A_848 = arith.constant 4 : i32
    %mul3A_849 = arith.muli %select_n3A_703, %mul3A_848 : i32
    %add3A_850 = arith.constant 3 : i32
    %add3A_851 = arith.addi %mul3A_849, %add3A_850 : i32
    %mul3A_852 = arith.constant 128 : i32
    %mul3A_853 = arith.muli %add3A_851, %mul3A_852 : i32
    %add3A_854 = arith.addi %mul3A_853, %mul3A_721 : i32
    %add3A_855 = arith.constant 2 : i32
    %add3A_856 = arith.addi %add3A_854, %add3A_855 : i32
    %mul3A_857 = arith.constant 4 : i32
    %mul3A_858 = arith.muli %select_n3A_703, %mul3A_857 : i32
    %add3A_859 = arith.constant 3 : i32
    %add3A_860 = arith.addi %mul3A_858, %add3A_859 : i32
    %mul3A_861 = arith.constant 128 : i32
    %mul3A_862 = arith.muli %add3A_860, %mul3A_861 : i32
    %add3A_863 = arith.addi %mul3A_862, %mul3A_721 : i32
    %add3A_864 = arith.constant 3 : i32
    %add3A_865 = arith.addi %add3A_863, %add3A_864 : i32
    %dma_wait3A_866 = arith.constant 1 : i32
    %dma_wait3A_867 = arith.constant 1 : i32
    %dma_wait3A_868 = arith.constant 0 : i32
    %dma_wait3A_869 = arith.constant 0 : i32
    %dma_wait3A_870 = tpu.memref_slice %arg7[%dma_wait3A_866, %dma_wait3A_868, %dma_wait3A_869] : memref<2x128x129xf32, #tpu.memory_space<vmem>> -> memref<1x8x128xf32, #tpu.memory_space<vmem>>
    %dma_wait3A_871 = tpu.memref_squeeze %dma_wait3A_870 : memref<1x8x128xf32, #tpu.memory_space<vmem>> -> memref<8x128xf32, #tpu.memory_space<vmem>>
    %dma_wait3A_872 = arith.constant 0 : i32
    %dma_wait3A_873 = arith.constant 0 : i32
    %dma_wait3A_874 = tpu.memref_slice %arg4[%add3A_730, %dma_wait3A_872, %dma_wait3A_873] : memref<25600x8x128xf32, #tpu.memory_space<hbm>> -> memref<1x8x128xf32, #tpu.memory_space<hbm>>
    %dma_wait3A_875 = tpu.memref_squeeze %dma_wait3A_874 : memref<1x8x128xf32, #tpu.memory_space<hbm>> -> memref<8x128xf32, #tpu.memory_space<hbm>>
    %dma_wait3A_876 = tpu.memref_slice %arg9[%dma_wait3A_867] : memref<2x!tpu.dma_semaphore, #tpu.memory_space<semaphore_mem>> -> memref<1x!tpu.dma_semaphore, #tpu.memory_space<semaphore_mem>>
    %dma_wait3A_877 = tpu.memref_squeeze %dma_wait3A_876 : memref<1x!tpu.dma_semaphore, #tpu.memory_space<semaphore_mem>> -> memref<!tpu.dma_semaphore, #tpu.memory_space<semaphore_mem>>
    %dma_wait3A_878 = arith.constant 0 : i32
    %dma_wait3A_879 = arith.constant 0 : i32
    %dma_wait3A_880 = tpu.memref_slice %arg4[%add3A_730, %dma_wait3A_878, %dma_wait3A_879] : memref<25600x8x128xf32, #tpu.memory_space<hbm>> -> memref<1x8x128xf32, #tpu.memory_space<hbm>>
    %dma_wait3A_881 = tpu.memref_squeeze %dma_wait3A_880 : memref<1x8x128xf32, #tpu.memory_space<hbm>> -> memref<8x128xf32, #tpu.memory_space<hbm>>
    %dma_wait3A_882 = arith.constant 0 : i32
    %dma_wait3A_883 = arith.constant 0 : i32
    %dma_wait3A_884 = tpu.memref_slice %arg7[%dma_wait3A_866, %dma_wait3A_882, %dma_wait3A_883] : memref<2x128x129xf32, #tpu.memory_space<vmem>> -> memref<1x8x128xf32, #tpu.memory_space<vmem>>
    %dma_wait3A_885 = tpu.memref_squeeze %dma_wait3A_884 : memref<1x8x128xf32, #tpu.memory_space<vmem>> -> memref<8x128xf32, #tpu.memory_space<vmem>>
    tpu.wait_dma2 semaphore(%dma_wait3A_877 : memref<!tpu.dma_semaphore, #tpu.memory_space<semaphore_mem>>) src(%dma_wait3A_885 : memref<8x128xf32, #tpu.memory_space<vmem>>) dst(%dma_wait3A_881 : memref<8x128xf32, #tpu.memory_space<hbm>>)
    %dma_wait3A_886 = arith.constant 1 : i32
    %dma_wait3A_887 = arith.constant 1 : i32
    %dma_wait3A_888 = arith.constant 8 : i32
    %dma_wait3A_889 = arith.constant 0 : i32
    %dma_wait3A_890 = tpu.memref_slice %arg7[%dma_wait3A_886, %dma_wait3A_888, %dma_wait3A_889] : memref<2x128x129xf32, #tpu.memory_space<vmem>> -> memref<1x8x128xf32, #tpu.memory_space<vmem>>
    %dma_wait3A_891 = tpu.memref_squeeze %dma_wait3A_890 : memref<1x8x128xf32, #tpu.memory_space<vmem>> -> memref<8x128xf32, #tpu.memory_space<vmem>>
    %dma_wait3A_892 = arith.constant 0 : i32
    %dma_wait3A_893 = arith.constant 0 : i32
    %dma_wait3A_894 = tpu.memref_slice %arg4[%add3A_739, %dma_wait3A_892, %dma_wait3A_893] : memref<25600x8x128xf32, #tpu.memory_space<hbm>> -> memref<1x8x128xf32, #tpu.memory_space<hbm>>
    %dma_wait3A_895 = tpu.memref_squeeze %dma_wait3A_894 : memref<1x8x128xf32, #tpu.memory_space<hbm>> -> memref<8x128xf32, #tpu.memory_space<hbm>>
    %dma_wait3A_896 = tpu.memref_slice %arg9[%dma_wait3A_887] : memref<2x!tpu.dma_semaphore, #tpu.memory_space<semaphore_mem>> -> memref<1x!tpu.dma_semaphore, #tpu.memory_space<semaphore_mem>>
    %dma_wait3A_897 = tpu.memref_squeeze %dma_wait3A_896 : memref<1x!tpu.dma_semaphore, #tpu.memory_space<semaphore_mem>> -> memref<!tpu.dma_semaphore, #tpu.memory_space<semaphore_mem>>
    %dma_wait3A_898 = arith.constant 0 : i32
    %dma_wait3A_899 = arith.constant 0 : i32
    %dma_wait3A_900 = tpu.memref_slice %arg4[%add3A_739, %dma_wait3A_898, %dma_wait3A_899] : memref<25600x8x128xf32, #tpu.memory_space<hbm>> -> memref<1x8x128xf32, #tpu.memory_space<hbm>>
    %dma_wait3A_901 = tpu.memref_squeeze %dma_wait3A_900 : memref<1x8x128xf32, #tpu.memory_space<hbm>> -> memref<8x128xf32, #tpu.memory_space<hbm>>
    %dma_wait3A_902 = arith.constant 8 : i32
    %dma_wait3A_903 = arith.constant 0 : i32
    %dma_wait3A_904 = tpu.memref_slice %arg7[%dma_wait3A_886, %dma_wait3A_902, %dma_wait3A_903] : memref<2x128x129xf32, #tpu.memory_space<vmem>> -> memref<1x8x128xf32, #tpu.memory_space<vmem>>
    %dma_wait3A_905 = tpu.memref_squeeze %dma_wait3A_904 : memref<1x8x128xf32, #tpu.memory_space<vmem>> -> memref<8x128xf32, #tpu.memory_space<vmem>>
    tpu.wait_dma2 semaphore(%dma_wait3A_897 : memref<!tpu.dma_semaphore, #tpu.memory_space<semaphore_mem>>) src(%dma_wait3A_905 : memref<8x128xf32, #tpu.memory_space<vmem>>) dst(%dma_wait3A_901 : memref<8x128xf32, #tpu.memory_space<hbm>>)
    %dma_wait3A_906 = arith.constant 1 : i32
    %dma_wait3A_907 = arith.constant 1 : i32
    %dma_wait3A_908 = arith.constant 16 : i32
    %dma_wait3A_909 = arith.constant 0 : i32
    %dma_wait3A_910 = tpu.memref_slice %arg7[%dma_wait3A_906, %dma_wait3A_908, %dma_wait3A_909] : memref<2x128x129xf32, #tpu.memory_space<vmem>> -> memref<1x8x128xf32, #tpu.memory_space<vmem>>
    %dma_wait3A_911 = tpu.memref_squeeze %dma_wait3A_910 : memref<1x8x128xf32, #tpu.memory_space<vmem>> -> memref<8x128xf32, #tpu.memory_space<vmem>>
    %dma_wait3A_912 = arith.constant 0 : i32
    %dma_wait3A_913 = arith.constant 0 : i32
    %dma_wait3A_914 = tpu.memref_slice %arg4[%add3A_748, %dma_wait3A_912, %dma_wait3A_913] : memref<25600x8x128xf32, #tpu.memory_space<hbm>> -> memref<1x8x128xf32, #tpu.memory_space<hbm>>
    %dma_wait3A_915 = tpu.memref_squeeze %dma_wait3A_914 : memref<1x8x128xf32, #tpu.memory_space<hbm>> -> memref<8x128xf32, #tpu.memory_space<hbm>>
    %dma_wait3A_916 = tpu.memref_slice %arg9[%dma_wait3A_907] : memref<2x!tpu.dma_semaphore, #tpu.memory_space<semaphore_mem>> -> memref<1x!tpu.dma_semaphore, #tpu.memory_space<semaphore_mem>>
    %dma_wait3A_917 = tpu.memref_squeeze %dma_wait3A_916 : memref<1x!tpu.dma_semaphore, #tpu.memory_space<semaphore_mem>> -> memref<!tpu.dma_semaphore, #tpu.memory_space<semaphore_mem>>
    %dma_wait3A_918 = arith.constant 0 : i32
    %dma_wait3A_919 = arith.constant 0 : i32
    %dma_wait3A_920 = tpu.memref_slice %arg4[%add3A_748, %dma_wait3A_918, %dma_wait3A_919] : memref<25600x8x128xf32, #tpu.memory_space<hbm>> -> memref<1x8x128xf32, #tpu.memory_space<hbm>>
    %dma_wait3A_921 = tpu.memref_squeeze %dma_wait3A_920 : memref<1x8x128xf32, #tpu.memory_space<hbm>> -> memref<8x128xf32, #tpu.memory_space<hbm>>
    %dma_wait3A_922 = arith.constant 16 : i32
    %dma_wait3A_923 = arith.constant 0 : i32
    %dma_wait3A_924 = tpu.memref_slice %arg7[%dma_wait3A_906, %dma_wait3A_922, %dma_wait3A_923] : memref<2x128x129xf32, #tpu.memory_space<vmem>> -> memref<1x8x128xf32, #tpu.memory_space<vmem>>
    %dma_wait3A_925 = tpu.memref_squeeze %dma_wait3A_924 : memref<1x8x128xf32, #tpu.memory_space<vmem>> -> memref<8x128xf32, #tpu.memory_space<vmem>>
    tpu.wait_dma2 semaphore(%dma_wait3A_917 : memref<!tpu.dma_semaphore, #tpu.memory_space<semaphore_mem>>) src(%dma_wait3A_925 : memref<8x128xf32, #tpu.memory_space<vmem>>) dst(%dma_wait3A_921 : memref<8x128xf32, #tpu.memory_space<hbm>>)
    %dma_wait3A_926 = arith.constant 1 : i32
    %dma_wait3A_927 = arith.constant 1 : i32
    %dma_wait3A_928 = arith.constant 24 : i32
    %dma_wait3A_929 = arith.constant 0 : i32
    %dma_wait3A_930 = tpu.memref_slice %arg7[%dma_wait3A_926, %dma_wait3A_928, %dma_wait3A_929] : memref<2x128x129xf32, #tpu.memory_space<vmem>> -> memref<1x8x128xf32, #tpu.memory_space<vmem>>
    %dma_wait3A_931 = tpu.memref_squeeze %dma_wait3A_930 : memref<1x8x128xf32, #tpu.memory_space<vmem>> -> memref<8x128xf32, #tpu.memory_space<vmem>>
    %dma_wait3A_932 = arith.constant 0 : i32
    %dma_wait3A_933 = arith.constant 0 : i32
    %dma_wait3A_934 = tpu.memref_slice %arg4[%add3A_757, %dma_wait3A_932, %dma_wait3A_933] : memref<25600x8x128xf32, #tpu.memory_space<hbm>> -> memref<1x8x128xf32, #tpu.memory_space<hbm>>
    %dma_wait3A_935 = tpu.memref_squeeze %dma_wait3A_934 : memref<1x8x128xf32, #tpu.memory_space<hbm>> -> memref<8x128xf32, #tpu.memory_space<hbm>>
    %dma_wait3A_936 = tpu.memref_slice %arg9[%dma_wait3A_927] : memref<2x!tpu.dma_semaphore, #tpu.memory_space<semaphore_mem>> -> memref<1x!tpu.dma_semaphore, #tpu.memory_space<semaphore_mem>>
    %dma_wait3A_937 = tpu.memref_squeeze %dma_wait3A_936 : memref<1x!tpu.dma_semaphore, #tpu.memory_space<semaphore_mem>> -> memref<!tpu.dma_semaphore, #tpu.memory_space<semaphore_mem>>
    %dma_wait3A_938 = arith.constant 0 : i32
    %dma_wait3A_939 = arith.constant 0 : i32
    %dma_wait3A_940 = tpu.memref_slice %arg4[%add3A_757, %dma_wait3A_938, %dma_wait3A_939] : memref<25600x8x128xf32, #tpu.memory_space<hbm>> -> memref<1x8x128xf32, #tpu.memory_space<hbm>>
    %dma_wait3A_941 = tpu.memref_squeeze %dma_wait3A_940 : memref<1x8x128xf32, #tpu.memory_space<hbm>> -> memref<8x128xf32, #tpu.memory_space<hbm>>
    %dma_wait3A_942 = arith.constant 24 : i32
    %dma_wait3A_943 = arith.constant 0 : i32
    %dma_wait3A_944 = tpu.memref_slice %arg7[%dma_wait3A_926, %dma_wait3A_942, %dma_wait3A_943] : memref<2x128x129xf32, #tpu.memory_space<vmem>> -> memref<1x8x128xf32, #tpu.memory_space<vmem>>
    %dma_wait3A_945 = tpu.memref_squeeze %dma_wait3A_944 : memref<1x8x128xf32, #tpu.memory_space<vmem>> -> memref<8x128xf32, #tpu.memory_space<vmem>>
    tpu.wait_dma2 semaphore(%dma_wait3A_937 : memref<!tpu.dma_semaphore, #tpu.memory_space<semaphore_mem>>) src(%dma_wait3A_945 : memref<8x128xf32, #tpu.memory_space<vmem>>) dst(%dma_wait3A_941 : memref<8x128xf32, #tpu.memory_space<hbm>>)
    %dma_wait3A_946 = arith.constant 1 : i32
    %dma_wait3A_947 = arith.constant 1 : i32
    %dma_wait3A_948 = arith.constant 32 : i32
    %dma_wait3A_949 = arith.constant 0 : i32
    %dma_wait3A_950 = tpu.memref_slice %arg7[%dma_wait3A_946, %dma_wait3A_948, %dma_wait3A_949] : memref<2x128x129xf32, #tpu.memory_space<vmem>> -> memref<1x8x128xf32, #tpu.memory_space<vmem>>
    %dma_wait3A_951 = tpu.memref_squeeze %dma_wait3A_950 : memref<1x8x128xf32, #tpu.memory_space<vmem>> -> memref<8x128xf32, #tpu.memory_space<vmem>>
    %dma_wait3A_952 = arith.constant 0 : i32
    %dma_wait3A_953 = arith.constant 0 : i32
    %dma_wait3A_954 = tpu.memref_slice %arg4[%add3A_766, %dma_wait3A_952, %dma_wait3A_953] : memref<25600x8x128xf32, #tpu.memory_space<hbm>> -> memref<1x8x128xf32, #tpu.memory_space<hbm>>
    %dma_wait3A_955 = tpu.memref_squeeze %dma_wait3A_954 : memref<1x8x128xf32, #tpu.memory_space<hbm>> -> memref<8x128xf32, #tpu.memory_space<hbm>>
    %dma_wait3A_956 = tpu.memref_slice %arg9[%dma_wait3A_947] : memref<2x!tpu.dma_semaphore, #tpu.memory_space<semaphore_mem>> -> memref<1x!tpu.dma_semaphore, #tpu.memory_space<semaphore_mem>>
    %dma_wait3A_957 = tpu.memref_squeeze %dma_wait3A_956 : memref<1x!tpu.dma_semaphore, #tpu.memory_space<semaphore_mem>> -> memref<!tpu.dma_semaphore, #tpu.memory_space<semaphore_mem>>
    %dma_wait3A_958 = arith.constant 0 : i32
    %dma_wait3A_959 = arith.constant 0 : i32
    %dma_wait3A_960 = tpu.memref_slice %arg4[%add3A_766, %dma_wait3A_958, %dma_wait3A_959] : memref<25600x8x128xf32, #tpu.memory_space<hbm>> -> memref<1x8x128xf32, #tpu.memory_space<hbm>>
    %dma_wait3A_961 = tpu.memref_squeeze %dma_wait3A_960 : memref<1x8x128xf32, #tpu.memory_space<hbm>> -> memref<8x128xf32, #tpu.memory_space<hbm>>
    %dma_wait3A_962 = arith.constant 32 : i32
    %dma_wait3A_963 = arith.constant 0 : i32
    %dma_wait3A_964 = tpu.memref_slice %arg7[%dma_wait3A_946, %dma_wait3A_962, %dma_wait3A_963] : memref<2x128x129xf32, #tpu.memory_space<vmem>> -> memref<1x8x128xf32, #tpu.memory_space<vmem>>
    %dma_wait3A_965 = tpu.memref_squeeze %dma_wait3A_964 : memref<1x8x128xf32, #tpu.memory_space<vmem>> -> memref<8x128xf32, #tpu.memory_space<vmem>>
    tpu.wait_dma2 semaphore(%dma_wait3A_957 : memref<!tpu.dma_semaphore, #tpu.memory_space<semaphore_mem>>) src(%dma_wait3A_965 : memref<8x128xf32, #tpu.memory_space<vmem>>) dst(%dma_wait3A_961 : memref<8x128xf32, #tpu.memory_space<hbm>>)
    %dma_wait3A_966 = arith.constant 1 : i32
    %dma_wait3A_967 = arith.constant 1 : i32
    %dma_wait3A_968 = arith.constant 40 : i32
    %dma_wait3A_969 = arith.constant 0 : i32
    %dma_wait3A_970 = tpu.memref_slice %arg7[%dma_wait3A_966, %dma_wait3A_968, %dma_wait3A_969] : memref<2x128x129xf32, #tpu.memory_space<vmem>> -> memref<1x8x128xf32, #tpu.memory_space<vmem>>
    %dma_wait3A_971 = tpu.memref_squeeze %dma_wait3A_970 : memref<1x8x128xf32, #tpu.memory_space<vmem>> -> memref<8x128xf32, #tpu.memory_space<vmem>>
    %dma_wait3A_972 = arith.constant 0 : i32
    %dma_wait3A_973 = arith.constant 0 : i32
    %dma_wait3A_974 = tpu.memref_slice %arg4[%add3A_775, %dma_wait3A_972, %dma_wait3A_973] : memref<25600x8x128xf32, #tpu.memory_space<hbm>> -> memref<1x8x128xf32, #tpu.memory_space<hbm>>
    %dma_wait3A_975 = tpu.memref_squeeze %dma_wait3A_974 : memref<1x8x128xf32, #tpu.memory_space<hbm>> -> memref<8x128xf32, #tpu.memory_space<hbm>>
    %dma_wait3A_976 = tpu.memref_slice %arg9[%dma_wait3A_967] : memref<2x!tpu.dma_semaphore, #tpu.memory_space<semaphore_mem>> -> memref<1x!tpu.dma_semaphore, #tpu.memory_space<semaphore_mem>>
    %dma_wait3A_977 = tpu.memref_squeeze %dma_wait3A_976 : memref<1x!tpu.dma_semaphore, #tpu.memory_space<semaphore_mem>> -> memref<!tpu.dma_semaphore, #tpu.memory_space<semaphore_mem>>
    %dma_wait3A_978 = arith.constant 0 : i32
    %dma_wait3A_979 = arith.constant 0 : i32
    %dma_wait3A_980 = tpu.memref_slice %arg4[%add3A_775, %dma_wait3A_978, %dma_wait3A_979] : memref<25600x8x128xf32, #tpu.memory_space<hbm>> -> memref<1x8x128xf32, #tpu.memory_space<hbm>>
    %dma_wait3A_981 = tpu.memref_squeeze %dma_wait3A_980 : memref<1x8x128xf32, #tpu.memory_space<hbm>> -> memref<8x128xf32, #tpu.memory_space<hbm>>
    %dma_wait3A_982 = arith.constant 40 : i32
    %dma_wait3A_983 = arith.constant 0 : i32
    %dma_wait3A_984 = tpu.memref_slice %arg7[%dma_wait3A_966, %dma_wait3A_982, %dma_wait3A_983] : memref<2x128x129xf32, #tpu.memory_space<vmem>> -> memref<1x8x128xf32, #tpu.memory_space<vmem>>
    %dma_wait3A_985 = tpu.memref_squeeze %dma_wait3A_984 : memref<1x8x128xf32, #tpu.memory_space<vmem>> -> memref<8x128xf32, #tpu.memory_space<vmem>>
    tpu.wait_dma2 semaphore(%dma_wait3A_977 : memref<!tpu.dma_semaphore, #tpu.memory_space<semaphore_mem>>) src(%dma_wait3A_985 : memref<8x128xf32, #tpu.memory_space<vmem>>) dst(%dma_wait3A_981 : memref<8x128xf32, #tpu.memory_space<hbm>>)
    %dma_wait3A_986 = arith.constant 1 : i32
    %dma_wait3A_987 = arith.constant 1 : i32
    %dma_wait3A_988 = arith.constant 48 : i32
    %dma_wait3A_989 = arith.constant 0 : i32
    %dma_wait3A_990 = tpu.memref_slice %arg7[%dma_wait3A_986, %dma_wait3A_988, %dma_wait3A_989] : memref<2x128x129xf32, #tpu.memory_space<vmem>> -> memref<1x8x128xf32, #tpu.memory_space<vmem>>
    %dma_wait3A_991 = tpu.memref_squeeze %dma_wait3A_990 : memref<1x8x128xf32, #tpu.memory_space<vmem>> -> memref<8x128xf32, #tpu.memory_space<vmem>>
    %dma_wait3A_992 = arith.constant 0 : i32
    %dma_wait3A_993 = arith.constant 0 : i32
    %dma_wait3A_994 = tpu.memref_slice %arg4[%add3A_784, %dma_wait3A_992, %dma_wait3A_993] : memref<25600x8x128xf32, #tpu.memory_space<hbm>> -> memref<1x8x128xf32, #tpu.memory_space<hbm>>
    %dma_wait3A_995 = tpu.memref_squeeze %dma_wait3A_994 : memref<1x8x128xf32, #tpu.memory_space<hbm>> -> memref<8x128xf32, #tpu.memory_space<hbm>>
    %dma_wait3A_996 = tpu.memref_slice %arg9[%dma_wait3A_987] : memref<2x!tpu.dma_semaphore, #tpu.memory_space<semaphore_mem>> -> memref<1x!tpu.dma_semaphore, #tpu.memory_space<semaphore_mem>>
    %dma_wait3A_997 = tpu.memref_squeeze %dma_wait3A_996 : memref<1x!tpu.dma_semaphore, #tpu.memory_space<semaphore_mem>> -> memref<!tpu.dma_semaphore, #tpu.memory_space<semaphore_mem>>
    %dma_wait3A_998 = arith.constant 0 : i32
    %dma_wait3A_999 = arith.constant 0 : i32
    %dma_wait3A_1000 = tpu.memref_slice %arg4[%add3A_784, %dma_wait3A_998, %dma_wait3A_999] : memref<25600x8x128xf32, #tpu.memory_space<hbm>> -> memref<1x8x128xf32, #tpu.memory_space<hbm>>
    %dma_wait3A_1001 = tpu.memref_squeeze %dma_wait3A_1000 : memref<1x8x128xf32, #tpu.memory_space<hbm>> -> memref<8x128xf32, #tpu.memory_space<hbm>>
    %dma_wait3A_1002 = arith.constant 48 : i32
    %dma_wait3A_1003 = arith.constant 0 : i32
    %dma_wait3A_1004 = tpu.memref_slice %arg7[%dma_wait3A_986, %dma_wait3A_1002, %dma_wait3A_1003] : memref<2x128x129xf32, #tpu.memory_space<vmem>> -> memref<1x8x128xf32, #tpu.memory_space<vmem>>
    %dma_wait3A_1005 = tpu.memref_squeeze %dma_wait3A_1004 : memref<1x8x128xf32, #tpu.memory_space<vmem>> -> memref<8x128xf32, #tpu.memory_space<vmem>>
    tpu.wait_dma2 semaphore(%dma_wait3A_997 : memref<!tpu.dma_semaphore, #tpu.memory_space<semaphore_mem>>) src(%dma_wait3A_1005 : memref<8x128xf32, #tpu.memory_space<vmem>>) dst(%dma_wait3A_1001 : memref<8x128xf32, #tpu.memory_space<hbm>>)
    %dma_wait3A_1006 = arith.constant 1 : i32
    %dma_wait3A_1007 = arith.constant 1 : i32
    %dma_wait3A_1008 = arith.constant 56 : i32
    %dma_wait3A_1009 = arith.constant 0 : i32
    %dma_wait3A_1010 = tpu.memref_slice %arg7[%dma_wait3A_1006, %dma_wait3A_1008, %dma_wait3A_1009] : memref<2x128x129xf32, #tpu.memory_space<vmem>> -> memref<1x8x128xf32, #tpu.memory_space<vmem>>
    %dma_wait3A_1011 = tpu.memref_squeeze %dma_wait3A_1010 : memref<1x8x128xf32, #tpu.memory_space<vmem>> -> memref<8x128xf32, #tpu.memory_space<vmem>>
    %dma_wait3A_1012 = arith.constant 0 : i32
    %dma_wait3A_1013 = arith.constant 0 : i32
    %dma_wait3A_1014 = tpu.memref_slice %arg4[%add3A_793, %dma_wait3A_1012, %dma_wait3A_1013] : memref<25600x8x128xf32, #tpu.memory_space<hbm>> -> memref<1x8x128xf32, #tpu.memory_space<hbm>>
    %dma_wait3A_1015 = tpu.memref_squeeze %dma_wait3A_1014 : memref<1x8x128xf32, #tpu.memory_space<hbm>> -> memref<8x128xf32, #tpu.memory_space<hbm>>
    %dma_wait3A_1016 = tpu.memref_slice %arg9[%dma_wait3A_1007] : memref<2x!tpu.dma_semaphore, #tpu.memory_space<semaphore_mem>> -> memref<1x!tpu.dma_semaphore, #tpu.memory_space<semaphore_mem>>
    %dma_wait3A_1017 = tpu.memref_squeeze %dma_wait3A_1016 : memref<1x!tpu.dma_semaphore, #tpu.memory_space<semaphore_mem>> -> memref<!tpu.dma_semaphore, #tpu.memory_space<semaphore_mem>>
    %dma_wait3A_1018 = arith.constant 0 : i32
    %dma_wait3A_1019 = arith.constant 0 : i32
    %dma_wait3A_1020 = tpu.memref_slice %arg4[%add3A_793, %dma_wait3A_1018, %dma_wait3A_1019] : memref<25600x8x128xf32, #tpu.memory_space<hbm>> -> memref<1x8x128xf32, #tpu.memory_space<hbm>>
    %dma_wait3A_1021 = tpu.memref_squeeze %dma_wait3A_1020 : memref<1x8x128xf32, #tpu.memory_space<hbm>> -> memref<8x128xf32, #tpu.memory_space<hbm>>
    %dma_wait3A_1022 = arith.constant 56 : i32
    %dma_wait3A_1023 = arith.constant 0 : i32
    %dma_wait3A_1024 = tpu.memref_slice %arg7[%dma_wait3A_1006, %dma_wait3A_1022, %dma_wait3A_1023] : memref<2x128x129xf32, #tpu.memory_space<vmem>> -> memref<1x8x128xf32, #tpu.memory_space<vmem>>
    %dma_wait3A_1025 = tpu.memref_squeeze %dma_wait3A_1024 : memref<1x8x128xf32, #tpu.memory_space<vmem>> -> memref<8x128xf32, #tpu.memory_space<vmem>>
    tpu.wait_dma2 semaphore(%dma_wait3A_1017 : memref<!tpu.dma_semaphore, #tpu.memory_space<semaphore_mem>>) src(%dma_wait3A_1025 : memref<8x128xf32, #tpu.memory_space<vmem>>) dst(%dma_wait3A_1021 : memref<8x128xf32, #tpu.memory_space<hbm>>)
    %dma_wait3A_1026 = arith.constant 1 : i32
    %dma_wait3A_1027 = arith.constant 1 : i32
    %dma_wait3A_1028 = arith.constant 64 : i32
    %dma_wait3A_1029 = arith.constant 0 : i32
    %dma_wait3A_1030 = tpu.memref_slice %arg7[%dma_wait3A_1026, %dma_wait3A_1028, %dma_wait3A_1029] : memref<2x128x129xf32, #tpu.memory_space<vmem>> -> memref<1x8x128xf32, #tpu.memory_space<vmem>>
    %dma_wait3A_1031 = tpu.memref_squeeze %dma_wait3A_1030 : memref<1x8x128xf32, #tpu.memory_space<vmem>> -> memref<8x128xf32, #tpu.memory_space<vmem>>
    %dma_wait3A_1032 = arith.constant 0 : i32
    %dma_wait3A_1033 = arith.constant 0 : i32
    %dma_wait3A_1034 = tpu.memref_slice %arg4[%add3A_802, %dma_wait3A_1032, %dma_wait3A_1033] : memref<25600x8x128xf32, #tpu.memory_space<hbm>> -> memref<1x8x128xf32, #tpu.memory_space<hbm>>
    %dma_wait3A_1035 = tpu.memref_squeeze %dma_wait3A_1034 : memref<1x8x128xf32, #tpu.memory_space<hbm>> -> memref<8x128xf32, #tpu.memory_space<hbm>>
    %dma_wait3A_1036 = tpu.memref_slice %arg9[%dma_wait3A_1027] : memref<2x!tpu.dma_semaphore, #tpu.memory_space<semaphore_mem>> -> memref<1x!tpu.dma_semaphore, #tpu.memory_space<semaphore_mem>>
    %dma_wait3A_1037 = tpu.memref_squeeze %dma_wait3A_1036 : memref<1x!tpu.dma_semaphore, #tpu.memory_space<semaphore_mem>> -> memref<!tpu.dma_semaphore, #tpu.memory_space<semaphore_mem>>
    %dma_wait3A_1038 = arith.constant 0 : i32
    %dma_wait3A_1039 = arith.constant 0 : i32
    %dma_wait3A_1040 = tpu.memref_slice %arg4[%add3A_802, %dma_wait3A_1038, %dma_wait3A_1039] : memref<25600x8x128xf32, #tpu.memory_space<hbm>> -> memref<1x8x128xf32, #tpu.memory_space<hbm>>
    %dma_wait3A_1041 = tpu.memref_squeeze %dma_wait3A_1040 : memref<1x8x128xf32, #tpu.memory_space<hbm>> -> memref<8x128xf32, #tpu.memory_space<hbm>>
    %dma_wait3A_1042 = arith.constant 64 : i32
    %dma_wait3A_1043 = arith.constant 0 : i32
    %dma_wait3A_1044 = tpu.memref_slice %arg7[%dma_wait3A_1026, %dma_wait3A_1042, %dma_wait3A_1043] : memref<2x128x129xf32, #tpu.memory_space<vmem>> -> memref<1x8x128xf32, #tpu.memory_space<vmem>>
    %dma_wait3A_1045 = tpu.memref_squeeze %dma_wait3A_1044 : memref<1x8x128xf32, #tpu.memory_space<vmem>> -> memref<8x128xf32, #tpu.memory_space<vmem>>
    tpu.wait_dma2 semaphore(%dma_wait3A_1037 : memref<!tpu.dma_semaphore, #tpu.memory_space<semaphore_mem>>) src(%dma_wait3A_1045 : memref<8x128xf32, #tpu.memory_space<vmem>>) dst(%dma_wait3A_1041 : memref<8x128xf32, #tpu.memory_space<hbm>>)
    %dma_wait3A_1046 = arith.constant 1 : i32
    %dma_wait3A_1047 = arith.constant 1 : i32
    %dma_wait3A_1048 = arith.constant 72 : i32
    %dma_wait3A_1049 = arith.constant 0 : i32
    %dma_wait3A_1050 = tpu.memref_slice %arg7[%dma_wait3A_1046, %dma_wait3A_1048, %dma_wait3A_1049] : memref<2x128x129xf32, #tpu.memory_space<vmem>> -> memref<1x8x128xf32, #tpu.memory_space<vmem>>
    %dma_wait3A_1051 = tpu.memref_squeeze %dma_wait3A_1050 : memref<1x8x128xf32, #tpu.memory_space<vmem>> -> memref<8x128xf32, #tpu.memory_space<vmem>>
    %dma_wait3A_1052 = arith.constant 0 : i32
    %dma_wait3A_1053 = arith.constant 0 : i32
    %dma_wait3A_1054 = tpu.memref_slice %arg4[%add3A_811, %dma_wait3A_1052, %dma_wait3A_1053] : memref<25600x8x128xf32, #tpu.memory_space<hbm>> -> memref<1x8x128xf32, #tpu.memory_space<hbm>>
    %dma_wait3A_1055 = tpu.memref_squeeze %dma_wait3A_1054 : memref<1x8x128xf32, #tpu.memory_space<hbm>> -> memref<8x128xf32, #tpu.memory_space<hbm>>
    %dma_wait3A_1056 = tpu.memref_slice %arg9[%dma_wait3A_1047] : memref<2x!tpu.dma_semaphore, #tpu.memory_space<semaphore_mem>> -> memref<1x!tpu.dma_semaphore, #tpu.memory_space<semaphore_mem>>
    %dma_wait3A_1057 = tpu.memref_squeeze %dma_wait3A_1056 : memref<1x!tpu.dma_semaphore, #tpu.memory_space<semaphore_mem>> -> memref<!tpu.dma_semaphore, #tpu.memory_space<semaphore_mem>>
    %dma_wait3A_1058 = arith.constant 0 : i32
    %dma_wait3A_1059 = arith.constant 0 : i32
    %dma_wait3A_1060 = tpu.memref_slice %arg4[%add3A_811, %dma_wait3A_1058, %dma_wait3A_1059] : memref<25600x8x128xf32, #tpu.memory_space<hbm>> -> memref<1x8x128xf32, #tpu.memory_space<hbm>>
    %dma_wait3A_1061 = tpu.memref_squeeze %dma_wait3A_1060 : memref<1x8x128xf32, #tpu.memory_space<hbm>> -> memref<8x128xf32, #tpu.memory_space<hbm>>
    %dma_wait3A_1062 = arith.constant 72 : i32
    %dma_wait3A_1063 = arith.constant 0 : i32
    %dma_wait3A_1064 = tpu.memref_slice %arg7[%dma_wait3A_1046, %dma_wait3A_1062, %dma_wait3A_1063] : memref<2x128x129xf32, #tpu.memory_space<vmem>> -> memref<1x8x128xf32, #tpu.memory_space<vmem>>
    %dma_wait3A_1065 = tpu.memref_squeeze %dma_wait3A_1064 : memref<1x8x128xf32, #tpu.memory_space<vmem>> -> memref<8x128xf32, #tpu.memory_space<vmem>>
    tpu.wait_dma2 semaphore(%dma_wait3A_1057 : memref<!tpu.dma_semaphore, #tpu.memory_space<semaphore_mem>>) src(%dma_wait3A_1065 : memref<8x128xf32, #tpu.memory_space<vmem>>) dst(%dma_wait3A_1061 : memref<8x128xf32, #tpu.memory_space<hbm>>)
    %dma_wait3A_1066 = arith.constant 1 : i32
    %dma_wait3A_1067 = arith.constant 1 : i32
    %dma_wait3A_1068 = arith.constant 80 : i32
    %dma_wait3A_1069 = arith.constant 0 : i32
    %dma_wait3A_1070 = tpu.memref_slice %arg7[%dma_wait3A_1066, %dma_wait3A_1068, %dma_wait3A_1069] : memref<2x128x129xf32, #tpu.memory_space<vmem>> -> memref<1x8x128xf32, #tpu.memory_space<vmem>>
    %dma_wait3A_1071 = tpu.memref_squeeze %dma_wait3A_1070 : memref<1x8x128xf32, #tpu.memory_space<vmem>> -> memref<8x128xf32, #tpu.memory_space<vmem>>
    %dma_wait3A_1072 = arith.constant 0 : i32
    %dma_wait3A_1073 = arith.constant 0 : i32
    %dma_wait3A_1074 = tpu.memref_slice %arg4[%add3A_820, %dma_wait3A_1072, %dma_wait3A_1073] : memref<25600x8x128xf32, #tpu.memory_space<hbm>> -> memref<1x8x128xf32, #tpu.memory_space<hbm>>
    %dma_wait3A_1075 = tpu.memref_squeeze %dma_wait3A_1074 : memref<1x8x128xf32, #tpu.memory_space<hbm>> -> memref<8x128xf32, #tpu.memory_space<hbm>>
    %dma_wait3A_1076 = tpu.memref_slice %arg9[%dma_wait3A_1067] : memref<2x!tpu.dma_semaphore, #tpu.memory_space<semaphore_mem>> -> memref<1x!tpu.dma_semaphore, #tpu.memory_space<semaphore_mem>>
    %dma_wait3A_1077 = tpu.memref_squeeze %dma_wait3A_1076 : memref<1x!tpu.dma_semaphore, #tpu.memory_space<semaphore_mem>> -> memref<!tpu.dma_semaphore, #tpu.memory_space<semaphore_mem>>
    %dma_wait3A_1078 = arith.constant 0 : i32
    %dma_wait3A_1079 = arith.constant 0 : i32
    %dma_wait3A_1080 = tpu.memref_slice %arg4[%add3A_820, %dma_wait3A_1078, %dma_wait3A_1079] : memref<25600x8x128xf32, #tpu.memory_space<hbm>> -> memref<1x8x128xf32, #tpu.memory_space<hbm>>
    %dma_wait3A_1081 = tpu.memref_squeeze %dma_wait3A_1080 : memref<1x8x128xf32, #tpu.memory_space<hbm>> -> memref<8x128xf32, #tpu.memory_space<hbm>>
    %dma_wait3A_1082 = arith.constant 80 : i32
    %dma_wait3A_1083 = arith.constant 0 : i32
    %dma_wait3A_1084 = tpu.memref_slice %arg7[%dma_wait3A_1066, %dma_wait3A_1082, %dma_wait3A_1083] : memref<2x128x129xf32, #tpu.memory_space<vmem>> -> memref<1x8x128xf32, #tpu.memory_space<vmem>>
    %dma_wait3A_1085 = tpu.memref_squeeze %dma_wait3A_1084 : memref<1x8x128xf32, #tpu.memory_space<vmem>> -> memref<8x128xf32, #tpu.memory_space<vmem>>
    tpu.wait_dma2 semaphore(%dma_wait3A_1077 : memref<!tpu.dma_semaphore, #tpu.memory_space<semaphore_mem>>) src(%dma_wait3A_1085 : memref<8x128xf32, #tpu.memory_space<vmem>>) dst(%dma_wait3A_1081 : memref<8x128xf32, #tpu.memory_space<hbm>>)
    %dma_wait3A_1086 = arith.constant 1 : i32
    %dma_wait3A_1087 = arith.constant 1 : i32
    %dma_wait3A_1088 = arith.constant 88 : i32
    %dma_wait3A_1089 = arith.constant 0 : i32
    %dma_wait3A_1090 = tpu.memref_slice %arg7[%dma_wait3A_1086, %dma_wait3A_1088, %dma_wait3A_1089] : memref<2x128x129xf32, #tpu.memory_space<vmem>> -> memref<1x8x128xf32, #tpu.memory_space<vmem>>
    %dma_wait3A_1091 = tpu.memref_squeeze %dma_wait3A_1090 : memref<1x8x128xf32, #tpu.memory_space<vmem>> -> memref<8x128xf32, #tpu.memory_space<vmem>>
    %dma_wait3A_1092 = arith.constant 0 : i32
    %dma_wait3A_1093 = arith.constant 0 : i32
    %dma_wait3A_1094 = tpu.memref_slice %arg4[%add3A_829, %dma_wait3A_1092, %dma_wait3A_1093] : memref<25600x8x128xf32, #tpu.memory_space<hbm>> -> memref<1x8x128xf32, #tpu.memory_space<hbm>>
    %dma_wait3A_1095 = tpu.memref_squeeze %dma_wait3A_1094 : memref<1x8x128xf32, #tpu.memory_space<hbm>> -> memref<8x128xf32, #tpu.memory_space<hbm>>
    %dma_wait3A_1096 = tpu.memref_slice %arg9[%dma_wait3A_1087] : memref<2x!tpu.dma_semaphore, #tpu.memory_space<semaphore_mem>> -> memref<1x!tpu.dma_semaphore, #tpu.memory_space<semaphore_mem>>
    %dma_wait3A_1097 = tpu.memref_squeeze %dma_wait3A_1096 : memref<1x!tpu.dma_semaphore, #tpu.memory_space<semaphore_mem>> -> memref<!tpu.dma_semaphore, #tpu.memory_space<semaphore_mem>>
    %dma_wait3A_1098 = arith.constant 0 : i32
    %dma_wait3A_1099 = arith.constant 0 : i32
    %dma_wait3A_1100 = tpu.memref_slice %arg4[%add3A_829, %dma_wait3A_1098, %dma_wait3A_1099] : memref<25600x8x128xf32, #tpu.memory_space<hbm>> -> memref<1x8x128xf32, #tpu.memory_space<hbm>>
    %dma_wait3A_1101 = tpu.memref_squeeze %dma_wait3A_1100 : memref<1x8x128xf32, #tpu.memory_space<hbm>> -> memref<8x128xf32, #tpu.memory_space<hbm>>
    %dma_wait3A_1102 = arith.constant 88 : i32
    %dma_wait3A_1103 = arith.constant 0 : i32
    %dma_wait3A_1104 = tpu.memref_slice %arg7[%dma_wait3A_1086, %dma_wait3A_1102, %dma_wait3A_1103] : memref<2x128x129xf32, #tpu.memory_space<vmem>> -> memref<1x8x128xf32, #tpu.memory_space<vmem>>
    %dma_wait3A_1105 = tpu.memref_squeeze %dma_wait3A_1104 : memref<1x8x128xf32, #tpu.memory_space<vmem>> -> memref<8x128xf32, #tpu.memory_space<vmem>>
    tpu.wait_dma2 semaphore(%dma_wait3A_1097 : memref<!tpu.dma_semaphore, #tpu.memory_space<semaphore_mem>>) src(%dma_wait3A_1105 : memref<8x128xf32, #tpu.memory_space<vmem>>) dst(%dma_wait3A_1101 : memref<8x128xf32, #tpu.memory_space<hbm>>)
    %dma_wait3A_1106 = arith.constant 1 : i32
    %dma_wait3A_1107 = arith.constant 1 : i32
    %dma_wait3A_1108 = arith.constant 96 : i32
    %dma_wait3A_1109 = arith.constant 0 : i32
    %dma_wait3A_1110 = tpu.memref_slice %arg7[%dma_wait3A_1106, %dma_wait3A_1108, %dma_wait3A_1109] : memref<2x128x129xf32, #tpu.memory_space<vmem>> -> memref<1x8x128xf32, #tpu.memory_space<vmem>>
    %dma_wait3A_1111 = tpu.memref_squeeze %dma_wait3A_1110 : memref<1x8x128xf32, #tpu.memory_space<vmem>> -> memref<8x128xf32, #tpu.memory_space<vmem>>
    %dma_wait3A_1112 = arith.constant 0 : i32
    %dma_wait3A_1113 = arith.constant 0 : i32
    %dma_wait3A_1114 = tpu.memref_slice %arg4[%add3A_838, %dma_wait3A_1112, %dma_wait3A_1113] : memref<25600x8x128xf32, #tpu.memory_space<hbm>> -> memref<1x8x128xf32, #tpu.memory_space<hbm>>
    %dma_wait3A_1115 = tpu.memref_squeeze %dma_wait3A_1114 : memref<1x8x128xf32, #tpu.memory_space<hbm>> -> memref<8x128xf32, #tpu.memory_space<hbm>>
    %dma_wait3A_1116 = tpu.memref_slice %arg9[%dma_wait3A_1107] : memref<2x!tpu.dma_semaphore, #tpu.memory_space<semaphore_mem>> -> memref<1x!tpu.dma_semaphore, #tpu.memory_space<semaphore_mem>>
    %dma_wait3A_1117 = tpu.memref_squeeze %dma_wait3A_1116 : memref<1x!tpu.dma_semaphore, #tpu.memory_space<semaphore_mem>> -> memref<!tpu.dma_semaphore, #tpu.memory_space<semaphore_mem>>
    %dma_wait3A_1118 = arith.constant 0 : i32
    %dma_wait3A_1119 = arith.constant 0 : i32
    %dma_wait3A_1120 = tpu.memref_slice %arg4[%add3A_838, %dma_wait3A_1118, %dma_wait3A_1119] : memref<25600x8x128xf32, #tpu.memory_space<hbm>> -> memref<1x8x128xf32, #tpu.memory_space<hbm>>
    %dma_wait3A_1121 = tpu.memref_squeeze %dma_wait3A_1120 : memref<1x8x128xf32, #tpu.memory_space<hbm>> -> memref<8x128xf32, #tpu.memory_space<hbm>>
    %dma_wait3A_1122 = arith.constant 96 : i32
    %dma_wait3A_1123 = arith.constant 0 : i32
    %dma_wait3A_1124 = tpu.memref_slice %arg7[%dma_wait3A_1106, %dma_wait3A_1122, %dma_wait3A_1123] : memref<2x128x129xf32, #tpu.memory_space<vmem>> -> memref<1x8x128xf32, #tpu.memory_space<vmem>>
    %dma_wait3A_1125 = tpu.memref_squeeze %dma_wait3A_1124 : memref<1x8x128xf32, #tpu.memory_space<vmem>> -> memref<8x128xf32, #tpu.memory_space<vmem>>
    tpu.wait_dma2 semaphore(%dma_wait3A_1117 : memref<!tpu.dma_semaphore, #tpu.memory_space<semaphore_mem>>) src(%dma_wait3A_1125 : memref<8x128xf32, #tpu.memory_space<vmem>>) dst(%dma_wait3A_1121 : memref<8x128xf32, #tpu.memory_space<hbm>>)
    %dma_wait3A_1126 = arith.constant 1 : i32
    %dma_wait3A_1127 = arith.constant 1 : i32
    %dma_wait3A_1128 = arith.constant 104 : i32
    %dma_wait3A_1129 = arith.constant 0 : i32
    %dma_wait3A_1130 = tpu.memref_slice %arg7[%dma_wait3A_1126, %dma_wait3A_1128, %dma_wait3A_1129] : memref<2x128x129xf32, #tpu.memory_space<vmem>> -> memref<1x8x128xf32, #tpu.memory_space<vmem>>
    %dma_wait3A_1131 = tpu.memref_squeeze %dma_wait3A_1130 : memref<1x8x128xf32, #tpu.memory_space<vmem>> -> memref<8x128xf32, #tpu.memory_space<vmem>>
    %dma_wait3A_1132 = arith.constant 0 : i32
    %dma_wait3A_1133 = arith.constant 0 : i32
    %dma_wait3A_1134 = tpu.memref_slice %arg4[%add3A_847, %dma_wait3A_1132, %dma_wait3A_1133] : memref<25600x8x128xf32, #tpu.memory_space<hbm>> -> memref<1x8x128xf32, #tpu.memory_space<hbm>>
    %dma_wait3A_1135 = tpu.memref_squeeze %dma_wait3A_1134 : memref<1x8x128xf32, #tpu.memory_space<hbm>> -> memref<8x128xf32, #tpu.memory_space<hbm>>
    %dma_wait3A_1136 = tpu.memref_slice %arg9[%dma_wait3A_1127] : memref<2x!tpu.dma_semaphore, #tpu.memory_space<semaphore_mem>> -> memref<1x!tpu.dma_semaphore, #tpu.memory_space<semaphore_mem>>
    %dma_wait3A_1137 = tpu.memref_squeeze %dma_wait3A_1136 : memref<1x!tpu.dma_semaphore, #tpu.memory_space<semaphore_mem>> -> memref<!tpu.dma_semaphore, #tpu.memory_space<semaphore_mem>>
    %dma_wait3A_1138 = arith.constant 0 : i32
    %dma_wait3A_1139 = arith.constant 0 : i32
    %dma_wait3A_1140 = tpu.memref_slice %arg4[%add3A_847, %dma_wait3A_1138, %dma_wait3A_1139] : memref<25600x8x128xf32, #tpu.memory_space<hbm>> -> memref<1x8x128xf32, #tpu.memory_space<hbm>>
    %dma_wait3A_1141 = tpu.memref_squeeze %dma_wait3A_1140 : memref<1x8x128xf32, #tpu.memory_space<hbm>> -> memref<8x128xf32, #tpu.memory_space<hbm>>
    %dma_wait3A_1142 = arith.constant 104 : i32
    %dma_wait3A_1143 = arith.constant 0 : i32
    %dma_wait3A_1144 = tpu.memref_slice %arg7[%dma_wait3A_1126, %dma_wait3A_1142, %dma_wait3A_1143] : memref<2x128x129xf32, #tpu.memory_space<vmem>> -> memref<1x8x128xf32, #tpu.memory_space<vmem>>
    %dma_wait3A_1145 = tpu.memref_squeeze %dma_wait3A_1144 : memref<1x8x128xf32, #tpu.memory_space<vmem>> -> memref<8x128xf32, #tpu.memory_space<vmem>>
    tpu.wait_dma2 semaphore(%dma_wait3A_1137 : memref<!tpu.dma_semaphore, #tpu.memory_space<semaphore_mem>>) src(%dma_wait3A_1145 : memref<8x128xf32, #tpu.memory_space<vmem>>) dst(%dma_wait3A_1141 : memref<8x128xf32, #tpu.memory_space<hbm>>)
    %dma_wait3A_1146 = arith.constant 1 : i32
    %dma_wait3A_1147 = arith.constant 1 : i32
    %dma_wait3A_1148 = arith.constant 112 : i32
    %dma_wait3A_1149 = arith.constant 0 : i32
    %dma_wait3A_1150 = tpu.memref_slice %arg7[%dma_wait3A_1146, %dma_wait3A_1148, %dma_wait3A_1149] : memref<2x128x129xf32, #tpu.memory_space<vmem>> -> memref<1x8x128xf32, #tpu.memory_space<vmem>>
    %dma_wait3A_1151 = tpu.memref_squeeze %dma_wait3A_1150 : memref<1x8x128xf32, #tpu.memory_space<vmem>> -> memref<8x128xf32, #tpu.memory_space<vmem>>
    %dma_wait3A_1152 = arith.constant 0 : i32
    %dma_wait3A_1153 = arith.constant 0 : i32
    %dma_wait3A_1154 = tpu.memref_slice %arg4[%add3A_856, %dma_wait3A_1152, %dma_wait3A_1153] : memref<25600x8x128xf32, #tpu.memory_space<hbm>> -> memref<1x8x128xf32, #tpu.memory_space<hbm>>
    %dma_wait3A_1155 = tpu.memref_squeeze %dma_wait3A_1154 : memref<1x8x128xf32, #tpu.memory_space<hbm>> -> memref<8x128xf32, #tpu.memory_space<hbm>>
    %dma_wait3A_1156 = tpu.memref_slice %arg9[%dma_wait3A_1147] : memref<2x!tpu.dma_semaphore, #tpu.memory_space<semaphore_mem>> -> memref<1x!tpu.dma_semaphore, #tpu.memory_space<semaphore_mem>>
    %dma_wait3A_1157 = tpu.memref_squeeze %dma_wait3A_1156 : memref<1x!tpu.dma_semaphore, #tpu.memory_space<semaphore_mem>> -> memref<!tpu.dma_semaphore, #tpu.memory_space<semaphore_mem>>
    %dma_wait3A_1158 = arith.constant 0 : i32
    %dma_wait3A_1159 = arith.constant 0 : i32
    %dma_wait3A_1160 = tpu.memref_slice %arg4[%add3A_856, %dma_wait3A_1158, %dma_wait3A_1159] : memref<25600x8x128xf32, #tpu.memory_space<hbm>> -> memref<1x8x128xf32, #tpu.memory_space<hbm>>
    %dma_wait3A_1161 = tpu.memref_squeeze %dma_wait3A_1160 : memref<1x8x128xf32, #tpu.memory_space<hbm>> -> memref<8x128xf32, #tpu.memory_space<hbm>>
    %dma_wait3A_1162 = arith.constant 112 : i32
    %dma_wait3A_1163 = arith.constant 0 : i32
    %dma_wait3A_1164 = tpu.memref_slice %arg7[%dma_wait3A_1146, %dma_wait3A_1162, %dma_wait3A_1163] : memref<2x128x129xf32, #tpu.memory_space<vmem>> -> memref<1x8x128xf32, #tpu.memory_space<vmem>>
    %dma_wait3A_1165 = tpu.memref_squeeze %dma_wait3A_1164 : memref<1x8x128xf32, #tpu.memory_space<vmem>> -> memref<8x128xf32, #tpu.memory_space<vmem>>
    tpu.wait_dma2 semaphore(%dma_wait3A_1157 : memref<!tpu.dma_semaphore, #tpu.memory_space<semaphore_mem>>) src(%dma_wait3A_1165 : memref<8x128xf32, #tpu.memory_space<vmem>>) dst(%dma_wait3A_1161 : memref<8x128xf32, #tpu.memory_space<hbm>>)
    %dma_wait3A_1166 = arith.constant 1 : i32
    %dma_wait3A_1167 = arith.constant 1 : i32
    %dma_wait3A_1168 = arith.constant 120 : i32
    %dma_wait3A_1169 = arith.constant 0 : i32
    %dma_wait3A_1170 = tpu.memref_slice %arg7[%dma_wait3A_1166, %dma_wait3A_1168, %dma_wait3A_1169] : memref<2x128x129xf32, #tpu.memory_space<vmem>> -> memref<1x8x128xf32, #tpu.memory_space<vmem>>
    %dma_wait3A_1171 = tpu.memref_squeeze %dma_wait3A_1170 : memref<1x8x128xf32, #tpu.memory_space<vmem>> -> memref<8x128xf32, #tpu.memory_space<vmem>>
    %dma_wait3A_1172 = arith.constant 0 : i32
    %dma_wait3A_1173 = arith.constant 0 : i32
    %dma_wait3A_1174 = tpu.memref_slice %arg4[%add3A_865, %dma_wait3A_1172, %dma_wait3A_1173] : memref<25600x8x128xf32, #tpu.memory_space<hbm>> -> memref<1x8x128xf32, #tpu.memory_space<hbm>>
    %dma_wait3A_1175 = tpu.memref_squeeze %dma_wait3A_1174 : memref<1x8x128xf32, #tpu.memory_space<hbm>> -> memref<8x128xf32, #tpu.memory_space<hbm>>
    %dma_wait3A_1176 = tpu.memref_slice %arg9[%dma_wait3A_1167] : memref<2x!tpu.dma_semaphore, #tpu.memory_space<semaphore_mem>> -> memref<1x!tpu.dma_semaphore, #tpu.memory_space<semaphore_mem>>
    %dma_wait3A_1177 = tpu.memref_squeeze %dma_wait3A_1176 : memref<1x!tpu.dma_semaphore, #tpu.memory_space<semaphore_mem>> -> memref<!tpu.dma_semaphore, #tpu.memory_space<semaphore_mem>>
    %dma_wait3A_1178 = arith.constant 0 : i32
    %dma_wait3A_1179 = arith.constant 0 : i32
    %dma_wait3A_1180 = tpu.memref_slice %arg4[%add3A_865, %dma_wait3A_1178, %dma_wait3A_1179] : memref<25600x8x128xf32, #tpu.memory_space<hbm>> -> memref<1x8x128xf32, #tpu.memory_space<hbm>>
    %dma_wait3A_1181 = tpu.memref_squeeze %dma_wait3A_1180 : memref<1x8x128xf32, #tpu.memory_space<hbm>> -> memref<8x128xf32, #tpu.memory_space<hbm>>
    %dma_wait3A_1182 = arith.constant 120 : i32
    %dma_wait3A_1183 = arith.constant 0 : i32
    %dma_wait3A_1184 = tpu.memref_slice %arg7[%dma_wait3A_1166, %dma_wait3A_1182, %dma_wait3A_1183] : memref<2x128x129xf32, #tpu.memory_space<vmem>> -> memref<1x8x128xf32, #tpu.memory_space<vmem>>
    %dma_wait3A_1185 = tpu.memref_squeeze %dma_wait3A_1184 : memref<1x8x128xf32, #tpu.memory_space<vmem>> -> memref<8x128xf32, #tpu.memory_space<vmem>>
    tpu.wait_dma2 semaphore(%dma_wait3A_1177 : memref<!tpu.dma_semaphore, #tpu.memory_space<semaphore_mem>>) src(%dma_wait3A_1185 : memref<8x128xf32, #tpu.memory_space<vmem>>) dst(%dma_wait3A_1181 : memref<8x128xf32, #tpu.memory_space<hbm>>)
    return
  }
}

module attributes {stable_mosaic.version = 14 : i64} {
  func.func @_idx_fmt_body(%arg0: i32, %arg1: memref<50x2048xi32, #tpu.memory_space<vmem>>, %arg2: memref<50x16x128xi32, #tpu.memory_space<vmem>>) attributes {dimension_semantics = [#tpu.dimension_semantics<arbitrary>], iteration_bounds = array<i64: 8>, scalar_prefetch = 0 : i64, scratch_operands = 0 : i64, tpu.core_type = #tpu.core_type<tc>, window_params = [{transform_indices = @transform_0, window_bounds = array<i64: 50, 2048>}, {transform_indices = @transform_1, window_bounds = array<i64: 50, 16, 128>}]} {
    %get3A = arith.constant 0 : index
    %get3A_0 = arith.constant 0 : index
    %get3A_1 = vector.load %arg1[%get3A, %get3A_0] : memref<50x2048xi32, #tpu.memory_space<vmem>>, vector<50x2048xi32>
    %reshape3A = vector.shape_cast %get3A_1 : vector<50x2048xi32> to vector<50x16x128xi32>
    %swap3A = arith.constant 0 : index
    %swap3A_2 = arith.constant 0 : index
    %swap3A_3 = arith.constant 0 : index
    %swap3A_4 = vector.load %arg2[%swap3A, %swap3A_2, %swap3A_3] : memref<50x16x128xi32, #tpu.memory_space<vmem>>, vector<50x16x128xi32>
    tpu.vector_store %arg2[%swap3A, %swap3A_2, %swap3A_3], %reshape3A {strides = array<i32>} : memref<50x16x128xi32, #tpu.memory_space<vmem>>, vector<50x16x128xi32>,
    return
  }
  func.func @transform_0(%arg0: i32) -> (i32, i32) {
    %c0_i32 = arith.constant 0 : i32
    %c0_i32_0 = arith.constant 0 : i32
    return %c0_i32, %arg0 : i32, i32
  }
  func.func @transform_1(%arg0: i32) -> (i32, i32, i32) {
    %c0_i32 = arith.constant 0 : i32
    %c0_i32_0 = arith.constant 0 : i32
    %c0_i32_1 = arith.constant 0 : i32
    return %c0_i32, %arg0, %c0_i32_0 : i32, i32, i32
  }
}

</mosaic_0001>

<sc_bundles>
// kernel: kernel.4.cloned.1.call-start
scs
__scs_entry_jumppad:
0x0: {  	(pc) =	sbr.rel $0x88, $3  }
0x1: {  	(tag) =	ssettag $0x0;
	lr =	simm.s32 $0x1  }
0x2: {  	[smem:$0x3F9F] =	sst lr;
	_ =	strace $0xD0000000  }
0x3: {  	_ = 	snop  }
0x4: {  	_ = 	snop  }
0x5: {  	_ = 	snop  }
0x6: {  	_ = 	snop  }
0x7: {  	_ = 	snop  }
__scs_overlays_trampoline_lowered:
0x8: {  	[smem:$0x3FAE] =	sst s0  }
0x9: {  	[smem:$0x3FAF] =	sst s1  }
0xa: {  	[smem:$0x3FB0] =	sst s2  }
0xb: {  	[smem:$0x3FB1] =	sst s3  }
0xc: {  	[smem:$0x3FB2] =	sst s4  }
0xd: {  	[smem:$0x3FB3] =	sst s5  }
0xe: {  	[smem:$0x3FB4] =	sst s6  }
0xf: {  	[smem:$0x3FB5] =	sst s7  }
0x10: {  	[smem:$0x3FB6] =	sst s8  }
0x11: {  	[smem:$0x3FB7] =	sst s9;
	s0 =	simm.s32 @!p0 $0x0  }
0x12: {  	s1 =	sld [smem:$0x3F9D];
	s0 =	simm.s32 @p0 $0x1  }
0x13: {  	[smem:$0x3FB8] =	sst s0;
	s0 =	simm.s32 @!p1 $0x0  }
0x14: {  	s2 =	sld [smem:$0x3F9C];
	s0 =	simm.s32 @p1 $0x1  }
0x15: {  	[smem:$0x3FB9] =	sst s0;
	s0 =	simm.s32 @!p2 $0x0  }
0x16: {  	s3 =	sld [smem:$0x3FDB];
	s0 =	simm.s32 @p2 $0x1  }
0x17: {  	s4 =	simm.s32 $0x1BF5;
	[smem:$0x3FBB] =	sst s0  }
0x18: {  	s0 =	sld [smem:$0x3F9E];
	_ =	swait.ge [sflag:s4], $0x0  }
0x19: {  	s7 =	sld [smem:$0x3F9F]  }
0x1a: {  	s8 =	sadd.s32 $0xFFFFE003, lr  }
0x1b: {  	s9 =	sadd.s32 $0xFFFFFEF7, lr;
	s5 =	simm.s32 $0xFFFFFFFF;
	p2 =	slt.u32 s8, $0xFFFFF086  }
0x1c: {  	p1 =	slt.u32 s9, $0xF7A;
	s5 =	simm.s32 @!p2 $0x0  }
0x1d: {  	s5 =	simm.s32 @p1 $0x1;
	p0 =	seq.s32 s7, s2  }
0x1e: {  	s7 =	smul.u32 @!p0 $0xF7A, s2;
	p2 =	seq.s32 @!p0 s5, $0x0  }
0x1f: {  	s9 =	smul.u32 $0xF7A, s1;
	s8 =	simm.s32 @!p0 $0x1BF5;
	p2 =	por !p2, p0  }
0x20: {  	[sflag:s8] =	ssyncset.s32 @!p0 $0xFFFFF086;
	s6 =	sadd.s32 @!p0 s3, s7;
	s7 =	simm.s32 @!p0 $0x108  }
0x21: {  	s3 =	sadd.s32 s3, s9;
	s6 =	sadd.s32 @!p0 $0x88, s6;
	s7 =	simm.s32 @p2 $0x1082  }
0x22: {  	[simem:s7], [sflag:s8] =	dma.local @!p0 [hbm:s6], $0xF7A  }
0x23: {  	s9 =	sor.u32 $0xD0000000, s2;
	s6 =	simm.s32 $0x108;
	_ =	swait.ge @!p0 [sflag:s8], $0x0  }
0x24: {  	s3 =	sadd.s32 $0x88, s3;
	s6 =	simm.s32 @!p1 $0x1082;
	[sflag:s4] =	ssyncset.s32 $0xFFFFF086  }
0x25: {  	[simem:s6], [sflag:s4] =	dma.local [hbm:s3], $0xF7A  }
0x26: {  	[smem:$0x3F9F] =	sst s1;
	(tag) =	ssettag s2;
	_ =	strace s9  }
0x27: {  	s1 =	sld [smem:$0x3FAF]  }
0x28: {  	s2 =	sld [smem:$0x3FB0]  }
0x29: {  	s4 =	sld [smem:$0x3FB2]  }
0x2a: {  	p0 =	seq.s32 s5, $0x0;
	s5 =	sld [smem:$0x3FB3]  }
0x2b: {  	s6 =	sld [smem:$0x3FB4]  }
0x2c: {  	s7 =	sld [smem:$0x3FB5]  }
0x2d: {  	s3 =	simm.s32 $0x108;
	s8 =	sld [smem:$0x3FB6]  }
0x2e: {  	s3 =	simm.s32 @!p0 $0x1082;
	s9 =	sld [smem:$0x3FB7]  }
0x2f: {  	lr =	sadd.s32 s0, s3;
	s0 =	sld [smem:$0x3FAE]  }
0x30: {  	s3 =	sld [smem:$0x3FB1]  }
0x31: {  	[smem:$0x3FBA] =	sst s10  }
0x32: {  	s10 =	sld [smem:$0x3FB8];
	_ =	sdelay $0x3  }
0x33: {  	p0 =	seq.s32 s10, $0x1;
	s10 =	sld [smem:$0x3FBA];
	_ =	sdelay $0x3  }
0x34: {  	[smem:$0x3FBA] =	sst s10  }
0x35: {  	s10 =	sld [smem:$0x3FB9];
	_ =	sdelay $0x3  }
0x36: {  	p1 =	seq.s32 s10, $0x1;
	s10 =	sld [smem:$0x3FBA];
	_ =	sdelay $0x3  }
0x37: {  	[smem:$0x3FBA] =	sst s10  }
0x38: {  	s10 =	sld [smem:$0x3FBB]  }
0x39: {  	_ = 	snop;
	(pc) =	sbr.ind lr, $3  }
0x3a: {  	_ = 	snop  }
0x3b: {  	_ = 	snop  }
0x3c: {  	p2 =	seq.s32 s10, $0x1;
	s10 =	sld [smem:$0x3FBA]  }
0x3d: {  	_ =	shalt  }
0x3e: {  	_ =	shalt  }
0x3f: {  	_ =	shalt  }
0x40: {  	_ =	shalt  }
0x41: {  	_ =	shalt  }
0x42: {  	_ =	shalt  }
0x43: {  	_ =	shalt  }
0x44: {  	_ =	shalt  }
0x45: {  	_ =	shalt  }
0x46: {  	_ =	shalt  }
0x47: {  	_ =	shalt  }
0x48: {  	_ =	shalt  }
0x49: {  	_ =	shalt  }
0x4a: {  	_ =	shalt  }
0x4b: {  	_ =	shalt  }
0x4c: {  	_ =	shalt  }
0x4d: {  	_ =	shalt  }
0x4e: {  	_ =	shalt  }
0x4f: {  	_ =	shalt  }
0x50: {  	_ =	shalt  }
0x51: {  	_ =	shalt  }
0x52: {  	_ =	shalt  }
0x53: {  	_ =	shalt  }
0x54: {  	_ =	shalt  }
0x55: {  	_ =	shalt  }
0x56: {  	_ =	shalt  }
0x57: {  	_ =	shalt  }
0x58: {  	_ =	shalt  }
0x59: {  	_ =	shalt  }
0x5a: {  	_ =	shalt  }
0x5b: {  	_ =	shalt  }
0x5c: {  	_ =	shalt  }
0x5d: {  	_ =	shalt  }
0x5e: {  	_ =	shalt  }
0x5f: {  	_ =	shalt  }
0x60: {  	_ =	shalt  }
0x61: {  	_ =	shalt  }
0x62: {  	_ =	shalt  }
0x63: {  	_ =	shalt  }
0x64: {  	_ =	shalt  }
0x65: {  	_ =	shalt  }
0x66: {  	_ =	shalt  }
0x67: {  	_ =	shalt  }
0x68: {  	_ =	shalt  }
0x69: {  	_ =	shalt  }
0x6a: {  	_ =	shalt  }
0x6b: {  	_ =	shalt  }
0x6c: {  	_ =	shalt  }
0x6d: {  	_ =	shalt  }
0x6e: {  	_ =	shalt  }
0x6f: {  	_ =	shalt  }
0x70: {  	_ =	shalt  }
0x71: {  	_ =	shalt  }
0x72: {  	_ =	shalt  }
0x73: {  	_ =	shalt  }
0x74: {  	_ =	shalt  }
0x75: {  	_ =	shalt  }
0x76: {  	_ =	shalt  }
0x77: {  	_ =	shalt  }
0x78: {  	_ =	shalt  }
0x79: {  	_ =	shalt  }
0x7a: {  	_ =	shalt  }
0x7b: {  	_ =	shalt  }
0x7c: {  	_ =	shalt  }
0x7d: {  	_ =	shalt  }
0x7e: {  	_ =	shalt  }
0x7f: {  	_ =	shalt  }
0x80: {  	_ =	shalt  }
0x81: {  	_ =	shalt  }
0x82: {  	_ =	shalt  }
0x83: {  	_ =	shalt  }
0x84: {  	_ =	shalt  }
0x85: {  	_ =	shalt  }
0x86: {  	_ =	shalt  }
0x87: {  	_ =	shalt  }
.Lfunc_end0:
.L_simem_size_0:
called_computation_lowered:
.L_overlay_start_0:
0x88: {  	s2 =	sld [smem:$0x3FD9]  }
0x89: {  	s3 =	sld [smem:$0x3FFE];
	_ =	sdelay $0x1  }
0x8a: {  	s1 =	srdreg.scid  }
0x8b: {  	s0 =	sand.u32 $0x1, s1  }
0x8c: {  	s17 =	sshll.u32 s0, $0xA;
	s2 =	sadd.s32 s3, s2  }
0x8d: {  	s2 =	sadd.s32 s2, s17  }
0x8e: {  	[smem:$0x3FC6] =	sst s2  }
0x8f: {  	_ = 	snop  }
0x90: {  	s2 =	sld [smem:$0x3FD0];
	(tm) =	ssettm $0x1  }
0x91: {  	s18 =	sld [smem:$0x3FFB];
	_ =	sdelay $0x3  }
0x92: {  	_ =	strace s18  }
0x93: {  	s3 =	sld [smem:$0x3FFC];
	_ =	sdelay $0x3  }
0x94: {  	_ =	strace s3  }
0x95: {  	s3 =	sld [smem:$0x3FFD];
	_ =	sdelay $0x3  }
0x96: {  	_ =	strace s3  }
0x97: {  	_ =	strace $0x8FFFFFFF  }
0x98: {  	s19 =	sld [smem:$0x3FDB];
	_ =	sdelay $0x1  }
0x99: {  	s4 =	simm.s32 $_scs_section_size  }
0x9a: {  	s5 =	simm.s32 $_size__tile_overlayer_lowered;
	s6 =	simm.s32 $_tile_overlayer_lowered  }
0x9b: {  	s22 =	simm.s32 $0x1BFF;
	s21 =	sshll.u32 s6, $0x1;
	s3 =	sadd.s32 s4, s19  }
0x9c: {  	s7 =	simm.s32 $0x0;
	s20 =	sshll.u32 s5, $0x1;
	s5 =	sadd.s32 s21, s3  }
0x9d: {  	[timem:s7], [sflag:s22] =	dma.local [hbm:s5], s20  }
0x9e: {  	_ =	swait.ge [sflag:s22], s20  }
0x9f: {  	s4 =	ssub.s32 $0x0, s20;
	[sflag:s22] =	ssyncset.done $0x0  }
0xa0: {  	[sflag:s22] =	ssyncadd.s32 s4;
	_ =	sdelay $0x1  }
0xa1: {  	s23 =	simm.s32 $0x1B8B  }
0xa2: {  	_ =	swait.ge [sflag:s23], $0x1  }
0xa3: {  	[sflag:s23] =	ssyncset.done $0x0  }
0xa4: {  	s25 =	simm.s32 $0x1B8E;
	s24 =	sld [smem:$0x3FFE];
	[sflag:s23] =	ssyncadd.s32 $0xFFFFFFFF  }
0xa5: {  	s26 =	simm.s32 $execute0_lowered;
	[smem:$0x3FD2] =	sst s25  }
0xa6: {  	s5 =	sshll.u32 s26, $0x1;
	_ =	strace $0x80000046;
	[dreg:$0x1] =	wrdreg $0xFFFFFFFF  }
0xa7: {  	s28 =	simm.s32 $_size_execute0_lowered;
	s3 =	sadd.s32 s3, s5;
	[dreg:$0x0] =	wrdreg $0x0  }
0xa8: {  	s5 =	sshll.u32 s28, $0x1;
	[dreg:$0x2] =	wrdreg s3  }
0xa9: {  	[dreg:$0x3] =	wrdreg s5  }
0xaa: {  	[dreg:$0x4] =	wrdreg $0xC0  }
0xab: {  	_ =	task [dreg:s7], $0x5FFFF  }
0xac: {  	[dreg:$0x1] =	wrdreg $0xFFFFFFFF  }
0xad: {  	[dreg:$0x0] =	wrdreg $0x60  }
0xae: {  	[dreg:$0x2] =	wrdreg s24  }
0xaf: {  	[dreg:$0x3] =	wrdreg s2  }
0xb0: {  	[dreg:$0x4] =	wrdreg $0x9  }
0xb1: {  	_ =	task.clear_ibuf [dreg:s7], $0x5FFFF;
	_ =	strace $0x90000046  }
0xb2: {  	s29 =	simm.s32 $0x9;
	_ =	strace $0x80000048  }
0xb3: {  	_ =	swait.ge [sflag:s29], $0x1  }
0xb4: {  	[sflag:s29] =	ssyncadd.s32 $0xFFFFFFFF  }
0xb5: {  	_ =	strace $0x90000048  }
0xb6: {  	_ =	sfence  }
0xb7: {  	s30 =	sld [smem:$0x0];
	_ =	sdelay $0x2  }
0xb8: {  	s31 =	sshll.u32 s1, $0xD;
	s1 =	sshrl.u32 s1, $0x2  }
0xb9: {  	s3 =	sand.u32 $0x4000, s31;
	s1 =	sadd.s32 s1, s30  }
0xba: {  	s0 =	sor.u32 s3, s0;
	s1 =	sshll.u32 s1, $0x11  }
0xbb: {  	s0 =	sor.u32 s1, s0  }
0xbc: {  	s0 =	sadd.s32 $0x8F2B, s0  }
0xbd: {  	[sflag:s0] =	ssyncadd.remote.s32 $0x1  }
0xbe: {  	_ =	sfence.sel $0xFFFF  }
0xbf: {  	[dreg:$0x0] =	wrdreg $0xFFFFFFFF;
	(pc) =	sbr.abs _section_cstart, $3  }
0xc0: {  	[dreg:$0x1] =	wrdreg $0xFFFFFFFF  }
0xc1: {  	_ =	task.clear_ibuf [dreg:s7], $0x2FFFF;
	_ =	strace $0x9FFFFFFF  }
0xc2: {  	(tm) =	ssettm $0x7FFFFFFF  }
0xc3: {  	_ =	shalt  }
tec
execute0_lowered:
.L_overlay_start_1:
0x0: {  	(tag) =	ssettag $0x1  }
0x1: {  	s0 =	srdreg.scid  }
0x2: {  	s1 =	stileid.u32;
	s2 =	rddreg [dreg:$0x0]  }
0x3: {  	s8 =	rddreg [dreg:$0x1];
	s3 =	simm.s32 $0x0;
	s28 =	simm.s32 $0x1  }
0x4: {  	s31 =	simm.s32 $0x8400;
	v0 =	vimm.s32 $0x14B8;
	s0 =	sand.u32 $0x1, s0;
	s1 =	sshll.u32 s1, $0x1  }
0x5: {  	vm0 =	vcmask $0x300;
	vm1 =	vcmask $0x704;
	v1 =	vimm.s32 $0x36B8;
	[smem:$0x7FF] =	sst s3;
	s20 =	sadd.s32 $0x800, s2;
	s23 =	sadd.s32 $0x80, s8  }
0x6: {  	vm2 =	vcmask $0xB08;
	s24 =	sadd.s32 $0x100, s8;
	s25 =	sadd.s32 $0x180, s8;
	s26 =	sadd.s32 $0x4000, s8;
	v0 =	vsel vm0, $0x0, v0;
	v1 =	vsel vm0, $0x2200, v1  }
0x7: {  	vm3 =	vcmask $0xF0C;
	s29 =	sadd.s32 $0x4080, s8;
	_ =	strace $0x80000047;
	[dreg:$0x6] =	wrdreg s23;
	v0 =	vsel vm1, $0x88, v0;
	v1 =	vsel vm1, $0x2288, v1  }
0x8: {  	vm15 =	vcmask $0x1310;
	s30 =	sadd.s32 $0x4100, s8;
	s15 =	sadd.s32 $0x4180, s8;
	[dreg:$0x7] =	wrdreg s24;
	v0 =	vsel vm2, $0x110, v0;
	v1 =	vsel vm2, $0x2310, v1  }
0x9: {  	vm6 =	vcmask $0x1714;
	s16 =	sadd.s32 $0x8000, s8;
	s17 =	sadd.s32 $0x8080, s8;
	[dreg:$0x8] =	wrdreg s25;
	v0 =	vsel vm3, $0x198, v0;
	v1 =	vsel vm3, $0x2398, v1  }
0xa: {  	vm7 =	vcmask $0x1B18;
	s18 =	sadd.s32 $0x8100, s8;
	s19 =	sadd.s32 $0x8180, s8;
	[dreg:$0x9] =	wrdreg s26;
	v0 =	vsel vm15, $0x220, v0;
	v1 =	vsel vm15, $0x2420, v1  }
0xb: {  	vm8 =	vcmask $0x1F1C;
	s1 =	sor.u32 s0, s1;
	s0 =	ssub.s32 $0x2, s0;
	[dreg:$0xa] =	wrdreg s29;
	v0 =	vsel vm6, $0x2A8, v0;
	v1 =	vsel vm6, $0x24A8, v1  }
0xc: {  	vm9 =	vcmask $0x2320;
	s14 =	smov.u32 s20;
	[dreg:$0xb] =	wrdreg s30;
	s4 =	smul.u32 $0x6400, s1;
	v0 =	vsel vm7, $0x330, v0;
	v1 =	vsel vm7, $0x2530, v1  }
0xd: {  	vm10 =	vcmask $0x2724;
	s23 =	sadd.s32 $0xC180, s8;
	s26 =	simm.s32 $0x80;
	s5 =	smul.u32 $0x2400, s1;
	v0 =	vsel vm8, $0x3B8, v0;
	v1 =	vsel vm8, $0x25B8, v1  }
0xe: {  	vm11 =	vcmask $0x2B28;
	s24 =	simm.s32 $0xC800;
	s7 =	sshrl.u32 s0, $0x1;
	s9 =	smul.u32 $0x32, s1;
	v0 =	vsel vm9, $0x1100, v0;
	v1 =	vsel vm9, $0x3300, v1  }
0xf: {  	vm12 =	vcmask $0x2F2C;
	s0 =	ssub.s32 s0, s7;
	s7 =	simm.s32 $0x2;
	s6 =	sand.u32 $0xFC000, s4;
	v0 =	vsel vm10, $0x1188, v0;
	v1 =	vsel vm10, $0x3388, v1  }
0x10: {  	vm13 =	vcmask $0x3330;
	s5 =	sand.u32 $0x3C00, s5;
	[dreg:$0x3] =	wrdreg s9;
	s22 =	sadd.s32 $0x32, s9;
	v0 =	vsel vm11, $0x1210, v0;
	v1 =	vsel vm11, $0x3410, v1  }
0x11: {  	vm14 =	vcmask $0x3734;
	s0 =	smax.u32 s0, $0x1;
	s5 =	sor.u32 s5, s6;
	s6 =	sadd.s32 $0xF42C00, s2;
	v0 =	vsel vm12, $0x1298, v0;
	v1 =	vsel vm12, $0x3498, v1  }
0x12: {  	v2 =	vimm.s32 $0x0;
	[dreg:$0x5] =	wrdreg s22;
	s22 =	sadd.s32 $0xC100, s8;
	s21 =	sshrl.u32 s5, $0x3;
	v0 =	vsel vm13, $0x1320, v0;
	v1 =	vsel vm13, $0x3520, v1  }
0x13: {  	vm15 =	vcmask $0x3B38;
	[dreg:$0xc] =	wrdreg s0;
	s2 =	simm.s32 $0x0;
	s1 =	sadd.s32 s20, s21;
	v0 =	vsel vm14, $0x13A8, v0;
	v3 =	vsel vm14, $0x35A8, v1  }
0x14: {  	s20 =	sadd.s32 $0xC000, s8;
	s21 =	sadd.s32 $0xC080, s8;
	[dreg:$0x4] =	wrdreg s1;
	v1 =	vsel vm0, $0x3, v2;
	v0 =	vsel vm15, $0x1430, v0;
	v2 =	vsel vm15, $0x3630, v3  }
.LBB2_1:
0x15: {  	[dreg:$0xd] =	wrdreg s2  }
0x16: {  	s0 =	rddreg [dreg:$0x4];
	s10 =	simm.s32 $0x5  }
0x17: {  	[tilespmem:s3], [sflag:$0x5] =	stream.linear.gather [hbm4b:s0+s3], $0x200, $0x38;
	[tilespmem:$0x10C00] =	vst v63  }
0x18: {  	_ =	swait.ge [sflag:s10], $0x200  }
0x19: {  	[sflag:s10] =	ssyncset.done $0x0  }
0x1a: {  	s11 =	simm.s32 $0x400;
	[sflag:s10] =	ssyncadd.s32 $0xFFFFFE00  }
0x1b: {  	[tilespmem:s11], [sflag:$0x1] =	stream.indirect.gather [hbm4b:s6+s26], $0x20, s3, s26, $0xb8;
	[tilespmem:$0x10C00] =	vst v63  }
0x1c: {  	s12 =	simm.s32 $0x1400  }
0x1d: {  	[tilespmem:s12], [sflag:$0x1] =	stream.indirect.gather [hbm4b:s6+s26], $0x20, s26, s26, $0xb8;
	[tilespmem:$0x10C00] =	vst v63  }
0x1e: {  	s13 =	simm.s32 $0x100;
	s1 =	simm.s32 $0x2400  }
0x1f: {  	[tilespmem:s1], [sflag:$0x1] =	stream.indirect.gather [hbm4b:s6+s26], $0x20, s13, s26, $0xb8;
	[tilespmem:$0x10C00] =	vst v63  }
0x20: {  	s25 =	simm.s32 $0x180;
	s29 =	simm.s32 $0x3400;
	s30 =	simm.s32 $0x0  }
0x21: {  	[tilespmem:s29], [sflag:$0x1] =	stream.indirect.gather [hbm4b:s6+s26], $0x20, s25, s26, $0xb8;
	[tilespmem:$0x10C00] =	vst v63  }
.LBB2_2:
0x22: {  	_ =	swait.ge [sflag:s28], $0x1000  }
0x23: {  	[sflag:s28] =	ssyncset.done $0x0  }
0x24: {  	[sflag:s28] =	ssyncadd.s32 $0xFFFFF000  }
0x25: {  	_ =	swait.ge [sflag:s28], $0x1000  }
0x26: {  	[sflag:s28] =	ssyncset.done $0x0  }
0x27: {  	[sflag:s28] =	ssyncadd.s32 $0xFFFFF000  }
0x28: {  	_ =	swait.ge [sflag:s28], $0x1000  }
0x29: {  	s0 =	sshll.u32 s30, $0x1;
	s1 =	rddreg [dreg:$0x3]  }
0x2a: {  	s4 =	simm.s32 $0x200;
	[sflag:s28] =	ssyncset.done $0x0;
	s2 =	sadd.s32 s1, s0  }
0x2b: {  	[sflag:s28] =	ssyncadd.s32 $0xFFFFF000;
	s1 =	sor.u32 $0x1, s2;
	s0 =	sshll.u32 s2, $0x6  }
0x2c: {  	_ =	swait.ge [sflag:s28], $0x1000;
	s0 =	sand.u32 $0xFFFF800, s0;
	s5 =	sshll.u32 s1, $0x6  }
0x2d: {  	[sflag:s28] =	ssyncset.done $0x0;
	s5 =	sand.u32 $0x7C0, s5;
	s0 =	sadd.s32 s14, s0  }
0x2e: {  	s10 =	simm.s32 $0x5;
	[sflag:s28] =	ssyncadd.s32 $0xFFFFF000;
	s0 =	sadd.s32 s5, s0  }
0x2f: {  	[tilespmem:s4], [sflag:$0x5] =	stream.linear.gather [hbm4b:s0+s3], $0x200, $0x38;
	[tilespmem:$0x10C00] =	vst v63  }
0x30: {  	_ =	swait.ge [sflag:s10], $0x200  }
0x31: {  	[sflag:s10] =	ssyncset.done $0x0  }
0x32: {  	s11 =	simm.s32 $0x4400;
	[sflag:s10] =	ssyncadd.s32 $0xFFFFFE00  }
0x33: {  	[tilespmem:s11], [sflag:$0x2] =	stream.indirect.gather [hbm4b:s6+s26], $0x20, s4, s26, $0xb8;
	[tilespmem:$0x10C00] =	vst v63  }
0x34: {  	s12 =	simm.s32 $0x280;
	s13 =	simm.s32 $0x5400  }
0x35: {  	[tilespmem:s13], [sflag:$0x2] =	stream.indirect.gather [hbm4b:s6+s26], $0x20, s12, s26, $0xb8;
	[tilespmem:$0x10C00] =	vst v63  }
0x36: {  	s25 =	simm.s32 $0x300;
	s29 =	simm.s32 $0x6400;
	p0 =	seq.s32 s30, $0x0  }
0x37: {  	[tilespmem:s29], [sflag:$0x2] =	stream.indirect.gather [hbm4b:s6+s26], $0x20, s25, s26, $0xb8;
	[tilespmem:$0x10C00] =	vst v63  }
0x38: {  	s8 =	simm.s32 $0x7400;
	s5 =	simm.s32 $0x380;
	s0 =	simm.s32 @!p0 $0x3  }
0x39: {  	[tilespmem:s8], [sflag:$0x2] =	stream.indirect.gather [hbm4b:s6+s26], $0x20, s5, s26, $0xb8;
	[tilespmem:$0x10C00] =	vst v63  }
0x3a: {  	_ =	swait.ge @!p0 [sflag:s0], $0x400  }
0x3b: {  	[sflag:s0] =	ssyncset.done @!p0 $0x0  }
0x3c: {  	[sflag:s0] =	ssyncadd.s32 @!p0 $0xFFFFFC00  }
0x3d: {  	_ =	swait.ge @!p0 [sflag:s0], $0x400  }
0x3e: {  	[sflag:s0] =	ssyncset.done @!p0 $0x0  }
0x3f: {  	[sflag:s0] =	ssyncadd.s32 @!p0 $0xFFFFFC00  }
0x40: {  	_ =	swait.ge @!p0 [sflag:s0], $0x400  }
0x41: {  	[sflag:s0] =	ssyncset.done @!p0 $0x0  }
0x42: {  	[sflag:s0] =	ssyncadd.s32 @!p0 $0xFFFFFC00  }
0x43: {  	_ =	swait.ge @!p0 [sflag:s0], $0x400  }
0x44: {  	[sflag:s0] =	ssyncset.done @!p0 $0x0  }
0x45: {  	[sflag:s0] =	ssyncadd.s32 @!p0 $0xFFFFFC00  }
0x46: {  	_ =	swait.ge @!p0 [sflag:s0], $0x400  }
0x47: {  	[sflag:s0] =	ssyncset.done @!p0 $0x0  }
0x48: {  	[sflag:s0] =	ssyncadd.s32 @!p0 $0xFFFFFC00  }
0x49: {  	_ =	swait.ge @!p0 [sflag:s0], $0x400  }
0x4a: {  	[sflag:s0] =	ssyncset.done @!p0 $0x0  }
0x4b: {  	[sflag:s0] =	ssyncadd.s32 @!p0 $0xFFFFFC00  }
0x4c: {  	_ =	swait.ge @!p0 [sflag:s0], $0x400  }
0x4d: {  	[sflag:s0] =	ssyncset.done @!p0 $0x0  }
0x4e: {  	[sflag:s0] =	ssyncadd.s32 @!p0 $0xFFFFFC00  }
0x4f: {  	_ =	swait.ge @!p0 [sflag:s0], $0x400  }
0x50: {  	[sflag:s0] =	ssyncset.done @!p0 $0x0  }
0x51: {  	[sflag:s0] =	ssyncadd.s32 @!p0 $0xFFFFFC00  }
0x52: {  	_ =	swait.ge @!p0 [sflag:s0], $0x400  }
0x53: {  	[sflag:s0] =	ssyncset.done @!p0 $0x0  }
0x54: {  	[sflag:s0] =	ssyncadd.s32 @!p0 $0xFFFFFC00  }
0x55: {  	_ =	swait.ge @!p0 [sflag:s0], $0x400  }
0x56: {  	[sflag:s0] =	ssyncset.done @!p0 $0x0  }
0x57: {  	[sflag:s0] =	ssyncadd.s32 @!p0 $0xFFFFFC00  }
0x58: {  	_ =	swait.ge @!p0 [sflag:s0], $0x400  }
0x59: {  	[sflag:s0] =	ssyncset.done @!p0 $0x0  }
0x5a: {  	[sflag:s0] =	ssyncadd.s32 @!p0 $0xFFFFFC00  }
0x5b: {  	_ =	swait.ge @!p0 [sflag:s0], $0x400  }
0x5c: {  	s9 =	simm.s32 $0x5;
	s10 =	simm.s32 $0x4;
	[sflag:s0] =	ssyncset.done @!p0 $0x0  }
0x5d: {  	s29 =	simm.s32 $0x3;
	s25 =	simm.s32 $0x6;
	[sflag:s0] =	ssyncadd.s32 @!p0 $0xFFFFFC00  }
0x5e: {  	s29 =	sand.u32 $0x78, s29;
	s25 =	sand.u32 $0x78, s25;
	_ =	swait.ge @!p0 [sflag:s0], $0x400  }
0x5f: {  	s8 =	simm.s32 $0x7;
	s5 =	sand.u32 $0x78, s9;
	v5 =	vmov s29;
	[sflag:s0] =	ssyncset.done @!p0 $0x0  }
0x60: {  	v6 =	vmov s25;
	s8 =	sand.u32 $0x78, s8;
	v3 =	vmov s5;
	s5 =	sand.u32 $0x78, s10;
	v5 =	vshrl.u32 v5, $0x3;
	[sflag:s0] =	ssyncadd.s32 @!p0 $0xFFFFFC00  }
0x61: {  	s11 =	simm.s32 $0x0;
	s12 =	simm.s32 $0x1;
	v6 =	vshrl.u32 v6, $0x3;
	v4 =	vmov s8;
	v7 =	vmov s5;
	_ =	swait.ge @!p0 [sflag:s0], $0x400  }
0x62: {  	s8 =	sand.u32 $0x18, s11;
	s5 =	sand.u32 $0x78, s12;
	v3 =	vshrl.u32 v3, $0x3;
	v5 =	vshll.u32 v5, v1;
	v6 =	vshll.u32 v6, v1;
	[sflag:s0] =	ssyncset.done @!p0 $0x0  }
0x63: {  	v4 =	vshrl.u32 v4, $0x3;
	v8 =	vmov s8;
	v9 =	vmov s5;
	[sflag:s0] =	ssyncadd.s32 @!p0 $0xFFFFFC00  }
0x64: {  	s13 =	simm.s32 $0x2;
	v26 =	vbroadcast v6, $0x0;
	v3 =	vshll.u32 v3, v1;
	v23 =	vbroadcast v5, $0x0;
	_ =	swait.ge @!p0 [sflag:s0], $0x400  }
0x65: {  	s25 =	sand.u32 $0x78, s13;
	v5 =	vshrl.u32 v7, $0x3;
	v4 =	vshll.u32 v4, v1;
	v6 =	vshrl.u32 v9, $0x3;
	[sflag:s0] =	ssyncset.done @!p0 $0x0  }
0x66: {  	s5 =	simm.s32 $0x0;
	v9 =	vmov s25;
	v7 =	vbroadcast v4, $0x0;
	v4 =	vshll.u32 v6, v1;
	[sflag:s0] =	ssyncadd.s32 @!p0 $0xFFFFFC00  }
0x67: {  	s29 =	sand.u32 $0x78, s5;
	v6 =	vshrl.u32 v9, $0x3;
	v9 =	vshll.u32 v5, v1;
	v5 =	vmul.u32 $0x88, v8;
	_ =	swait.ge @!p0 [sflag:s0], $0x400  }
0x68: {  	v11 =	vbroadcast v3, $0x0;
	v3 =	vmov s29;
	v6 =	vshll.u32 v6, v1;
	[sflag:s0] =	ssyncset.done @!p0 $0x0  }
0x69: {  	v3 =	vshrl.u32 v3, $0x3;
	v27 =	vbroadcast v6, $0x0;
	v6 =	vbroadcast v5, $0x0;
	[sflag:s0] =	ssyncadd.s32 @!p0 $0xFFFFFC00;
	s0 =	simm.s32 $0x480  }
0x6a: {  	v15 =	vbroadcast v9, $0x0;
	v8 =	vbroadcast v4, $0x0;
	v3 =	vshll.u32 v3, v1;
	v5 =	vld [tilespmem:s0+$0x60]  }
0x6b: {  	v16 =	vbroadcast v3, $0x0;
	v18 =	vadd.s32 v0, v6;
	v13 =	vadd.s32 v2, v6;
	v4 =	vld [tilespmem:s0+$0x10]  }
0x6c: {  	v14 =	vadd.s32 v8, v18;
	v19 =	vadd.s32 v27, v18;
	v3 =	vadd.s32 v26, v13;
	v6 =	vld [tilespmem:s0+$0x70]  }
0x6d: {  	v21 =	vadd.s32 v15, v18;
	v17 =	vadd.s32 v11, v18;
	v12 =	vadd.s32 v23, v13;
	v10 =	vld [tilespmem:s0+$0x40]  }
0x6e: {  	v8 =	vadd.s32 v8, v13;
	v27 =	vadd.s32 v27, v13;
	v23 =	vadd.s32 v23, v18;
	v9 =	vld [tilespmem:s0+$0x30]  }
0x6f: {  	v26 =	vadd.s32 v26, v18;
	v3 =	vor.u32 $0x6, v3;
	v22 =	vor.u32 $0x5, v17;
	v25 =	vld [tilespmem:s0+$0x20]  }
0x70: {  	v17 =	vadd.s32 v7, v18;
	v20 =	vor.u32 $0x1, v14;
	v8 =	vor.u32 $0x1, v8;
	v24 =	vld [tilespmem:s0+$0xFFFFFFA0]  }
0x71: {  	s8 =	simm.s32 $0x580;
	v19 =	vor.u32 $0x2, v19;
	v14 =	vor.u32 $0x4, v21;
	v17 =	vor.u32 $0x7, v17;
	v21 =	vld [tilespmem:s0+$0xFFFFFFC0]  }
.LBB2_3:
0x72: {  	s25 =	sadd.s32 $0x9, s5  }
0x73: {  	s29 =	sadd.s32 $0xA, s5;
	v28 =	vld [tilespmem:s8+$0x60];
	v18 =	vadd.s32 v16, v18;
	v27 =	vor.u32 $0x2, v27;
	v15 =	vadd.s32 v15, v13;
	s4 =	smov.u32 s5;
	s5 =	sadd.s32 $0x8, s5  }
0x74: {  	v11 =	vadd.s32 v11, v13;
	s9 =	sshrl.u32 s5, $0x4;
	s10 =	sadd.s32 $0xD, s4;
	s11 =	sadd.s32 $0xF, s4;
	v29 =	vld [tilespmem:s0+$0xFFFFFFD0];
	v30 =	vor.u32 $0x4, v15;
	v15 =	vor.u32 $0x6, v26  }
0x75: {  	v16 =	vadd.s32 v16, v13;
	v7 =	vadd.s32 v7, v13;
	s12 =	sadd.s32 $0xB, s4;
	v11 =	vor.u32 $0x5, v11;
	s10 =	sand.u32 $0x78, s10;
	s11 =	sand.u32 $0x78, s11;
	v26 =	vld [tilespmem:s0+$0xFFFFFFB0];
	[tilespmem:v22+s31+$0x0] =	vst.idx.msk $0xffff, v25  }
0x76: {  	s13 =	sadd.s32 $0xC, s4;
	s4 =	sadd.s32 $0xE, s4;
	s12 =	sand.u32 $0x78, s12;
	v13 =	vmov s10;
	v22 =	vmov s11;
	[tilespmem:v20+s31+$0x0] =	vst.idx.msk $0xffff, v24;
	v20 =	vor.u32 $0x3, v23;
	v23 =	vld [tilespmem:s0+$0x0]  }
0x77: {  	s9 =	sand.u32 $0x18, s9;
	s4 =	sand.u32 $0x78, s4;
	v24 =	vmov s12;
	s10 =	sand.u32 $0x78, s13;
	v22 =	vshrl.u32 v22, $0x3;
	v25 =	vld [tilespmem:s0+$0xFFFFFF80];
	[tilespmem:v19+s31+$0x0] =	vst.idx.msk $0xffff, v21;
	v19 =	vor.u32 $0x7, v7  }
0x78: {  	v12 =	vor.u32 $0x3, v12;
	p1 =	slt.u32 s5, $0x1F8;
	s11 =	sand.u32 $0x78, s25;
	v7 =	vshrl.u32 v24, $0x3;
	v21 =	vmov s4;
	v24 =	vld [tilespmem:s0+$0xFFFFFF90];
	[tilespmem:v17+s31+$0x0] =	vst.idx.msk $0xffff, v5;
	v5 =	vmovc v28  }
0x79: {  	v13 =	vshrl.u32 v13, $0x3;
	v17 =	vmov s10;
	v21 =	vshrl.u32 v21, $0x3;
	[tilespmem:v27+s31+$0x0] =	vst.idx.msk $0xffff, v29;
	v27 =	vld [tilespmem:s0+$0x50]  }
0x7a: {  	v28 =	vmov s9;
	v7 =	vshll.u32 v7, v1;
	v21 =	vshll.u32 v21, v1;
	v29 =	vld [tilespmem:s0+$0xFFFFFFE0];
	[tilespmem:v15+s31+$0x0] =	vst.idx.msk $0xffff, v10  }
0x7b: {  	s4 =	sand.u32 $0x78, s29;
	v10 =	vmov s11;
	v31 =	vbroadcast v21, $0x0;
	v15 =	vshll.u32 v22, v1;
	[tilespmem:v14+s31+$0x0] =	vst.idx.msk $0xffff, v23  }
0x7c: {  	v13 =	vshll.u32 v13, v1;
	v10 =	vshrl.u32 v10, $0x3;
	v14 =	vmov s4;
	[tilespmem:v18+s31+$0x0] =	vst.idx.msk $0xffff, v25  }
0x7d: {  	v17 =	vshrl.u32 v17, $0x3;
	v23 =	vbroadcast v7, $0x0;
	v7 =	vbroadcast v15, $0x0;
	[tilespmem:v16+s31+$0x0] =	vst.idx.msk $0xffff, v24  }
0x7e: {  	v15 =	vshll.u32 v17, v1;
	v10 =	vshll.u32 v10, v1;
	v14 =	vshrl.u32 v14, $0x3;
	v17 =	vld [tilespmem:s0+$0xFFFFFFF0];
	[tilespmem:v11+s31+$0x0] =	vst.idx.msk $0xffff, v9;
	s0 =	smov.u32 s8  }
0x7f: {  	s4 =	sand.u32 $0x78, s5;
	v14 =	vshll.u32 v14, v1;
	v9 =	vmul.u32 $0x88, v28;
	v11 =	vbroadcast v13, $0x0;
	[tilespmem:v20+s31+$0x0] =	vst.idx.msk $0xffff, v29  }
0x80: {  	v15 =	vbroadcast v15, $0x0;
	v13 =	vmov s4;
	v28 =	vbroadcast v14, $0x0;
	[tilespmem:v30+s31+$0x0] =	vst.idx.msk $0xffff, v4  }
0x81: {  	v4 =	vshrl.u32 v13, $0x3;
	v9 =	vbroadcast v9, $0x0;
	[tilespmem:v19+s31+$0x0] =	vst.idx.msk $0xffff, v6  }
0x82: {  	v14 =	vbroadcast v10, $0x0;
	v4 =	vshll.u32 v4, v1;
	[tilespmem:v8+s31+$0x0] =	vst.idx.msk $0xffff, v26  }
0x83: {  	v18 =	vadd.s32 v0, v9;
	v16 =	vbroadcast v4, $0x0;
	v13 =	vadd.s32 v2, v9;
	v4 =	vld [tilespmem:s8+$0x10];
	[tilespmem:v3+s31+$0x0] =	vst.idx.msk $0xffff, v27  }
0x84: {  	v8 =	vadd.s32 v14, v18;
	v19 =	vadd.s32 v28, v18;
	v3 =	vadd.s32 v31, v13;
	v6 =	vld [tilespmem:s8+$0x70]  }
.Ltmp0:
0x85: {  	v21 =	vadd.s32 v15, v18;
	v20 =	vadd.s32 v11, v18;
	v3 =	vor.u32 $0x6, v3;
	v10 =	vld [tilespmem:s8+$0x40];
	[tilespmem:v12+s31+$0x0] =	vst.idx.msk $0xffff, v17;
	(pc) =	sbr.rel @p1 .LBB2_3-.Ltmp0, $4  }
0x86: {  	v22 =	vor.u32 $0x5, v20;
	v12 =	vadd.s32 v23, v13;
	v17 =	vadd.s32 v7, v18;
	v9 =	vld [tilespmem:s8+$0x30]  }
0x87: {  	v20 =	vor.u32 $0x1, v8;
	v8 =	vadd.s32 v14, v13;
	v17 =	vor.u32 $0x7, v17;
	v25 =	vld [tilespmem:s8+$0x20]  }
0x88: {  	v19 =	vor.u32 $0x2, v19;
	v14 =	vor.u32 $0x4, v21;
	v8 =	vor.u32 $0x1, v8;
	v24 =	vld [tilespmem:s8+$0xFFFFFFA0]  }
0x89: {  	v27 =	vadd.s32 v28, v13;
	v26 =	vadd.s32 v31, v18;
	v23 =	vadd.s32 v23, v18;
	s8 =	sadd.s32 $0x100, s8;
	v21 =	vld [tilespmem:s0+$0xFFFFFFC0]  }
0x8a: {  	_ =	sdelay $0x2  }
0x8b: {  	v27 =	vor.u32 $0x2, v27;
	v28 =	vld [tilespmem:s0+$0xFFFFFFD0]  }
0x8c: {  	v26 =	vor.u32 $0x6, v26;
	[tilespmem:v17+s31+$0x0] =	vst.idx.msk $0xffff, v5  }
0x8d: {  	v29 =	vld [tilespmem:s0+$0xFFFFFFB0];
	v11 =	vadd.s32 v11, v13;
	[tilespmem:v22+s31+$0x0] =	vst.idx.msk $0xffff, v25  }
0x8e: {  	v7 =	vadd.s32 v7, v13;
	v5 =	vor.u32 $0x5, v11;
	[tilespmem:v20+s31+$0x0] =	vst.idx.msk $0xffff, v24  }
0x8f: {  	v7 =	vor.u32 $0x7, v7;
	[tilespmem:v19+s31+$0x0] =	vst.idx.msk $0xffff, v21  }
0x90: {  	v11 =	vld [tilespmem:s0+$0x50];
	[tilespmem:v27+s31+$0x0] =	vst.idx.msk $0xffff, v28  }
0x91: {  	v18 =	vadd.s32 v16, v18;
	v22 =	vld [tilespmem:s0+$0xFFFFFF80];
	[tilespmem:v26+s31+$0x0] =	vst.idx.msk $0xffff, v10  }
0x92: {  	v20 =	vld [tilespmem:s0+$0x0];
	[tilespmem:v8+s31+$0x0] =	vst.idx.msk $0xffff, v29  }
0x93: {  	v16 =	vadd.s32 v16, v13;
	v19 =	vld [tilespmem:s0+$0xFFFFFF90];
	[tilespmem:v5+s31+$0x0] =	vst.idx.msk $0xffff, v9  }
0x94: {  	v15 =	vadd.s32 v15, v13;
	v17 =	vor.u32 $0x3, v23;
	v21 =	vld [tilespmem:s0+$0xFFFFFFE0];
	[tilespmem:v7+s31+$0x0] =	vst.idx.msk $0xffff, v6  }
0x95: {  	v10 =	vor.u32 $0x4, v15;
	[tilespmem:v3+s31+$0x0] =	vst.idx.msk $0xffff, v11  }
0x96: {  	v13 =	vld [tilespmem:s0+$0xFFFFFFF0];
	s10 =	sshll.u32 s2, $0x2;
	s4 =	sshll.u32 s2, $0x4;
	v5 =	vor.u32 $0x3, v12;
	[tilespmem:v18+s31+$0x0] =	vst.idx.msk $0xffff, v22  }
0x97: {  	s5 =	sand.u32 $0x78, s10;
	s0 =	sand.u32 $0x7FFFFE00, s4;
	[tilespmem:v14+s31+$0x0] =	vst.idx.msk $0xffff, v20  }
0x98: {  	s4 =	sor.u32 s5, s0;
	[tilespmem:v16+s31+$0x0] =	vst.idx.msk $0xffff, v19  }
0x99: {  	s4 =	sshll.u32 s4, $0x7;
	[tilespmem:v17+s31+$0x0] =	vst.idx.msk $0xffff, v21  }
0x9a: {  	s11 =	rddreg [dreg:$0x1];
	s5 =	sand.u32 $0x1FFF3C00, s4;
	[tilespmem:v10+s31+$0x0] =	vst.idx.msk $0xffff, v4  }
0x9b: {  	s4 =	sadd.s32 s11, s5;
	[tilespmem:v5+s31+$0x0] =	vst.idx.msk $0xffff, v13  }
0x9c: {  	[hbm4b:s4+s3] =	stream.linear.scatter [tilespmem:s31], [sflag:$0x3], $0x80, $0x38;
	[tilespmem:$0x10C00] =	vst v63  }
0x9d: {  	s9 =	simm.s32 $0x8488;
	s8 =	sadd.s32 $0x10, s4  }
0x9e: {  	[hbm4b:s8+s3] =	stream.linear.scatter [tilespmem:s9], [sflag:$0x3], $0x80, $0x38;
	[tilespmem:$0x10C00] =	vst v63  }
0x9f: {  	s13 =	simm.s32 $0x8510;
	s12 =	sadd.s32 $0x20, s4  }
0xa0: {  	[hbm4b:s12+s3] =	stream.linear.scatter [tilespmem:s13], [sflag:$0x3], $0x80, $0x38;
	[tilespmem:$0x10C00] =	vst v63  }
0xa1: {  	s29 =	simm.s32 $0x8598;
	s25 =	sadd.s32 $0x30, s4  }
0xa2: {  	[hbm4b:s25+s3] =	stream.linear.scatter [tilespmem:s29], [sflag:$0x3], $0x80, $0x38;
	[tilespmem:$0x10C00] =	vst v63  }
0xa3: {  	s10 =	simm.s32 $0x8620;
	s9 =	sadd.s32 $0x40, s4  }
0xa4: {  	[hbm4b:s9+s3] =	stream.linear.scatter [tilespmem:s10], [sflag:$0x3], $0x80, $0x38;
	[tilespmem:$0x10C00] =	vst v63  }
0xa5: {  	s11 =	sadd.s32 $0x50, s4;
	s12 =	simm.s32 $0x86A8  }
0xa6: {  	[hbm4b:s11+s3] =	stream.linear.scatter [tilespmem:s12], [sflag:$0x3], $0x80, $0x38;
	[tilespmem:$0x10C00] =	vst v63  }
0xa7: {  	s13 =	sadd.s32 $0x60, s4;
	s25 =	simm.s32 $0x8730  }
0xa8: {  	[hbm4b:s13+s3] =	stream.linear.scatter [tilespmem:s25], [sflag:$0x3], $0x80, $0x38;
	[tilespmem:$0x10C00] =	vst v63  }
0xa9: {  	s8 =	rddreg [dreg:$0x6];
	s4 =	sadd.s32 $0x70, s4;
	s29 =	simm.s32 $0x87B8  }
0xaa: {  	[hbm4b:s4+s3] =	stream.linear.scatter [tilespmem:s29], [sflag:$0x3], $0x80, $0x38;
	[tilespmem:$0x10C00] =	vst v63  }
0xab: {  	s9 =	simm.s32 $0x8840;
	s4 =	sadd.s32 s5, s8  }
0xac: {  	[hbm4b:s4+s3] =	stream.linear.scatter [tilespmem:s9], [sflag:$0x3], $0x80, $0x38;
	[tilespmem:$0x10C00] =	vst v63  }
0xad: {  	s11 =	simm.s32 $0x88C8;
	s10 =	sadd.s32 $0x10, s4  }
0xae: {  	[hbm4b:s10+s3] =	stream.linear.scatter [tilespmem:s11], [sflag:$0x3], $0x80, $0x38;
	[tilespmem:$0x10C00] =	vst v63  }
0xaf: {  	s13 =	simm.s32 $0x8950;
	s12 =	sadd.s32 $0x20, s4  }
0xb0: {  	[hbm4b:s12+s3] =	stream.linear.scatter [tilespmem:s13], [sflag:$0x3], $0x80, $0x38;
	[tilespmem:$0x10C00] =	vst v63  }
0xb1: {  	s29 =	simm.s32 $0x89D8;
	s25 =	sadd.s32 $0x30, s4  }
0xb2: {  	[hbm4b:s25+s3] =	stream.linear.scatter [tilespmem:s29], [sflag:$0x3], $0x80, $0x38;
	[tilespmem:$0x10C00] =	vst v63  }
0xb3: {  	s9 =	sadd.s32 $0x40, s4;
	s10 =	simm.s32 $0x8A60  }
0xb4: {  	[hbm4b:s9+s3] =	stream.linear.scatter [tilespmem:s10], [sflag:$0x3], $0x80, $0x38;
	[tilespmem:$0x10C00] =	vst v63  }
0xb5: {  	s11 =	sadd.s32 $0x50, s4;
	s12 =	simm.s32 $0x8AE8  }
0xb6: {  	[hbm4b:s11+s3] =	stream.linear.scatter [tilespmem:s12], [sflag:$0x3], $0x80, $0x38;
	[tilespmem:$0x10C00] =	vst v63  }
0xb7: {  	s13 =	sadd.s32 $0x60, s4;
	s25 =	simm.s32 $0x8B70  }
0xb8: {  	[hbm4b:s13+s3] =	stream.linear.scatter [tilespmem:s25], [sflag:$0x3], $0x80, $0x38;
	[tilespmem:$0x10C00] =	vst v63  }
0xb9: {  	s8 =	rddreg [dreg:$0x7];
	s4 =	sadd.s32 $0x70, s4;
	s29 =	simm.s32 $0x8BF8  }
0xba: {  	[hbm4b:s4+s3] =	stream.linear.scatter [tilespmem:s29], [sflag:$0x3], $0x80, $0x38;
	[tilespmem:$0x10C00] =	vst v63  }
0xbb: {  	s9 =	simm.s32 $0x8C80;
	s4 =	sadd.s32 s5, s8  }
0xbc: {  	[hbm4b:s4+s3] =	stream.linear.scatter [tilespmem:s9], [sflag:$0x3], $0x80, $0x38;
	[tilespmem:$0x10C00] =	vst v63  }
0xbd: {  	s11 =	simm.s32 $0x8D08;
	s10 =	sadd.s32 $0x10, s4  }
0xbe: {  	[hbm4b:s10+s3] =	stream.linear.scatter [tilespmem:s11], [sflag:$0x3], $0x80, $0x38;
	[tilespmem:$0x10C00] =	vst v63  }
0xbf: {  	s13 =	simm.s32 $0x8D90;
	s12 =	sadd.s32 $0x20, s4  }
0xc0: {  	[hbm4b:s12+s3] =	stream.linear.scatter [tilespmem:s13], [sflag:$0x3], $0x80, $0x38;
	[tilespmem:$0x10C00] =	vst v63  }
0xc1: {  	s29 =	simm.s32 $0x8E18;
	s25 =	sadd.s32 $0x30, s4  }
0xc2: {  	[hbm4b:s25+s3] =	stream.linear.scatter [tilespmem:s29], [sflag:$0x3], $0x80, $0x38;
	[tilespmem:$0x10C00] =	vst v63  }
0xc3: {  	s9 =	sadd.s32 $0x40, s4;
	s10 =	simm.s32 $0x8EA0  }
0xc4: {  	[hbm4b:s9+s3] =	stream.linear.scatter [tilespmem:s10], [sflag:$0x3], $0x80, $0x38;
	[tilespmem:$0x10C00] =	vst v63  }
0xc5: {  	s11 =	sadd.s32 $0x50, s4;
	s12 =	simm.s32 $0x8F28  }
0xc6: {  	[hbm4b:s11+s3] =	stream.linear.scatter [tilespmem:s12], [sflag:$0x3], $0x80, $0x38;
	[tilespmem:$0x10C00] =	vst v63  }
0xc7: {  	s13 =	sadd.s32 $0x60, s4;
	s25 =	simm.s32 $0x8FB0  }
0xc8: {  	[hbm4b:s13+s3] =	stream.linear.scatter [tilespmem:s25], [sflag:$0x3], $0x80, $0x38;
	[tilespmem:$0x10C00] =	vst v63  }
0xc9: {  	s8 =	rddreg [dreg:$0x8];
	s4 =	sadd.s32 $0x70, s4;
	s29 =	simm.s32 $0x9038  }
0xca: {  	[hbm4b:s4+s3] =	stream.linear.scatter [tilespmem:s29], [sflag:$0x3], $0x80, $0x38;
	[tilespmem:$0x10C00] =	vst v63  }
0xcb: {  	s9 =	simm.s32 $0x90C0;
	s4 =	sadd.s32 s5, s8  }
0xcc: {  	[hbm4b:s4+s3] =	stream.linear.scatter [tilespmem:s9], [sflag:$0x3], $0x80, $0x38;
	[tilespmem:$0x10C00] =	vst v63  }
0xcd: {  	s11 =	simm.s32 $0x9148;
	s10 =	sadd.s32 $0x10, s4  }
0xce: {  	[hbm4b:s10+s3] =	stream.linear.scatter [tilespmem:s11], [sflag:$0x3], $0x80, $0x38;
	[tilespmem:$0x10C00] =	vst v63  }
0xcf: {  	s13 =	simm.s32 $0x91D0;
	s12 =	sadd.s32 $0x20, s4  }
0xd0: {  	[hbm4b:s12+s3] =	stream.linear.scatter [tilespmem:s13], [sflag:$0x3], $0x80, $0x38;
	[tilespmem:$0x10C00] =	vst v63  }
0xd1: {  	s29 =	simm.s32 $0x9258;
	s25 =	sadd.s32 $0x30, s4  }
0xd2: {  	[hbm4b:s25+s3] =	stream.linear.scatter [tilespmem:s29], [sflag:$0x3], $0x80, $0x38;
	[tilespmem:$0x10C00] =	vst v63  }
0xd3: {  	s9 =	sadd.s32 $0x40, s4;
	s10 =	simm.s32 $0x92E0  }
0xd4: {  	[hbm4b:s9+s3] =	stream.linear.scatter [tilespmem:s10], [sflag:$0x3], $0x80, $0x38;
	[tilespmem:$0x10C00] =	vst v63  }
0xd5: {  	s11 =	sadd.s32 $0x50, s4;
	s12 =	simm.s32 $0x9368  }
0xd6: {  	[hbm4b:s11+s3] =	stream.linear.scatter [tilespmem:s12], [sflag:$0x3], $0x80, $0x38;
	[tilespmem:$0x10C00] =	vst v63  }
0xd7: {  	s13 =	sadd.s32 $0x60, s4;
	s25 =	simm.s32 $0x93F0  }
0xd8: {  	[hbm4b:s13+s3] =	stream.linear.scatter [tilespmem:s25], [sflag:$0x3], $0x80, $0x38;
	[tilespmem:$0x10C00] =	vst v63  }
0xd9: {  	s8 =	rddreg [dreg:$0x9];
	s4 =	sadd.s32 $0x70, s4;
	s29 =	simm.s32 $0x9478  }
0xda: {  	[hbm4b:s4+s3] =	stream.linear.scatter [tilespmem:s29], [sflag:$0x3], $0x80, $0x38;
	[tilespmem:$0x10C00] =	vst v63  }
0xdb: {  	s9 =	simm.s32 $0x9500;
	s4 =	sadd.s32 s5, s8  }
0xdc: {  	[hbm4b:s4+s3] =	stream.linear.scatter [tilespmem:s9], [sflag:$0x3], $0x80, $0x38;
	[tilespmem:$0x10C00] =	vst v63  }
0xdd: {  	s11 =	simm.s32 $0x9588;
	s10 =	sadd.s32 $0x10, s4  }
0xde: {  	[hbm4b:s10+s3] =	stream.linear.scatter [tilespmem:s11], [sflag:$0x3], $0x80, $0x38;
	[tilespmem:$0x10C00] =	vst v63  }
0xdf: {  	s13 =	simm.s32 $0x9610;
	s12 =	sadd.s32 $0x20, s4  }
0xe0: {  	[hbm4b:s12+s3] =	stream.linear.scatter [tilespmem:s13], [sflag:$0x3], $0x80, $0x38;
	[tilespmem:$0x10C00] =	vst v63  }
0xe1: {  	s29 =	simm.s32 $0x9698;
	s25 =	sadd.s32 $0x30, s4  }
0xe2: {  	[hbm4b:s25+s3] =	stream.linear.scatter [tilespmem:s29], [sflag:$0x3], $0x80, $0x38;
	[tilespmem:$0x10C00] =	vst v63  }
0xe3: {  	s9 =	sadd.s32 $0x40, s4;
	s10 =	simm.s32 $0x9720  }
0xe4: {  	[hbm4b:s9+s3] =	stream.linear.scatter [tilespmem:s10], [sflag:$0x3], $0x80, $0x38;
	[tilespmem:$0x10C00] =	vst v63  }
0xe5: {  	s11 =	sadd.s32 $0x50, s4;
	s12 =	simm.s32 $0x97A8  }
0xe6: {  	[hbm4b:s11+s3] =	stream.linear.scatter [tilespmem:s12], [sflag:$0x3], $0x80, $0x38;
	[tilespmem:$0x10C00] =	vst v63  }
0xe7: {  	s13 =	sadd.s32 $0x60, s4;
	s25 =	simm.s32 $0x9830  }
0xe8: {  	[hbm4b:s13+s3] =	stream.linear.scatter [tilespmem:s25], [sflag:$0x3], $0x80, $0x38;
	[tilespmem:$0x10C00] =	vst v63  }
0xe9: {  	s8 =	rddreg [dreg:$0xa];
	s4 =	sadd.s32 $0x70, s4;
	s29 =	simm.s32 $0x98B8  }
0xea: {  	[hbm4b:s4+s3] =	stream.linear.scatter [tilespmem:s29], [sflag:$0x3], $0x80, $0x38;
	[tilespmem:$0x10C00] =	vst v63  }
0xeb: {  	s9 =	simm.s32 $0x9940;
	s4 =	sadd.s32 s5, s8  }
0xec: {  	[hbm4b:s4+s3] =	stream.linear.scatter [tilespmem:s9], [sflag:$0x3], $0x80, $0x38;
	[tilespmem:$0x10C00] =	vst v63  }
0xed: {  	s11 =	simm.s32 $0x99C8;
	s10 =	sadd.s32 $0x10, s4  }
0xee: {  	[hbm4b:s10+s3] =	stream.linear.scatter [tilespmem:s11], [sflag:$0x3], $0x80, $0x38;
	[tilespmem:$0x10C00] =	vst v63  }
0xef: {  	s13 =	simm.s32 $0x9A50;
	s12 =	sadd.s32 $0x20, s4  }
0xf0: {  	[hbm4b:s12+s3] =	stream.linear.scatter [tilespmem:s13], [sflag:$0x3], $0x80, $0x38;
	[tilespmem:$0x10C00] =	vst v63  }
0xf1: {  	s29 =	simm.s32 $0x9AD8;
	s25 =	sadd.s32 $0x30, s4  }
0xf2: {  	[hbm4b:s25+s3] =	stream.linear.scatter [tilespmem:s29], [sflag:$0x3], $0x80, $0x38;
	[tilespmem:$0x10C00] =	vst v63  }
0xf3: {  	s9 =	sadd.s32 $0x40, s4;
	s10 =	simm.s32 $0x9B60  }
0xf4: {  	[hbm4b:s9+s3] =	stream.linear.scatter [tilespmem:s10], [sflag:$0x3], $0x80, $0x38;
	[tilespmem:$0x10C00] =	vst v63  }
0xf5: {  	s11 =	sadd.s32 $0x50, s4;
	s12 =	simm.s32 $0x9BE8  }
0xf6: {  	[hbm4b:s11+s3] =	stream.linear.scatter [tilespmem:s12], [sflag:$0x3], $0x80, $0x38;
	[tilespmem:$0x10C00] =	vst v63  }
0xf7: {  	s13 =	sadd.s32 $0x60, s4;
	s25 =	simm.s32 $0x9C70  }
0xf8: {  	[hbm4b:s13+s3] =	stream.linear.scatter [tilespmem:s25], [sflag:$0x3], $0x80, $0x38;
	[tilespmem:$0x10C00] =	vst v63  }
0xf9: {  	s8 =	rddreg [dreg:$0xb];
	s4 =	sadd.s32 $0x70, s4;
	s29 =	simm.s32 $0x9CF8  }
0xfa: {  	[hbm4b:s4+s3] =	stream.linear.scatter [tilespmem:s29], [sflag:$0x3], $0x80, $0x38;
	[tilespmem:$0x10C00] =	vst v63  }
0xfb: {  	s9 =	simm.s32 $0x9D80;
	s4 =	sadd.s32 s5, s8  }
0xfc: {  	[hbm4b:s4+s3] =	stream.linear.scatter [tilespmem:s9], [sflag:$0x3], $0x80, $0x38;
	[tilespmem:$0x10C00] =	vst v63  }
0xfd: {  	s11 =	simm.s32 $0x9E08;
	s10 =	sadd.s32 $0x10, s4  }
0xfe: {  	[hbm4b:s10+s3] =	stream.linear.scatter [tilespmem:s11], [sflag:$0x3], $0x80, $0x38;
	[tilespmem:$0x10C00] =	vst v63  }
0xff: {  	s13 =	simm.s32 $0x9E90;
	s12 =	sadd.s32 $0x20, s4  }
0x100: {  	[hbm4b:s12+s3] =	stream.linear.scatter [tilespmem:s13], [sflag:$0x3], $0x80, $0x38;
	[tilespmem:$0x10C00] =	vst v63  }
0x101: {  	s29 =	simm.s32 $0x9F18;
	s25 =	sadd.s32 $0x30, s4  }
0x102: {  	[hbm4b:s25+s3] =	stream.linear.scatter [tilespmem:s29], [sflag:$0x3], $0x80, $0x38;
	[tilespmem:$0x10C00] =	vst v63  }
0x103: {  	s9 =	sadd.s32 $0x40, s4;
	s10 =	simm.s32 $0x9FA0  }
0x104: {  	[hbm4b:s9+s3] =	stream.linear.scatter [tilespmem:s10], [sflag:$0x3], $0x80, $0x38;
	[tilespmem:$0x10C00] =	vst v63  }
0x105: {  	s11 =	sadd.s32 $0x50, s4;
	s12 =	simm.s32 $0xA028  }
0x106: {  	[hbm4b:s11+s3] =	stream.linear.scatter [tilespmem:s12], [sflag:$0x3], $0x80, $0x38;
	[tilespmem:$0x10C00] =	vst v63  }
0x107: {  	s13 =	sadd.s32 $0x60, s4;
	s25 =	simm.s32 $0xA0B0  }
0x108: {  	[hbm4b:s13+s3] =	stream.linear.scatter [tilespmem:s25], [sflag:$0x3], $0x80, $0x38;
	[tilespmem:$0x10C00] =	vst v63  }
0x109: {  	s4 =	sadd.s32 $0x70, s4;
	s29 =	simm.s32 $0xA138  }
0x10a: {  	[hbm4b:s4+s3] =	stream.linear.scatter [tilespmem:s29], [sflag:$0x3], $0x80, $0x38;
	[tilespmem:$0x10C00] =	vst v63  }
0x10b: {  	s9 =	simm.s32 $0xA1C0;
	s4 =	sadd.s32 s5, s15  }
0x10c: {  	[hbm4b:s4+s3] =	stream.linear.scatter [tilespmem:s9], [sflag:$0x3], $0x80, $0x38;
	[tilespmem:$0x10C00] =	vst v63  }
0x10d: {  	s11 =	simm.s32 $0xA248;
	s10 =	sadd.s32 $0x10, s4  }
0x10e: {  	[hbm4b:s10+s3] =	stream.linear.scatter [tilespmem:s11], [sflag:$0x3], $0x80, $0x38;
	[tilespmem:$0x10C00] =	vst v63  }
0x10f: {  	s13 =	simm.s32 $0xA2D0;
	s12 =	sadd.s32 $0x20, s4  }
0x110: {  	[hbm4b:s12+s3] =	stream.linear.scatter [tilespmem:s13], [sflag:$0x3], $0x80, $0x38;
	[tilespmem:$0x10C00] =	vst v63  }
0x111: {  	s29 =	simm.s32 $0xA358;
	s25 =	sadd.s32 $0x30, s4  }
0x112: {  	[hbm4b:s25+s3] =	stream.linear.scatter [tilespmem:s29], [sflag:$0x3], $0x80, $0x38;
	[tilespmem:$0x10C00] =	vst v63  }
0x113: {  	s9 =	sadd.s32 $0x40, s4;
	s10 =	simm.s32 $0xA3E0  }
0x114: {  	[hbm4b:s9+s3] =	stream.linear.scatter [tilespmem:s10], [sflag:$0x3], $0x80, $0x38;
	[tilespmem:$0x10C00] =	vst v63  }
0x115: {  	s11 =	sadd.s32 $0x50, s4;
	s12 =	simm.s32 $0xA468  }
0x116: {  	[hbm4b:s11+s3] =	stream.linear.scatter [tilespmem:s12], [sflag:$0x3], $0x80, $0x38;
	[tilespmem:$0x10C00] =	vst v63  }
0x117: {  	s13 =	sadd.s32 $0x60, s4;
	s25 =	simm.s32 $0xA4F0  }
0x118: {  	[hbm4b:s13+s3] =	stream.linear.scatter [tilespmem:s25], [sflag:$0x3], $0x80, $0x38;
	[tilespmem:$0x10C00] =	vst v63  }
0x119: {  	s4 =	sadd.s32 $0x70, s4;
	s29 =	simm.s32 $0xA578  }
0x11a: {  	[hbm4b:s4+s3] =	stream.linear.scatter [tilespmem:s29], [sflag:$0x3], $0x80, $0x38;
	[tilespmem:$0x10C00] =	vst v63  }
0x11b: {  	s9 =	simm.s32 $0xA600;
	s4 =	sadd.s32 s5, s16  }
0x11c: {  	[hbm4b:s4+s3] =	stream.linear.scatter [tilespmem:s9], [sflag:$0x3], $0x80, $0x38;
	[tilespmem:$0x10C00] =	vst v63  }
0x11d: {  	s11 =	simm.s32 $0xA688;
	s10 =	sadd.s32 $0x10, s4  }
0x11e: {  	[hbm4b:s10+s3] =	stream.linear.scatter [tilespmem:s11], [sflag:$0x3], $0x80, $0x38;
	[tilespmem:$0x10C00] =	vst v63  }
0x11f: {  	s13 =	simm.s32 $0xA710;
	s12 =	sadd.s32 $0x20, s4  }
0x120: {  	[hbm4b:s12+s3] =	stream.linear.scatter [tilespmem:s13], [sflag:$0x3], $0x80, $0x38;
	[tilespmem:$0x10C00] =	vst v63  }
0x121: {  	s29 =	simm.s32 $0xA798;
	s25 =	sadd.s32 $0x30, s4  }
0x122: {  	[hbm4b:s25+s3] =	stream.linear.scatter [tilespmem:s29], [sflag:$0x3], $0x80, $0x38;
	[tilespmem:$0x10C00] =	vst v63  }
0x123: {  	s9 =	sadd.s32 $0x40, s4;
	s10 =	simm.s32 $0xA820  }
0x124: {  	[hbm4b:s9+s3] =	stream.linear.scatter [tilespmem:s10], [sflag:$0x3], $0x80, $0x38;
	[tilespmem:$0x10C00] =	vst v63  }
0x125: {  	s11 =	sadd.s32 $0x50, s4;
	s12 =	simm.s32 $0xA8A8  }
0x126: {  	[hbm4b:s11+s3] =	stream.linear.scatter [tilespmem:s12], [sflag:$0x3], $0x80, $0x38;
	[tilespmem:$0x10C00] =	vst v63  }
0x127: {  	s13 =	sadd.s32 $0x60, s4;
	s25 =	simm.s32 $0xA930  }
0x128: {  	[hbm4b:s13+s3] =	stream.linear.scatter [tilespmem:s25], [sflag:$0x3], $0x80, $0x38;
	[tilespmem:$0x10C00] =	vst v63  }
0x129: {  	s4 =	sadd.s32 $0x70, s4;
	s29 =	simm.s32 $0xA9B8  }
0x12a: {  	[hbm4b:s4+s3] =	stream.linear.scatter [tilespmem:s29], [sflag:$0x3], $0x80, $0x38;
	[tilespmem:$0x10C00] =	vst v63  }
0x12b: {  	s9 =	simm.s32 $0xAA40;
	s4 =	sadd.s32 s5, s17  }
0x12c: {  	[hbm4b:s4+s3] =	stream.linear.scatter [tilespmem:s9], [sflag:$0x3], $0x80, $0x38;
	[tilespmem:$0x10C00] =	vst v63  }
0x12d: {  	s11 =	simm.s32 $0xAAC8;
	s10 =	sadd.s32 $0x10, s4  }
0x12e: {  	[hbm4b:s10+s3] =	stream.linear.scatter [tilespmem:s11], [sflag:$0x3], $0x80, $0x38;
	[tilespmem:$0x10C00] =	vst v63  }
0x12f: {  	s13 =	simm.s32 $0xAB50;
	s12 =	sadd.s32 $0x20, s4  }
0x130: {  	[hbm4b:s12+s3] =	stream.linear.scatter [tilespmem:s13], [sflag:$0x3], $0x80, $0x38;
	[tilespmem:$0x10C00] =	vst v63  }
0x131: {  	s29 =	simm.s32 $0xABD8;
	s25 =	sadd.s32 $0x30, s4  }
0x132: {  	[hbm4b:s25+s3] =	stream.linear.scatter [tilespmem:s29], [sflag:$0x3], $0x80, $0x38;
	[tilespmem:$0x10C00] =	vst v63  }
0x133: {  	s9 =	sadd.s32 $0x40, s4;
	s10 =	simm.s32 $0xAC60  }
0x134: {  	[hbm4b:s9+s3] =	stream.linear.scatter [tilespmem:s10], [sflag:$0x3], $0x80, $0x38;
	[tilespmem:$0x10C00] =	vst v63  }
0x135: {  	s11 =	sadd.s32 $0x50, s4;
	s12 =	simm.s32 $0xACE8  }
0x136: {  	[hbm4b:s11+s3] =	stream.linear.scatter [tilespmem:s12], [sflag:$0x3], $0x80, $0x38;
	[tilespmem:$0x10C00] =	vst v63  }
0x137: {  	s13 =	sadd.s32 $0x60, s4;
	s25 =	simm.s32 $0xAD70  }
0x138: {  	[hbm4b:s13+s3] =	stream.linear.scatter [tilespmem:s25], [sflag:$0x3], $0x80, $0x38;
	[tilespmem:$0x10C00] =	vst v63  }
0x139: {  	s4 =	sadd.s32 $0x70, s4;
	s29 =	simm.s32 $0xADF8  }
0x13a: {  	[hbm4b:s4+s3] =	stream.linear.scatter [tilespmem:s29], [sflag:$0x3], $0x80, $0x38;
	[tilespmem:$0x10C00] =	vst v63  }
0x13b: {  	s9 =	simm.s32 $0xAE80;
	s4 =	sadd.s32 s5, s18  }
0x13c: {  	[hbm4b:s4+s3] =	stream.linear.scatter [tilespmem:s9], [sflag:$0x3], $0x80, $0x38;
	[tilespmem:$0x10C00] =	vst v63  }
0x13d: {  	s11 =	simm.s32 $0xAF08;
	s10 =	sadd.s32 $0x10, s4  }
0x13e: {  	[hbm4b:s10+s3] =	stream.linear.scatter [tilespmem:s11], [sflag:$0x3], $0x80, $0x38;
	[tilespmem:$0x10C00] =	vst v63  }
0x13f: {  	s13 =	simm.s32 $0xAF90;
	s12 =	sadd.s32 $0x20, s4  }
0x140: {  	[hbm4b:s12+s3] =	stream.linear.scatter [tilespmem:s13], [sflag:$0x3], $0x80, $0x38;
	[tilespmem:$0x10C00] =	vst v63  }
0x141: {  	s29 =	simm.s32 $0xB018;
	s25 =	sadd.s32 $0x30, s4  }
0x142: {  	[hbm4b:s25+s3] =	stream.linear.scatter [tilespmem:s29], [sflag:$0x3], $0x80, $0x38;
	[tilespmem:$0x10C00] =	vst v63  }
0x143: {  	s9 =	sadd.s32 $0x40, s4;
	s10 =	simm.s32 $0xB0A0  }
0x144: {  	[hbm4b:s9+s3] =	stream.linear.scatter [tilespmem:s10], [sflag:$0x3], $0x80, $0x38;
	[tilespmem:$0x10C00] =	vst v63  }
0x145: {  	s11 =	sadd.s32 $0x50, s4;
	s12 =	simm.s32 $0xB128  }
0x146: {  	[hbm4b:s11+s3] =	stream.linear.scatter [tilespmem:s12], [sflag:$0x3], $0x80, $0x38;
	[tilespmem:$0x10C00] =	vst v63  }
0x147: {  	s13 =	sadd.s32 $0x60, s4;
	s25 =	simm.s32 $0xB1B0  }
0x148: {  	[hbm4b:s13+s3] =	stream.linear.scatter [tilespmem:s25], [sflag:$0x3], $0x80, $0x38;
	[tilespmem:$0x10C00] =	vst v63  }
0x149: {  	s4 =	sadd.s32 $0x70, s4;
	s29 =	simm.s32 $0xB238  }
0x14a: {  	[hbm4b:s4+s3] =	stream.linear.scatter [tilespmem:s29], [sflag:$0x3], $0x80, $0x38;
	[tilespmem:$0x10C00] =	vst v63  }
0x14b: {  	s9 =	simm.s32 $0xB2C0;
	s4 =	sadd.s32 s5, s19  }
0x14c: {  	[hbm4b:s4+s3] =	stream.linear.scatter [tilespmem:s9], [sflag:$0x3], $0x80, $0x38;
	[tilespmem:$0x10C00] =	vst v63  }
0x14d: {  	s11 =	simm.s32 $0xB348;
	s10 =	sadd.s32 $0x10, s4  }
0x14e: {  	[hbm4b:s10+s3] =	stream.linear.scatter [tilespmem:s11], [sflag:$0x3], $0x80, $0x38;
	[tilespmem:$0x10C00] =	vst v63  }
0x14f: {  	s13 =	simm.s32 $0xB3D0;
	s12 =	sadd.s32 $0x20, s4  }
0x150: {  	[hbm4b:s12+s3] =	stream.linear.scatter [tilespmem:s13], [sflag:$0x3], $0x80, $0x38;
	[tilespmem:$0x10C00] =	vst v63  }
0x151: {  	s29 =	simm.s32 $0xB458;
	s25 =	sadd.s32 $0x30, s4  }
0x152: {  	[hbm4b:s25+s3] =	stream.linear.scatter [tilespmem:s29], [sflag:$0x3], $0x80, $0x38;
	[tilespmem:$0x10C00] =	vst v63  }
0x153: {  	s9 =	sadd.s32 $0x40, s4;
	s10 =	simm.s32 $0xB4E0  }
0x154: {  	[hbm4b:s9+s3] =	stream.linear.scatter [tilespmem:s10], [sflag:$0x3], $0x80, $0x38;
	[tilespmem:$0x10C00] =	vst v63  }
0x155: {  	s11 =	sadd.s32 $0x50, s4;
	s12 =	simm.s32 $0xB568  }
0x156: {  	[hbm4b:s11+s3] =	stream.linear.scatter [tilespmem:s12], [sflag:$0x3], $0x80, $0x38;
	[tilespmem:$0x10C00] =	vst v63  }
0x157: {  	s13 =	sadd.s32 $0x60, s4;
	s25 =	simm.s32 $0xB5F0  }
0x158: {  	[hbm4b:s13+s3] =	stream.linear.scatter [tilespmem:s25], [sflag:$0x3], $0x80, $0x38;
	[tilespmem:$0x10C00] =	vst v63  }
0x159: {  	s4 =	sadd.s32 $0x70, s4;
	s29 =	simm.s32 $0xB678  }
0x15a: {  	[hbm4b:s4+s3] =	stream.linear.scatter [tilespmem:s29], [sflag:$0x3], $0x80, $0x38;
	[tilespmem:$0x10C00] =	vst v63  }
0x15b: {  	s9 =	simm.s32 $0xB700;
	s4 =	sadd.s32 s5, s20  }
0x15c: {  	[hbm4b:s4+s3] =	stream.linear.scatter [tilespmem:s9], [sflag:$0x3], $0x80, $0x38;
	[tilespmem:$0x10C00] =	vst v63  }
0x15d: {  	s11 =	simm.s32 $0xB788;
	s10 =	sadd.s32 $0x10, s4  }
0x15e: {  	[hbm4b:s10+s3] =	stream.linear.scatter [tilespmem:s11], [sflag:$0x3], $0x80, $0x38;
	[tilespmem:$0x10C00] =	vst v63  }
0x15f: {  	s13 =	simm.s32 $0xB810;
	s12 =	sadd.s32 $0x20, s4  }
0x160: {  	[hbm4b:s12+s3] =	stream.linear.scatter [tilespmem:s13], [sflag:$0x3], $0x80, $0x38;
	[tilespmem:$0x10C00] =	vst v63  }
0x161: {  	s29 =	simm.s32 $0xB898;
	s25 =	sadd.s32 $0x30, s4  }
0x162: {  	[hbm4b:s25+s3] =	stream.linear.scatter [tilespmem:s29], [sflag:$0x3], $0x80, $0x38;
	[tilespmem:$0x10C00] =	vst v63  }
0x163: {  	s9 =	sadd.s32 $0x40, s4;
	s10 =	simm.s32 $0xB920  }
0x164: {  	[hbm4b:s9+s3] =	stream.linear.scatter [tilespmem:s10], [sflag:$0x3], $0x80, $0x38;
	[tilespmem:$0x10C00] =	vst v63  }
0x165: {  	s11 =	sadd.s32 $0x50, s4;
	s12 =	simm.s32 $0xB9A8  }
0x166: {  	[hbm4b:s11+s3] =	stream.linear.scatter [tilespmem:s12], [sflag:$0x3], $0x80, $0x38;
	[tilespmem:$0x10C00] =	vst v63  }
0x167: {  	s13 =	sadd.s32 $0x60, s4;
	s25 =	simm.s32 $0xBA30  }
0x168: {  	[hbm4b:s13+s3] =	stream.linear.scatter [tilespmem:s25], [sflag:$0x3], $0x80, $0x38;
	[tilespmem:$0x10C00] =	vst v63  }
0x169: {  	s4 =	sadd.s32 $0x70, s4;
	s29 =	simm.s32 $0xBAB8  }
0x16a: {  	[hbm4b:s4+s3] =	stream.linear.scatter [tilespmem:s29], [sflag:$0x3], $0x80, $0x38;
	[tilespmem:$0x10C00] =	vst v63  }
0x16b: {  	s9 =	simm.s32 $0xBB40;
	s4 =	sadd.s32 s5, s21  }
0x16c: {  	[hbm4b:s4+s3] =	stream.linear.scatter [tilespmem:s9], [sflag:$0x3], $0x80, $0x38;
	[tilespmem:$0x10C00] =	vst v63  }
0x16d: {  	s11 =	simm.s32 $0xBBC8;
	s10 =	sadd.s32 $0x10, s4  }
0x16e: {  	[hbm4b:s10+s3] =	stream.linear.scatter [tilespmem:s11], [sflag:$0x3], $0x80, $0x38;
	[tilespmem:$0x10C00] =	vst v63  }
0x16f: {  	s13 =	simm.s32 $0xBC50;
	s12 =	sadd.s32 $0x20, s4  }
0x170: {  	[hbm4b:s12+s3] =	stream.linear.scatter [tilespmem:s13], [sflag:$0x3], $0x80, $0x38;
	[tilespmem:$0x10C00] =	vst v63  }
0x171: {  	s29 =	simm.s32 $0xBCD8;
	s25 =	sadd.s32 $0x30, s4  }
0x172: {  	[hbm4b:s25+s3] =	stream.linear.scatter [tilespmem:s29], [sflag:$0x3], $0x80, $0x38;
	[tilespmem:$0x10C00] =	vst v63  }
0x173: {  	s10 =	sadd.s32 $0x40, s4;
	s11 =	simm.s32 $0xBD60  }
0x174: {  	[hbm4b:s10+s3] =	stream.linear.scatter [tilespmem:s11], [sflag:$0x3], $0x80, $0x38;
	[tilespmem:$0x10C00] =	vst v63  }
0x175: {  	s12 =	sadd.s32 $0x50, s4;
	s13 =	simm.s32 $0xBDE8  }
0x176: {  	[hbm4b:s12+s3] =	stream.linear.scatter [tilespmem:s13], [sflag:$0x3], $0x80, $0x38;
	[tilespmem:$0x10C00] =	vst v63  }
0x177: {  	s25 =	sadd.s32 $0x60, s4;
	s29 =	simm.s32 $0xBE70  }
0x178: {  	[hbm4b:s25+s3] =	stream.linear.scatter [tilespmem:s29], [sflag:$0x3], $0x80, $0x38;
	[tilespmem:$0x10C00] =	vst v63  }
0x179: {  	s4 =	sadd.s32 $0x70, s4;
	s10 =	simm.s32 $0xBEF8  }
0x17a: {  	[hbm4b:s4+s3] =	stream.linear.scatter [tilespmem:s10], [sflag:$0x3], $0x80, $0x38;
	[tilespmem:$0x10C00] =	vst v63  }
0x17b: {  	s11 =	simm.s32 $0xBF80;
	s4 =	sadd.s32 s5, s22  }
0x17c: {  	[hbm4b:s4+s3] =	stream.linear.scatter [tilespmem:s11], [sflag:$0x3], $0x80, $0x38;
	[tilespmem:$0x10C00] =	vst v63  }
0x17d: {  	s13 =	simm.s32 $0xC008;
	s12 =	sadd.s32 $0x10, s4  }
0x17e: {  	[hbm4b:s12+s3] =	stream.linear.scatter [tilespmem:s13], [sflag:$0x3], $0x80, $0x38;
	[tilespmem:$0x10C00] =	vst v63  }
0x17f: {  	s29 =	simm.s32 $0xC090;
	s25 =	sadd.s32 $0x20, s4  }
0x180: {  	[hbm4b:s25+s3] =	stream.linear.scatter [tilespmem:s29], [sflag:$0x3], $0x80, $0x38;
	[tilespmem:$0x10C00] =	vst v63  }
0x181: {  	s10 =	sadd.s32 $0x30, s4;
	s11 =	simm.s32 $0xC118  }
0x182: {  	[hbm4b:s10+s3] =	stream.linear.scatter [tilespmem:s11], [sflag:$0x3], $0x80, $0x38;
	[tilespmem:$0x10C00] =	vst v63  }
0x183: {  	s12 =	sadd.s32 $0x40, s4;
	s13 =	simm.s32 $0xC1A0  }
0x184: {  	[hbm4b:s12+s3] =	stream.linear.scatter [tilespmem:s13], [sflag:$0x3], $0x80, $0x38;
	[tilespmem:$0x10C00] =	vst v63  }
0x185: {  	s25 =	sadd.s32 $0x50, s4;
	s29 =	simm.s32 $0xC228  }
0x186: {  	[hbm4b:s25+s3] =	stream.linear.scatter [tilespmem:s29], [sflag:$0x3], $0x80, $0x38;
	[tilespmem:$0x10C00] =	vst v63  }
0x187: {  	s10 =	sadd.s32 $0x60, s4;
	s11 =	simm.s32 $0xC2B0  }
0x188: {  	[hbm4b:s10+s3] =	stream.linear.scatter [tilespmem:s11], [sflag:$0x3], $0x80, $0x38;
	[tilespmem:$0x10C00] =	vst v63  }
0x189: {  	s4 =	sadd.s32 $0x70, s4;
	s12 =	simm.s32 $0xC338  }
0x18a: {  	[hbm4b:s4+s3] =	stream.linear.scatter [tilespmem:s12], [sflag:$0x3], $0x80, $0x38;
	[tilespmem:$0x10C00] =	vst v63  }
0x18b: {  	s13 =	simm.s32 $0xC3C0;
	s4 =	sadd.s32 s5, s23  }
0x18c: {  	[hbm4b:s4+s3] =	stream.linear.scatter [tilespmem:s13], [sflag:$0x3], $0x80, $0x38;
	[tilespmem:$0x10C00] =	vst v63  }
0x18d: {  	s29 =	simm.s32 $0xC448;
	s25 =	sadd.s32 $0x10, s4  }
0x18e: {  	[hbm4b:s25+s3] =	stream.linear.scatter [tilespmem:s29], [sflag:$0x3], $0x80, $0x38;
	[tilespmem:$0x10C00] =	vst v63  }
0x18f: {  	s9 =	simm.s32 $0xC4D0;
	s8 =	sadd.s32 $0x20, s4  }
0x190: {  	[hbm4b:s8+s3] =	stream.linear.scatter [tilespmem:s9], [sflag:$0x3], $0x80, $0x38;
	[tilespmem:$0x10C00] =	vst v63  }
0x191: {  	s11 =	simm.s32 $0xC558;
	s10 =	sadd.s32 $0x30, s4  }
0x192: {  	[hbm4b:s10+s3] =	stream.linear.scatter [tilespmem:s11], [sflag:$0x3], $0x80, $0x38;
	[tilespmem:$0x10C00] =	vst v63  }
0x193: {  	s12 =	sadd.s32 $0x40, s4;
	s13 =	simm.s32 $0xC5E0  }
0x194: {  	[hbm4b:s12+s3] =	stream.linear.scatter [tilespmem:s13], [sflag:$0x3], $0x80, $0x38;
	[tilespmem:$0x10C00] =	vst v63  }
0x195: {  	s25 =	sadd.s32 $0x50, s4;
	s29 =	simm.s32 $0xC668  }
0x196: {  	[hbm4b:s25+s3] =	stream.linear.scatter [tilespmem:s29], [sflag:$0x3], $0x80, $0x38;
	[tilespmem:$0x10C00] =	vst v63  }
0x197: {  	s8 =	sadd.s32 $0x60, s4;
	s9 =	simm.s32 $0xC6F0  }
0x198: {  	[hbm4b:s8+s3] =	stream.linear.scatter [tilespmem:s9], [sflag:$0x3], $0x80, $0x38;
	[tilespmem:$0x10C00] =	vst v63  }
0x199: {  	s4 =	sadd.s32 $0x70, s4;
	s10 =	simm.s32 $0xC778  }
0x19a: {  	[hbm4b:s4+s3] =	stream.linear.scatter [tilespmem:s10], [sflag:$0x3], $0x80, $0x38;
	[tilespmem:$0x10C00] =	vst v63  }
0x19b: {  	_ =	swait.ge [sflag:s7], $0x1000  }
0x19c: {  	[sflag:s7] =	ssyncset.done $0x0  }
0x19d: {  	[sflag:s7] =	ssyncadd.s32 $0xFFFFF000  }
0x19e: {  	_ =	swait.ge [sflag:s7], $0x1000  }
0x19f: {  	[sflag:s7] =	ssyncset.done $0x0  }
0x1a0: {  	[sflag:s7] =	ssyncadd.s32 $0xFFFFF000  }
0x1a1: {  	_ =	swait.ge [sflag:s7], $0x1000  }
0x1a2: {  	s2 =	sadd.s32 $0x2, s2;
	[sflag:s7] =	ssyncset.done $0x0;
	s11 =	rddreg [dreg:$0x5]  }
0x1a3: {  	[sflag:s7] =	ssyncadd.s32 $0xFFFFF000;
	p1 =	sge.u32 s2, s11  }
0x1a4: {  	_ =	swait.ge [sflag:s7], $0x1000;
	s2 =	sshll.u32 @!p1 s2, $0x6  }
0x1a5: {  	[sflag:s7] =	ssyncset.done $0x0;
	s2 =	sand.u32 @!p1 $0xFFFFF80, s2  }
0x1a6: {  	s4 =	simm.s32 @!p1 $0x0;
	[sflag:s7] =	ssyncadd.s32 $0xFFFFF000;
	s2 =	sadd.s32 @!p1 s14, s2  }
0x1a7: {  	[tilespmem:s4], [sflag:$0x5] =	stream.linear.gather @!p1 [hbm4b:s2+s4], $0x200, $0x38;
	[tilespmem:$0x10C00] =	vst v63  }
0x1a8: {  	s2 =	simm.s32 @!p1 $0x5  }
0x1a9: {  	_ =	swait.ge @!p1 [sflag:s2], $0x200  }
0x1aa: {  	[sflag:s2] =	ssyncset.done @!p1 $0x0  }
0x1ab: {  	s5 =	simm.s32 @!p1 $0x400;
	[sflag:s2] =	ssyncadd.s32 @!p1 $0xFFFFFE00;
	s2 =	simm.s32 @!p1 $0x80  }
0x1ac: {  	[tilespmem:s5], [sflag:$0x1] =	stream.indirect.gather @!p1 [hbm4b:s6+s2], $0x20, s4, s2, $0xb8;
	[tilespmem:$0x10C00] =	vst v63  }
0x1ad: {  	s4 =	simm.s32 @!p1 $0x1400  }
0x1ae: {  	[tilespmem:s4], [sflag:$0x1] =	stream.indirect.gather @!p1 [hbm4b:s6+s2], $0x20, s2, s2, $0xb8;
	[tilespmem:$0x10C00] =	vst v63  }
0x1af: {  	s5 =	simm.s32 @!p1 $0x2400;
	s4 =	simm.s32 @!p1 $0x100  }
0x1b0: {  	[tilespmem:s5], [sflag:$0x1] =	stream.indirect.gather @!p1 [hbm4b:s6+s2], $0x20, s4, s2, $0xb8;
	[tilespmem:$0x10C00] =	vst v63  }
0x1b1: {  	s4 =	simm.s32 @!p1 $0x180;
	s5 =	simm.s32 @!p1 $0x3400  }
0x1b2: {  	[tilespmem:s5], [sflag:$0x1] =	stream.indirect.gather @!p1 [hbm4b:s6+s2], $0x20, s4, s2, $0xb8;
	[tilespmem:$0x10C00] =	vst v63  }
0x1b3: {  	s2 =	simm.s32 @!p0 $0x4  }
0x1b4: {  	_ =	swait.ge @!p0 [sflag:s2], $0x400  }
0x1b5: {  	[sflag:s2] =	ssyncset.done @!p0 $0x0  }
0x1b6: {  	[sflag:s2] =	ssyncadd.s32 @!p0 $0xFFFFFC00  }
0x1b7: {  	_ =	swait.ge @!p0 [sflag:s2], $0x400  }
0x1b8: {  	[sflag:s2] =	ssyncset.done @!p0 $0x0  }
0x1b9: {  	[sflag:s2] =	ssyncadd.s32 @!p0 $0xFFFFFC00  }
0x1ba: {  	_ =	swait.ge @!p0 [sflag:s2], $0x400  }
0x1bb: {  	[sflag:s2] =	ssyncset.done @!p0 $0x0  }
0x1bc: {  	[sflag:s2] =	ssyncadd.s32 @!p0 $0xFFFFFC00  }
0x1bd: {  	_ =	swait.ge @!p0 [sflag:s2], $0x400  }
0x1be: {  	[sflag:s2] =	ssyncset.done @!p0 $0x0  }
0x1bf: {  	[sflag:s2] =	ssyncadd.s32 @!p0 $0xFFFFFC00  }
0x1c0: {  	_ =	swait.ge @!p0 [sflag:s2], $0x400  }
0x1c1: {  	[sflag:s2] =	ssyncset.done @!p0 $0x0  }
0x1c2: {  	[sflag:s2] =	ssyncadd.s32 @!p0 $0xFFFFFC00  }
0x1c3: {  	_ =	swait.ge @!p0 [sflag:s2], $0x400  }
0x1c4: {  	[sflag:s2] =	ssyncset.done @!p0 $0x0  }
0x1c5: {  	[sflag:s2] =	ssyncadd.s32 @!p0 $0xFFFFFC00  }
0x1c6: {  	_ =	swait.ge @!p0 [sflag:s2], $0x400  }
0x1c7: {  	[sflag:s2] =	ssyncset.done @!p0 $0x0  }
0x1c8: {  	[sflag:s2] =	ssyncadd.s32 @!p0 $0xFFFFFC00  }
0x1c9: {  	_ =	swait.ge @!p0 [sflag:s2], $0x400  }
0x1ca: {  	[sflag:s2] =	ssyncset.done @!p0 $0x0  }
0x1cb: {  	[sflag:s2] =	ssyncadd.s32 @!p0 $0xFFFFFC00  }
0x1cc: {  	_ =	swait.ge @!p0 [sflag:s2], $0x400  }
0x1cd: {  	[sflag:s2] =	ssyncset.done @!p0 $0x0  }
0x1ce: {  	[sflag:s2] =	ssyncadd.s32 @!p0 $0xFFFFFC00  }
0x1cf: {  	_ =	swait.ge @!p0 [sflag:s2], $0x400  }
0x1d0: {  	[sflag:s2] =	ssyncset.done @!p0 $0x0  }
0x1d1: {  	[sflag:s2] =	ssyncadd.s32 @!p0 $0xFFFFFC00  }
0x1d2: {  	_ =	swait.ge @!p0 [sflag:s2], $0x400  }
0x1d3: {  	[sflag:s2] =	ssyncset.done @!p0 $0x0  }
0x1d4: {  	[sflag:s2] =	ssyncadd.s32 @!p0 $0xFFFFFC00  }
0x1d5: {  	_ =	swait.ge @!p0 [sflag:s2], $0x400  }
0x1d6: {  	s29 =	simm.s32 $0x6;
	[sflag:s2] =	ssyncset.done @!p0 $0x0  }
0x1d7: {  	s25 =	simm.s32 $0x3;
	s9 =	sand.u32 $0x78, s29;
	[sflag:s2] =	ssyncadd.s32 @!p0 $0xFFFFFC00  }
0x1d8: {  	s8 =	sand.u32 $0x78, s25;
	v6 =	vmov s9;
	_ =	swait.ge @!p0 [sflag:s2], $0x400  }
0x1d9: {  	s12 =	simm.s32 $0x5;
	s13 =	simm.s32 $0x7;
	v5 =	vmov s8;
	v6 =	vshrl.u32 v6, $0x3;
	[sflag:s2] =	ssyncset.done @!p0 $0x0  }
0x1da: {  	s10 =	simm.s32 $0x4;
	v5 =	vshrl.u32 v5, $0x3;
	v6 =	vshll.u32 v6, v1;
	s11 =	simm.s32 $0x0;
	[sflag:s2] =	ssyncadd.s32 @!p0 $0xFFFFFC00  }
0x1db: {  	v5 =	vshll.u32 v5, v1;
	v26 =	vbroadcast v6, $0x0;
	s4 =	sand.u32 $0x78, s12;
	s5 =	sand.u32 $0x78, s13;
	_ =	swait.ge @!p0 [sflag:s2], $0x400  }
0x1dc: {  	v23 =	vbroadcast v5, $0x0;
	s12 =	simm.s32 $0x1;
	v3 =	vmov s4;
	v4 =	vmov s5;
	s4 =	sand.u32 $0x78, s10;
	[sflag:s2] =	ssyncset.done @!p0 $0x0  }
0x1dd: {  	s5 =	sand.u32 $0x18, s11;
	v7 =	vmov s4;
	v4 =	vshrl.u32 v4, $0x3;
	s4 =	sand.u32 $0x78, s12;
	v3 =	vshrl.u32 v3, $0x3;
	[sflag:s2] =	ssyncadd.s32 @!p0 $0xFFFFFC00  }
0x1de: {  	s13 =	simm.s32 $0x2;
	v8 =	vmov s5;
	v9 =	vmov s4;
	v4 =	vshll.u32 v4, v1;
	_ =	swait.ge @!p0 [sflag:s2], $0x400  }
0x1df: {  	s25 =	sand.u32 $0x78, s13;
	s5 =	simm.s32 $0x0;
	v3 =	vshll.u32 v3, v1;
	v5 =	vshrl.u32 v7, $0x3;
	v8 =	vmul.u32 $0x88, v8;
	[sflag:s2] =	ssyncset.done @!p0 $0x0  }
0x1e0: {  	s29 =	sand.u32 $0x78, s5;
	v6 =	vshrl.u32 v9, $0x3;
	v9 =	vmov s25;
	v7 =	vbroadcast v4, $0x0;
	[sflag:s2] =	ssyncadd.s32 @!p0 $0xFFFFFC00  }
0x1e1: {  	v5 =	vshll.u32 v5, v1;
	v11 =	vbroadcast v3, $0x0;
	v3 =	vmov s29;
	_ =	swait.ge @!p0 [sflag:s2], $0x400  }
0x1e2: {  	v6 =	vshll.u32 v6, v1;
	v4 =	vshrl.u32 v9, $0x3;
	v3 =	vshrl.u32 v3, $0x3;
	[sflag:s2] =	ssyncset.done @!p0 $0x0  }
0x1e3: {  	v8 =	vbroadcast v8, $0x0;
	v15 =	vbroadcast v5, $0x0;
	v4 =	vshll.u32 v4, v1;
	[sflag:s2] =	ssyncadd.s32 @!p0 $0xFFFFFC00;
	s2 =	simm.s32 $0x44F0  }
0x1e4: {  	v3 =	vshll.u32 v3, v1;
	v14 =	vbroadcast v6, $0x0;
	v27 =	vbroadcast v4, $0x0;
	v4 =	vld [tilespmem:s2+$0xFFFFFFF0]  }
0x1e5: {  	v18 =	vadd.s32 v0, v8;
	v16 =	vbroadcast v3, $0x0;
	v13 =	vadd.s32 v2, v8;
	v5 =	vld [tilespmem:s2+$0xFFFFFFA0]  }
0x1e6: {  	v8 =	vadd.s32 v14, v18;
	v3 =	vadd.s32 v26, v13;
	v21 =	vadd.s32 v15, v18;
	v6 =	vld [tilespmem:s2+$0x0]  }
0x1e7: {  	v17 =	vadd.s32 v11, v18;
	v12 =	vadd.s32 v23, v13;
	v23 =	vadd.s32 v23, v18;
	v10 =	vld [tilespmem:s2+$0xFFFFFFD0]  }
0x1e8: {  	v26 =	vadd.s32 v26, v18;
	v19 =	vadd.s32 v27, v18;
	v3 =	vor.u32 $0x6, v3;
	v9 =	vld [tilespmem:s2+$0xFFFFFFC0]  }
0x1e9: {  	v22 =	vor.u32 $0x5, v17;
	v17 =	vadd.s32 v7, v18;
	v20 =	vor.u32 $0x1, v8;
	v25 =	vld [tilespmem:s2+$0xFFFFFFB0]  }
0x1ea: {  	v8 =	vadd.s32 v14, v13;
	v14 =	vor.u32 $0x4, v21;
	v27 =	vadd.s32 v27, v13;
	v24 =	vld [tilespmem:s2+$0xFFFFFF30]  }
0x1eb: {  	s8 =	simm.s32 $0x45F0;
	v17 =	vor.u32 $0x7, v17;
	v8 =	vor.u32 $0x1, v8;
	v19 =	vor.u32 $0x2, v19;
	v21 =	vld [tilespmem:s2+$0xFFFFFF50]  }
.LBB2_5:
0x1ec: {  	s4 =	sadd.s32 $0x9, s5  }
0x1ed: {  	s29 =	sadd.s32 $0xA, s5;
	v28 =	vld [tilespmem:s8+$0xFFFFFFF0];
	v18 =	vadd.s32 v16, v18;
	v27 =	vor.u32 $0x2, v27;
	v15 =	vadd.s32 v15, v13;
	s9 =	smov.u32 s5;
	s5 =	sadd.s32 $0x8, s5  }
0x1ee: {  	v11 =	vadd.s32 v11, v13;
	s10 =	sshrl.u32 s5, $0x4;
	s11 =	sadd.s32 $0xD, s9;
	s12 =	sadd.s32 $0xF, s9;
	v29 =	vld [tilespmem:s2+$0xFFFFFF60];
	v30 =	vor.u32 $0x4, v15;
	v15 =	vor.u32 $0x6, v26  }
0x1ef: {  	v16 =	vadd.s32 v16, v13;
	v7 =	vadd.s32 v7, v13;
	s13 =	sadd.s32 $0xB, s9;
	v11 =	vor.u32 $0x5, v11;
	s11 =	sand.u32 $0x78, s11;
	s12 =	sand.u32 $0x78, s12;
	v26 =	vld [tilespmem:s2+$0xFFFFFF40];
	[tilespmem:v22+s24+$0x0] =	vst.idx.msk $0xffff, v25  }
0x1f0: {  	s25 =	sadd.s32 $0xC, s9;
	s9 =	sadd.s32 $0xE, s9;
	s13 =	sand.u32 $0x78, s13;
	v13 =	vmov s11;
	v22 =	vmov s12;
	[tilespmem:v20+s24+$0x0] =	vst.idx.msk $0xffff, v24;
	v20 =	vor.u32 $0x3, v23;
	v23 =	vld [tilespmem:s2+$0xFFFFFF90]  }
0x1f1: {  	s10 =	sand.u32 $0x18, s10;
	s9 =	sand.u32 $0x78, s9;
	v24 =	vmov s13;
	s11 =	sand.u32 $0x78, s25;
	v22 =	vshrl.u32 v22, $0x3;
	v25 =	vld [tilespmem:s2+$0xFFFFFF10];
	[tilespmem:v19+s24+$0x0] =	vst.idx.msk $0xffff, v21;
	v19 =	vor.u32 $0x7, v7  }
0x1f2: {  	v12 =	vor.u32 $0x3, v12;
	s4 =	sand.u32 $0x78, s4;
	p0 =	slt.u32 s5, $0x1F8;
	v7 =	vshrl.u32 v24, $0x3;
	v21 =	vmov s9;
	v24 =	vld [tilespmem:s2+$0xFFFFFF20];
	[tilespmem:v17+s24+$0x0] =	vst.idx.msk $0xffff, v4;
	v4 =	vmovc v28  }
0x1f3: {  	v13 =	vshrl.u32 v13, $0x3;
	v17 =	vmov s11;
	v21 =	vshrl.u32 v21, $0x3;
	[tilespmem:v27+s24+$0x0] =	vst.idx.msk $0xffff, v29;
	v27 =	vld [tilespmem:s2+$0xFFFFFFE0]  }
0x1f4: {  	v28 =	vmov s10;
	v7 =	vshll.u32 v7, v1;
	v21 =	vshll.u32 v21, v1;
	v29 =	vld [tilespmem:s2+$0xFFFFFF70];
	[tilespmem:v15+s24+$0x0] =	vst.idx.msk $0xffff, v10  }
0x1f5: {  	v10 =	vmov s4;
	s4 =	sand.u32 $0x78, s29;
	v31 =	vbroadcast v21, $0x0;
	v15 =	vshll.u32 v22, v1;
	[tilespmem:v14+s24+$0x0] =	vst.idx.msk $0xffff, v23  }
0x1f6: {  	v13 =	vshll.u32 v13, v1;
	v10 =	vshrl.u32 v10, $0x3;
	v14 =	vmov s4;
	[tilespmem:v18+s24+$0x0] =	vst.idx.msk $0xffff, v25  }
0x1f7: {  	v17 =	vshrl.u32 v17, $0x3;
	v23 =	vbroadcast v7, $0x0;
	v7 =	vbroadcast v15, $0x0;
	[tilespmem:v16+s24+$0x0] =	vst.idx.msk $0xffff, v24  }
0x1f8: {  	v15 =	vshll.u32 v17, v1;
	v10 =	vshll.u32 v10, v1;
	v14 =	vshrl.u32 v14, $0x3;
	v17 =	vld [tilespmem:s2+$0xFFFFFF80];
	[tilespmem:v11+s24+$0x0] =	vst.idx.msk $0xffff, v9;
	s2 =	smov.u32 s8  }
0x1f9: {  	s4 =	sand.u32 $0x78, s5;
	v14 =	vshll.u32 v14, v1;
	v9 =	vmul.u32 $0x88, v28;
	v11 =	vbroadcast v13, $0x0;
	[tilespmem:v20+s24+$0x0] =	vst.idx.msk $0xffff, v29  }
0x1fa: {  	v15 =	vbroadcast v15, $0x0;
	v13 =	vmov s4;
	v28 =	vbroadcast v14, $0x0;
	[tilespmem:v30+s24+$0x0] =	vst.idx.msk $0xffff, v5  }
0x1fb: {  	v5 =	vshrl.u32 v13, $0x3;
	v9 =	vbroadcast v9, $0x0;
	[tilespmem:v19+s24+$0x0] =	vst.idx.msk $0xffff, v6  }
0x1fc: {  	v14 =	vbroadcast v10, $0x0;
	v5 =	vshll.u32 v5, v1;
	[tilespmem:v8+s24+$0x0] =	vst.idx.msk $0xffff, v26  }
0x1fd: {  	v18 =	vadd.s32 v0, v9;
	v16 =	vbroadcast v5, $0x0;
	v13 =	vadd.s32 v2, v9;
	v5 =	vld [tilespmem:s8+$0xFFFFFFA0];
	[tilespmem:v3+s24+$0x0] =	vst.idx.msk $0xffff, v27  }
0x1fe: {  	v8 =	vadd.s32 v14, v18;
	v19 =	vadd.s32 v28, v18;
	v3 =	vadd.s32 v31, v13;
	v6 =	vld [tilespmem:s8+$0x0]  }
.Ltmp1:
0x1ff: {  	v21 =	vadd.s32 v15, v18;
	v20 =	vadd.s32 v11, v18;
	v3 =	vor.u32 $0x6, v3;
	v10 =	vld [tilespmem:s8+$0xFFFFFFD0];
	[tilespmem:v12+s24+$0x0] =	vst.idx.msk $0xffff, v17;
	(pc) =	sbr.rel @p0 .LBB2_5-.Ltmp1, $4  }
0x200: {  	v22 =	vor.u32 $0x5, v20;
	v12 =	vadd.s32 v23, v13;
	v17 =	vadd.s32 v7, v18;
	v9 =	vld [tilespmem:s8+$0xFFFFFFC0]  }
0x201: {  	v20 =	vor.u32 $0x1, v8;
	v8 =	vadd.s32 v14, v13;
	v17 =	vor.u32 $0x7, v17;
	v25 =	vld [tilespmem:s8+$0xFFFFFFB0]  }
0x202: {  	v19 =	vor.u32 $0x2, v19;
	v14 =	vor.u32 $0x4, v21;
	v8 =	vor.u32 $0x1, v8;
	v24 =	vld [tilespmem:s8+$0xFFFFFF30]  }
0x203: {  	v27 =	vadd.s32 v28, v13;
	v26 =	vadd.s32 v31, v18;
	v23 =	vadd.s32 v23, v18;
	s8 =	sadd.s32 $0x100, s8;
	v21 =	vld [tilespmem:s2+$0xFFFFFF50]  }
0x204: {  	_ =	sdelay $0x2  }
0x205: {  	v27 =	vor.u32 $0x2, v27;
	v28 =	vld [tilespmem:s2+$0xFFFFFF60]  }
0x206: {  	v26 =	vor.u32 $0x6, v26;
	v29 =	vld [tilespmem:s2+$0xFFFFFF40];
	[tilespmem:v17+s24+$0x0] =	vst.idx.msk $0xffff, v4  }
0x207: {  	v53 =	vld [tilespmem:s2+$0xFFFFFF90];
	[tilespmem:v22+s24+$0x0] =	vst.idx.msk $0xffff, v25  }
0x208: {  	v18 =	vadd.s32 v16, v18;
	v54 =	vld [tilespmem:s2+$0xFFFFFF10];
	[tilespmem:v20+s24+$0x0] =	vst.idx.msk $0xffff, v24  }
0x209: {  	v59 =	vor.u32 $0x3, v23;
	v60 =	vld [tilespmem:s2+$0xFFFFFF70];
	[tilespmem:v19+s24+$0x0] =	vst.idx.msk $0xffff, v21  }
0x20a: {  	v56 =	vld [tilespmem:s2+$0xFFFFFF20];
	[tilespmem:v27+s24+$0x0] =	vst.idx.msk $0xffff, v28  }
0x20b: {  	v11 =	vadd.s32 v11, v13;
	v55 =	vadd.s32 v16, v13;
	v58 =	vld [tilespmem:s2+$0xFFFFFFE0];
	[tilespmem:v26+s24+$0x0] =	vst.idx.msk $0xffff, v10  }
0x20c: {  	v15 =	vadd.s32 v15, v13;
	v57 =	vor.u32 $0x5, v11;
	[tilespmem:v14+s24+$0x0] =	vst.idx.msk $0xffff, v53  }
0x20d: {  	v7 =	vadd.s32 v7, v13;
	v61 =	vor.u32 $0x4, v15;
	[tilespmem:v18+s24+$0x0] =	vst.idx.msk $0xffff, v54  }
0x20e: {  	v62 =	vld [tilespmem:s2+$0xFFFFFF80];
	v7 =	vor.u32 $0x7, v7;
	[tilespmem:v59+s24+$0x0] =	vst.idx.msk $0xffff, v60  }
0x20f: {  	[tilespmem:v8+s24+$0x0] =	vst.idx.msk $0xffff, v29  }
0x210: {  	v63 =	vor.u32 $0x3, v12;
	s1 =	sshll.u32 s1, $0x2;
	[tilespmem:v55+s24+$0x0] =	vst.idx.msk $0xffff, v56  }
0x211: {  	s1 =	sand.u32 $0x7C, s1;
	[tilespmem:v57+s24+$0x0] =	vst.idx.msk $0xffff, v9  }
0x212: {  	s0 =	sor.u32 s0, s1;
	[tilespmem:v61+s24+$0x0] =	vst.idx.msk $0xffff, v5  }
0x213: {  	s0 =	sshll.u32 s0, $0x7;
	[tilespmem:v7+s24+$0x0] =	vst.idx.msk $0xffff, v6  }
0x214: {  	s12 =	rddreg [dreg:$0x1];
	s0 =	sand.u32 $0x1FFF3E00, s0;
	[tilespmem:v3+s24+$0x0] =	vst.idx.msk $0xffff, v58  }
0x215: {  	s1 =	sadd.s32 s12, s0;
	[tilespmem:v63+s24+$0x0] =	vst.idx.msk $0xffff, v62  }
0x216: {  	[hbm4b:s1+s3] =	stream.linear.scatter [tilespmem:s24], [sflag:$0x4], $0x80, $0x38;
	[tilespmem:$0x10C00] =	vst v63  }
0x217: {  	s4 =	simm.s32 $0xC888;
	s13 =	sadd.s32 $0x10, s1  }
0x218: {  	[hbm4b:s13+s3] =	stream.linear.scatter [tilespmem:s4], [sflag:$0x4], $0x80, $0x38;
	[tilespmem:$0x10C00] =	vst v63  }
0x219: {  	s29 =	simm.s32 $0xC910;
	s25 =	sadd.s32 $0x20, s1  }
0x21a: {  	[hbm4b:s25+s3] =	stream.linear.scatter [tilespmem:s29], [sflag:$0x4], $0x80, $0x38;
	[tilespmem:$0x10C00] =	vst v63  }
0x21b: {  	s8 =	simm.s32 $0xC998;
	s5 =	sadd.s32 $0x30, s1  }
0x21c: {  	[hbm4b:s5+s3] =	stream.linear.scatter [tilespmem:s8], [sflag:$0x4], $0x80, $0x38;
	[tilespmem:$0x10C00] =	vst v63  }
0x21d: {  	s10 =	simm.s32 $0xCA20;
	s9 =	sadd.s32 $0x40, s1  }
0x21e: {  	[hbm4b:s9+s3] =	stream.linear.scatter [tilespmem:s10], [sflag:$0x4], $0x80, $0x38;
	[tilespmem:$0x10C00] =	vst v63  }
0x21f: {  	s12 =	simm.s32 $0xCAA8;
	s11 =	sadd.s32 $0x50, s1  }
0x220: {  	[hbm4b:s11+s3] =	stream.linear.scatter [tilespmem:s12], [sflag:$0x4], $0x80, $0x38;
	[tilespmem:$0x10C00] =	vst v63  }
0x221: {  	s13 =	sadd.s32 $0x60, s1;
	s25 =	simm.s32 $0xCB30  }
0x222: {  	[hbm4b:s13+s3] =	stream.linear.scatter [tilespmem:s25], [sflag:$0x4], $0x80, $0x38;
	[tilespmem:$0x10C00] =	vst v63  }
0x223: {  	s1 =	sadd.s32 $0x70, s1;
	s4 =	rddreg [dreg:$0x6];
	s29 =	simm.s32 $0xCBB8  }
0x224: {  	[hbm4b:s1+s3] =	stream.linear.scatter [tilespmem:s29], [sflag:$0x4], $0x80, $0x38;
	[tilespmem:$0x10C00] =	vst v63  }
0x225: {  	s5 =	simm.s32 $0xCC40;
	s1 =	sadd.s32 s0, s4  }
0x226: {  	[hbm4b:s1+s3] =	stream.linear.scatter [tilespmem:s5], [sflag:$0x4], $0x80, $0x38;
	[tilespmem:$0x10C00] =	vst v63  }
0x227: {  	s9 =	simm.s32 $0xCCC8;
	s8 =	sadd.s32 $0x10, s1  }
0x228: {  	[hbm4b:s8+s3] =	stream.linear.scatter [tilespmem:s9], [sflag:$0x4], $0x80, $0x38;
	[tilespmem:$0x10C00] =	vst v63  }
0x229: {  	s11 =	simm.s32 $0xCD50;
	s10 =	sadd.s32 $0x20, s1  }
0x22a: {  	[hbm4b:s10+s3] =	stream.linear.scatter [tilespmem:s11], [sflag:$0x4], $0x80, $0x38;
	[tilespmem:$0x10C00] =	vst v63  }
0x22b: {  	s13 =	simm.s32 $0xCDD8;
	s12 =	sadd.s32 $0x30, s1  }
0x22c: {  	[hbm4b:s12+s3] =	stream.linear.scatter [tilespmem:s13], [sflag:$0x4], $0x80, $0x38;
	[tilespmem:$0x10C00] =	vst v63  }
0x22d: {  	s29 =	simm.s32 $0xCE60;
	s25 =	sadd.s32 $0x40, s1  }
0x22e: {  	[hbm4b:s25+s3] =	stream.linear.scatter [tilespmem:s29], [sflag:$0x4], $0x80, $0x38;
	[tilespmem:$0x10C00] =	vst v63  }
0x22f: {  	s5 =	sadd.s32 $0x50, s1;
	s8 =	simm.s32 $0xCEE8  }
0x230: {  	[hbm4b:s5+s3] =	stream.linear.scatter [tilespmem:s8], [sflag:$0x4], $0x80, $0x38;
	[tilespmem:$0x10C00] =	vst v63  }
0x231: {  	s9 =	sadd.s32 $0x60, s1;
	s10 =	simm.s32 $0xCF70  }
0x232: {  	[hbm4b:s9+s3] =	stream.linear.scatter [tilespmem:s10], [sflag:$0x4], $0x80, $0x38;
	[tilespmem:$0x10C00] =	vst v63  }
0x233: {  	s1 =	sadd.s32 $0x70, s1;
	s11 =	simm.s32 $0xCFF8;
	s12 =	rddreg [dreg:$0x7]  }
0x234: {  	[hbm4b:s1+s3] =	stream.linear.scatter [tilespmem:s11], [sflag:$0x4], $0x80, $0x38;
	[tilespmem:$0x10C00] =	vst v63  }
0x235: {  	s13 =	simm.s32 $0xD080;
	s1 =	sadd.s32 s0, s12  }
0x236: {  	[hbm4b:s1+s3] =	stream.linear.scatter [tilespmem:s13], [sflag:$0x4], $0x80, $0x38;
	[tilespmem:$0x10C00] =	vst v63  }
0x237: {  	s29 =	simm.s32 $0xD108;
	s25 =	sadd.s32 $0x10, s1  }
0x238: {  	[hbm4b:s25+s3] =	stream.linear.scatter [tilespmem:s29], [sflag:$0x4], $0x80, $0x38;
	[tilespmem:$0x10C00] =	vst v63  }
0x239: {  	s5 =	simm.s32 $0xD190;
	s4 =	sadd.s32 $0x20, s1  }
0x23a: {  	[hbm4b:s4+s3] =	stream.linear.scatter [tilespmem:s5], [sflag:$0x4], $0x80, $0x38;
	[tilespmem:$0x10C00] =	vst v63  }
0x23b: {  	s9 =	simm.s32 $0xD218;
	s8 =	sadd.s32 $0x30, s1  }
0x23c: {  	[hbm4b:s8+s3] =	stream.linear.scatter [tilespmem:s9], [sflag:$0x4], $0x80, $0x38;
	[tilespmem:$0x10C00] =	vst v63  }
0x23d: {  	s11 =	simm.s32 $0xD2A0;
	s10 =	sadd.s32 $0x40, s1  }
0x23e: {  	[hbm4b:s10+s3] =	stream.linear.scatter [tilespmem:s11], [sflag:$0x4], $0x80, $0x38;
	[tilespmem:$0x10C00] =	vst v63  }
0x23f: {  	s12 =	sadd.s32 $0x50, s1;
	s13 =	simm.s32 $0xD328  }
0x240: {  	[hbm4b:s12+s3] =	stream.linear.scatter [tilespmem:s13], [sflag:$0x4], $0x80, $0x38;
	[tilespmem:$0x10C00] =	vst v63  }
0x241: {  	s25 =	sadd.s32 $0x60, s1;
	s29 =	simm.s32 $0xD3B0  }
0x242: {  	[hbm4b:s25+s3] =	stream.linear.scatter [tilespmem:s29], [sflag:$0x4], $0x80, $0x38;
	[tilespmem:$0x10C00] =	vst v63  }
0x243: {  	s1 =	sadd.s32 $0x70, s1;
	s5 =	simm.s32 $0xD438;
	s8 =	rddreg [dreg:$0x8]  }
0x244: {  	[hbm4b:s1+s3] =	stream.linear.scatter [tilespmem:s5], [sflag:$0x4], $0x80, $0x38;
	[tilespmem:$0x10C00] =	vst v63  }
0x245: {  	s9 =	simm.s32 $0xD4C0;
	s1 =	sadd.s32 s0, s8  }
0x246: {  	[hbm4b:s1+s3] =	stream.linear.scatter [tilespmem:s9], [sflag:$0x4], $0x80, $0x38;
	[tilespmem:$0x10C00] =	vst v63  }
0x247: {  	s11 =	simm.s32 $0xD548;
	s10 =	sadd.s32 $0x10, s1  }
0x248: {  	[hbm4b:s10+s3] =	stream.linear.scatter [tilespmem:s11], [sflag:$0x4], $0x80, $0x38;
	[tilespmem:$0x10C00] =	vst v63  }
0x249: {  	s13 =	simm.s32 $0xD5D0;
	s12 =	sadd.s32 $0x20, s1  }
0x24a: {  	[hbm4b:s12+s3] =	stream.linear.scatter [tilespmem:s13], [sflag:$0x4], $0x80, $0x38;
	[tilespmem:$0x10C00] =	vst v63  }
0x24b: {  	s29 =	simm.s32 $0xD658;
	s25 =	sadd.s32 $0x30, s1  }
0x24c: {  	[hbm4b:s25+s3] =	stream.linear.scatter [tilespmem:s29], [sflag:$0x4], $0x80, $0x38;
	[tilespmem:$0x10C00] =	vst v63  }
0x24d: {  	s8 =	simm.s32 $0xD6E0;
	s5 =	sadd.s32 $0x40, s1  }
0x24e: {  	[hbm4b:s5+s3] =	stream.linear.scatter [tilespmem:s8], [sflag:$0x4], $0x80, $0x38;
	[tilespmem:$0x10C00] =	vst v63  }
0x24f: {  	s9 =	sadd.s32 $0x50, s1;
	s10 =	simm.s32 $0xD768  }
0x250: {  	[hbm4b:s9+s3] =	stream.linear.scatter [tilespmem:s10], [sflag:$0x4], $0x80, $0x38;
	[tilespmem:$0x10C00] =	vst v63  }
0x251: {  	s11 =	sadd.s32 $0x60, s1;
	s12 =	simm.s32 $0xD7F0  }
0x252: {  	[hbm4b:s11+s3] =	stream.linear.scatter [tilespmem:s12], [sflag:$0x4], $0x80, $0x38;
	[tilespmem:$0x10C00] =	vst v63  }
0x253: {  	s1 =	sadd.s32 $0x70, s1;
	s13 =	simm.s32 $0xD878;
	s25 =	rddreg [dreg:$0x9]  }
0x254: {  	[hbm4b:s1+s3] =	stream.linear.scatter [tilespmem:s13], [sflag:$0x4], $0x80, $0x38;
	[tilespmem:$0x10C00] =	vst v63  }
0x255: {  	s29 =	simm.s32 $0xD900;
	s1 =	sadd.s32 s0, s25  }
0x256: {  	[hbm4b:s1+s3] =	stream.linear.scatter [tilespmem:s29], [sflag:$0x4], $0x80, $0x38;
	[tilespmem:$0x10C00] =	vst v63  }
0x257: {  	s5 =	simm.s32 $0xD988;
	s4 =	sadd.s32 $0x10, s1  }
0x258: {  	[hbm4b:s4+s3] =	stream.linear.scatter [tilespmem:s5], [sflag:$0x4], $0x80, $0x38;
	[tilespmem:$0x10C00] =	vst v63  }
0x259: {  	s9 =	simm.s32 $0xDA10;
	s8 =	sadd.s32 $0x20, s1  }
0x25a: {  	[hbm4b:s8+s3] =	stream.linear.scatter [tilespmem:s9], [sflag:$0x4], $0x80, $0x38;
	[tilespmem:$0x10C00] =	vst v63  }
0x25b: {  	s11 =	simm.s32 $0xDA98;
	s10 =	sadd.s32 $0x30, s1  }
0x25c: {  	[hbm4b:s10+s3] =	stream.linear.scatter [tilespmem:s11], [sflag:$0x4], $0x80, $0x38;
	[tilespmem:$0x10C00] =	vst v63  }
0x25d: {  	s13 =	simm.s32 $0xDB20;
	s12 =	sadd.s32 $0x40, s1  }
0x25e: {  	[hbm4b:s12+s3] =	stream.linear.scatter [tilespmem:s13], [sflag:$0x4], $0x80, $0x38;
	[tilespmem:$0x10C00] =	vst v63  }
0x25f: {  	s25 =	sadd.s32 $0x50, s1;
	s29 =	simm.s32 $0xDBA8  }
0x260: {  	[hbm4b:s25+s3] =	stream.linear.scatter [tilespmem:s29], [sflag:$0x4], $0x80, $0x38;
	[tilespmem:$0x10C00] =	vst v63  }
0x261: {  	s5 =	sadd.s32 $0x60, s1;
	s8 =	simm.s32 $0xDC30  }
0x262: {  	[hbm4b:s5+s3] =	stream.linear.scatter [tilespmem:s8], [sflag:$0x4], $0x80, $0x38;
	[tilespmem:$0x10C00] =	vst v63  }
0x263: {  	s1 =	sadd.s32 $0x70, s1;
	s9 =	simm.s32 $0xDCB8;
	s10 =	rddreg [dreg:$0xa]  }
0x264: {  	[hbm4b:s1+s3] =	stream.linear.scatter [tilespmem:s9], [sflag:$0x4], $0x80, $0x38;
	[tilespmem:$0x10C00] =	vst v63  }
0x265: {  	s11 =	simm.s32 $0xDD40;
	s1 =	sadd.s32 s0, s10  }
0x266: {  	[hbm4b:s1+s3] =	stream.linear.scatter [tilespmem:s11], [sflag:$0x4], $0x80, $0x38;
	[tilespmem:$0x10C00] =	vst v63  }
0x267: {  	s13 =	simm.s32 $0xDDC8;
	s12 =	sadd.s32 $0x10, s1  }
0x268: {  	[hbm4b:s12+s3] =	stream.linear.scatter [tilespmem:s13], [sflag:$0x4], $0x80, $0x38;
	[tilespmem:$0x10C00] =	vst v63  }
0x269: {  	s29 =	simm.s32 $0xDE50;
	s25 =	sadd.s32 $0x20, s1  }
0x26a: {  	[hbm4b:s25+s3] =	stream.linear.scatter [tilespmem:s29], [sflag:$0x4], $0x80, $0x38;
	[tilespmem:$0x10C00] =	vst v63  }
0x26b: {  	s8 =	simm.s32 $0xDED8;
	s5 =	sadd.s32 $0x30, s1  }
0x26c: {  	[hbm4b:s5+s3] =	stream.linear.scatter [tilespmem:s8], [sflag:$0x4], $0x80, $0x38;
	[tilespmem:$0x10C00] =	vst v63  }
0x26d: {  	s10 =	simm.s32 $0xDF60;
	s9 =	sadd.s32 $0x40, s1  }
0x26e: {  	[hbm4b:s9+s3] =	stream.linear.scatter [tilespmem:s10], [sflag:$0x4], $0x80, $0x38;
	[tilespmem:$0x10C00] =	vst v63  }
0x26f: {  	s11 =	sadd.s32 $0x50, s1;
	s12 =	simm.s32 $0xDFE8  }
0x270: {  	[hbm4b:s11+s3] =	stream.linear.scatter [tilespmem:s12], [sflag:$0x4], $0x80, $0x38;
	[tilespmem:$0x10C00] =	vst v63  }
0x271: {  	s13 =	sadd.s32 $0x60, s1;
	s25 =	simm.s32 $0xE070  }
0x272: {  	[hbm4b:s13+s3] =	stream.linear.scatter [tilespmem:s25], [sflag:$0x4], $0x80, $0x38;
	[tilespmem:$0x10C00] =	vst v63  }
0x273: {  	s4 =	rddreg [dreg:$0xb];
	s1 =	sadd.s32 $0x70, s1;
	s29 =	simm.s32 $0xE0F8  }
0x274: {  	[hbm4b:s1+s3] =	stream.linear.scatter [tilespmem:s29], [sflag:$0x4], $0x80, $0x38;
	[tilespmem:$0x10C00] =	vst v63  }
0x275: {  	s5 =	simm.s32 $0xE180;
	s1 =	sadd.s32 s0, s4  }
0x276: {  	[hbm4b:s1+s3] =	stream.linear.scatter [tilespmem:s5], [sflag:$0x4], $0x80, $0x38;
	[tilespmem:$0x10C00] =	vst v63  }
0x277: {  	s9 =	simm.s32 $0xE208;
	s8 =	sadd.s32 $0x10, s1  }
0x278: {  	[hbm4b:s8+s3] =	stream.linear.scatter [tilespmem:s9], [sflag:$0x4], $0x80, $0x38;
	[tilespmem:$0x10C00] =	vst v63  }
0x279: {  	s11 =	simm.s32 $0xE290;
	s10 =	sadd.s32 $0x20, s1  }
0x27a: {  	[hbm4b:s10+s3] =	stream.linear.scatter [tilespmem:s11], [sflag:$0x4], $0x80, $0x38;
	[tilespmem:$0x10C00] =	vst v63  }
0x27b: {  	s13 =	simm.s32 $0xE318;
	s12 =	sadd.s32 $0x30, s1  }
0x27c: {  	[hbm4b:s12+s3] =	stream.linear.scatter [tilespmem:s13], [sflag:$0x4], $0x80, $0x38;
	[tilespmem:$0x10C00] =	vst v63  }
0x27d: {  	s29 =	simm.s32 $0xE3A0;
	s25 =	sadd.s32 $0x40, s1  }
0x27e: {  	[hbm4b:s25+s3] =	stream.linear.scatter [tilespmem:s29], [sflag:$0x4], $0x80, $0x38;
	[tilespmem:$0x10C00] =	vst v63  }
0x27f: {  	s4 =	sadd.s32 $0x50, s1;
	s5 =	simm.s32 $0xE428  }
0x280: {  	[hbm4b:s4+s3] =	stream.linear.scatter [tilespmem:s5], [sflag:$0x4], $0x80, $0x38;
	[tilespmem:$0x10C00] =	vst v63  }
0x281: {  	s8 =	sadd.s32 $0x60, s1;
	s9 =	simm.s32 $0xE4B0  }
0x282: {  	[hbm4b:s8+s3] =	stream.linear.scatter [tilespmem:s9], [sflag:$0x4], $0x80, $0x38;
	[tilespmem:$0x10C00] =	vst v63  }
0x283: {  	s1 =	sadd.s32 $0x70, s1;
	s10 =	simm.s32 $0xE538  }
0x284: {  	[hbm4b:s1+s3] =	stream.linear.scatter [tilespmem:s10], [sflag:$0x4], $0x80, $0x38;
	[tilespmem:$0x10C00] =	vst v63  }
0x285: {  	s11 =	simm.s32 $0xE5C0;
	s1 =	sadd.s32 s0, s15  }
0x286: {  	[hbm4b:s1+s3] =	stream.linear.scatter [tilespmem:s11], [sflag:$0x4], $0x80, $0x38;
	[tilespmem:$0x10C00] =	vst v63  }
0x287: {  	s13 =	simm.s32 $0xE648;
	s12 =	sadd.s32 $0x10, s1  }
0x288: {  	[hbm4b:s12+s3] =	stream.linear.scatter [tilespmem:s13], [sflag:$0x4], $0x80, $0x38;
	[tilespmem:$0x10C00] =	vst v63  }
0x289: {  	s29 =	simm.s32 $0xE6D0;
	s25 =	sadd.s32 $0x20, s1  }
0x28a: {  	[hbm4b:s25+s3] =	stream.linear.scatter [tilespmem:s29], [sflag:$0x4], $0x80, $0x38;
	[tilespmem:$0x10C00] =	vst v63  }
0x28b: {  	s5 =	simm.s32 $0xE758;
	s4 =	sadd.s32 $0x30, s1  }
0x28c: {  	[hbm4b:s4+s3] =	stream.linear.scatter [tilespmem:s5], [sflag:$0x4], $0x80, $0x38;
	[tilespmem:$0x10C00] =	vst v63  }
0x28d: {  	s9 =	simm.s32 $0xE7E0;
	s8 =	sadd.s32 $0x40, s1  }
0x28e: {  	[hbm4b:s8+s3] =	stream.linear.scatter [tilespmem:s9], [sflag:$0x4], $0x80, $0x38;
	[tilespmem:$0x10C00] =	vst v63  }
0x28f: {  	s10 =	sadd.s32 $0x50, s1;
	s11 =	simm.s32 $0xE868  }
0x290: {  	[hbm4b:s10+s3] =	stream.linear.scatter [tilespmem:s11], [sflag:$0x4], $0x80, $0x38;
	[tilespmem:$0x10C00] =	vst v63  }
0x291: {  	s12 =	sadd.s32 $0x60, s1;
	s13 =	simm.s32 $0xE8F0  }
0x292: {  	[hbm4b:s12+s3] =	stream.linear.scatter [tilespmem:s13], [sflag:$0x4], $0x80, $0x38;
	[tilespmem:$0x10C00] =	vst v63  }
0x293: {  	s1 =	sadd.s32 $0x70, s1;
	s25 =	simm.s32 $0xE978  }
0x294: {  	[hbm4b:s1+s3] =	stream.linear.scatter [tilespmem:s25], [sflag:$0x4], $0x80, $0x38;
	[tilespmem:$0x10C00] =	vst v63  }
0x295: {  	s29 =	simm.s32 $0xEA00;
	s1 =	sadd.s32 s0, s16  }
0x296: {  	[hbm4b:s1+s3] =	stream.linear.scatter [tilespmem:s29], [sflag:$0x4], $0x80, $0x38;
	[tilespmem:$0x10C00] =	vst v63  }
0x297: {  	s5 =	simm.s32 $0xEA88;
	s4 =	sadd.s32 $0x10, s1  }
0x298: {  	[hbm4b:s4+s3] =	stream.linear.scatter [tilespmem:s5], [sflag:$0x4], $0x80, $0x38;
	[tilespmem:$0x10C00] =	vst v63  }
0x299: {  	s9 =	simm.s32 $0xEB10;
	s8 =	sadd.s32 $0x20, s1  }
0x29a: {  	[hbm4b:s8+s3] =	stream.linear.scatter [tilespmem:s9], [sflag:$0x4], $0x80, $0x38;
	[tilespmem:$0x10C00] =	vst v63  }
0x29b: {  	s11 =	simm.s32 $0xEB98;
	s10 =	sadd.s32 $0x30, s1  }
0x29c: {  	[hbm4b:s10+s3] =	stream.linear.scatter [tilespmem:s11], [sflag:$0x4], $0x80, $0x38;
	[tilespmem:$0x10C00] =	vst v63  }
0x29d: {  	s13 =	simm.s32 $0xEC20;
	s12 =	sadd.s32 $0x40, s1  }
0x29e: {  	[hbm4b:s12+s3] =	stream.linear.scatter [tilespmem:s13], [sflag:$0x4], $0x80, $0x38;
	[tilespmem:$0x10C00] =	vst v63  }
0x29f: {  	s25 =	sadd.s32 $0x50, s1;
	s29 =	simm.s32 $0xECA8  }
0x2a0: {  	[hbm4b:s25+s3] =	stream.linear.scatter [tilespmem:s29], [sflag:$0x4], $0x80, $0x38;
	[tilespmem:$0x10C00] =	vst v63  }
0x2a1: {  	s4 =	sadd.s32 $0x60, s1;
	s5 =	simm.s32 $0xED30  }
0x2a2: {  	[hbm4b:s4+s3] =	stream.linear.scatter [tilespmem:s5], [sflag:$0x4], $0x80, $0x38;
	[tilespmem:$0x10C00] =	vst v63  }
0x2a3: {  	s1 =	sadd.s32 $0x70, s1;
	s8 =	simm.s32 $0xEDB8  }
0x2a4: {  	[hbm4b:s1+s3] =	stream.linear.scatter [tilespmem:s8], [sflag:$0x4], $0x80, $0x38;
	[tilespmem:$0x10C00] =	vst v63  }
0x2a5: {  	s9 =	simm.s32 $0xEE40;
	s1 =	sadd.s32 s0, s17  }
0x2a6: {  	[hbm4b:s1+s3] =	stream.linear.scatter [tilespmem:s9], [sflag:$0x4], $0x80, $0x38;
	[tilespmem:$0x10C00] =	vst v63  }
0x2a7: {  	s11 =	simm.s32 $0xEEC8;
	s10 =	sadd.s32 $0x10, s1  }
0x2a8: {  	[hbm4b:s10+s3] =	stream.linear.scatter [tilespmem:s11], [sflag:$0x4], $0x80, $0x38;
	[tilespmem:$0x10C00] =	vst v63  }
0x2a9: {  	s13 =	simm.s32 $0xEF50;
	s12 =	sadd.s32 $0x20, s1  }
0x2aa: {  	[hbm4b:s12+s3] =	stream.linear.scatter [tilespmem:s13], [sflag:$0x4], $0x80, $0x38;
	[tilespmem:$0x10C00] =	vst v63  }
0x2ab: {  	s29 =	simm.s32 $0xEFD8;
	s25 =	sadd.s32 $0x30, s1  }
0x2ac: {  	[hbm4b:s25+s3] =	stream.linear.scatter [tilespmem:s29], [sflag:$0x4], $0x80, $0x38;
	[tilespmem:$0x10C00] =	vst v63  }
0x2ad: {  	s5 =	simm.s32 $0xF060;
	s4 =	sadd.s32 $0x40, s1  }
0x2ae: {  	[hbm4b:s4+s3] =	stream.linear.scatter [tilespmem:s5], [sflag:$0x4], $0x80, $0x38;
	[tilespmem:$0x10C00] =	vst v63  }
0x2af: {  	s8 =	sadd.s32 $0x50, s1;
	s9 =	simm.s32 $0xF0E8  }
0x2b0: {  	[hbm4b:s8+s3] =	stream.linear.scatter [tilespmem:s9], [sflag:$0x4], $0x80, $0x38;
	[tilespmem:$0x10C00] =	vst v63  }
0x2b1: {  	s10 =	sadd.s32 $0x60, s1;
	s11 =	simm.s32 $0xF170  }
0x2b2: {  	[hbm4b:s10+s3] =	stream.linear.scatter [tilespmem:s11], [sflag:$0x4], $0x80, $0x38;
	[tilespmem:$0x10C00] =	vst v63  }
0x2b3: {  	s1 =	sadd.s32 $0x70, s1;
	s12 =	simm.s32 $0xF1F8  }
0x2b4: {  	[hbm4b:s1+s3] =	stream.linear.scatter [tilespmem:s12], [sflag:$0x4], $0x80, $0x38;
	[tilespmem:$0x10C00] =	vst v63  }
0x2b5: {  	s13 =	simm.s32 $0xF280;
	s1 =	sadd.s32 s0, s18  }
0x2b6: {  	[hbm4b:s1+s3] =	stream.linear.scatter [tilespmem:s13], [sflag:$0x4], $0x80, $0x38;
	[tilespmem:$0x10C00] =	vst v63  }
0x2b7: {  	s29 =	simm.s32 $0xF308;
	s25 =	sadd.s32 $0x10, s1  }
0x2b8: {  	[hbm4b:s25+s3] =	stream.linear.scatter [tilespmem:s29], [sflag:$0x4], $0x80, $0x38;
	[tilespmem:$0x10C00] =	vst v63  }
0x2b9: {  	s5 =	simm.s32 $0xF390;
	s4 =	sadd.s32 $0x20, s1  }
0x2ba: {  	[hbm4b:s4+s3] =	stream.linear.scatter [tilespmem:s5], [sflag:$0x4], $0x80, $0x38;
	[tilespmem:$0x10C00] =	vst v63  }
0x2bb: {  	s9 =	simm.s32 $0xF418;
	s8 =	sadd.s32 $0x30, s1  }
0x2bc: {  	[hbm4b:s8+s3] =	stream.linear.scatter [tilespmem:s9], [sflag:$0x4], $0x80, $0x38;
	[tilespmem:$0x10C00] =	vst v63  }
0x2bd: {  	s11 =	simm.s32 $0xF4A0;
	s10 =	sadd.s32 $0x40, s1  }
0x2be: {  	[hbm4b:s10+s3] =	stream.linear.scatter [tilespmem:s11], [sflag:$0x4], $0x80, $0x38;
	[tilespmem:$0x10C00] =	vst v63  }
0x2bf: {  	s12 =	sadd.s32 $0x50, s1;
	s13 =	simm.s32 $0xF528  }
0x2c0: {  	[hbm4b:s12+s3] =	stream.linear.scatter [tilespmem:s13], [sflag:$0x4], $0x80, $0x38;
	[tilespmem:$0x10C00] =	vst v63  }
0x2c1: {  	s25 =	sadd.s32 $0x60, s1;
	s29 =	simm.s32 $0xF5B0  }
0x2c2: {  	[hbm4b:s25+s3] =	stream.linear.scatter [tilespmem:s29], [sflag:$0x4], $0x80, $0x38;
	[tilespmem:$0x10C00] =	vst v63  }
0x2c3: {  	s1 =	sadd.s32 $0x70, s1;
	s4 =	simm.s32 $0xF638  }
0x2c4: {  	[hbm4b:s1+s3] =	stream.linear.scatter [tilespmem:s4], [sflag:$0x4], $0x80, $0x38;
	[tilespmem:$0x10C00] =	vst v63  }
0x2c5: {  	s5 =	simm.s32 $0xF6C0;
	s1 =	sadd.s32 s0, s19  }
0x2c6: {  	[hbm4b:s1+s3] =	stream.linear.scatter [tilespmem:s5], [sflag:$0x4], $0x80, $0x38;
	[tilespmem:$0x10C00] =	vst v63  }
0x2c7: {  	s9 =	simm.s32 $0xF748;
	s8 =	sadd.s32 $0x10, s1  }
0x2c8: {  	[hbm4b:s8+s3] =	stream.linear.scatter [tilespmem:s9], [sflag:$0x4], $0x80, $0x38;
	[tilespmem:$0x10C00] =	vst v63  }
0x2c9: {  	s11 =	simm.s32 $0xF7D0;
	s10 =	sadd.s32 $0x20, s1  }
0x2ca: {  	[hbm4b:s10+s3] =	stream.linear.scatter [tilespmem:s11], [sflag:$0x4], $0x80, $0x38;
	[tilespmem:$0x10C00] =	vst v63  }
0x2cb: {  	s13 =	simm.s32 $0xF858;
	s12 =	sadd.s32 $0x30, s1  }
0x2cc: {  	[hbm4b:s12+s3] =	stream.linear.scatter [tilespmem:s13], [sflag:$0x4], $0x80, $0x38;
	[tilespmem:$0x10C00] =	vst v63  }
0x2cd: {  	s29 =	simm.s32 $0xF8E0;
	s25 =	sadd.s32 $0x40, s1  }
0x2ce: {  	[hbm4b:s25+s3] =	stream.linear.scatter [tilespmem:s29], [sflag:$0x4], $0x80, $0x38;
	[tilespmem:$0x10C00] =	vst v63  }
0x2cf: {  	s4 =	sadd.s32 $0x50, s1;
	s5 =	simm.s32 $0xF968  }
0x2d0: {  	[hbm4b:s4+s3] =	stream.linear.scatter [tilespmem:s5], [sflag:$0x4], $0x80, $0x38;
	[tilespmem:$0x10C00] =	vst v63  }
0x2d1: {  	s8 =	sadd.s32 $0x60, s1;
	s9 =	simm.s32 $0xF9F0  }
0x2d2: {  	[hbm4b:s8+s3] =	stream.linear.scatter [tilespmem:s9], [sflag:$0x4], $0x80, $0x38;
	[tilespmem:$0x10C00] =	vst v63  }
0x2d3: {  	s1 =	sadd.s32 $0x70, s1;
	s10 =	simm.s32 $0xFA78  }
0x2d4: {  	[hbm4b:s1+s3] =	stream.linear.scatter [tilespmem:s10], [sflag:$0x4], $0x80, $0x38;
	[tilespmem:$0x10C00] =	vst v63  }
0x2d5: {  	s11 =	simm.s32 $0xFB00;
	s1 =	sadd.s32 s0, s20  }
0x2d6: {  	[hbm4b:s1+s3] =	stream.linear.scatter [tilespmem:s11], [sflag:$0x4], $0x80, $0x38;
	[tilespmem:$0x10C00] =	vst v63  }
0x2d7: {  	s13 =	simm.s32 $0xFB88;
	s12 =	sadd.s32 $0x10, s1  }
0x2d8: {  	[hbm4b:s12+s3] =	stream.linear.scatter [tilespmem:s13], [sflag:$0x4], $0x80, $0x38;
	[tilespmem:$0x10C00] =	vst v63  }
0x2d9: {  	s29 =	simm.s32 $0xFC10;
	s25 =	sadd.s32 $0x20, s1  }
0x2da: {  	[hbm4b:s25+s3] =	stream.linear.scatter [tilespmem:s29], [sflag:$0x4], $0x80, $0x38;
	[tilespmem:$0x10C00] =	vst v63  }
0x2db: {  	s5 =	simm.s32 $0xFC98;
	s4 =	sadd.s32 $0x30, s1  }
0x2dc: {  	[hbm4b:s4+s3] =	stream.linear.scatter [tilespmem:s5], [sflag:$0x4], $0x80, $0x38;
	[tilespmem:$0x10C00] =	vst v63  }
0x2dd: {  	s9 =	simm.s32 $0xFD20;
	s8 =	sadd.s32 $0x40, s1  }
0x2de: {  	[hbm4b:s8+s3] =	stream.linear.scatter [tilespmem:s9], [sflag:$0x4], $0x80, $0x38;
	[tilespmem:$0x10C00] =	vst v63  }
0x2df: {  	s10 =	sadd.s32 $0x50, s1;
	s11 =	simm.s32 $0xFDA8  }
0x2e0: {  	[hbm4b:s10+s3] =	stream.linear.scatter [tilespmem:s11], [sflag:$0x4], $0x80, $0x38;
	[tilespmem:$0x10C00] =	vst v63  }
0x2e1: {  	s12 =	sadd.s32 $0x60, s1;
	s13 =	simm.s32 $0xFE30  }
0x2e2: {  	[hbm4b:s12+s3] =	stream.linear.scatter [tilespmem:s13], [sflag:$0x4], $0x80, $0x38;
	[tilespmem:$0x10C00] =	vst v63  }
0x2e3: {  	s1 =	sadd.s32 $0x70, s1;
	s25 =	simm.s32 $0xFEB8  }
0x2e4: {  	[hbm4b:s1+s3] =	stream.linear.scatter [tilespmem:s25], [sflag:$0x4], $0x80, $0x38;
	[tilespmem:$0x10C00] =	vst v63  }
0x2e5: {  	s29 =	simm.s32 $0xFF40;
	s1 =	sadd.s32 s0, s21  }
0x2e6: {  	[hbm4b:s1+s3] =	stream.linear.scatter [tilespmem:s29], [sflag:$0x4], $0x80, $0x38;
	[tilespmem:$0x10C00] =	vst v63  }
0x2e7: {  	s5 =	simm.s32 $0xFFC8;
	s4 =	sadd.s32 $0x10, s1  }
0x2e8: {  	[hbm4b:s4+s3] =	stream.linear.scatter [tilespmem:s5], [sflag:$0x4], $0x80, $0x38;
	[tilespmem:$0x10C00] =	vst v63  }
0x2e9: {  	s9 =	simm.s32 $0x10050;
	s8 =	sadd.s32 $0x20, s1  }
0x2ea: {  	[hbm4b:s8+s3] =	stream.linear.scatter [tilespmem:s9], [sflag:$0x4], $0x80, $0x38;
	[tilespmem:$0x10C00] =	vst v63  }
0x2eb: {  	s11 =	simm.s32 $0x100D8;
	s10 =	sadd.s32 $0x30, s1  }
0x2ec: {  	[hbm4b:s10+s3] =	stream.linear.scatter [tilespmem:s11], [sflag:$0x4], $0x80, $0x38;
	[tilespmem:$0x10C00] =	vst v63  }
0x2ed: {  	s13 =	simm.s32 $0x10160;
	s12 =	sadd.s32 $0x40, s1  }
0x2ee: {  	[hbm4b:s12+s3] =	stream.linear.scatter [tilespmem:s13], [sflag:$0x4], $0x80, $0x38;
	[tilespmem:$0x10C00] =	vst v63  }
0x2ef: {  	s25 =	sadd.s32 $0x50, s1;
	s29 =	simm.s32 $0x101E8  }
0x2f0: {  	[hbm4b:s25+s3] =	stream.linear.scatter [tilespmem:s29], [sflag:$0x4], $0x80, $0x38;
	[tilespmem:$0x10C00] =	vst v63  }
0x2f1: {  	s4 =	sadd.s32 $0x60, s1;
	s5 =	simm.s32 $0x10270  }
0x2f2: {  	[hbm4b:s4+s3] =	stream.linear.scatter [tilespmem:s5], [sflag:$0x4], $0x80, $0x38;
	[tilespmem:$0x10C00] =	vst v63  }
0x2f3: {  	s1 =	sadd.s32 $0x70, s1;
	s8 =	simm.s32 $0x102F8  }
0x2f4: {  	[hbm4b:s1+s3] =	stream.linear.scatter [tilespmem:s8], [sflag:$0x4], $0x80, $0x38;
	[tilespmem:$0x10C00] =	vst v63  }
0x2f5: {  	s9 =	simm.s32 $0x10380;
	s1 =	sadd.s32 s0, s22  }
0x2f6: {  	[hbm4b:s1+s3] =	stream.linear.scatter [tilespmem:s9], [sflag:$0x4], $0x80, $0x38;
	[tilespmem:$0x10C00] =	vst v63  }
0x2f7: {  	s11 =	simm.s32 $0x10408;
	s10 =	sadd.s32 $0x10, s1  }
0x2f8: {  	[hbm4b:s10+s3] =	stream.linear.scatter [tilespmem:s11], [sflag:$0x4], $0x80, $0x38;
	[tilespmem:$0x10C00] =	vst v63  }
0x2f9: {  	s13 =	simm.s32 $0x10490;
	s12 =	sadd.s32 $0x20, s1  }
0x2fa: {  	[hbm4b:s12+s3] =	stream.linear.scatter [tilespmem:s13], [sflag:$0x4], $0x80, $0x38;
	[tilespmem:$0x10C00] =	vst v63  }
0x2fb: {  	s29 =	simm.s32 $0x10518;
	s25 =	sadd.s32 $0x30, s1  }
0x2fc: {  	[hbm4b:s25+s3] =	stream.linear.scatter [tilespmem:s29], [sflag:$0x4], $0x80, $0x38;
	[tilespmem:$0x10C00] =	vst v63  }
0x2fd: {  	s5 =	simm.s32 $0x105A0;
	s4 =	sadd.s32 $0x40, s1  }
0x2fe: {  	[hbm4b:s4+s3] =	stream.linear.scatter [tilespmem:s5], [sflag:$0x4], $0x80, $0x38;
	[tilespmem:$0x10C00] =	vst v63  }
0x2ff: {  	s8 =	sadd.s32 $0x50, s1;
	s9 =	simm.s32 $0x10628  }
0x300: {  	[hbm4b:s8+s3] =	stream.linear.scatter [tilespmem:s9], [sflag:$0x4], $0x80, $0x38;
	[tilespmem:$0x10C00] =	vst v63  }
0x301: {  	s10 =	sadd.s32 $0x60, s1;
	s11 =	simm.s32 $0x106B0  }
0x302: {  	[hbm4b:s10+s3] =	stream.linear.scatter [tilespmem:s11], [sflag:$0x4], $0x80, $0x38;
	[tilespmem:$0x10C00] =	vst v63  }
0x303: {  	s1 =	sadd.s32 $0x70, s1;
	s12 =	simm.s32 $0x10738  }
0x304: {  	[hbm4b:s1+s3] =	stream.linear.scatter [tilespmem:s12], [sflag:$0x4], $0x80, $0x38;
	[tilespmem:$0x10C00] =	vst v63  }
0x305: {  	s0 =	sadd.s32 s0, s23;
	s13 =	simm.s32 $0x107C0  }
0x306: {  	[hbm4b:s0+s3] =	stream.linear.scatter [tilespmem:s13], [sflag:$0x4], $0x80, $0x38;
	[tilespmem:$0x10C00] =	vst v63  }
0x307: {  	s25 =	sadd.s32 $0x10, s0;
	s29 =	simm.s32 $0x10848  }
0x308: {  	[hbm4b:s25+s3] =	stream.linear.scatter [tilespmem:s29], [sflag:$0x4], $0x80, $0x38;
	[tilespmem:$0x10C00] =	vst v63  }
0x309: {  	s2 =	sadd.s32 $0x20, s0;
	s4 =	simm.s32 $0x108D0  }
0x30a: {  	[hbm4b:s2+s3] =	stream.linear.scatter [tilespmem:s4], [sflag:$0x4], $0x80, $0x38;
	[tilespmem:$0x10C00] =	vst v63  }
0x30b: {  	s5 =	sadd.s32 $0x30, s0;
	s8 =	simm.s32 $0x10958  }
0x30c: {  	[hbm4b:s5+s3] =	stream.linear.scatter [tilespmem:s8], [sflag:$0x4], $0x80, $0x38;
	[tilespmem:$0x10C00] =	vst v63  }
0x30d: {  	s30 =	sadd.s32 $0x1, s30;
	s9 =	sadd.s32 $0x40, s0;
	s10 =	simm.s32 $0x109E0  }
0x30e: {  	[hbm4b:s9+s3] =	stream.linear.scatter [tilespmem:s10], [sflag:$0x4], $0x80, $0x38;
	[tilespmem:$0x10C00] =	vst v63  }
0x30f: {  	p0 =	sne.s32 s30, $0x19;
	s11 =	sadd.s32 $0x50, s0;
	s12 =	simm.s32 $0x10A68  }
0x310: {  	[hbm4b:s11+s3] =	stream.linear.scatter [tilespmem:s12], [sflag:$0x4], $0x80, $0x38;
	[tilespmem:$0x10C00] =	vst v63  }
.Ltmp2:
0x311: {  	_ = 	snop;
	(pc) =	sbr.rel @p0 .LBB2_2-.Ltmp2, $4  }
0x312: {  	s13 =	sadd.s32 $0x60, s0;
	s25 =	simm.s32 $0x10AF0  }
0x313: {  	[hbm4b:s13+s3] =	stream.linear.scatter [tilespmem:s25], [sflag:$0x4], $0x80, $0x38;
	[tilespmem:$0x10C00] =	vst v63  }
0x314: {  	s0 =	sadd.s32 $0x70, s0;
	s29 =	simm.s32 $0x10B78  }
0x315: {  	[hbm4b:s0+s3] =	stream.linear.scatter [tilespmem:s29], [sflag:$0x4], $0x80, $0x38;
	[tilespmem:$0x10C00] =	vst v63  }
0x316: {  	s0 =	simm.s32 $0x3  }
0x317: {  	_ =	swait.ge [sflag:s0], $0x400  }
0x318: {  	[sflag:s0] =	ssyncset.done $0x0  }
0x319: {  	[sflag:s0] =	ssyncadd.s32 $0xFFFFFC00  }
0x31a: {  	_ =	swait.ge [sflag:s0], $0x400  }
0x31b: {  	[sflag:s0] =	ssyncset.done $0x0  }
0x31c: {  	[sflag:s0] =	ssyncadd.s32 $0xFFFFFC00  }
0x31d: {  	_ =	swait.ge [sflag:s0], $0x400  }
0x31e: {  	[sflag:s0] =	ssyncset.done $0x0  }
0x31f: {  	[sflag:s0] =	ssyncadd.s32 $0xFFFFFC00  }
0x320: {  	_ =	swait.ge [sflag:s0], $0x400  }
0x321: {  	[sflag:s0] =	ssyncset.done $0x0  }
0x322: {  	[sflag:s0] =	ssyncadd.s32 $0xFFFFFC00  }
0x323: {  	_ =	swait.ge [sflag:s0], $0x400  }
0x324: {  	[sflag:s0] =	ssyncset.done $0x0  }
0x325: {  	[sflag:s0] =	ssyncadd.s32 $0xFFFFFC00  }
0x326: {  	_ =	swait.ge [sflag:s0], $0x400  }
0x327: {  	[sflag:s0] =	ssyncset.done $0x0  }
0x328: {  	[sflag:s0] =	ssyncadd.s32 $0xFFFFFC00  }
0x329: {  	_ =	swait.ge [sflag:s0], $0x400  }
0x32a: {  	[sflag:s0] =	ssyncset.done $0x0  }
0x32b: {  	[sflag:s0] =	ssyncadd.s32 $0xFFFFFC00  }
0x32c: {  	_ =	swait.ge [sflag:s0], $0x400  }
0x32d: {  	[sflag:s0] =	ssyncset.done $0x0  }
0x32e: {  	[sflag:s0] =	ssyncadd.s32 $0xFFFFFC00  }
0x32f: {  	_ =	swait.ge [sflag:s0], $0x400  }
0x330: {  	[sflag:s0] =	ssyncset.done $0x0  }
0x331: {  	[sflag:s0] =	ssyncadd.s32 $0xFFFFFC00  }
0x332: {  	_ =	swait.ge [sflag:s0], $0x400  }
0x333: {  	[sflag:s0] =	ssyncset.done $0x0  }
0x334: {  	[sflag:s0] =	ssyncadd.s32 $0xFFFFFC00  }
0x335: {  	_ =	swait.ge [sflag:s0], $0x400  }
0x336: {  	[sflag:s0] =	ssyncset.done $0x0  }
0x337: {  	[sflag:s0] =	ssyncadd.s32 $0xFFFFFC00  }
0x338: {  	_ =	swait.ge [sflag:s0], $0x400  }
0x339: {  	[sflag:s0] =	ssyncset.done $0x0  }
0x33a: {  	[sflag:s0] =	ssyncadd.s32 $0xFFFFFC00  }
0x33b: {  	_ =	swait.ge [sflag:s0], $0x400  }
0x33c: {  	[sflag:s0] =	ssyncset.done $0x0  }
0x33d: {  	[sflag:s0] =	ssyncadd.s32 $0xFFFFFC00  }
0x33e: {  	_ =	swait.ge [sflag:s0], $0x400  }
0x33f: {  	[sflag:s0] =	ssyncset.done $0x0  }
0x340: {  	[sflag:s0] =	ssyncadd.s32 $0xFFFFFC00  }
0x341: {  	_ =	swait.ge [sflag:s0], $0x400  }
0x342: {  	[sflag:s0] =	ssyncset.done $0x0  }
0x343: {  	[sflag:s0] =	ssyncadd.s32 $0xFFFFFC00  }
0x344: {  	_ =	swait.ge [sflag:s0], $0x400  }
0x345: {  	[sflag:s0] =	ssyncset.done $0x0  }
0x346: {  	s1 =	simm.s32 $0x4;
	[sflag:s0] =	ssyncadd.s32 $0xFFFFFC00  }
0x347: {  	_ =	swait.ge [sflag:s1], $0x400  }
0x348: {  	[sflag:s1] =	ssyncset.done $0x0  }
0x349: {  	[sflag:s1] =	ssyncadd.s32 $0xFFFFFC00  }
0x34a: {  	_ =	swait.ge [sflag:s1], $0x400  }
0x34b: {  	[sflag:s1] =	ssyncset.done $0x0  }
0x34c: {  	[sflag:s1] =	ssyncadd.s32 $0xFFFFFC00  }
0x34d: {  	_ =	swait.ge [sflag:s1], $0x400  }
0x34e: {  	[sflag:s1] =	ssyncset.done $0x0  }
0x34f: {  	[sflag:s1] =	ssyncadd.s32 $0xFFFFFC00  }
0x350: {  	_ =	swait.ge [sflag:s1], $0x400  }
0x351: {  	[sflag:s1] =	ssyncset.done $0x0  }
0x352: {  	[sflag:s1] =	ssyncadd.s32 $0xFFFFFC00  }
0x353: {  	_ =	swait.ge [sflag:s1], $0x400  }
0x354: {  	[sflag:s1] =	ssyncset.done $0x0  }
0x355: {  	[sflag:s1] =	ssyncadd.s32 $0xFFFFFC00  }
0x356: {  	_ =	swait.ge [sflag:s1], $0x400  }
0x357: {  	[sflag:s1] =	ssyncset.done $0x0  }
0x358: {  	[sflag:s1] =	ssyncadd.s32 $0xFFFFFC00  }
0x359: {  	_ =	swait.ge [sflag:s1], $0x400  }
0x35a: {  	[sflag:s1] =	ssyncset.done $0x0  }
0x35b: {  	[sflag:s1] =	ssyncadd.s32 $0xFFFFFC00  }
0x35c: {  	_ =	swait.ge [sflag:s1], $0x400  }
0x35d: {  	[sflag:s1] =	ssyncset.done $0x0  }
0x35e: {  	[sflag:s1] =	ssyncadd.s32 $0xFFFFFC00  }
0x35f: {  	_ =	swait.ge [sflag:s1], $0x400  }
0x360: {  	[sflag:s1] =	ssyncset.done $0x0  }
0x361: {  	[sflag:s1] =	ssyncadd.s32 $0xFFFFFC00  }
0x362: {  	_ =	swait.ge [sflag:s1], $0x400  }
0x363: {  	[sflag:s1] =	ssyncset.done $0x0  }
0x364: {  	[sflag:s1] =	ssyncadd.s32 $0xFFFFFC00  }
0x365: {  	_ =	swait.ge [sflag:s1], $0x400  }
0x366: {  	[sflag:s1] =	ssyncset.done $0x0  }
0x367: {  	[sflag:s1] =	ssyncadd.s32 $0xFFFFFC00  }
0x368: {  	_ =	swait.ge [sflag:s1], $0x400  }
0x369: {  	[sflag:s1] =	ssyncset.done $0x0  }
0x36a: {  	[sflag:s1] =	ssyncadd.s32 $0xFFFFFC00  }
0x36b: {  	_ =	swait.ge [sflag:s1], $0x400  }
0x36c: {  	[sflag:s1] =	ssyncset.done $0x0  }
0x36d: {  	[sflag:s1] =	ssyncadd.s32 $0xFFFFFC00  }
0x36e: {  	_ =	swait.ge [sflag:s1], $0x400  }
0x36f: {  	[sflag:s1] =	ssyncset.done $0x0  }
0x370: {  	[sflag:s1] =	ssyncadd.s32 $0xFFFFFC00  }
0x371: {  	_ =	swait.ge [sflag:s1], $0x400  }
0x372: {  	[sflag:s1] =	ssyncset.done $0x0  }
0x373: {  	[sflag:s1] =	ssyncadd.s32 $0xFFFFFC00  }
0x374: {  	_ =	swait.ge [sflag:s1], $0x400  }
0x375: {  	s2 =	rddreg [dreg:$0xd]  }
0x376: {  	s30 =	rddreg [dreg:$0xc];
	s2 =	sadd.s32 $0x1, s2  }
0x377: {  	p0 =	sne.s32 s2, s30  }
.Ltmp3:
0x378: {  	_ = 	snop;
	(pc) =	sbr.rel @p0 .LBB2_1-.Ltmp3, $3  }
0x379: {  	_ =	sdelay $0x1  }
0x37a: {  	[sflag:s1] =	ssyncset.done $0x0  }
0x37b: {  	[sflag:s1] =	ssyncadd.s32 $0xFFFFFC00  }
0x37c: {  	_ =	sfence.sel $0x180000  }
0x37d: {  	[bflag:$0x0] =	sbarrier.arrive $0xFFFF  }
0x37e: {  	_ =	strace $0x90000047  }
0x37f: {  	s0 =	stileid.u32;
	[bflag:$0x2] =	sbarrier.arrive $0xFFFF  }
0x380: {  	p0 =	sne.s32 s0, $0x0;
	s0 =	rddreg [dreg:$0x2]  }
0x381: {  	s0 =	sadd.s32 @!p0 $0x100000, s0  }
0x382: {  	[sflag:s0] =	ssyncadd.tile.s32 @!p0 $0x1;
	_ =	shalt  }
.Lfunc_end2:
_tile_overlayer_lowered:
.L_overlay_start_2:
0x383: {  	(tag) =	ssettag $0x2  }
0x384: {  	s0 =	rddreg [dreg:$0x0];
	s2 =	stileid.u32  }
0x385: {  	s1 =	rddreg [dreg:$0x1];
	p0 =	sne.s32 s2, $0x0  }
0x386: {  	s3 =	rddreg [dreg:$0x2];
	[bflag:$0x3] =	sbarrier.arrive $0xFFFF;
	s2 =	simm.s32 @!p0 $0x1C05  }
0x387: {  	[timem:s3], [sflag:s2] =	dma.local @!p0 [hbm:s0], s1  }
0x388: {  	s0 =	simm.s32 @!p0 $0x5  }
0x389: {  	_ =	swait.ge @!p0 [sflag:s0], s1  }
0x38a: {  	s1 =	ssub.s32 @!p0 $0x0, s1;
	[sflag:s0] =	ssyncset.done @!p0 $0x0  }
0x38b: {  	[sflag:s0] =	ssyncadd.s32 @!p0 s1  }
0x38c: {  	[bflag:$0x3] =	sbarrier.arrive $0xFFFF  }
0x38d: {  	_ =	shalt  }

</sc_bundles>
